<compile_context>
chip_gen: v7x
topology: tpu7x:2x2x1
jax: 0.10.2.dev20260603
libtpu: 0.0.44.dev20260713+nightly
codegen_flags: <defaults>
</compile_context>

<pallas_src>
import functools

import jax
import jax.numpy as jnp
import numpy as np
from jax import lax
from jax.experimental import pallas as pl
from jax.experimental.pallas import tpu as pltpu
from jax.experimental.pallas import tpu_sc as plsc

B = 16384
H, W = 12, 42
ROW = 2 * H * W
BOARD = H * W
BOARDP = 512
BDIM = 14
EDIM = 7
OL = 5 * 7 * 7
OLP = 248
OE = EDIM * 7
OEP = 56
NW = 32
NB = B // NW
CB = 4
NCHUNK = NB // CB


def _local_perm() -> np.ndarray:
    idx = np.full((256,), BOARD, np.int32)
    for k in range(OL):
        i, r, c = k // 49, (k % 49) // 7, k % 7
        idx[k] = BOARD + r * 42 + 7 * i + c
    return idx


def _extra_consts() -> tuple[np.ndarray, np.ndarray]:
    jv = np.full((64,), BOARD + 35, np.int32)
    dv = np.zeros((64,), np.int32)
    for k in range(OE):
        jv[k] = BOARD + 35 + (k % 7)
        dv[k] = k // 7
    return jv, dv


_LP = _local_perm()
_EJ, _ED = _extra_consts()


@functools.cache
def _build_sc_parse():
    mesh = plsc.VectorSubcoreMesh(core_axis_name="c", subcore_axis_name="s")

    @functools.partial(
        pl.kernel,
        out_type=[
            jax.ShapeDtypeStruct((B, BDIM, BOARD), jnp.float32),
            jax.ShapeDtypeStruct((B, OLP), jnp.float32),
            jax.ShapeDtypeStruct((B, OEP), jnp.float32),
        ],
        mesh=mesh,
        compiler_params=pltpu.CompilerParams(
            needs_layout_passes=False, use_tc_tiling_on_sc=False,
            disable_bounds_checks=True),
        scratch_types=[
            pltpu.VMEM((2, CB, ROW), jnp.float32),
            pltpu.VMEM((10, BDIM), jnp.float32),
            pltpu.VMEM((20, EDIM), jnp.float32),
            pltpu.VMEM((256,), jnp.int32),
            pltpu.VMEM((64,), jnp.int32),
            pltpu.VMEM((64,), jnp.int32),
            pltpu.VMEM((2, CB, BDIM, BOARDP), jnp.float32),
            pltpu.VMEM((2, CB, 256), jnp.float32),
            pltpu.VMEM((2, CB, 64), jnp.float32),
            pltpu.SemaphoreType.DMA,
            pltpu.SemaphoreType.DMA,
            pltpu.SemaphoreType.DMA,
            pltpu.SemaphoreType.DMA,
            pltpu.SemaphoreType.DMA,
            pltpu.SemaphoreType.DMA,
            pltpu.SemaphoreType.DMA,
            pltpu.SemaphoreType.DMA,
        ],
    )
    def _sc_parse(xf, bt, et, lp, ej, ed, og, ol, oe,
                  xin, btv, etv, lpv, ejv, edv, ogb, olb, oeb,
                  isem0, isem1, gsem0, gsem1, lsem0, lsem1, esem0, esem1):
        isems = (isem0, isem1)
        gsems = (gsem0, gsem1)
        lsems = (lsem0, lsem1)
        esems = (esem0, esem1)
        wid = lax.axis_index("s") * 2 + lax.axis_index("c")
        base0 = wid * NB
        pltpu.sync_copy(bt, btv)
        pltpu.sync_copy(et, etv)
        pltpu.sync_copy(lp, lpv)
        pltpu.sync_copy(ej, ejv)
        pltpu.sync_copy(ed, edv)

        def start_in(sl, base):
            pltpu.async_copy(xf.at[pl.ds(base, CB)], xin.at[sl], isems[sl])

        def wait_in(sl, base):
            pltpu.make_async_copy(
                xf.at[pl.ds(base, CB)], xin.at[sl], isems[sl]).wait()

        def out_parts(sl, base):
            return (
                (ogb.at[sl, :, :, pl.ds(0, BOARD)],
                 og.at[pl.ds(base, CB)], gsems[sl]),
                (olb.at[sl, :, pl.ds(0, OLP)],
                 ol.at[pl.ds(base, CB)], lsems[sl]),
                (oeb.at[sl, :, pl.ds(0, OEP)],
                 oe.at[pl.ds(base, CB)], esems[sl]),
            )

        start_in(0, base0)
        start_in(1, base0 + CB)

        def chunk_pair(g, carry):
            for sl in (0, 1):
                chunk = g * 2 + sl
                base = base0 + chunk * CB
                wait_in(sl, base)

                @pl.when(chunk >= 2)
                def _drain():
                    for src, dst, sem in out_parts(sl, base):
                        pltpu.make_async_copy(src, dst, sem).wait()

                @plsc.parallel_loop(0, CB * 32, unroll=2)
                def _board(i):
                    bi = i >> 5
                    pv = i & 31
                    bidx = xin[sl, bi, pl.ds(pv * 16, 16)].astype(jnp.int32)
                    for d in range(BDIM):
                        vals = plsc.load_gather(
                            btv, [bidx, jnp.full((16,), d, jnp.int32)])
                        ogb[sl, bi, d, pl.ds(pv * 16, 16)] = vals

                @plsc.parallel_loop(0, CB, unroll=2)
                def _aux(bi):
                    bvec = jnp.full((16,), bi, jnp.int32)
                    for k in range(16):
                        src = plsc.load_gather(
                            xin.at[sl], [bvec, lpv[pl.ds(16 * k, 16)]])
                        olb[sl, bi, pl.ds(16 * k, 16)] = src
                    for k in range(4):
                        ix = plsc.load_gather(
                            xin.at[sl],
                            [bvec, ejv[pl.ds(16 * k, 16)]]).astype(jnp.int32)
                        vals = plsc.load_gather(
                            etv, [ix, edv[pl.ds(16 * k, 16)]])
                        oeb[sl, bi, pl.ds(16 * k, 16)] = vals

                for src, dst, sem in out_parts(sl, base):
                    pltpu.async_copy(src, dst, sem)

                @pl.when(chunk + 2 < NCHUNK)
                def _refill():
                    start_in(sl, base + 2 * CB)
            return carry

        lax.fori_loop(0, NCHUNK // 2, chunk_pair, 0)
        for sl in (0, 1):
            base = base0 + (NCHUNK - 2 + sl) * CB
            for src, dst, sem in out_parts(sl, base):
                pltpu.make_async_copy(src, dst, sem).wait()

    return _sc_parse


def kernel(x, board_table, extra_table):
    xf = x.reshape(B, ROW)
    og, ol, oe = _build_sc_parse()(
        xf, board_table, extra_table,
        jnp.asarray(_LP), jnp.asarray(_EJ), jnp.asarray(_ED))
    return (og.reshape(B, BDIM, H, W),
            ol[:, :OL].reshape(B, 5, 7, 7),
            oe[:, :OE].reshape(B, EDIM, 7))

# --- scband reference (transcript-rebuilt; emitter-appended) ---
"""Pipeline reference for scband-input-parser-41145786695840 (READ-ONLY COPY).

The authoritative reference and input builder live on the scoring server;
editing this copy changes nothing except your own understanding.
"""

import jax, jax.numpy as jnp
import numpy as np

B, H, W = 16384, 12, 42
NUM = 10
BDIM = 14
EDIM = 7


def setup_inputs(seed: int = 0) -> dict:
    key = jax.random.key(seed)
    k1, k2, k3 = jax.random.split(key, 3)
    x = jax.random.randint(k1, (B, 2, H, W), 0, NUM).astype(jnp.float32)
    board_table = jax.random.normal(k2, (NUM, BDIM), dtype=jnp.float32)
    extra_table = jax.random.normal(k3, (2 * NUM, EDIM), dtype=jnp.float32)
    return {"x": x, "board_table": board_table, "extra_table": extra_table}


def reference(x, board_table, extra_table):
    board = x[:, 0, :, :].astype(jnp.int32)
    board_emb = jnp.take(board_table, board, axis=0)  # [B, H, W, BDIM]
    global_input = jnp.transpose(board_emb, (0, 3, 1, 2))  # [B, BDIM, H, W]
    nearby = []
    for i in range(5):
        nearby.append(x[:, 1, 0:7, 7 * i:7 * (i + 1)])
    local_input = jnp.stack(nearby, axis=1)  # [B, 5, 7, 7]
    extra_info = x[:, 1, 0:1, 35:35 + 7].reshape(x.shape[0], -1).astype(jnp.int32)
    extra_input = jnp.take(extra_table, extra_info, axis=0)  # [B, 7, EDIM]
    extra_input = jnp.transpose(extra_input, (0, 2, 1))  # [B, EDIM, 7]
    return (global_input, local_input, extra_input)

if __name__ == "__main__":
    import jax
    _d = setup_inputs()
    print(jax.jit(kernel)(*tuple(_d.values())))

</pallas_src>

<mosaic_0001>
#map = affine_map<(d0, d1) -> (0, 0)>
#map1 = affine_map<(d0, d1) -> (0)>
#map2 = affine_map<(d0, d1) -> (0, 0, 0)>
module attributes {stable_mosaic.version = 14 : i64} {
  func.func @_sc_parse(%arg0: i32, %arg1: i32, %arg2: memref<16384x1008xf32, #tpu.memory_space<hbm>>, %arg3: memref<10x14xf32, #tpu.memory_space<hbm>>, %arg4: memref<20x7xf32, #tpu.memory_space<hbm>>, %arg5: memref<256xi32, #tpu.memory_space<hbm>>, %arg6: memref<64xi32, #tpu.memory_space<hbm>>, %arg7: memref<64xi32, #tpu.memory_space<hbm>>, %arg8: memref<16384x14x504xf32, #tpu.memory_space<hbm>>, %arg9: memref<16384x248xf32, #tpu.memory_space<hbm>>, %arg10: memref<16384x56xf32, #tpu.memory_space<hbm>>, %arg11: memref<2x4x1008xf32, #tpu.memory_space<vmem>>, %arg12: memref<10x14xf32, #tpu.memory_space<vmem>>, %arg13: memref<20x7xf32, #tpu.memory_space<vmem>>, %arg14: memref<256xi32, #tpu.memory_space<vmem>>, %arg15: memref<64xi32, #tpu.memory_space<vmem>>, %arg16: memref<64xi32, #tpu.memory_space<vmem>>, %arg17: memref<2x4x14x512xf32, #tpu.memory_space<vmem>>, %arg18: memref<2x4x256xf32, #tpu.memory_space<vmem>>, %arg19: memref<2x4x64xf32, #tpu.memory_space<vmem>>, %arg20: memref<!tpu.dma_semaphore, #tpu.memory_space<semaphore_mem>>, %arg21: memref<!tpu.dma_semaphore, #tpu.memory_space<semaphore_mem>>, %arg22: memref<!tpu.dma_semaphore, #tpu.memory_space<semaphore_mem>>, %arg23: memref<!tpu.dma_semaphore, #tpu.memory_space<semaphore_mem>>, %arg24: memref<!tpu.dma_semaphore, #tpu.memory_space<semaphore_mem>>, %arg25: memref<!tpu.dma_semaphore, #tpu.memory_space<semaphore_mem>>, %arg26: memref<!tpu.dma_semaphore, #tpu.memory_space<semaphore_mem>>, %arg27: memref<!tpu.dma_semaphore, #tpu.memory_space<semaphore_mem>>) attributes {dimension_semantics = [#tpu.dimension_semantics<core_parallel>, #tpu.dimension_semantics<subcore_parallel>], iteration_bounds = array<i64: 2, 16>, scalar_prefetch = 0 : i64, scratch_operands = 17 : i64, tpu.core_type = #tpu.core_type<sc_vector_subcore>, window_params = [{transform_indices = #map}, {transform_indices = #map}, {transform_indices = #map}, {transform_indices = #map1}, {transform_indices = #map1}, {transform_indices = #map1}, {transform_indices = #map2}, {transform_indices = #map}, {transform_indices = #map}]} {
    %mul3A = arith.constant 2 : i32
    %mul3A_0 = arith.muli %arg1, %mul3A : i32
    %add3A = arith.addi %mul3A_0, %arg0 : i32
    %mul3A_1 = arith.constant 512 : i32
    %mul3A_2 = arith.muli %add3A, %mul3A_1 : i32
    "tpu.region"() ({
      %run_scoped3A = tpu.sem_alloc : memref<!tpu.dma_semaphore, #tpu.memory_space<semaphore_mem>>
      tpu.enqueue_dma source(%arg3 : memref<10x14xf32, #tpu.memory_space<hbm>>) target(%arg12 : memref<10x14xf32, #tpu.memory_space<vmem>>) target_semaphore(%run_scoped3A : memref<!tpu.dma_semaphore, #tpu.memory_space<semaphore_mem>>)
      tpu.wait_dma2 semaphore(%run_scoped3A : memref<!tpu.dma_semaphore, #tpu.memory_space<semaphore_mem>>) src(%arg3 : memref<10x14xf32, #tpu.memory_space<hbm>>) dst(%arg12 : memref<10x14xf32, #tpu.memory_space<vmem>>)
      tpu.yield
    }) : () -> ()
    "tpu.region"() ({
      %run_scoped3A = tpu.sem_alloc : memref<!tpu.dma_semaphore, #tpu.memory_space<semaphore_mem>>
      tpu.enqueue_dma source(%arg4 : memref<20x7xf32, #tpu.memory_space<hbm>>) target(%arg13 : memref<20x7xf32, #tpu.memory_space<vmem>>) target_semaphore(%run_scoped3A : memref<!tpu.dma_semaphore, #tpu.memory_space<semaphore_mem>>)
      tpu.wait_dma2 semaphore(%run_scoped3A : memref<!tpu.dma_semaphore, #tpu.memory_space<semaphore_mem>>) src(%arg4 : memref<20x7xf32, #tpu.memory_space<hbm>>) dst(%arg13 : memref<20x7xf32, #tpu.memory_space<vmem>>)
      tpu.yield
    }) : () -> ()
    "tpu.region"() ({
      %run_scoped3A = tpu.sem_alloc : memref<!tpu.dma_semaphore, #tpu.memory_space<semaphore_mem>>
      tpu.enqueue_dma source(%arg5 : memref<256xi32, #tpu.memory_space<hbm>>) target(%arg14 : memref<256xi32, #tpu.memory_space<vmem>>) target_semaphore(%run_scoped3A : memref<!tpu.dma_semaphore, #tpu.memory_space<semaphore_mem>>)
      tpu.wait_dma2 semaphore(%run_scoped3A : memref<!tpu.dma_semaphore, #tpu.memory_space<semaphore_mem>>) src(%arg5 : memref<256xi32, #tpu.memory_space<hbm>>) dst(%arg14 : memref<256xi32, #tpu.memory_space<vmem>>)
      tpu.yield
    }) : () -> ()
    "tpu.region"() ({
      %run_scoped3A = tpu.sem_alloc : memref<!tpu.dma_semaphore, #tpu.memory_space<semaphore_mem>>
      tpu.enqueue_dma source(%arg6 : memref<64xi32, #tpu.memory_space<hbm>>) target(%arg15 : memref<64xi32, #tpu.memory_space<vmem>>) target_semaphore(%run_scoped3A : memref<!tpu.dma_semaphore, #tpu.memory_space<semaphore_mem>>)
      tpu.wait_dma2 semaphore(%run_scoped3A : memref<!tpu.dma_semaphore, #tpu.memory_space<semaphore_mem>>) src(%arg6 : memref<64xi32, #tpu.memory_space<hbm>>) dst(%arg15 : memref<64xi32, #tpu.memory_space<vmem>>)
      tpu.yield
    }) : () -> ()
    "tpu.region"() ({
      %run_scoped3A = tpu.sem_alloc : memref<!tpu.dma_semaphore, #tpu.memory_space<semaphore_mem>>
      tpu.enqueue_dma source(%arg7 : memref<64xi32, #tpu.memory_space<hbm>>) target(%arg16 : memref<64xi32, #tpu.memory_space<vmem>>) target_semaphore(%run_scoped3A : memref<!tpu.dma_semaphore, #tpu.memory_space<semaphore_mem>>)
      tpu.wait_dma2 semaphore(%run_scoped3A : memref<!tpu.dma_semaphore, #tpu.memory_space<semaphore_mem>>) src(%arg7 : memref<64xi32, #tpu.memory_space<hbm>>) dst(%arg16 : memref<64xi32, #tpu.memory_space<vmem>>)
      tpu.yield
    }) : () -> ()
    %dma_start3A = arith.constant 0 : i32
    %dma_start3A_3 = arith.constant 0 : i32
    %dma_start3A_4 = arith.constant 0 : i32
    %dma_start3A_5 = tpu.memref_slice %arg11[%dma_start3A, %dma_start3A_3, %dma_start3A_4] : memref<2x4x1008xf32, #tpu.memory_space<vmem>> -> memref<1x4x1008xf32, #tpu.memory_space<vmem>>
    %dma_start3A_6 = tpu.memref_squeeze %dma_start3A_5 : memref<1x4x1008xf32, #tpu.memory_space<vmem>> -> memref<4x1008xf32, #tpu.memory_space<vmem>>
    %dma_start3A_7 = arith.constant 0 : i32
    %dma_start3A_8 = tpu.memref_slice %arg2[%mul3A_2, %dma_start3A_7] : memref<16384x1008xf32, #tpu.memory_space<hbm>> -> memref<4x1008xf32, #tpu.memory_space<hbm>>
    %dma_start3A_9 = arith.constant 0 : i32
    %dma_start3A_10 = arith.constant 0 : i32
    %dma_start3A_11 = tpu.memref_slice %arg11[%dma_start3A, %dma_start3A_9, %dma_start3A_10] : memref<2x4x1008xf32, #tpu.memory_space<vmem>> -> memref<1x4x1008xf32, #tpu.memory_space<vmem>>
    %dma_start3A_12 = tpu.memref_squeeze %dma_start3A_11 : memref<1x4x1008xf32, #tpu.memory_space<vmem>> -> memref<4x1008xf32, #tpu.memory_space<vmem>>
    %dma_start3A_13 = arith.constant 0 : i32
    %dma_start3A_14 = tpu.memref_slice %arg2[%mul3A_2, %dma_start3A_13] : memref<16384x1008xf32, #tpu.memory_space<hbm>> -> memref<4x1008xf32, #tpu.memory_space<hbm>>
    tpu.enqueue_dma source(%dma_start3A_14 : memref<4x1008xf32, #tpu.memory_space<hbm>>) target(%dma_start3A_12 : memref<4x1008xf32, #tpu.memory_space<vmem>>) target_semaphore(%arg20 : memref<!tpu.dma_semaphore, #tpu.memory_space<semaphore_mem>>)
    %add3A_15 = arith.constant 4 : i32
    %add3A_16 = arith.addi %mul3A_2, %add3A_15 : i32
    %dma_start3A_17 = arith.constant 1 : i32
    %dma_start3A_18 = arith.constant 0 : i32
    %dma_start3A_19 = arith.constant 0 : i32
    %dma_start3A_20 = tpu.memref_slice %arg11[%dma_start3A_17, %dma_start3A_18, %dma_start3A_19] : memref<2x4x1008xf32, #tpu.memory_space<vmem>> -> memref<1x4x1008xf32, #tpu.memory_space<vmem>>
    %dma_start3A_21 = tpu.memref_squeeze %dma_start3A_20 : memref<1x4x1008xf32, #tpu.memory_space<vmem>> -> memref<4x1008xf32, #tpu.memory_space<vmem>>
    %dma_start3A_22 = arith.constant 0 : i32
    %dma_start3A_23 = tpu.memref_slice %arg2[%add3A_16, %dma_start3A_22] : memref<16384x1008xf32, #tpu.memory_space<hbm>> -> memref<4x1008xf32, #tpu.memory_space<hbm>>
    %dma_start3A_24 = arith.constant 0 : i32
    %dma_start3A_25 = arith.constant 0 : i32
    %dma_start3A_26 = tpu.memref_slice %arg11[%dma_start3A_17, %dma_start3A_24, %dma_start3A_25] : memref<2x4x1008xf32, #tpu.memory_space<vmem>> -> memref<1x4x1008xf32, #tpu.memory_space<vmem>>
    %dma_start3A_27 = tpu.memref_squeeze %dma_start3A_26 : memref<1x4x1008xf32, #tpu.memory_space<vmem>> -> memref<4x1008xf32, #tpu.memory_space<vmem>>
    %dma_start3A_28 = arith.constant 0 : i32
    %dma_start3A_29 = tpu.memref_slice %arg2[%add3A_16, %dma_start3A_28] : memref<16384x1008xf32, #tpu.memory_space<hbm>> -> memref<4x1008xf32, #tpu.memory_space<hbm>>
    tpu.enqueue_dma source(%dma_start3A_29 : memref<4x1008xf32, #tpu.memory_space<hbm>>) target(%dma_start3A_27 : memref<4x1008xf32, #tpu.memory_space<vmem>>) target_semaphore(%arg21 : memref<!tpu.dma_semaphore, #tpu.memory_space<semaphore_mem>>)
    %scan3A = arith.constant 0 : i32
    %scan3A_30 = arith.constant 0 : i32
    %scan3A_31 = arith.constant 64 : i32
    %scan3A_32 = arith.addi %scan3A_30, %scan3A_31 : i32
    %scan3A_33 = arith.constant 1 : i32
    scf.for %scan3A_124 = %scan3A_30 to %scan3A_32 step %scan3A_33  : i32 {
      %mul3A_125 = arith.constant 2 : i32
      %mul3A_126 = arith.muli %scan3A_124, %mul3A_125 : i32
      %add3A_127 = arith.constant 0 : i32
      %add3A_128 = arith.addi %mul3A_126, %add3A_127 : i32
      %mul3A_129 = arith.constant 4 : i32
      %mul3A_130 = arith.muli %add3A_128, %mul3A_129 : i32
      %add3A_131 = arith.addi %mul3A_2, %mul3A_130 : i32
      %dma_wait3A_132 = arith.constant 0 : i32
      %dma_wait3A_133 = arith.constant 0 : i32
      %dma_wait3A_134 = arith.constant 0 : i32
      %dma_wait3A_135 = tpu.memref_slice %arg11[%dma_wait3A_132, %dma_wait3A_133, %dma_wait3A_134] : memref<2x4x1008xf32, #tpu.memory_space<vmem>> -> memref<1x4x1008xf32, #tpu.memory_space<vmem>>
      %dma_wait3A_136 = tpu.memref_squeeze %dma_wait3A_135 : memref<1x4x1008xf32, #tpu.memory_space<vmem>> -> memref<4x1008xf32, #tpu.memory_space<vmem>>
      %dma_wait3A_137 = arith.constant 0 : i32
      %dma_wait3A_138 = tpu.memref_slice %arg2[%add3A_131, %dma_wait3A_137] : memref<16384x1008xf32, #tpu.memory_space<hbm>> -> memref<4x1008xf32, #tpu.memory_space<hbm>>
      %dma_wait3A_139 = arith.constant 0 : i32
      %dma_wait3A_140 = arith.constant 0 : i32
      %dma_wait3A_141 = tpu.memref_slice %arg11[%dma_wait3A_132, %dma_wait3A_139, %dma_wait3A_140] : memref<2x4x1008xf32, #tpu.memory_space<vmem>> -> memref<1x4x1008xf32, #tpu.memory_space<vmem>>
      %dma_wait3A_142 = tpu.memref_squeeze %dma_wait3A_141 : memref<1x4x1008xf32, #tpu.memory_space<vmem>> -> memref<4x1008xf32, #tpu.memory_space<vmem>>
      %dma_wait3A_143 = arith.constant 0 : i32
      %dma_wait3A_144 = tpu.memref_slice %arg2[%add3A_131, %dma_wait3A_143] : memref<16384x1008xf32, #tpu.memory_space<hbm>> -> memref<4x1008xf32, #tpu.memory_space<hbm>>
      tpu.wait_dma2 semaphore(%arg20 : memref<!tpu.dma_semaphore, #tpu.memory_space<semaphore_mem>>) src(%dma_wait3A_144 : memref<4x1008xf32, #tpu.memory_space<hbm>>) dst(%dma_wait3A_142 : memref<4x1008xf32, #tpu.memory_space<vmem>>)
      %ge3A = arith.constant 2 : i32
      %ge3A_145 = arith.cmpi sge, %add3A_128, %ge3A : i32
      %convert_element_type3A = arith.extui %ge3A_145 : i1 to i32
      %cond3A = arith.constant 0 : i32
      %cond3A_146 = arith.cmpi ne, %convert_element_type3A, %cond3A : i32
      scf.if %cond3A_146 {
        %dma_wait3A_282 = arith.constant 0 : i32
        %dma_wait3A_283 = arith.constant 0 : i32
        %dma_wait3A_284 = arith.constant 0 : i32
        %dma_wait3A_285 = arith.constant 0 : i32
        %dma_wait3A_286 = tpu.memref_slice %arg17[%dma_wait3A_282, %dma_wait3A_283, %dma_wait3A_284, %dma_wait3A_285] : memref<2x4x14x512xf32, #tpu.memory_space<vmem>> -> memref<1x4x14x504xf32, #tpu.memory_space<vmem>>
        %dma_wait3A_287 = tpu.memref_squeeze %dma_wait3A_286 : memref<1x4x14x504xf32, #tpu.memory_space<vmem>> -> memref<4x14x504xf32, #tpu.memory_space<vmem>>
        %dma_wait3A_288 = arith.constant 0 : i32
        %dma_wait3A_289 = arith.constant 0 : i32
        %dma_wait3A_290 = tpu.memref_slice %arg8[%add3A_131, %dma_wait3A_288, %dma_wait3A_289] : memref<16384x14x504xf32, #tpu.memory_space<hbm>> -> memref<4x14x504xf32, #tpu.memory_space<hbm>>
        %dma_wait3A_291 = arith.constant 0 : i32
        %dma_wait3A_292 = arith.constant 0 : i32
        %dma_wait3A_293 = tpu.memref_slice %arg8[%add3A_131, %dma_wait3A_291, %dma_wait3A_292] : memref<16384x14x504xf32, #tpu.memory_space<hbm>> -> memref<4x14x504xf32, #tpu.memory_space<hbm>>
        %dma_wait3A_294 = arith.constant 0 : i32
        %dma_wait3A_295 = arith.constant 0 : i32
        %dma_wait3A_296 = arith.constant 0 : i32
        %dma_wait3A_297 = tpu.memref_slice %arg17[%dma_wait3A_282, %dma_wait3A_294, %dma_wait3A_295, %dma_wait3A_296] : memref<2x4x14x512xf32, #tpu.memory_space<vmem>> -> memref<1x4x14x504xf32, #tpu.memory_space<vmem>>
        %dma_wait3A_298 = tpu.memref_squeeze %dma_wait3A_297 : memref<1x4x14x504xf32, #tpu.memory_space<vmem>> -> memref<4x14x504xf32, #tpu.memory_space<vmem>>
        tpu.wait_dma2 semaphore(%arg22 : memref<!tpu.dma_semaphore, #tpu.memory_space<semaphore_mem>>) src(%dma_wait3A_298 : memref<4x14x504xf32, #tpu.memory_space<vmem>>) dst(%dma_wait3A_293 : memref<4x14x504xf32, #tpu.memory_space<hbm>>)
        %dma_wait3A_299 = arith.constant 0 : i32
        %dma_wait3A_300 = arith.constant 0 : i32
        %dma_wait3A_301 = arith.constant 0 : i32
        %dma_wait3A_302 = tpu.memref_slice %arg18[%dma_wait3A_299, %dma_wait3A_300, %dma_wait3A_301] : memref<2x4x256xf32, #tpu.memory_space<vmem>> -> memref<1x4x248xf32, #tpu.memory_space<vmem>>
        %dma_wait3A_303 = tpu.memref_squeeze %dma_wait3A_302 : memref<1x4x248xf32, #tpu.memory_space<vmem>> -> memref<4x248xf32, #tpu.memory_space<vmem>>
        %dma_wait3A_304 = arith.constant 0 : i32
        %dma_wait3A_305 = tpu.memref_slice %arg9[%add3A_131, %dma_wait3A_304] : memref<16384x248xf32, #tpu.memory_space<hbm>> -> memref<4x248xf32, #tpu.memory_space<hbm>>
        %dma_wait3A_306 = arith.constant 0 : i32
        %dma_wait3A_307 = tpu.memref_slice %arg9[%add3A_131, %dma_wait3A_306] : memref<16384x248xf32, #tpu.memory_space<hbm>> -> memref<4x248xf32, #tpu.memory_space<hbm>>
        %dma_wait3A_308 = arith.constant 0 : i32
        %dma_wait3A_309 = arith.constant 0 : i32
        %dma_wait3A_310 = tpu.memref_slice %arg18[%dma_wait3A_299, %dma_wait3A_308, %dma_wait3A_309] : memref<2x4x256xf32, #tpu.memory_space<vmem>> -> memref<1x4x248xf32, #tpu.memory_space<vmem>>
        %dma_wait3A_311 = tpu.memref_squeeze %dma_wait3A_310 : memref<1x4x248xf32, #tpu.memory_space<vmem>> -> memref<4x248xf32, #tpu.memory_space<vmem>>
        tpu.wait_dma2 semaphore(%arg24 : memref<!tpu.dma_semaphore, #tpu.memory_space<semaphore_mem>>) src(%dma_wait3A_311 : memref<4x248xf32, #tpu.memory_space<vmem>>) dst(%dma_wait3A_307 : memref<4x248xf32, #tpu.memory_space<hbm>>)
        %dma_wait3A_312 = arith.constant 0 : i32
        %dma_wait3A_313 = arith.constant 0 : i32
        %dma_wait3A_314 = arith.constant 0 : i32
        %dma_wait3A_315 = tpu.memref_slice %arg19[%dma_wait3A_312, %dma_wait3A_313, %dma_wait3A_314] : memref<2x4x64xf32, #tpu.memory_space<vmem>> -> memref<1x4x56xf32, #tpu.memory_space<vmem>>
        %dma_wait3A_316 = tpu.memref_squeeze %dma_wait3A_315 : memref<1x4x56xf32, #tpu.memory_space<vmem>> -> memref<4x56xf32, #tpu.memory_space<vmem>>
        %dma_wait3A_317 = arith.constant 0 : i32
        %dma_wait3A_318 = tpu.memref_slice %arg10[%add3A_131, %dma_wait3A_317] : memref<16384x56xf32, #tpu.memory_space<hbm>> -> memref<4x56xf32, #tpu.memory_space<hbm>>
        %dma_wait3A_319 = arith.constant 0 : i32
        %dma_wait3A_320 = tpu.memref_slice %arg10[%add3A_131, %dma_wait3A_319] : memref<16384x56xf32, #tpu.memory_space<hbm>> -> memref<4x56xf32, #tpu.memory_space<hbm>>
        %dma_wait3A_321 = arith.constant 0 : i32
        %dma_wait3A_322 = arith.constant 0 : i32
        %dma_wait3A_323 = tpu.memref_slice %arg19[%dma_wait3A_312, %dma_wait3A_321, %dma_wait3A_322] : memref<2x4x64xf32, #tpu.memory_space<vmem>> -> memref<1x4x56xf32, #tpu.memory_space<vmem>>
        %dma_wait3A_324 = tpu.memref_squeeze %dma_wait3A_323 : memref<1x4x56xf32, #tpu.memory_space<vmem>> -> memref<4x56xf32, #tpu.memory_space<vmem>>
        tpu.wait_dma2 semaphore(%arg26 : memref<!tpu.dma_semaphore, #tpu.memory_space<semaphore_mem>>) src(%dma_wait3A_324 : memref<4x56xf32, #tpu.memory_space<vmem>>) dst(%dma_wait3A_320 : memref<4x56xf32, #tpu.memory_space<hbm>>)
      } else {
      }
      %parallel_loop3A = arith.constant 0 : i32
      %parallel_loop3A_147 = arith.constant 128 : i32
      %parallel_loop3A_148 = arith.constant 1 : i32
      scf.for %parallel_loop3A_282 = %parallel_loop3A to %parallel_loop3A_147 step %parallel_loop3A_148  : i32 {
        %parallel_loop3A_283 = arith.constant 5 : i32
        %parallel_loop3A_284 = arith.shrsi %parallel_loop3A_282, %parallel_loop3A_283 : i32
        %parallel_loop3A_285 = arith.constant 31 : i32
        %parallel_loop3A_286 = arith.andi %parallel_loop3A_282, %parallel_loop3A_285 : i32
        %parallel_loop3A_287 = arith.constant 16 : i32
        %parallel_loop3A_288 = arith.muli %parallel_loop3A_286, %parallel_loop3A_287 : i32
        %parallel_loop3A_289 = arith.constant 0 : i32
        %parallel_loop3A_290 = arith.index_cast %parallel_loop3A_289 : i32 to index
        %parallel_loop3A_291 = arith.index_cast %parallel_loop3A_284 : i32 to index
        %parallel_loop3A_292 = arith.index_cast %parallel_loop3A_288 : i32 to index
        %parallel_loop3A_293 = tpu.vector_load %arg11[%parallel_loop3A_290, %parallel_loop3A_291, %parallel_loop3A_292] {strides = array<i32>} : memref<2x4x1008xf32, #tpu.memory_space<vmem>>, vector<16xf32>,
        %parallel_loop3A_294 = arith.fptosi %parallel_loop3A_293 : vector<16xf32> to vector<16xi32>
        %parallel_loop3A_295 = arith.constant 0 : i32
        %parallel_loop3A_296 = vector.broadcast %parallel_loop3A_295 : i32 to vector<16xi32>
        %parallel_loop3A_297 = tpu.vector_load_idx %arg12[%parallel_loop3A_294, %parallel_loop3A_296] : memref<10x14xf32, #tpu.memory_space<vmem>>[vector<16xi32>, vector<16xi32>], vector<16xf32>,
        %parallel_loop3A_298 = arith.constant 16 : i32
        %parallel_loop3A_299 = arith.muli %parallel_loop3A_286, %parallel_loop3A_298 : i32
        %parallel_loop3A_300 = arith.constant 0 : i32
        %parallel_loop3A_301 = arith.constant 0 : i32
        %parallel_loop3A_302 = arith.index_cast %parallel_loop3A_300 : i32 to index
        %parallel_loop3A_303 = arith.index_cast %parallel_loop3A_284 : i32 to index
        %parallel_loop3A_304 = arith.index_cast %parallel_loop3A_301 : i32 to index
        %parallel_loop3A_305 = arith.index_cast %parallel_loop3A_299 : i32 to index
        %parallel_loop3A_306 = tpu.vector_load %arg17[%parallel_loop3A_302, %parallel_loop3A_303, %parallel_loop3A_304, %parallel_loop3A_305] {strides = array<i32>} : memref<2x4x14x512xf32, #tpu.memory_space<vmem>>, vector<16xf32>,
        tpu.vector_store %arg17[%parallel_loop3A_302, %parallel_loop3A_303, %parallel_loop3A_304, %parallel_loop3A_305], %parallel_loop3A_297 {strides = array<i32>} : memref<2x4x14x512xf32, #tpu.memory_space<vmem>>, vector<16xf32>,
        %parallel_loop3A_307 = arith.constant 1 : i32
        %parallel_loop3A_308 = vector.broadcast %parallel_loop3A_307 : i32 to vector<16xi32>
        %parallel_loop3A_309 = tpu.vector_load_idx %arg12[%parallel_loop3A_294, %parallel_loop3A_308] : memref<10x14xf32, #tpu.memory_space<vmem>>[vector<16xi32>, vector<16xi32>], vector<16xf32>,
        %parallel_loop3A_310 = arith.constant 16 : i32
        %parallel_loop3A_311 = arith.muli %parallel_loop3A_286, %parallel_loop3A_310 : i32
        %parallel_loop3A_312 = arith.constant 0 : i32
        %parallel_loop3A_313 = arith.constant 1 : i32
        %parallel_loop3A_314 = arith.index_cast %parallel_loop3A_312 : i32 to index
        %parallel_loop3A_315 = arith.index_cast %parallel_loop3A_284 : i32 to index
        %parallel_loop3A_316 = arith.index_cast %parallel_loop3A_313 : i32 to index
        %parallel_loop3A_317 = arith.index_cast %parallel_loop3A_311 : i32 to index
        %parallel_loop3A_318 = tpu.vector_load %arg17[%parallel_loop3A_314, %parallel_loop3A_315, %parallel_loop3A_316, %parallel_loop3A_317] {strides = array<i32>} : memref<2x4x14x512xf32, #tpu.memory_space<vmem>>, vector<16xf32>,
        tpu.vector_store %arg17[%parallel_loop3A_314, %parallel_loop3A_315, %parallel_loop3A_316, %parallel_loop3A_317], %parallel_loop3A_309 {strides = array<i32>} : memref<2x4x14x512xf32, #tpu.memory_space<vmem>>, vector<16xf32>,
        %parallel_loop3A_319 = arith.constant 2 : i32
        %parallel_loop3A_320 = vector.broadcast %parallel_loop3A_319 : i32 to vector<16xi32>
        %parallel_loop3A_321 = tpu.vector_load_idx %arg12[%parallel_loop3A_294, %parallel_loop3A_320] : memref<10x14xf32, #tpu.memory_space<vmem>>[vector<16xi32>, vector<16xi32>], vector<16xf32>,
        %parallel_loop3A_322 = arith.constant 16 : i32
        %parallel_loop3A_323 = arith.muli %parallel_loop3A_286, %parallel_loop3A_322 : i32
        %parallel_loop3A_324 = arith.constant 0 : i32
        %parallel_loop3A_325 = arith.constant 2 : i32
        %parallel_loop3A_326 = arith.index_cast %parallel_loop3A_324 : i32 to index
        %parallel_loop3A_327 = arith.index_cast %parallel_loop3A_284 : i32 to index
        %parallel_loop3A_328 = arith.index_cast %parallel_loop3A_325 : i32 to index
        %parallel_loop3A_329 = arith.index_cast %parallel_loop3A_323 : i32 to index
        %parallel_loop3A_330 = tpu.vector_load %arg17[%parallel_loop3A_326, %parallel_loop3A_327, %parallel_loop3A_328, %parallel_loop3A_329] {strides = array<i32>} : memref<2x4x14x512xf32, #tpu.memory_space<vmem>>, vector<16xf32>,
        tpu.vector_store %arg17[%parallel_loop3A_326, %parallel_loop3A_327, %parallel_loop3A_328, %parallel_loop3A_329], %parallel_loop3A_321 {strides = array<i32>} : memref<2x4x14x512xf32, #tpu.memory_space<vmem>>, vector<16xf32>,
        %parallel_loop3A_331 = arith.constant 3 : i32
        %parallel_loop3A_332 = vector.broadcast %parallel_loop3A_331 : i32 to vector<16xi32>
        %parallel_loop3A_333 = tpu.vector_load_idx %arg12[%parallel_loop3A_294, %parallel_loop3A_332] : memref<10x14xf32, #tpu.memory_space<vmem>>[vector<16xi32>, vector<16xi32>], vector<16xf32>,
        %parallel_loop3A_334 = arith.constant 16 : i32
        %parallel_loop3A_335 = arith.muli %parallel_loop3A_286, %parallel_loop3A_334 : i32
        %parallel_loop3A_336 = arith.constant 0 : i32
        %parallel_loop3A_337 = arith.constant 3 : i32
        %parallel_loop3A_338 = arith.index_cast %parallel_loop3A_336 : i32 to index
        %parallel_loop3A_339 = arith.index_cast %parallel_loop3A_284 : i32 to index
        %parallel_loop3A_340 = arith.index_cast %parallel_loop3A_337 : i32 to index
        %parallel_loop3A_341 = arith.index_cast %parallel_loop3A_335 : i32 to index
        %parallel_loop3A_342 = tpu.vector_load %arg17[%parallel_loop3A_338, %parallel_loop3A_339, %parallel_loop3A_340, %parallel_loop3A_341] {strides = array<i32>} : memref<2x4x14x512xf32, #tpu.memory_space<vmem>>, vector<16xf32>,
        tpu.vector_store %arg17[%parallel_loop3A_338, %parallel_loop3A_339, %parallel_loop3A_340, %parallel_loop3A_341], %parallel_loop3A_333 {strides = array<i32>} : memref<2x4x14x512xf32, #tpu.memory_space<vmem>>, vector<16xf32>,
        %parallel_loop3A_343 = arith.constant 4 : i32
        %parallel_loop3A_344 = vector.broadcast %parallel_loop3A_343 : i32 to vector<16xi32>
        %parallel_loop3A_345 = tpu.vector_load_idx %arg12[%parallel_loop3A_294, %parallel_loop3A_344] : memref<10x14xf32, #tpu.memory_space<vmem>>[vector<16xi32>, vector<16xi32>], vector<16xf32>,
        %parallel_loop3A_346 = arith.constant 16 : i32
        %parallel_loop3A_347 = arith.muli %parallel_loop3A_286, %parallel_loop3A_346 : i32
        %parallel_loop3A_348 = arith.constant 0 : i32
        %parallel_loop3A_349 = arith.constant 4 : i32
        %parallel_loop3A_350 = arith.index_cast %parallel_loop3A_348 : i32 to index
        %parallel_loop3A_351 = arith.index_cast %parallel_loop3A_284 : i32 to index
        %parallel_loop3A_352 = arith.index_cast %parallel_loop3A_349 : i32 to index
        %parallel_loop3A_353 = arith.index_cast %parallel_loop3A_347 : i32 to index
        %parallel_loop3A_354 = tpu.vector_load %arg17[%parallel_loop3A_350, %parallel_loop3A_351, %parallel_loop3A_352, %parallel_loop3A_353] {strides = array<i32>} : memref<2x4x14x512xf32, #tpu.memory_space<vmem>>, vector<16xf32>,
        tpu.vector_store %arg17[%parallel_loop3A_350, %parallel_loop3A_351, %parallel_loop3A_352, %parallel_loop3A_353], %parallel_loop3A_345 {strides = array<i32>} : memref<2x4x14x512xf32, #tpu.memory_space<vmem>>, vector<16xf32>,
        %parallel_loop3A_355 = arith.constant 5 : i32
        %parallel_loop3A_356 = vector.broadcast %parallel_loop3A_355 : i32 to vector<16xi32>
        %parallel_loop3A_357 = tpu.vector_load_idx %arg12[%parallel_loop3A_294, %parallel_loop3A_356] : memref<10x14xf32, #tpu.memory_space<vmem>>[vector<16xi32>, vector<16xi32>], vector<16xf32>,
        %parallel_loop3A_358 = arith.constant 16 : i32
        %parallel_loop3A_359 = arith.muli %parallel_loop3A_286, %parallel_loop3A_358 : i32
        %parallel_loop3A_360 = arith.constant 0 : i32
        %parallel_loop3A_361 = arith.constant 5 : i32
        %parallel_loop3A_362 = arith.index_cast %parallel_loop3A_360 : i32 to index
        %parallel_loop3A_363 = arith.index_cast %parallel_loop3A_284 : i32 to index
        %parallel_loop3A_364 = arith.index_cast %parallel_loop3A_361 : i32 to index
        %parallel_loop3A_365 = arith.index_cast %parallel_loop3A_359 : i32 to index
        %parallel_loop3A_366 = tpu.vector_load %arg17[%parallel_loop3A_362, %parallel_loop3A_363, %parallel_loop3A_364, %parallel_loop3A_365] {strides = array<i32>} : memref<2x4x14x512xf32, #tpu.memory_space<vmem>>, vector<16xf32>,
        tpu.vector_store %arg17[%parallel_loop3A_362, %parallel_loop3A_363, %parallel_loop3A_364, %parallel_loop3A_365], %parallel_loop3A_357 {strides = array<i32>} : memref<2x4x14x512xf32, #tpu.memory_space<vmem>>, vector<16xf32>,
        %parallel_loop3A_367 = arith.constant 6 : i32
        %parallel_loop3A_368 = vector.broadcast %parallel_loop3A_367 : i32 to vector<16xi32>
        %parallel_loop3A_369 = tpu.vector_load_idx %arg12[%parallel_loop3A_294, %parallel_loop3A_368] : memref<10x14xf32, #tpu.memory_space<vmem>>[vector<16xi32>, vector<16xi32>], vector<16xf32>,
        %parallel_loop3A_370 = arith.constant 16 : i32
        %parallel_loop3A_371 = arith.muli %parallel_loop3A_286, %parallel_loop3A_370 : i32
        %parallel_loop3A_372 = arith.constant 0 : i32
        %parallel_loop3A_373 = arith.constant 6 : i32
        %parallel_loop3A_374 = arith.index_cast %parallel_loop3A_372 : i32 to index
        %parallel_loop3A_375 = arith.index_cast %parallel_loop3A_284 : i32 to index
        %parallel_loop3A_376 = arith.index_cast %parallel_loop3A_373 : i32 to index
        %parallel_loop3A_377 = arith.index_cast %parallel_loop3A_371 : i32 to index
        %parallel_loop3A_378 = tpu.vector_load %arg17[%parallel_loop3A_374, %parallel_loop3A_375, %parallel_loop3A_376, %parallel_loop3A_377] {strides = array<i32>} : memref<2x4x14x512xf32, #tpu.memory_space<vmem>>, vector<16xf32>,
        tpu.vector_store %arg17[%parallel_loop3A_374, %parallel_loop3A_375, %parallel_loop3A_376, %parallel_loop3A_377], %parallel_loop3A_369 {strides = array<i32>} : memref<2x4x14x512xf32, #tpu.memory_space<vmem>>, vector<16xf32>,
        %parallel_loop3A_379 = arith.constant 7 : i32
        %parallel_loop3A_380 = vector.broadcast %parallel_loop3A_379 : i32 to vector<16xi32>
        %parallel_loop3A_381 = tpu.vector_load_idx %arg12[%parallel_loop3A_294, %parallel_loop3A_380] : memref<10x14xf32, #tpu.memory_space<vmem>>[vector<16xi32>, vector<16xi32>], vector<16xf32>,
        %parallel_loop3A_382 = arith.constant 16 : i32
        %parallel_loop3A_383 = arith.muli %parallel_loop3A_286, %parallel_loop3A_382 : i32
        %parallel_loop3A_384 = arith.constant 0 : i32
        %parallel_loop3A_385 = arith.constant 7 : i32
        %parallel_loop3A_386 = arith.index_cast %parallel_loop3A_384 : i32 to index
        %parallel_loop3A_387 = arith.index_cast %parallel_loop3A_284 : i32 to index
        %parallel_loop3A_388 = arith.index_cast %parallel_loop3A_385 : i32 to index
        %parallel_loop3A_389 = arith.index_cast %parallel_loop3A_383 : i32 to index
        %parallel_loop3A_390 = tpu.vector_load %arg17[%parallel_loop3A_386, %parallel_loop3A_387, %parallel_loop3A_388, %parallel_loop3A_389] {strides = array<i32>} : memref<2x4x14x512xf32, #tpu.memory_space<vmem>>, vector<16xf32>,
        tpu.vector_store %arg17[%parallel_loop3A_386, %parallel_loop3A_387, %parallel_loop3A_388, %parallel_loop3A_389], %parallel_loop3A_381 {strides = array<i32>} : memref<2x4x14x512xf32, #tpu.memory_space<vmem>>, vector<16xf32>,
        %parallel_loop3A_391 = arith.constant 8 : i32
        %parallel_loop3A_392 = vector.broadcast %parallel_loop3A_391 : i32 to vector<16xi32>
        %parallel_loop3A_393 = tpu.vector_load_idx %arg12[%parallel_loop3A_294, %parallel_loop3A_392] : memref<10x14xf32, #tpu.memory_space<vmem>>[vector<16xi32>, vector<16xi32>], vector<16xf32>,
        %parallel_loop3A_394 = arith.constant 16 : i32
        %parallel_loop3A_395 = arith.muli %parallel_loop3A_286, %parallel_loop3A_394 : i32
        %parallel_loop3A_396 = arith.constant 0 : i32
        %parallel_loop3A_397 = arith.constant 8 : i32
        %parallel_loop3A_398 = arith.index_cast %parallel_loop3A_396 : i32 to index
        %parallel_loop3A_399 = arith.index_cast %parallel_loop3A_284 : i32 to index
        %parallel_loop3A_400 = arith.index_cast %parallel_loop3A_397 : i32 to index
        %parallel_loop3A_401 = arith.index_cast %parallel_loop3A_395 : i32 to index
        %parallel_loop3A_402 = tpu.vector_load %arg17[%parallel_loop3A_398, %parallel_loop3A_399, %parallel_loop3A_400, %parallel_loop3A_401] {strides = array<i32>} : memref<2x4x14x512xf32, #tpu.memory_space<vmem>>, vector<16xf32>,
        tpu.vector_store %arg17[%parallel_loop3A_398, %parallel_loop3A_399, %parallel_loop3A_400, %parallel_loop3A_401], %parallel_loop3A_393 {strides = array<i32>} : memref<2x4x14x512xf32, #tpu.memory_space<vmem>>, vector<16xf32>,
        %parallel_loop3A_403 = arith.constant 9 : i32
        %parallel_loop3A_404 = vector.broadcast %parallel_loop3A_403 : i32 to vector<16xi32>
        %parallel_loop3A_405 = tpu.vector_load_idx %arg12[%parallel_loop3A_294, %parallel_loop3A_404] : memref<10x14xf32, #tpu.memory_space<vmem>>[vector<16xi32>, vector<16xi32>], vector<16xf32>,
        %parallel_loop3A_406 = arith.constant 16 : i32
        %parallel_loop3A_407 = arith.muli %parallel_loop3A_286, %parallel_loop3A_406 : i32
        %parallel_loop3A_408 = arith.constant 0 : i32
        %parallel_loop3A_409 = arith.constant 9 : i32
        %parallel_loop3A_410 = arith.index_cast %parallel_loop3A_408 : i32 to index
        %parallel_loop3A_411 = arith.index_cast %parallel_loop3A_284 : i32 to index
        %parallel_loop3A_412 = arith.index_cast %parallel_loop3A_409 : i32 to index
        %parallel_loop3A_413 = arith.index_cast %parallel_loop3A_407 : i32 to index
        %parallel_loop3A_414 = tpu.vector_load %arg17[%parallel_loop3A_410, %parallel_loop3A_411, %parallel_loop3A_412, %parallel_loop3A_413] {strides = array<i32>} : memref<2x4x14x512xf32, #tpu.memory_space<vmem>>, vector<16xf32>,
        tpu.vector_store %arg17[%parallel_loop3A_410, %parallel_loop3A_411, %parallel_loop3A_412, %parallel_loop3A_413], %parallel_loop3A_405 {strides = array<i32>} : memref<2x4x14x512xf32, #tpu.memory_space<vmem>>, vector<16xf32>,
        %parallel_loop3A_415 = arith.constant 10 : i32
        %parallel_loop3A_416 = vector.broadcast %parallel_loop3A_415 : i32 to vector<16xi32>
        %parallel_loop3A_417 = tpu.vector_load_idx %arg12[%parallel_loop3A_294, %parallel_loop3A_416] : memref<10x14xf32, #tpu.memory_space<vmem>>[vector<16xi32>, vector<16xi32>], vector<16xf32>,
        %parallel_loop3A_418 = arith.constant 16 : i32
        %parallel_loop3A_419 = arith.muli %parallel_loop3A_286, %parallel_loop3A_418 : i32
        %parallel_loop3A_420 = arith.constant 0 : i32
        %parallel_loop3A_421 = arith.constant 10 : i32
        %parallel_loop3A_422 = arith.index_cast %parallel_loop3A_420 : i32 to index
        %parallel_loop3A_423 = arith.index_cast %parallel_loop3A_284 : i32 to index
        %parallel_loop3A_424 = arith.index_cast %parallel_loop3A_421 : i32 to index
        %parallel_loop3A_425 = arith.index_cast %parallel_loop3A_419 : i32 to index
        %parallel_loop3A_426 = tpu.vector_load %arg17[%parallel_loop3A_422, %parallel_loop3A_423, %parallel_loop3A_424, %parallel_loop3A_425] {strides = array<i32>} : memref<2x4x14x512xf32, #tpu.memory_space<vmem>>, vector<16xf32>,
        tpu.vector_store %arg17[%parallel_loop3A_422, %parallel_loop3A_423, %parallel_loop3A_424, %parallel_loop3A_425], %parallel_loop3A_417 {strides = array<i32>} : memref<2x4x14x512xf32, #tpu.memory_space<vmem>>, vector<16xf32>,
        %parallel_loop3A_427 = arith.constant 11 : i32
        %parallel_loop3A_428 = vector.broadcast %parallel_loop3A_427 : i32 to vector<16xi32>
        %parallel_loop3A_429 = tpu.vector_load_idx %arg12[%parallel_loop3A_294, %parallel_loop3A_428] : memref<10x14xf32, #tpu.memory_space<vmem>>[vector<16xi32>, vector<16xi32>], vector<16xf32>,
        %parallel_loop3A_430 = arith.constant 16 : i32
        %parallel_loop3A_431 = arith.muli %parallel_loop3A_286, %parallel_loop3A_430 : i32
        %parallel_loop3A_432 = arith.constant 0 : i32
        %parallel_loop3A_433 = arith.constant 11 : i32
        %parallel_loop3A_434 = arith.index_cast %parallel_loop3A_432 : i32 to index
        %parallel_loop3A_435 = arith.index_cast %parallel_loop3A_284 : i32 to index
        %parallel_loop3A_436 = arith.index_cast %parallel_loop3A_433 : i32 to index
        %parallel_loop3A_437 = arith.index_cast %parallel_loop3A_431 : i32 to index
        %parallel_loop3A_438 = tpu.vector_load %arg17[%parallel_loop3A_434, %parallel_loop3A_435, %parallel_loop3A_436, %parallel_loop3A_437] {strides = array<i32>} : memref<2x4x14x512xf32, #tpu.memory_space<vmem>>, vector<16xf32>,
        tpu.vector_store %arg17[%parallel_loop3A_434, %parallel_loop3A_435, %parallel_loop3A_436, %parallel_loop3A_437], %parallel_loop3A_429 {strides = array<i32>} : memref<2x4x14x512xf32, #tpu.memory_space<vmem>>, vector<16xf32>,
        %parallel_loop3A_439 = arith.constant 12 : i32
        %parallel_loop3A_440 = vector.broadcast %parallel_loop3A_439 : i32 to vector<16xi32>
        %parallel_loop3A_441 = tpu.vector_load_idx %arg12[%parallel_loop3A_294, %parallel_loop3A_440] : memref<10x14xf32, #tpu.memory_space<vmem>>[vector<16xi32>, vector<16xi32>], vector<16xf32>,
        %parallel_loop3A_442 = arith.constant 16 : i32
        %parallel_loop3A_443 = arith.muli %parallel_loop3A_286, %parallel_loop3A_442 : i32
        %parallel_loop3A_444 = arith.constant 0 : i32
        %parallel_loop3A_445 = arith.constant 12 : i32
        %parallel_loop3A_446 = arith.index_cast %parallel_loop3A_444 : i32 to index
        %parallel_loop3A_447 = arith.index_cast %parallel_loop3A_284 : i32 to index
        %parallel_loop3A_448 = arith.index_cast %parallel_loop3A_445 : i32 to index
        %parallel_loop3A_449 = arith.index_cast %parallel_loop3A_443 : i32 to index
        %parallel_loop3A_450 = tpu.vector_load %arg17[%parallel_loop3A_446, %parallel_loop3A_447, %parallel_loop3A_448, %parallel_loop3A_449] {strides = array<i32>} : memref<2x4x14x512xf32, #tpu.memory_space<vmem>>, vector<16xf32>,
        tpu.vector_store %arg17[%parallel_loop3A_446, %parallel_loop3A_447, %parallel_loop3A_448, %parallel_loop3A_449], %parallel_loop3A_441 {strides = array<i32>} : memref<2x4x14x512xf32, #tpu.memory_space<vmem>>, vector<16xf32>,
        %parallel_loop3A_451 = arith.constant 13 : i32
        %parallel_loop3A_452 = vector.broadcast %parallel_loop3A_451 : i32 to vector<16xi32>
        %parallel_loop3A_453 = tpu.vector_load_idx %arg12[%parallel_loop3A_294, %parallel_loop3A_452] : memref<10x14xf32, #tpu.memory_space<vmem>>[vector<16xi32>, vector<16xi32>], vector<16xf32>,
        %parallel_loop3A_454 = arith.constant 16 : i32
        %parallel_loop3A_455 = arith.muli %parallel_loop3A_286, %parallel_loop3A_454 : i32
        %parallel_loop3A_456 = arith.constant 0 : i32
        %parallel_loop3A_457 = arith.constant 13 : i32
        %parallel_loop3A_458 = arith.index_cast %parallel_loop3A_456 : i32 to index
        %parallel_loop3A_459 = arith.index_cast %parallel_loop3A_284 : i32 to index
        %parallel_loop3A_460 = arith.index_cast %parallel_loop3A_457 : i32 to index
        %parallel_loop3A_461 = arith.index_cast %parallel_loop3A_455 : i32 to index
        %parallel_loop3A_462 = tpu.vector_load %arg17[%parallel_loop3A_458, %parallel_loop3A_459, %parallel_loop3A_460, %parallel_loop3A_461] {strides = array<i32>} : memref<2x4x14x512xf32, #tpu.memory_space<vmem>>, vector<16xf32>,
        tpu.vector_store %arg17[%parallel_loop3A_458, %parallel_loop3A_459, %parallel_loop3A_460, %parallel_loop3A_461], %parallel_loop3A_453 {strides = array<i32>} : memref<2x4x14x512xf32, #tpu.memory_space<vmem>>, vector<16xf32>,
      } {sc.loop_unroll_factor = 2 : i64, sc.parallel_access}
      %parallel_loop3A_149 = arith.constant 0 : i32
      %parallel_loop3A_150 = arith.constant 4 : i32
      %parallel_loop3A_151 = arith.constant 1 : i32
      scf.for %parallel_loop3A_282 = %parallel_loop3A_149 to %parallel_loop3A_150 step %parallel_loop3A_151  : i32 {
        %parallel_loop3A_283 = vector.broadcast %parallel_loop3A_282 : i32 to vector<16xi32>
        %parallel_loop3A_284 = arith.constant 0 : index
        %parallel_loop3A_285 = tpu.vector_load %arg14[%parallel_loop3A_284] {strides = array<i32>} : memref<256xi32, #tpu.memory_space<vmem>>, vector<16xi32>,
        %parallel_loop3A_286 = arith.constant 0 : i32
        %parallel_loop3A_287 = arith.constant 0 : i32
        %parallel_loop3A_288 = arith.constant 0 : i32
        %parallel_loop3A_289 = tpu.memref_slice %arg11[%parallel_loop3A_286, %parallel_loop3A_287, %parallel_loop3A_288] : memref<2x4x1008xf32, #tpu.memory_space<vmem>> -> memref<1x4x1008xf32, #tpu.memory_space<vmem>>
        %parallel_loop3A_290 = tpu.memref_squeeze %parallel_loop3A_289 : memref<1x4x1008xf32, #tpu.memory_space<vmem>> -> memref<4x1008xf32, #tpu.memory_space<vmem>>
        %parallel_loop3A_291 = tpu.vector_load_idx %parallel_loop3A_290[%parallel_loop3A_283, %parallel_loop3A_285] : memref<4x1008xf32, #tpu.memory_space<vmem>>[vector<16xi32>, vector<16xi32>], vector<16xf32>,
        %parallel_loop3A_292 = arith.constant 0 : i32
        %parallel_loop3A_293 = arith.index_cast %parallel_loop3A_292 : i32 to index
        %parallel_loop3A_294 = arith.index_cast %parallel_loop3A_282 : i32 to index
        %parallel_loop3A_295 = arith.constant 0 : index
        %parallel_loop3A_296 = tpu.vector_load %arg18[%parallel_loop3A_293, %parallel_loop3A_294, %parallel_loop3A_295] {strides = array<i32>} : memref<2x4x256xf32, #tpu.memory_space<vmem>>, vector<16xf32>,
        tpu.vector_store %arg18[%parallel_loop3A_293, %parallel_loop3A_294, %parallel_loop3A_295], %parallel_loop3A_291 {strides = array<i32>} : memref<2x4x256xf32, #tpu.memory_space<vmem>>, vector<16xf32>,
        %parallel_loop3A_297 = arith.constant 16 : index
        %parallel_loop3A_298 = tpu.vector_load %arg14[%parallel_loop3A_297] {strides = array<i32>} : memref<256xi32, #tpu.memory_space<vmem>>, vector<16xi32>,
        %parallel_loop3A_299 = arith.constant 0 : i32
        %parallel_loop3A_300 = arith.constant 0 : i32
        %parallel_loop3A_301 = arith.constant 0 : i32
        %parallel_loop3A_302 = tpu.memref_slice %arg11[%parallel_loop3A_299, %parallel_loop3A_300, %parallel_loop3A_301] : memref<2x4x1008xf32, #tpu.memory_space<vmem>> -> memref<1x4x1008xf32, #tpu.memory_space<vmem>>
        %parallel_loop3A_303 = tpu.memref_squeeze %parallel_loop3A_302 : memref<1x4x1008xf32, #tpu.memory_space<vmem>> -> memref<4x1008xf32, #tpu.memory_space<vmem>>
        %parallel_loop3A_304 = tpu.vector_load_idx %parallel_loop3A_303[%parallel_loop3A_283, %parallel_loop3A_298] : memref<4x1008xf32, #tpu.memory_space<vmem>>[vector<16xi32>, vector<16xi32>], vector<16xf32>,
        %parallel_loop3A_305 = arith.constant 0 : i32
        %parallel_loop3A_306 = arith.index_cast %parallel_loop3A_305 : i32 to index
        %parallel_loop3A_307 = arith.index_cast %parallel_loop3A_282 : i32 to index
        %parallel_loop3A_308 = arith.constant 16 : index
        %parallel_loop3A_309 = tpu.vector_load %arg18[%parallel_loop3A_306, %parallel_loop3A_307, %parallel_loop3A_308] {strides = array<i32>} : memref<2x4x256xf32, #tpu.memory_space<vmem>>, vector<16xf32>,
        tpu.vector_store %arg18[%parallel_loop3A_306, %parallel_loop3A_307, %parallel_loop3A_308], %parallel_loop3A_304 {strides = array<i32>} : memref<2x4x256xf32, #tpu.memory_space<vmem>>, vector<16xf32>,
        %parallel_loop3A_310 = arith.constant 32 : index
        %parallel_loop3A_311 = tpu.vector_load %arg14[%parallel_loop3A_310] {strides = array<i32>} : memref<256xi32, #tpu.memory_space<vmem>>, vector<16xi32>,
        %parallel_loop3A_312 = arith.constant 0 : i32
        %parallel_loop3A_313 = arith.constant 0 : i32
        %parallel_loop3A_314 = arith.constant 0 : i32
        %parallel_loop3A_315 = tpu.memref_slice %arg11[%parallel_loop3A_312, %parallel_loop3A_313, %parallel_loop3A_314] : memref<2x4x1008xf32, #tpu.memory_space<vmem>> -> memref<1x4x1008xf32, #tpu.memory_space<vmem>>
        %parallel_loop3A_316 = tpu.memref_squeeze %parallel_loop3A_315 : memref<1x4x1008xf32, #tpu.memory_space<vmem>> -> memref<4x1008xf32, #tpu.memory_space<vmem>>
        %parallel_loop3A_317 = tpu.vector_load_idx %parallel_loop3A_316[%parallel_loop3A_283, %parallel_loop3A_311] : memref<4x1008xf32, #tpu.memory_space<vmem>>[vector<16xi32>, vector<16xi32>], vector<16xf32>,
        %parallel_loop3A_318 = arith.constant 0 : i32
        %parallel_loop3A_319 = arith.index_cast %parallel_loop3A_318 : i32 to index
        %parallel_loop3A_320 = arith.index_cast %parallel_loop3A_282 : i32 to index
        %parallel_loop3A_321 = arith.constant 32 : index
        %parallel_loop3A_322 = tpu.vector_load %arg18[%parallel_loop3A_319, %parallel_loop3A_320, %parallel_loop3A_321] {strides = array<i32>} : memref<2x4x256xf32, #tpu.memory_space<vmem>>, vector<16xf32>,
        tpu.vector_store %arg18[%parallel_loop3A_319, %parallel_loop3A_320, %parallel_loop3A_321], %parallel_loop3A_317 {strides = array<i32>} : memref<2x4x256xf32, #tpu.memory_space<vmem>>, vector<16xf32>,
        %parallel_loop3A_323 = arith.constant 48 : index
        %parallel_loop3A_324 = tpu.vector_load %arg14[%parallel_loop3A_323] {strides = array<i32>} : memref<256xi32, #tpu.memory_space<vmem>>, vector<16xi32>,
        %parallel_loop3A_325 = arith.constant 0 : i32
        %parallel_loop3A_326 = arith.constant 0 : i32
        %parallel_loop3A_327 = arith.constant 0 : i32
        %parallel_loop3A_328 = tpu.memref_slice %arg11[%parallel_loop3A_325, %parallel_loop3A_326, %parallel_loop3A_327] : memref<2x4x1008xf32, #tpu.memory_space<vmem>> -> memref<1x4x1008xf32, #tpu.memory_space<vmem>>
        %parallel_loop3A_329 = tpu.memref_squeeze %parallel_loop3A_328 : memref<1x4x1008xf32, #tpu.memory_space<vmem>> -> memref<4x1008xf32, #tpu.memory_space<vmem>>
        %parallel_loop3A_330 = tpu.vector_load_idx %parallel_loop3A_329[%parallel_loop3A_283, %parallel_loop3A_324] : memref<4x1008xf32, #tpu.memory_space<vmem>>[vector<16xi32>, vector<16xi32>], vector<16xf32>,
        %parallel_loop3A_331 = arith.constant 0 : i32
        %parallel_loop3A_332 = arith.index_cast %parallel_loop3A_331 : i32 to index
        %parallel_loop3A_333 = arith.index_cast %parallel_loop3A_282 : i32 to index
        %parallel_loop3A_334 = arith.constant 48 : index
        %parallel_loop3A_335 = tpu.vector_load %arg18[%parallel_loop3A_332, %parallel_loop3A_333, %parallel_loop3A_334] {strides = array<i32>} : memref<2x4x256xf32, #tpu.memory_space<vmem>>, vector<16xf32>,
        tpu.vector_store %arg18[%parallel_loop3A_332, %parallel_loop3A_333, %parallel_loop3A_334], %parallel_loop3A_330 {strides = array<i32>} : memref<2x4x256xf32, #tpu.memory_space<vmem>>, vector<16xf32>,
        %parallel_loop3A_336 = arith.constant 64 : index
        %parallel_loop3A_337 = tpu.vector_load %arg14[%parallel_loop3A_336] {strides = array<i32>} : memref<256xi32, #tpu.memory_space<vmem>>, vector<16xi32>,
        %parallel_loop3A_338 = arith.constant 0 : i32
        %parallel_loop3A_339 = arith.constant 0 : i32
        %parallel_loop3A_340 = arith.constant 0 : i32
        %parallel_loop3A_341 = tpu.memref_slice %arg11[%parallel_loop3A_338, %parallel_loop3A_339, %parallel_loop3A_340] : memref<2x4x1008xf32, #tpu.memory_space<vmem>> -> memref<1x4x1008xf32, #tpu.memory_space<vmem>>
        %parallel_loop3A_342 = tpu.memref_squeeze %parallel_loop3A_341 : memref<1x4x1008xf32, #tpu.memory_space<vmem>> -> memref<4x1008xf32, #tpu.memory_space<vmem>>
        %parallel_loop3A_343 = tpu.vector_load_idx %parallel_loop3A_342[%parallel_loop3A_283, %parallel_loop3A_337] : memref<4x1008xf32, #tpu.memory_space<vmem>>[vector<16xi32>, vector<16xi32>], vector<16xf32>,
        %parallel_loop3A_344 = arith.constant 0 : i32
        %parallel_loop3A_345 = arith.index_cast %parallel_loop3A_344 : i32 to index
        %parallel_loop3A_346 = arith.index_cast %parallel_loop3A_282 : i32 to index
        %parallel_loop3A_347 = arith.constant 64 : index
        %parallel_loop3A_348 = tpu.vector_load %arg18[%parallel_loop3A_345, %parallel_loop3A_346, %parallel_loop3A_347] {strides = array<i32>} : memref<2x4x256xf32, #tpu.memory_space<vmem>>, vector<16xf32>,
        tpu.vector_store %arg18[%parallel_loop3A_345, %parallel_loop3A_346, %parallel_loop3A_347], %parallel_loop3A_343 {strides = array<i32>} : memref<2x4x256xf32, #tpu.memory_space<vmem>>, vector<16xf32>,
        %parallel_loop3A_349 = arith.constant 80 : index
        %parallel_loop3A_350 = tpu.vector_load %arg14[%parallel_loop3A_349] {strides = array<i32>} : memref<256xi32, #tpu.memory_space<vmem>>, vector<16xi32>,
        %parallel_loop3A_351 = arith.constant 0 : i32
        %parallel_loop3A_352 = arith.constant 0 : i32
        %parallel_loop3A_353 = arith.constant 0 : i32
        %parallel_loop3A_354 = tpu.memref_slice %arg11[%parallel_loop3A_351, %parallel_loop3A_352, %parallel_loop3A_353] : memref<2x4x1008xf32, #tpu.memory_space<vmem>> -> memref<1x4x1008xf32, #tpu.memory_space<vmem>>
        %parallel_loop3A_355 = tpu.memref_squeeze %parallel_loop3A_354 : memref<1x4x1008xf32, #tpu.memory_space<vmem>> -> memref<4x1008xf32, #tpu.memory_space<vmem>>
        %parallel_loop3A_356 = tpu.vector_load_idx %parallel_loop3A_355[%parallel_loop3A_283, %parallel_loop3A_350] : memref<4x1008xf32, #tpu.memory_space<vmem>>[vector<16xi32>, vector<16xi32>], vector<16xf32>,
        %parallel_loop3A_357 = arith.constant 0 : i32
        %parallel_loop3A_358 = arith.index_cast %parallel_loop3A_357 : i32 to index
        %parallel_loop3A_359 = arith.index_cast %parallel_loop3A_282 : i32 to index
        %parallel_loop3A_360 = arith.constant 80 : index
        %parallel_loop3A_361 = tpu.vector_load %arg18[%parallel_loop3A_358, %parallel_loop3A_359, %parallel_loop3A_360] {strides = array<i32>} : memref<2x4x256xf32, #tpu.memory_space<vmem>>, vector<16xf32>,
        tpu.vector_store %arg18[%parallel_loop3A_358, %parallel_loop3A_359, %parallel_loop3A_360], %parallel_loop3A_356 {strides = array<i32>} : memref<2x4x256xf32, #tpu.memory_space<vmem>>, vector<16xf32>,
        %parallel_loop3A_362 = arith.constant 96 : index
        %parallel_loop3A_363 = tpu.vector_load %arg14[%parallel_loop3A_362] {strides = array<i32>} : memref<256xi32, #tpu.memory_space<vmem>>, vector<16xi32>,
        %parallel_loop3A_364 = arith.constant 0 : i32
        %parallel_loop3A_365 = arith.constant 0 : i32
        %parallel_loop3A_366 = arith.constant 0 : i32
        %parallel_loop3A_367 = tpu.memref_slice %arg11[%parallel_loop3A_364, %parallel_loop3A_365, %parallel_loop3A_366] : memref<2x4x1008xf32, #tpu.memory_space<vmem>> -> memref<1x4x1008xf32, #tpu.memory_space<vmem>>
        %parallel_loop3A_368 = tpu.memref_squeeze %parallel_loop3A_367 : memref<1x4x1008xf32, #tpu.memory_space<vmem>> -> memref<4x1008xf32, #tpu.memory_space<vmem>>
        %parallel_loop3A_369 = tpu.vector_load_idx %parallel_loop3A_368[%parallel_loop3A_283, %parallel_loop3A_363] : memref<4x1008xf32, #tpu.memory_space<vmem>>[vector<16xi32>, vector<16xi32>], vector<16xf32>,
        %parallel_loop3A_370 = arith.constant 0 : i32
        %parallel_loop3A_371 = arith.index_cast %parallel_loop3A_370 : i32 to index
        %parallel_loop3A_372 = arith.index_cast %parallel_loop3A_282 : i32 to index
        %parallel_loop3A_373 = arith.constant 96 : index
        %parallel_loop3A_374 = tpu.vector_load %arg18[%parallel_loop3A_371, %parallel_loop3A_372, %parallel_loop3A_373] {strides = array<i32>} : memref<2x4x256xf32, #tpu.memory_space<vmem>>, vector<16xf32>,
        tpu.vector_store %arg18[%parallel_loop3A_371, %parallel_loop3A_372, %parallel_loop3A_373], %parallel_loop3A_369 {strides = array<i32>} : memref<2x4x256xf32, #tpu.memory_space<vmem>>, vector<16xf32>,
        %parallel_loop3A_375 = arith.constant 112 : index
        %parallel_loop3A_376 = tpu.vector_load %arg14[%parallel_loop3A_375] {strides = array<i32>} : memref<256xi32, #tpu.memory_space<vmem>>, vector<16xi32>,
        %parallel_loop3A_377 = arith.constant 0 : i32
        %parallel_loop3A_378 = arith.constant 0 : i32
        %parallel_loop3A_379 = arith.constant 0 : i32
        %parallel_loop3A_380 = tpu.memref_slice %arg11[%parallel_loop3A_377, %parallel_loop3A_378, %parallel_loop3A_379] : memref<2x4x1008xf32, #tpu.memory_space<vmem>> -> memref<1x4x1008xf32, #tpu.memory_space<vmem>>
        %parallel_loop3A_381 = tpu.memref_squeeze %parallel_loop3A_380 : memref<1x4x1008xf32, #tpu.memory_space<vmem>> -> memref<4x1008xf32, #tpu.memory_space<vmem>>
        %parallel_loop3A_382 = tpu.vector_load_idx %parallel_loop3A_381[%parallel_loop3A_283, %parallel_loop3A_376] : memref<4x1008xf32, #tpu.memory_space<vmem>>[vector<16xi32>, vector<16xi32>], vector<16xf32>,
        %parallel_loop3A_383 = arith.constant 0 : i32
        %parallel_loop3A_384 = arith.index_cast %parallel_loop3A_383 : i32 to index
        %parallel_loop3A_385 = arith.index_cast %parallel_loop3A_282 : i32 to index
        %parallel_loop3A_386 = arith.constant 112 : index
        %parallel_loop3A_387 = tpu.vector_load %arg18[%parallel_loop3A_384, %parallel_loop3A_385, %parallel_loop3A_386] {strides = array<i32>} : memref<2x4x256xf32, #tpu.memory_space<vmem>>, vector<16xf32>,
        tpu.vector_store %arg18[%parallel_loop3A_384, %parallel_loop3A_385, %parallel_loop3A_386], %parallel_loop3A_382 {strides = array<i32>} : memref<2x4x256xf32, #tpu.memory_space<vmem>>, vector<16xf32>,
        %parallel_loop3A_388 = arith.constant 128 : index
        %parallel_loop3A_389 = tpu.vector_load %arg14[%parallel_loop3A_388] {strides = array<i32>} : memref<256xi32, #tpu.memory_space<vmem>>, vector<16xi32>,
        %parallel_loop3A_390 = arith.constant 0 : i32
        %parallel_loop3A_391 = arith.constant 0 : i32
        %parallel_loop3A_392 = arith.constant 0 : i32
        %parallel_loop3A_393 = tpu.memref_slice %arg11[%parallel_loop3A_390, %parallel_loop3A_391, %parallel_loop3A_392] : memref<2x4x1008xf32, #tpu.memory_space<vmem>> -> memref<1x4x1008xf32, #tpu.memory_space<vmem>>
        %parallel_loop3A_394 = tpu.memref_squeeze %parallel_loop3A_393 : memref<1x4x1008xf32, #tpu.memory_space<vmem>> -> memref<4x1008xf32, #tpu.memory_space<vmem>>
        %parallel_loop3A_395 = tpu.vector_load_idx %parallel_loop3A_394[%parallel_loop3A_283, %parallel_loop3A_389] : memref<4x1008xf32, #tpu.memory_space<vmem>>[vector<16xi32>, vector<16xi32>], vector<16xf32>,
        %parallel_loop3A_396 = arith.constant 0 : i32
        %parallel_loop3A_397 = arith.index_cast %parallel_loop3A_396 : i32 to index
        %parallel_loop3A_398 = arith.index_cast %parallel_loop3A_282 : i32 to index
        %parallel_loop3A_399 = arith.constant 128 : index
        %parallel_loop3A_400 = tpu.vector_load %arg18[%parallel_loop3A_397, %parallel_loop3A_398, %parallel_loop3A_399] {strides = array<i32>} : memref<2x4x256xf32, #tpu.memory_space<vmem>>, vector<16xf32>,
        tpu.vector_store %arg18[%parallel_loop3A_397, %parallel_loop3A_398, %parallel_loop3A_399], %parallel_loop3A_395 {strides = array<i32>} : memref<2x4x256xf32, #tpu.memory_space<vmem>>, vector<16xf32>,
        %parallel_loop3A_401 = arith.constant 144 : index
        %parallel_loop3A_402 = tpu.vector_load %arg14[%parallel_loop3A_401] {strides = array<i32>} : memref<256xi32, #tpu.memory_space<vmem>>, vector<16xi32>,
        %parallel_loop3A_403 = arith.constant 0 : i32
        %parallel_loop3A_404 = arith.constant 0 : i32
        %parallel_loop3A_405 = arith.constant 0 : i32
        %parallel_loop3A_406 = tpu.memref_slice %arg11[%parallel_loop3A_403, %parallel_loop3A_404, %parallel_loop3A_405] : memref<2x4x1008xf32, #tpu.memory_space<vmem>> -> memref<1x4x1008xf32, #tpu.memory_space<vmem>>
        %parallel_loop3A_407 = tpu.memref_squeeze %parallel_loop3A_406 : memref<1x4x1008xf32, #tpu.memory_space<vmem>> -> memref<4x1008xf32, #tpu.memory_space<vmem>>
        %parallel_loop3A_408 = tpu.vector_load_idx %parallel_loop3A_407[%parallel_loop3A_283, %parallel_loop3A_402] : memref<4x1008xf32, #tpu.memory_space<vmem>>[vector<16xi32>, vector<16xi32>], vector<16xf32>,
        %parallel_loop3A_409 = arith.constant 0 : i32
        %parallel_loop3A_410 = arith.index_cast %parallel_loop3A_409 : i32 to index
        %parallel_loop3A_411 = arith.index_cast %parallel_loop3A_282 : i32 to index
        %parallel_loop3A_412 = arith.constant 144 : index
        %parallel_loop3A_413 = tpu.vector_load %arg18[%parallel_loop3A_410, %parallel_loop3A_411, %parallel_loop3A_412] {strides = array<i32>} : memref<2x4x256xf32, #tpu.memory_space<vmem>>, vector<16xf32>,
        tpu.vector_store %arg18[%parallel_loop3A_410, %parallel_loop3A_411, %parallel_loop3A_412], %parallel_loop3A_408 {strides = array<i32>} : memref<2x4x256xf32, #tpu.memory_space<vmem>>, vector<16xf32>,
        %parallel_loop3A_414 = arith.constant 160 : index
        %parallel_loop3A_415 = tpu.vector_load %arg14[%parallel_loop3A_414] {strides = array<i32>} : memref<256xi32, #tpu.memory_space<vmem>>, vector<16xi32>,
        %parallel_loop3A_416 = arith.constant 0 : i32
        %parallel_loop3A_417 = arith.constant 0 : i32
        %parallel_loop3A_418 = arith.constant 0 : i32
        %parallel_loop3A_419 = tpu.memref_slice %arg11[%parallel_loop3A_416, %parallel_loop3A_417, %parallel_loop3A_418] : memref<2x4x1008xf32, #tpu.memory_space<vmem>> -> memref<1x4x1008xf32, #tpu.memory_space<vmem>>
        %parallel_loop3A_420 = tpu.memref_squeeze %parallel_loop3A_419 : memref<1x4x1008xf32, #tpu.memory_space<vmem>> -> memref<4x1008xf32, #tpu.memory_space<vmem>>
        %parallel_loop3A_421 = tpu.vector_load_idx %parallel_loop3A_420[%parallel_loop3A_283, %parallel_loop3A_415] : memref<4x1008xf32, #tpu.memory_space<vmem>>[vector<16xi32>, vector<16xi32>], vector<16xf32>,
        %parallel_loop3A_422 = arith.constant 0 : i32
        %parallel_loop3A_423 = arith.index_cast %parallel_loop3A_422 : i32 to index
        %parallel_loop3A_424 = arith.index_cast %parallel_loop3A_282 : i32 to index
        %parallel_loop3A_425 = arith.constant 160 : index
        %parallel_loop3A_426 = tpu.vector_load %arg18[%parallel_loop3A_423, %parallel_loop3A_424, %parallel_loop3A_425] {strides = array<i32>} : memref<2x4x256xf32, #tpu.memory_space<vmem>>, vector<16xf32>,
        tpu.vector_store %arg18[%parallel_loop3A_423, %parallel_loop3A_424, %parallel_loop3A_425], %parallel_loop3A_421 {strides = array<i32>} : memref<2x4x256xf32, #tpu.memory_space<vmem>>, vector<16xf32>,
        %parallel_loop3A_427 = arith.constant 176 : index
        %parallel_loop3A_428 = tpu.vector_load %arg14[%parallel_loop3A_427] {strides = array<i32>} : memref<256xi32, #tpu.memory_space<vmem>>, vector<16xi32>,
        %parallel_loop3A_429 = arith.constant 0 : i32
        %parallel_loop3A_430 = arith.constant 0 : i32
        %parallel_loop3A_431 = arith.constant 0 : i32
        %parallel_loop3A_432 = tpu.memref_slice %arg11[%parallel_loop3A_429, %parallel_loop3A_430, %parallel_loop3A_431] : memref<2x4x1008xf32, #tpu.memory_space<vmem>> -> memref<1x4x1008xf32, #tpu.memory_space<vmem>>
        %parallel_loop3A_433 = tpu.memref_squeeze %parallel_loop3A_432 : memref<1x4x1008xf32, #tpu.memory_space<vmem>> -> memref<4x1008xf32, #tpu.memory_space<vmem>>
        %parallel_loop3A_434 = tpu.vector_load_idx %parallel_loop3A_433[%parallel_loop3A_283, %parallel_loop3A_428] : memref<4x1008xf32, #tpu.memory_space<vmem>>[vector<16xi32>, vector<16xi32>], vector<16xf32>,
        %parallel_loop3A_435 = arith.constant 0 : i32
        %parallel_loop3A_436 = arith.index_cast %parallel_loop3A_435 : i32 to index
        %parallel_loop3A_437 = arith.index_cast %parallel_loop3A_282 : i32 to index
        %parallel_loop3A_438 = arith.constant 176 : index
        %parallel_loop3A_439 = tpu.vector_load %arg18[%parallel_loop3A_436, %parallel_loop3A_437, %parallel_loop3A_438] {strides = array<i32>} : memref<2x4x256xf32, #tpu.memory_space<vmem>>, vector<16xf32>,
        tpu.vector_store %arg18[%parallel_loop3A_436, %parallel_loop3A_437, %parallel_loop3A_438], %parallel_loop3A_434 {strides = array<i32>} : memref<2x4x256xf32, #tpu.memory_space<vmem>>, vector<16xf32>,
        %parallel_loop3A_440 = arith.constant 192 : index
        %parallel_loop3A_441 = tpu.vector_load %arg14[%parallel_loop3A_440] {strides = array<i32>} : memref<256xi32, #tpu.memory_space<vmem>>, vector<16xi32>,
        %parallel_loop3A_442 = arith.constant 0 : i32
        %parallel_loop3A_443 = arith.constant 0 : i32
        %parallel_loop3A_444 = arith.constant 0 : i32
        %parallel_loop3A_445 = tpu.memref_slice %arg11[%parallel_loop3A_442, %parallel_loop3A_443, %parallel_loop3A_444] : memref<2x4x1008xf32, #tpu.memory_space<vmem>> -> memref<1x4x1008xf32, #tpu.memory_space<vmem>>
        %parallel_loop3A_446 = tpu.memref_squeeze %parallel_loop3A_445 : memref<1x4x1008xf32, #tpu.memory_space<vmem>> -> memref<4x1008xf32, #tpu.memory_space<vmem>>
        %parallel_loop3A_447 = tpu.vector_load_idx %parallel_loop3A_446[%parallel_loop3A_283, %parallel_loop3A_441] : memref<4x1008xf32, #tpu.memory_space<vmem>>[vector<16xi32>, vector<16xi32>], vector<16xf32>,
        %parallel_loop3A_448 = arith.constant 0 : i32
        %parallel_loop3A_449 = arith.index_cast %parallel_loop3A_448 : i32 to index
        %parallel_loop3A_450 = arith.index_cast %parallel_loop3A_282 : i32 to index
        %parallel_loop3A_451 = arith.constant 192 : index
        %parallel_loop3A_452 = tpu.vector_load %arg18[%parallel_loop3A_449, %parallel_loop3A_450, %parallel_loop3A_451] {strides = array<i32>} : memref<2x4x256xf32, #tpu.memory_space<vmem>>, vector<16xf32>,
        tpu.vector_store %arg18[%parallel_loop3A_449, %parallel_loop3A_450, %parallel_loop3A_451], %parallel_loop3A_447 {strides = array<i32>} : memref<2x4x256xf32, #tpu.memory_space<vmem>>, vector<16xf32>,
        %parallel_loop3A_453 = arith.constant 208 : index
        %parallel_loop3A_454 = tpu.vector_load %arg14[%parallel_loop3A_453] {strides = array<i32>} : memref<256xi32, #tpu.memory_space<vmem>>, vector<16xi32>,
        %parallel_loop3A_455 = arith.constant 0 : i32
        %parallel_loop3A_456 = arith.constant 0 : i32
        %parallel_loop3A_457 = arith.constant 0 : i32
        %parallel_loop3A_458 = tpu.memref_slice %arg11[%parallel_loop3A_455, %parallel_loop3A_456, %parallel_loop3A_457] : memref<2x4x1008xf32, #tpu.memory_space<vmem>> -> memref<1x4x1008xf32, #tpu.memory_space<vmem>>
        %parallel_loop3A_459 = tpu.memref_squeeze %parallel_loop3A_458 : memref<1x4x1008xf32, #tpu.memory_space<vmem>> -> memref<4x1008xf32, #tpu.memory_space<vmem>>
        %parallel_loop3A_460 = tpu.vector_load_idx %parallel_loop3A_459[%parallel_loop3A_283, %parallel_loop3A_454] : memref<4x1008xf32, #tpu.memory_space<vmem>>[vector<16xi32>, vector<16xi32>], vector<16xf32>,
        %parallel_loop3A_461 = arith.constant 0 : i32
        %parallel_loop3A_462 = arith.index_cast %parallel_loop3A_461 : i32 to index
        %parallel_loop3A_463 = arith.index_cast %parallel_loop3A_282 : i32 to index
        %parallel_loop3A_464 = arith.constant 208 : index
        %parallel_loop3A_465 = tpu.vector_load %arg18[%parallel_loop3A_462, %parallel_loop3A_463, %parallel_loop3A_464] {strides = array<i32>} : memref<2x4x256xf32, #tpu.memory_space<vmem>>, vector<16xf32>,
        tpu.vector_store %arg18[%parallel_loop3A_462, %parallel_loop3A_463, %parallel_loop3A_464], %parallel_loop3A_460 {strides = array<i32>} : memref<2x4x256xf32, #tpu.memory_space<vmem>>, vector<16xf32>,
        %parallel_loop3A_466 = arith.constant 224 : index
        %parallel_loop3A_467 = tpu.vector_load %arg14[%parallel_loop3A_466] {strides = array<i32>} : memref<256xi32, #tpu.memory_space<vmem>>, vector<16xi32>,
        %parallel_loop3A_468 = arith.constant 0 : i32
        %parallel_loop3A_469 = arith.constant 0 : i32
        %parallel_loop3A_470 = arith.constant 0 : i32
        %parallel_loop3A_471 = tpu.memref_slice %arg11[%parallel_loop3A_468, %parallel_loop3A_469, %parallel_loop3A_470] : memref<2x4x1008xf32, #tpu.memory_space<vmem>> -> memref<1x4x1008xf32, #tpu.memory_space<vmem>>
        %parallel_loop3A_472 = tpu.memref_squeeze %parallel_loop3A_471 : memref<1x4x1008xf32, #tpu.memory_space<vmem>> -> memref<4x1008xf32, #tpu.memory_space<vmem>>
        %parallel_loop3A_473 = tpu.vector_load_idx %parallel_loop3A_472[%parallel_loop3A_283, %parallel_loop3A_467] : memref<4x1008xf32, #tpu.memory_space<vmem>>[vector<16xi32>, vector<16xi32>], vector<16xf32>,
        %parallel_loop3A_474 = arith.constant 0 : i32
        %parallel_loop3A_475 = arith.index_cast %parallel_loop3A_474 : i32 to index
        %parallel_loop3A_476 = arith.index_cast %parallel_loop3A_282 : i32 to index
        %parallel_loop3A_477 = arith.constant 224 : index
        %parallel_loop3A_478 = tpu.vector_load %arg18[%parallel_loop3A_475, %parallel_loop3A_476, %parallel_loop3A_477] {strides = array<i32>} : memref<2x4x256xf32, #tpu.memory_space<vmem>>, vector<16xf32>,
        tpu.vector_store %arg18[%parallel_loop3A_475, %parallel_loop3A_476, %parallel_loop3A_477], %parallel_loop3A_473 {strides = array<i32>} : memref<2x4x256xf32, #tpu.memory_space<vmem>>, vector<16xf32>,
        %parallel_loop3A_479 = arith.constant 240 : index
        %parallel_loop3A_480 = tpu.vector_load %arg14[%parallel_loop3A_479] {strides = array<i32>} : memref<256xi32, #tpu.memory_space<vmem>>, vector<16xi32>,
        %parallel_loop3A_481 = arith.constant 0 : i32
        %parallel_loop3A_482 = arith.constant 0 : i32
        %parallel_loop3A_483 = arith.constant 0 : i32
        %parallel_loop3A_484 = tpu.memref_slice %arg11[%parallel_loop3A_481, %parallel_loop3A_482, %parallel_loop3A_483] : memref<2x4x1008xf32, #tpu.memory_space<vmem>> -> memref<1x4x1008xf32, #tpu.memory_space<vmem>>
        %parallel_loop3A_485 = tpu.memref_squeeze %parallel_loop3A_484 : memref<1x4x1008xf32, #tpu.memory_space<vmem>> -> memref<4x1008xf32, #tpu.memory_space<vmem>>
        %parallel_loop3A_486 = tpu.vector_load_idx %parallel_loop3A_485[%parallel_loop3A_283, %parallel_loop3A_480] : memref<4x1008xf32, #tpu.memory_space<vmem>>[vector<16xi32>, vector<16xi32>], vector<16xf32>,
        %parallel_loop3A_487 = arith.constant 0 : i32
        %parallel_loop3A_488 = arith.index_cast %parallel_loop3A_487 : i32 to index
        %parallel_loop3A_489 = arith.index_cast %parallel_loop3A_282 : i32 to index
        %parallel_loop3A_490 = arith.constant 240 : index
        %parallel_loop3A_491 = tpu.vector_load %arg18[%parallel_loop3A_488, %parallel_loop3A_489, %parallel_loop3A_490] {strides = array<i32>} : memref<2x4x256xf32, #tpu.memory_space<vmem>>, vector<16xf32>,
        tpu.vector_store %arg18[%parallel_loop3A_488, %parallel_loop3A_489, %parallel_loop3A_490], %parallel_loop3A_486 {strides = array<i32>} : memref<2x4x256xf32, #tpu.memory_space<vmem>>, vector<16xf32>,
        %parallel_loop3A_492 = arith.constant 0 : index
        %parallel_loop3A_493 = tpu.vector_load %arg15[%parallel_loop3A_492] {strides = array<i32>} : memref<64xi32, #tpu.memory_space<vmem>>, vector<16xi32>,
        %parallel_loop3A_494 = arith.constant 0 : i32
        %parallel_loop3A_495 = arith.constant 0 : i32
        %parallel_loop3A_496 = arith.constant 0 : i32
        %parallel_loop3A_497 = tpu.memref_slice %arg11[%parallel_loop3A_494, %parallel_loop3A_495, %parallel_loop3A_496] : memref<2x4x1008xf32, #tpu.memory_space<vmem>> -> memref<1x4x1008xf32, #tpu.memory_space<vmem>>
        %parallel_loop3A_498 = tpu.memref_squeeze %parallel_loop3A_497 : memref<1x4x1008xf32, #tpu.memory_space<vmem>> -> memref<4x1008xf32, #tpu.memory_space<vmem>>
        %parallel_loop3A_499 = tpu.vector_load_idx %parallel_loop3A_498[%parallel_loop3A_283, %parallel_loop3A_493] : memref<4x1008xf32, #tpu.memory_space<vmem>>[vector<16xi32>, vector<16xi32>], vector<16xf32>,
        %parallel_loop3A_500 = arith.fptosi %parallel_loop3A_499 : vector<16xf32> to vector<16xi32>
        %parallel_loop3A_501 = arith.constant 0 : index
        %parallel_loop3A_502 = tpu.vector_load %arg16[%parallel_loop3A_501] {strides = array<i32>} : memref<64xi32, #tpu.memory_space<vmem>>, vector<16xi32>,
        %parallel_loop3A_503 = tpu.vector_load_idx %arg13[%parallel_loop3A_500, %parallel_loop3A_502] : memref<20x7xf32, #tpu.memory_space<vmem>>[vector<16xi32>, vector<16xi32>], vector<16xf32>,
        %parallel_loop3A_504 = arith.constant 0 : i32
        %parallel_loop3A_505 = arith.index_cast %parallel_loop3A_504 : i32 to index
        %parallel_loop3A_506 = arith.index_cast %parallel_loop3A_282 : i32 to index
        %parallel_loop3A_507 = arith.constant 0 : index
        %parallel_loop3A_508 = tpu.vector_load %arg19[%parallel_loop3A_505, %parallel_loop3A_506, %parallel_loop3A_507] {strides = array<i32>} : memref<2x4x64xf32, #tpu.memory_space<vmem>>, vector<16xf32>,
        tpu.vector_store %arg19[%parallel_loop3A_505, %parallel_loop3A_506, %parallel_loop3A_507], %parallel_loop3A_503 {strides = array<i32>} : memref<2x4x64xf32, #tpu.memory_space<vmem>>, vector<16xf32>,
        %parallel_loop3A_509 = arith.constant 16 : index
        %parallel_loop3A_510 = tpu.vector_load %arg15[%parallel_loop3A_509] {strides = array<i32>} : memref<64xi32, #tpu.memory_space<vmem>>, vector<16xi32>,
        %parallel_loop3A_511 = arith.constant 0 : i32
        %parallel_loop3A_512 = arith.constant 0 : i32
        %parallel_loop3A_513 = arith.constant 0 : i32
        %parallel_loop3A_514 = tpu.memref_slice %arg11[%parallel_loop3A_511, %parallel_loop3A_512, %parallel_loop3A_513] : memref<2x4x1008xf32, #tpu.memory_space<vmem>> -> memref<1x4x1008xf32, #tpu.memory_space<vmem>>
        %parallel_loop3A_515 = tpu.memref_squeeze %parallel_loop3A_514 : memref<1x4x1008xf32, #tpu.memory_space<vmem>> -> memref<4x1008xf32, #tpu.memory_space<vmem>>
        %parallel_loop3A_516 = tpu.vector_load_idx %parallel_loop3A_515[%parallel_loop3A_283, %parallel_loop3A_510] : memref<4x1008xf32, #tpu.memory_space<vmem>>[vector<16xi32>, vector<16xi32>], vector<16xf32>,
        %parallel_loop3A_517 = arith.fptosi %parallel_loop3A_516 : vector<16xf32> to vector<16xi32>
        %parallel_loop3A_518 = arith.constant 16 : index
        %parallel_loop3A_519 = tpu.vector_load %arg16[%parallel_loop3A_518] {strides = array<i32>} : memref<64xi32, #tpu.memory_space<vmem>>, vector<16xi32>,
        %parallel_loop3A_520 = tpu.vector_load_idx %arg13[%parallel_loop3A_517, %parallel_loop3A_519] : memref<20x7xf32, #tpu.memory_space<vmem>>[vector<16xi32>, vector<16xi32>], vector<16xf32>,
        %parallel_loop3A_521 = arith.constant 0 : i32
        %parallel_loop3A_522 = arith.index_cast %parallel_loop3A_521 : i32 to index
        %parallel_loop3A_523 = arith.index_cast %parallel_loop3A_282 : i32 to index
        %parallel_loop3A_524 = arith.constant 16 : index
        %parallel_loop3A_525 = tpu.vector_load %arg19[%parallel_loop3A_522, %parallel_loop3A_523, %parallel_loop3A_524] {strides = array<i32>} : memref<2x4x64xf32, #tpu.memory_space<vmem>>, vector<16xf32>,
        tpu.vector_store %arg19[%parallel_loop3A_522, %parallel_loop3A_523, %parallel_loop3A_524], %parallel_loop3A_520 {strides = array<i32>} : memref<2x4x64xf32, #tpu.memory_space<vmem>>, vector<16xf32>,
        %parallel_loop3A_526 = arith.constant 32 : index
        %parallel_loop3A_527 = tpu.vector_load %arg15[%parallel_loop3A_526] {strides = array<i32>} : memref<64xi32, #tpu.memory_space<vmem>>, vector<16xi32>,
        %parallel_loop3A_528 = arith.constant 0 : i32
        %parallel_loop3A_529 = arith.constant 0 : i32
        %parallel_loop3A_530 = arith.constant 0 : i32
        %parallel_loop3A_531 = tpu.memref_slice %arg11[%parallel_loop3A_528, %parallel_loop3A_529, %parallel_loop3A_530] : memref<2x4x1008xf32, #tpu.memory_space<vmem>> -> memref<1x4x1008xf32, #tpu.memory_space<vmem>>
        %parallel_loop3A_532 = tpu.memref_squeeze %parallel_loop3A_531 : memref<1x4x1008xf32, #tpu.memory_space<vmem>> -> memref<4x1008xf32, #tpu.memory_space<vmem>>
        %parallel_loop3A_533 = tpu.vector_load_idx %parallel_loop3A_532[%parallel_loop3A_283, %parallel_loop3A_527] : memref<4x1008xf32, #tpu.memory_space<vmem>>[vector<16xi32>, vector<16xi32>], vector<16xf32>,
        %parallel_loop3A_534 = arith.fptosi %parallel_loop3A_533 : vector<16xf32> to vector<16xi32>
        %parallel_loop3A_535 = arith.constant 32 : index
        %parallel_loop3A_536 = tpu.vector_load %arg16[%parallel_loop3A_535] {strides = array<i32>} : memref<64xi32, #tpu.memory_space<vmem>>, vector<16xi32>,
        %parallel_loop3A_537 = tpu.vector_load_idx %arg13[%parallel_loop3A_534, %parallel_loop3A_536] : memref<20x7xf32, #tpu.memory_space<vmem>>[vector<16xi32>, vector<16xi32>], vector<16xf32>,
        %parallel_loop3A_538 = arith.constant 0 : i32
        %parallel_loop3A_539 = arith.index_cast %parallel_loop3A_538 : i32 to index
        %parallel_loop3A_540 = arith.index_cast %parallel_loop3A_282 : i32 to index
        %parallel_loop3A_541 = arith.constant 32 : index
        %parallel_loop3A_542 = tpu.vector_load %arg19[%parallel_loop3A_539, %parallel_loop3A_540, %parallel_loop3A_541] {strides = array<i32>} : memref<2x4x64xf32, #tpu.memory_space<vmem>>, vector<16xf32>,
        tpu.vector_store %arg19[%parallel_loop3A_539, %parallel_loop3A_540, %parallel_loop3A_541], %parallel_loop3A_537 {strides = array<i32>} : memref<2x4x64xf32, #tpu.memory_space<vmem>>, vector<16xf32>,
        %parallel_loop3A_543 = arith.constant 48 : index
        %parallel_loop3A_544 = tpu.vector_load %arg15[%parallel_loop3A_543] {strides = array<i32>} : memref<64xi32, #tpu.memory_space<vmem>>, vector<16xi32>,
        %parallel_loop3A_545 = arith.constant 0 : i32
        %parallel_loop3A_546 = arith.constant 0 : i32
        %parallel_loop3A_547 = arith.constant 0 : i32
        %parallel_loop3A_548 = tpu.memref_slice %arg11[%parallel_loop3A_545, %parallel_loop3A_546, %parallel_loop3A_547] : memref<2x4x1008xf32, #tpu.memory_space<vmem>> -> memref<1x4x1008xf32, #tpu.memory_space<vmem>>
        %parallel_loop3A_549 = tpu.memref_squeeze %parallel_loop3A_548 : memref<1x4x1008xf32, #tpu.memory_space<vmem>> -> memref<4x1008xf32, #tpu.memory_space<vmem>>
        %parallel_loop3A_550 = tpu.vector_load_idx %parallel_loop3A_549[%parallel_loop3A_283, %parallel_loop3A_544] : memref<4x1008xf32, #tpu.memory_space<vmem>>[vector<16xi32>, vector<16xi32>], vector<16xf32>,
        %parallel_loop3A_551 = arith.fptosi %parallel_loop3A_550 : vector<16xf32> to vector<16xi32>
        %parallel_loop3A_552 = arith.constant 48 : index
        %parallel_loop3A_553 = tpu.vector_load %arg16[%parallel_loop3A_552] {strides = array<i32>} : memref<64xi32, #tpu.memory_space<vmem>>, vector<16xi32>,
        %parallel_loop3A_554 = tpu.vector_load_idx %arg13[%parallel_loop3A_551, %parallel_loop3A_553] : memref<20x7xf32, #tpu.memory_space<vmem>>[vector<16xi32>, vector<16xi32>], vector<16xf32>,
        %parallel_loop3A_555 = arith.constant 0 : i32
        %parallel_loop3A_556 = arith.index_cast %parallel_loop3A_555 : i32 to index
        %parallel_loop3A_557 = arith.index_cast %parallel_loop3A_282 : i32 to index
        %parallel_loop3A_558 = arith.constant 48 : index
        %parallel_loop3A_559 = tpu.vector_load %arg19[%parallel_loop3A_556, %parallel_loop3A_557, %parallel_loop3A_558] {strides = array<i32>} : memref<2x4x64xf32, #tpu.memory_space<vmem>>, vector<16xf32>,
        tpu.vector_store %arg19[%parallel_loop3A_556, %parallel_loop3A_557, %parallel_loop3A_558], %parallel_loop3A_554 {strides = array<i32>} : memref<2x4x64xf32, #tpu.memory_space<vmem>>, vector<16xf32>,
      } {sc.loop_unroll_factor = 2 : i64, sc.parallel_access}
      %dma_start3A_152 = arith.constant 0 : i32
      %dma_start3A_153 = arith.constant 0 : i32
      %dma_start3A_154 = arith.constant 0 : i32
      %dma_start3A_155 = arith.constant 0 : i32
      %dma_start3A_156 = tpu.memref_slice %arg17[%dma_start3A_152, %dma_start3A_153, %dma_start3A_154, %dma_start3A_155] : memref<2x4x14x512xf32, #tpu.memory_space<vmem>> -> memref<1x4x14x504xf32, #tpu.memory_space<vmem>>
      %dma_start3A_157 = tpu.memref_squeeze %dma_start3A_156 : memref<1x4x14x504xf32, #tpu.memory_space<vmem>> -> memref<4x14x504xf32, #tpu.memory_space<vmem>>
      %dma_start3A_158 = arith.constant 0 : i32
      %dma_start3A_159 = arith.constant 0 : i32
      %dma_start3A_160 = tpu.memref_slice %arg8[%add3A_131, %dma_start3A_158, %dma_start3A_159] : memref<16384x14x504xf32, #tpu.memory_space<hbm>> -> memref<4x14x504xf32, #tpu.memory_space<hbm>>
      %dma_start3A_161 = arith.constant 0 : i32
      %dma_start3A_162 = arith.constant 0 : i32
      %dma_start3A_163 = tpu.memref_slice %arg8[%add3A_131, %dma_start3A_161, %dma_start3A_162] : memref<16384x14x504xf32, #tpu.memory_space<hbm>> -> memref<4x14x504xf32, #tpu.memory_space<hbm>>
      %dma_start3A_164 = arith.constant 0 : i32
      %dma_start3A_165 = arith.constant 0 : i32
      %dma_start3A_166 = arith.constant 0 : i32
      %dma_start3A_167 = tpu.memref_slice %arg17[%dma_start3A_152, %dma_start3A_164, %dma_start3A_165, %dma_start3A_166] : memref<2x4x14x512xf32, #tpu.memory_space<vmem>> -> memref<1x4x14x504xf32, #tpu.memory_space<vmem>>
      %dma_start3A_168 = tpu.memref_squeeze %dma_start3A_167 : memref<1x4x14x504xf32, #tpu.memory_space<vmem>> -> memref<4x14x504xf32, #tpu.memory_space<vmem>>
      tpu.enqueue_dma source(%dma_start3A_168 : memref<4x14x504xf32, #tpu.memory_space<vmem>>) target(%dma_start3A_163 : memref<4x14x504xf32, #tpu.memory_space<hbm>>) target_semaphore(%arg22 : memref<!tpu.dma_semaphore, #tpu.memory_space<semaphore_mem>>)
      %dma_start3A_169 = arith.constant 0 : i32
      %dma_start3A_170 = arith.constant 0 : i32
      %dma_start3A_171 = arith.constant 0 : i32
      %dma_start3A_172 = tpu.memref_slice %arg18[%dma_start3A_169, %dma_start3A_170, %dma_start3A_171] : memref<2x4x256xf32, #tpu.memory_space<vmem>> -> memref<1x4x248xf32, #tpu.memory_space<vmem>>
      %dma_start3A_173 = tpu.memref_squeeze %dma_start3A_172 : memref<1x4x248xf32, #tpu.memory_space<vmem>> -> memref<4x248xf32, #tpu.memory_space<vmem>>
      %dma_start3A_174 = arith.constant 0 : i32
      %dma_start3A_175 = tpu.memref_slice %arg9[%add3A_131, %dma_start3A_174] : memref<16384x248xf32, #tpu.memory_space<hbm>> -> memref<4x248xf32, #tpu.memory_space<hbm>>
      %dma_start3A_176 = arith.constant 0 : i32
      %dma_start3A_177 = tpu.memref_slice %arg9[%add3A_131, %dma_start3A_176] : memref<16384x248xf32, #tpu.memory_space<hbm>> -> memref<4x248xf32, #tpu.memory_space<hbm>>
      %dma_start3A_178 = arith.constant 0 : i32
      %dma_start3A_179 = arith.constant 0 : i32
      %dma_start3A_180 = tpu.memref_slice %arg18[%dma_start3A_169, %dma_start3A_178, %dma_start3A_179] : memref<2x4x256xf32, #tpu.memory_space<vmem>> -> memref<1x4x248xf32, #tpu.memory_space<vmem>>
      %dma_start3A_181 = tpu.memref_squeeze %dma_start3A_180 : memref<1x4x248xf32, #tpu.memory_space<vmem>> -> memref<4x248xf32, #tpu.memory_space<vmem>>
      tpu.enqueue_dma source(%dma_start3A_181 : memref<4x248xf32, #tpu.memory_space<vmem>>) target(%dma_start3A_177 : memref<4x248xf32, #tpu.memory_space<hbm>>) target_semaphore(%arg24 : memref<!tpu.dma_semaphore, #tpu.memory_space<semaphore_mem>>)
      %dma_start3A_182 = arith.constant 0 : i32
      %dma_start3A_183 = arith.constant 0 : i32
      %dma_start3A_184 = arith.constant 0 : i32
      %dma_start3A_185 = tpu.memref_slice %arg19[%dma_start3A_182, %dma_start3A_183, %dma_start3A_184] : memref<2x4x64xf32, #tpu.memory_space<vmem>> -> memref<1x4x56xf32, #tpu.memory_space<vmem>>
      %dma_start3A_186 = tpu.memref_squeeze %dma_start3A_185 : memref<1x4x56xf32, #tpu.memory_space<vmem>> -> memref<4x56xf32, #tpu.memory_space<vmem>>
      %dma_start3A_187 = arith.constant 0 : i32
      %dma_start3A_188 = tpu.memref_slice %arg10[%add3A_131, %dma_start3A_187] : memref<16384x56xf32, #tpu.memory_space<hbm>> -> memref<4x56xf32, #tpu.memory_space<hbm>>
      %dma_start3A_189 = arith.constant 0 : i32
      %dma_start3A_190 = tpu.memref_slice %arg10[%add3A_131, %dma_start3A_189] : memref<16384x56xf32, #tpu.memory_space<hbm>> -> memref<4x56xf32, #tpu.memory_space<hbm>>
      %dma_start3A_191 = arith.constant 0 : i32
      %dma_start3A_192 = arith.constant 0 : i32
      %dma_start3A_193 = tpu.memref_slice %arg19[%dma_start3A_182, %dma_start3A_191, %dma_start3A_192] : memref<2x4x64xf32, #tpu.memory_space<vmem>> -> memref<1x4x56xf32, #tpu.memory_space<vmem>>
      %dma_start3A_194 = tpu.memref_squeeze %dma_start3A_193 : memref<1x4x56xf32, #tpu.memory_space<vmem>> -> memref<4x56xf32, #tpu.memory_space<vmem>>
      tpu.enqueue_dma source(%dma_start3A_194 : memref<4x56xf32, #tpu.memory_space<vmem>>) target(%dma_start3A_190 : memref<4x56xf32, #tpu.memory_space<hbm>>) target_semaphore(%arg26 : memref<!tpu.dma_semaphore, #tpu.memory_space<semaphore_mem>>)
      %add3A_195 = arith.constant 2 : i32
      %add3A_196 = arith.addi %add3A_128, %add3A_195 : i32
      %lt3A = arith.constant 128 : i32
      %lt3A_197 = arith.cmpi slt, %add3A_196, %lt3A : i32
      %convert_element_type3A_198 = arith.extui %lt3A_197 : i1 to i32
      %cond3A_199 = arith.constant 0 : i32
      %cond3A_200 = arith.cmpi ne, %convert_element_type3A_198, %cond3A_199 : i32
      scf.if %cond3A_200 {
        %add3A_282 = arith.constant 8 : i32
        %add3A_283 = arith.addi %add3A_131, %add3A_282 : i32
        %dma_start3A_284 = arith.constant 0 : i32
        %dma_start3A_285 = arith.constant 0 : i32
        %dma_start3A_286 = arith.constant 0 : i32
        %dma_start3A_287 = tpu.memref_slice %arg11[%dma_start3A_284, %dma_start3A_285, %dma_start3A_286] : memref<2x4x1008xf32, #tpu.memory_space<vmem>> -> memref<1x4x1008xf32, #tpu.memory_space<vmem>>
        %dma_start3A_288 = tpu.memref_squeeze %dma_start3A_287 : memref<1x4x1008xf32, #tpu.memory_space<vmem>> -> memref<4x1008xf32, #tpu.memory_space<vmem>>
        %dma_start3A_289 = arith.constant 0 : i32
        %dma_start3A_290 = tpu.memref_slice %arg2[%add3A_283, %dma_start3A_289] : memref<16384x1008xf32, #tpu.memory_space<hbm>> -> memref<4x1008xf32, #tpu.memory_space<hbm>>
        %dma_start3A_291 = arith.constant 0 : i32
        %dma_start3A_292 = arith.constant 0 : i32
        %dma_start3A_293 = tpu.memref_slice %arg11[%dma_start3A_284, %dma_start3A_291, %dma_start3A_292] : memref<2x4x1008xf32, #tpu.memory_space<vmem>> -> memref<1x4x1008xf32, #tpu.memory_space<vmem>>
        %dma_start3A_294 = tpu.memref_squeeze %dma_start3A_293 : memref<1x4x1008xf32, #tpu.memory_space<vmem>> -> memref<4x1008xf32, #tpu.memory_space<vmem>>
        %dma_start3A_295 = arith.constant 0 : i32
        %dma_start3A_296 = tpu.memref_slice %arg2[%add3A_283, %dma_start3A_295] : memref<16384x1008xf32, #tpu.memory_space<hbm>> -> memref<4x1008xf32, #tpu.memory_space<hbm>>
        tpu.enqueue_dma source(%dma_start3A_296 : memref<4x1008xf32, #tpu.memory_space<hbm>>) target(%dma_start3A_294 : memref<4x1008xf32, #tpu.memory_space<vmem>>) target_semaphore(%arg20 : memref<!tpu.dma_semaphore, #tpu.memory_space<semaphore_mem>>)
      } else {
      }
      %mul3A_201 = arith.constant 2 : i32
      %mul3A_202 = arith.muli %scan3A_124, %mul3A_201 : i32
      %add3A_203 = arith.constant 1 : i32
      %add3A_204 = arith.addi %mul3A_202, %add3A_203 : i32
      %mul3A_205 = arith.constant 4 : i32
      %mul3A_206 = arith.muli %add3A_204, %mul3A_205 : i32
      %add3A_207 = arith.addi %mul3A_2, %mul3A_206 : i32
      %dma_wait3A_208 = arith.constant 1 : i32
      %dma_wait3A_209 = arith.constant 0 : i32
      %dma_wait3A_210 = arith.constant 0 : i32
      %dma_wait3A_211 = tpu.memref_slice %arg11[%dma_wait3A_208, %dma_wait3A_209, %dma_wait3A_210] : memref<2x4x1008xf32, #tpu.memory_space<vmem>> -> memref<1x4x1008xf32, #tpu.memory_space<vmem>>
      %dma_wait3A_212 = tpu.memref_squeeze %dma_wait3A_211 : memref<1x4x1008xf32, #tpu.memory_space<vmem>> -> memref<4x1008xf32, #tpu.memory_space<vmem>>
      %dma_wait3A_213 = arith.constant 0 : i32
      %dma_wait3A_214 = tpu.memref_slice %arg2[%add3A_207, %dma_wait3A_213] : memref<16384x1008xf32, #tpu.memory_space<hbm>> -> memref<4x1008xf32, #tpu.memory_space<hbm>>
      %dma_wait3A_215 = arith.constant 0 : i32
      %dma_wait3A_216 = arith.constant 0 : i32
      %dma_wait3A_217 = tpu.memref_slice %arg11[%dma_wait3A_208, %dma_wait3A_215, %dma_wait3A_216] : memref<2x4x1008xf32, #tpu.memory_space<vmem>> -> memref<1x4x1008xf32, #tpu.memory_space<vmem>>
      %dma_wait3A_218 = tpu.memref_squeeze %dma_wait3A_217 : memref<1x4x1008xf32, #tpu.memory_space<vmem>> -> memref<4x1008xf32, #tpu.memory_space<vmem>>
      %dma_wait3A_219 = arith.constant 0 : i32
      %dma_wait3A_220 = tpu.memref_slice %arg2[%add3A_207, %dma_wait3A_219] : memref<16384x1008xf32, #tpu.memory_space<hbm>> -> memref<4x1008xf32, #tpu.memory_space<hbm>>
      tpu.wait_dma2 semaphore(%arg21 : memref<!tpu.dma_semaphore, #tpu.memory_space<semaphore_mem>>) src(%dma_wait3A_220 : memref<4x1008xf32, #tpu.memory_space<hbm>>) dst(%dma_wait3A_218 : memref<4x1008xf32, #tpu.memory_space<vmem>>)
      %ge3A_221 = arith.constant 2 : i32
      %ge3A_222 = arith.cmpi sge, %add3A_204, %ge3A_221 : i32
      %convert_element_type3A_223 = arith.extui %ge3A_222 : i1 to i32
      %cond3A_224 = arith.constant 0 : i32
      %cond3A_225 = arith.cmpi ne, %convert_element_type3A_223, %cond3A_224 : i32
      scf.if %cond3A_225 {
        %dma_wait3A_282 = arith.constant 1 : i32
        %dma_wait3A_283 = arith.constant 0 : i32
        %dma_wait3A_284 = arith.constant 0 : i32
        %dma_wait3A_285 = arith.constant 0 : i32
        %dma_wait3A_286 = tpu.memref_slice %arg17[%dma_wait3A_282, %dma_wait3A_283, %dma_wait3A_284, %dma_wait3A_285] : memref<2x4x14x512xf32, #tpu.memory_space<vmem>> -> memref<1x4x14x504xf32, #tpu.memory_space<vmem>>
        %dma_wait3A_287 = tpu.memref_squeeze %dma_wait3A_286 : memref<1x4x14x504xf32, #tpu.memory_space<vmem>> -> memref<4x14x504xf32, #tpu.memory_space<vmem>>
        %dma_wait3A_288 = arith.constant 0 : i32
        %dma_wait3A_289 = arith.constant 0 : i32
        %dma_wait3A_290 = tpu.memref_slice %arg8[%add3A_207, %dma_wait3A_288, %dma_wait3A_289] : memref<16384x14x504xf32, #tpu.memory_space<hbm>> -> memref<4x14x504xf32, #tpu.memory_space<hbm>>
        %dma_wait3A_291 = arith.constant 0 : i32
        %dma_wait3A_292 = arith.constant 0 : i32
        %dma_wait3A_293 = tpu.memref_slice %arg8[%add3A_207, %dma_wait3A_291, %dma_wait3A_292] : memref<16384x14x504xf32, #tpu.memory_space<hbm>> -> memref<4x14x504xf32, #tpu.memory_space<hbm>>
        %dma_wait3A_294 = arith.constant 0 : i32
        %dma_wait3A_295 = arith.constant 0 : i32
        %dma_wait3A_296 = arith.constant 0 : i32
        %dma_wait3A_297 = tpu.memref_slice %arg17[%dma_wait3A_282, %dma_wait3A_294, %dma_wait3A_295, %dma_wait3A_296] : memref<2x4x14x512xf32, #tpu.memory_space<vmem>> -> memref<1x4x14x504xf32, #tpu.memory_space<vmem>>
        %dma_wait3A_298 = tpu.memref_squeeze %dma_wait3A_297 : memref<1x4x14x504xf32, #tpu.memory_space<vmem>> -> memref<4x14x504xf32, #tpu.memory_space<vmem>>
        tpu.wait_dma2 semaphore(%arg23 : memref<!tpu.dma_semaphore, #tpu.memory_space<semaphore_mem>>) src(%dma_wait3A_298 : memref<4x14x504xf32, #tpu.memory_space<vmem>>) dst(%dma_wait3A_293 : memref<4x14x504xf32, #tpu.memory_space<hbm>>)
        %dma_wait3A_299 = arith.constant 1 : i32
        %dma_wait3A_300 = arith.constant 0 : i32
        %dma_wait3A_301 = arith.constant 0 : i32
        %dma_wait3A_302 = tpu.memref_slice %arg18[%dma_wait3A_299, %dma_wait3A_300, %dma_wait3A_301] : memref<2x4x256xf32, #tpu.memory_space<vmem>> -> memref<1x4x248xf32, #tpu.memory_space<vmem>>
        %dma_wait3A_303 = tpu.memref_squeeze %dma_wait3A_302 : memref<1x4x248xf32, #tpu.memory_space<vmem>> -> memref<4x248xf32, #tpu.memory_space<vmem>>
        %dma_wait3A_304 = arith.constant 0 : i32
        %dma_wait3A_305 = tpu.memref_slice %arg9[%add3A_207, %dma_wait3A_304] : memref<16384x248xf32, #tpu.memory_space<hbm>> -> memref<4x248xf32, #tpu.memory_space<hbm>>
        %dma_wait3A_306 = arith.constant 0 : i32
        %dma_wait3A_307 = tpu.memref_slice %arg9[%add3A_207, %dma_wait3A_306] : memref<16384x248xf32, #tpu.memory_space<hbm>> -> memref<4x248xf32, #tpu.memory_space<hbm>>
        %dma_wait3A_308 = arith.constant 0 : i32
        %dma_wait3A_309 = arith.constant 0 : i32
        %dma_wait3A_310 = tpu.memref_slice %arg18[%dma_wait3A_299, %dma_wait3A_308, %dma_wait3A_309] : memref<2x4x256xf32, #tpu.memory_space<vmem>> -> memref<1x4x248xf32, #tpu.memory_space<vmem>>
        %dma_wait3A_311 = tpu.memref_squeeze %dma_wait3A_310 : memref<1x4x248xf32, #tpu.memory_space<vmem>> -> memref<4x248xf32, #tpu.memory_space<vmem>>
        tpu.wait_dma2 semaphore(%arg25 : memref<!tpu.dma_semaphore, #tpu.memory_space<semaphore_mem>>) src(%dma_wait3A_311 : memref<4x248xf32, #tpu.memory_space<vmem>>) dst(%dma_wait3A_307 : memref<4x248xf32, #tpu.memory_space<hbm>>)
        %dma_wait3A_312 = arith.constant 1 : i32
        %dma_wait3A_313 = arith.constant 0 : i32
        %dma_wait3A_314 = arith.constant 0 : i32
        %dma_wait3A_315 = tpu.memref_slice %arg19[%dma_wait3A_312, %dma_wait3A_313, %dma_wait3A_314] : memref<2x4x64xf32, #tpu.memory_space<vmem>> -> memref<1x4x56xf32, #tpu.memory_space<vmem>>
        %dma_wait3A_316 = tpu.memref_squeeze %dma_wait3A_315 : memref<1x4x56xf32, #tpu.memory_space<vmem>> -> memref<4x56xf32, #tpu.memory_space<vmem>>
        %dma_wait3A_317 = arith.constant 0 : i32
        %dma_wait3A_318 = tpu.memref_slice %arg10[%add3A_207, %dma_wait3A_317] : memref<16384x56xf32, #tpu.memory_space<hbm>> -> memref<4x56xf32, #tpu.memory_space<hbm>>
        %dma_wait3A_319 = arith.constant 0 : i32
        %dma_wait3A_320 = tpu.memref_slice %arg10[%add3A_207, %dma_wait3A_319] : memref<16384x56xf32, #tpu.memory_space<hbm>> -> memref<4x56xf32, #tpu.memory_space<hbm>>
        %dma_wait3A_321 = arith.constant 0 : i32
        %dma_wait3A_322 = arith.constant 0 : i32
        %dma_wait3A_323 = tpu.memref_slice %arg19[%dma_wait3A_312, %dma_wait3A_321, %dma_wait3A_322] : memref<2x4x64xf32, #tpu.memory_space<vmem>> -> memref<1x4x56xf32, #tpu.memory_space<vmem>>
        %dma_wait3A_324 = tpu.memref_squeeze %dma_wait3A_323 : memref<1x4x56xf32, #tpu.memory_space<vmem>> -> memref<4x56xf32, #tpu.memory_space<vmem>>
        tpu.wait_dma2 semaphore(%arg27 : memref<!tpu.dma_semaphore, #tpu.memory_space<semaphore_mem>>) src(%dma_wait3A_324 : memref<4x56xf32, #tpu.memory_space<vmem>>) dst(%dma_wait3A_320 : memref<4x56xf32, #tpu.memory_space<hbm>>)
      } else {
      }
      %parallel_loop3A_226 = arith.constant 0 : i32
      %parallel_loop3A_227 = arith.constant 128 : i32
      %parallel_loop3A_228 = arith.constant 1 : i32
      scf.for %parallel_loop3A_282 = %parallel_loop3A_226 to %parallel_loop3A_227 step %parallel_loop3A_228  : i32 {
        %parallel_loop3A_283 = arith.constant 5 : i32
        %parallel_loop3A_284 = arith.shrsi %parallel_loop3A_282, %parallel_loop3A_283 : i32
        %parallel_loop3A_285 = arith.constant 31 : i32
        %parallel_loop3A_286 = arith.andi %parallel_loop3A_282, %parallel_loop3A_285 : i32
        %parallel_loop3A_287 = arith.constant 16 : i32
        %parallel_loop3A_288 = arith.muli %parallel_loop3A_286, %parallel_loop3A_287 : i32
        %parallel_loop3A_289 = arith.constant 1 : i32
        %parallel_loop3A_290 = arith.index_cast %parallel_loop3A_289 : i32 to index
        %parallel_loop3A_291 = arith.index_cast %parallel_loop3A_284 : i32 to index
        %parallel_loop3A_292 = arith.index_cast %parallel_loop3A_288 : i32 to index
        %parallel_loop3A_293 = tpu.vector_load %arg11[%parallel_loop3A_290, %parallel_loop3A_291, %parallel_loop3A_292] {strides = array<i32>} : memref<2x4x1008xf32, #tpu.memory_space<vmem>>, vector<16xf32>,
        %parallel_loop3A_294 = arith.fptosi %parallel_loop3A_293 : vector<16xf32> to vector<16xi32>
        %parallel_loop3A_295 = arith.constant 0 : i32
        %parallel_loop3A_296 = vector.broadcast %parallel_loop3A_295 : i32 to vector<16xi32>
        %parallel_loop3A_297 = tpu.vector_load_idx %arg12[%parallel_loop3A_294, %parallel_loop3A_296] : memref<10x14xf32, #tpu.memory_space<vmem>>[vector<16xi32>, vector<16xi32>], vector<16xf32>,
        %parallel_loop3A_298 = arith.constant 16 : i32
        %parallel_loop3A_299 = arith.muli %parallel_loop3A_286, %parallel_loop3A_298 : i32
        %parallel_loop3A_300 = arith.constant 1 : i32
        %parallel_loop3A_301 = arith.constant 0 : i32
        %parallel_loop3A_302 = arith.index_cast %parallel_loop3A_300 : i32 to index
        %parallel_loop3A_303 = arith.index_cast %parallel_loop3A_284 : i32 to index
        %parallel_loop3A_304 = arith.index_cast %parallel_loop3A_301 : i32 to index
        %parallel_loop3A_305 = arith.index_cast %parallel_loop3A_299 : i32 to index
        %parallel_loop3A_306 = tpu.vector_load %arg17[%parallel_loop3A_302, %parallel_loop3A_303, %parallel_loop3A_304, %parallel_loop3A_305] {strides = array<i32>} : memref<2x4x14x512xf32, #tpu.memory_space<vmem>>, vector<16xf32>,
        tpu.vector_store %arg17[%parallel_loop3A_302, %parallel_loop3A_303, %parallel_loop3A_304, %parallel_loop3A_305], %parallel_loop3A_297 {strides = array<i32>} : memref<2x4x14x512xf32, #tpu.memory_space<vmem>>, vector<16xf32>,
        %parallel_loop3A_307 = arith.constant 1 : i32
        %parallel_loop3A_308 = vector.broadcast %parallel_loop3A_307 : i32 to vector<16xi32>
        %parallel_loop3A_309 = tpu.vector_load_idx %arg12[%parallel_loop3A_294, %parallel_loop3A_308] : memref<10x14xf32, #tpu.memory_space<vmem>>[vector<16xi32>, vector<16xi32>], vector<16xf32>,
        %parallel_loop3A_310 = arith.constant 16 : i32
        %parallel_loop3A_311 = arith.muli %parallel_loop3A_286, %parallel_loop3A_310 : i32
        %parallel_loop3A_312 = arith.constant 1 : i32
        %parallel_loop3A_313 = arith.constant 1 : i32
        %parallel_loop3A_314 = arith.index_cast %parallel_loop3A_312 : i32 to index
        %parallel_loop3A_315 = arith.index_cast %parallel_loop3A_284 : i32 to index
        %parallel_loop3A_316 = arith.index_cast %parallel_loop3A_313 : i32 to index
        %parallel_loop3A_317 = arith.index_cast %parallel_loop3A_311 : i32 to index
        %parallel_loop3A_318 = tpu.vector_load %arg17[%parallel_loop3A_314, %parallel_loop3A_315, %parallel_loop3A_316, %parallel_loop3A_317] {strides = array<i32>} : memref<2x4x14x512xf32, #tpu.memory_space<vmem>>, vector<16xf32>,
        tpu.vector_store %arg17[%parallel_loop3A_314, %parallel_loop3A_315, %parallel_loop3A_316, %parallel_loop3A_317], %parallel_loop3A_309 {strides = array<i32>} : memref<2x4x14x512xf32, #tpu.memory_space<vmem>>, vector<16xf32>,
        %parallel_loop3A_319 = arith.constant 2 : i32
        %parallel_loop3A_320 = vector.broadcast %parallel_loop3A_319 : i32 to vector<16xi32>
        %parallel_loop3A_321 = tpu.vector_load_idx %arg12[%parallel_loop3A_294, %parallel_loop3A_320] : memref<10x14xf32, #tpu.memory_space<vmem>>[vector<16xi32>, vector<16xi32>], vector<16xf32>,
        %parallel_loop3A_322 = arith.constant 16 : i32
        %parallel_loop3A_323 = arith.muli %parallel_loop3A_286, %parallel_loop3A_322 : i32
        %parallel_loop3A_324 = arith.constant 1 : i32
        %parallel_loop3A_325 = arith.constant 2 : i32
        %parallel_loop3A_326 = arith.index_cast %parallel_loop3A_324 : i32 to index
        %parallel_loop3A_327 = arith.index_cast %parallel_loop3A_284 : i32 to index
        %parallel_loop3A_328 = arith.index_cast %parallel_loop3A_325 : i32 to index
        %parallel_loop3A_329 = arith.index_cast %parallel_loop3A_323 : i32 to index
        %parallel_loop3A_330 = tpu.vector_load %arg17[%parallel_loop3A_326, %parallel_loop3A_327, %parallel_loop3A_328, %parallel_loop3A_329] {strides = array<i32>} : memref<2x4x14x512xf32, #tpu.memory_space<vmem>>, vector<16xf32>,
        tpu.vector_store %arg17[%parallel_loop3A_326, %parallel_loop3A_327, %parallel_loop3A_328, %parallel_loop3A_329], %parallel_loop3A_321 {strides = array<i32>} : memref<2x4x14x512xf32, #tpu.memory_space<vmem>>, vector<16xf32>,
        %parallel_loop3A_331 = arith.constant 3 : i32
        %parallel_loop3A_332 = vector.broadcast %parallel_loop3A_331 : i32 to vector<16xi32>
        %parallel_loop3A_333 = tpu.vector_load_idx %arg12[%parallel_loop3A_294, %parallel_loop3A_332] : memref<10x14xf32, #tpu.memory_space<vmem>>[vector<16xi32>, vector<16xi32>], vector<16xf32>,
        %parallel_loop3A_334 = arith.constant 16 : i32
        %parallel_loop3A_335 = arith.muli %parallel_loop3A_286, %parallel_loop3A_334 : i32
        %parallel_loop3A_336 = arith.constant 1 : i32
        %parallel_loop3A_337 = arith.constant 3 : i32
        %parallel_loop3A_338 = arith.index_cast %parallel_loop3A_336 : i32 to index
        %parallel_loop3A_339 = arith.index_cast %parallel_loop3A_284 : i32 to index
        %parallel_loop3A_340 = arith.index_cast %parallel_loop3A_337 : i32 to index
        %parallel_loop3A_341 = arith.index_cast %parallel_loop3A_335 : i32 to index
        %parallel_loop3A_342 = tpu.vector_load %arg17[%parallel_loop3A_338, %parallel_loop3A_339, %parallel_loop3A_340, %parallel_loop3A_341] {strides = array<i32>} : memref<2x4x14x512xf32, #tpu.memory_space<vmem>>, vector<16xf32>,
        tpu.vector_store %arg17[%parallel_loop3A_338, %parallel_loop3A_339, %parallel_loop3A_340, %parallel_loop3A_341], %parallel_loop3A_333 {strides = array<i32>} : memref<2x4x14x512xf32, #tpu.memory_space<vmem>>, vector<16xf32>,
        %parallel_loop3A_343 = arith.constant 4 : i32
        %parallel_loop3A_344 = vector.broadcast %parallel_loop3A_343 : i32 to vector<16xi32>
        %parallel_loop3A_345 = tpu.vector_load_idx %arg12[%parallel_loop3A_294, %parallel_loop3A_344] : memref<10x14xf32, #tpu.memory_space<vmem>>[vector<16xi32>, vector<16xi32>], vector<16xf32>,
        %parallel_loop3A_346 = arith.constant 16 : i32
        %parallel_loop3A_347 = arith.muli %parallel_loop3A_286, %parallel_loop3A_346 : i32
        %parallel_loop3A_348 = arith.constant 1 : i32
        %parallel_loop3A_349 = arith.constant 4 : i32
        %parallel_loop3A_350 = arith.index_cast %parallel_loop3A_348 : i32 to index
        %parallel_loop3A_351 = arith.index_cast %parallel_loop3A_284 : i32 to index
        %parallel_loop3A_352 = arith.index_cast %parallel_loop3A_349 : i32 to index
        %parallel_loop3A_353 = arith.index_cast %parallel_loop3A_347 : i32 to index
        %parallel_loop3A_354 = tpu.vector_load %arg17[%parallel_loop3A_350, %parallel_loop3A_351, %parallel_loop3A_352, %parallel_loop3A_353] {strides = array<i32>} : memref<2x4x14x512xf32, #tpu.memory_space<vmem>>, vector<16xf32>,
        tpu.vector_store %arg17[%parallel_loop3A_350, %parallel_loop3A_351, %parallel_loop3A_352, %parallel_loop3A_353], %parallel_loop3A_345 {strides = array<i32>} : memref<2x4x14x512xf32, #tpu.memory_space<vmem>>, vector<16xf32>,
        %parallel_loop3A_355 = arith.constant 5 : i32
        %parallel_loop3A_356 = vector.broadcast %parallel_loop3A_355 : i32 to vector<16xi32>
        %parallel_loop3A_357 = tpu.vector_load_idx %arg12[%parallel_loop3A_294, %parallel_loop3A_356] : memref<10x14xf32, #tpu.memory_space<vmem>>[vector<16xi32>, vector<16xi32>], vector<16xf32>,
        %parallel_loop3A_358 = arith.constant 16 : i32
        %parallel_loop3A_359 = arith.muli %parallel_loop3A_286, %parallel_loop3A_358 : i32
        %parallel_loop3A_360 = arith.constant 1 : i32
        %parallel_loop3A_361 = arith.constant 5 : i32
        %parallel_loop3A_362 = arith.index_cast %parallel_loop3A_360 : i32 to index
        %parallel_loop3A_363 = arith.index_cast %parallel_loop3A_284 : i32 to index
        %parallel_loop3A_364 = arith.index_cast %parallel_loop3A_361 : i32 to index
        %parallel_loop3A_365 = arith.index_cast %parallel_loop3A_359 : i32 to index
        %parallel_loop3A_366 = tpu.vector_load %arg17[%parallel_loop3A_362, %parallel_loop3A_363, %parallel_loop3A_364, %parallel_loop3A_365] {strides = array<i32>} : memref<2x4x14x512xf32, #tpu.memory_space<vmem>>, vector<16xf32>,
        tpu.vector_store %arg17[%parallel_loop3A_362, %parallel_loop3A_363, %parallel_loop3A_364, %parallel_loop3A_365], %parallel_loop3A_357 {strides = array<i32>} : memref<2x4x14x512xf32, #tpu.memory_space<vmem>>, vector<16xf32>,
        %parallel_loop3A_367 = arith.constant 6 : i32
        %parallel_loop3A_368 = vector.broadcast %parallel_loop3A_367 : i32 to vector<16xi32>
        %parallel_loop3A_369 = tpu.vector_load_idx %arg12[%parallel_loop3A_294, %parallel_loop3A_368] : memref<10x14xf32, #tpu.memory_space<vmem>>[vector<16xi32>, vector<16xi32>], vector<16xf32>,
        %parallel_loop3A_370 = arith.constant 16 : i32
        %parallel_loop3A_371 = arith.muli %parallel_loop3A_286, %parallel_loop3A_370 : i32
        %parallel_loop3A_372 = arith.constant 1 : i32
        %parallel_loop3A_373 = arith.constant 6 : i32
        %parallel_loop3A_374 = arith.index_cast %parallel_loop3A_372 : i32 to index
        %parallel_loop3A_375 = arith.index_cast %parallel_loop3A_284 : i32 to index
        %parallel_loop3A_376 = arith.index_cast %parallel_loop3A_373 : i32 to index
        %parallel_loop3A_377 = arith.index_cast %parallel_loop3A_371 : i32 to index
        %parallel_loop3A_378 = tpu.vector_load %arg17[%parallel_loop3A_374, %parallel_loop3A_375, %parallel_loop3A_376, %parallel_loop3A_377] {strides = array<i32>} : memref<2x4x14x512xf32, #tpu.memory_space<vmem>>, vector<16xf32>,
        tpu.vector_store %arg17[%parallel_loop3A_374, %parallel_loop3A_375, %parallel_loop3A_376, %parallel_loop3A_377], %parallel_loop3A_369 {strides = array<i32>} : memref<2x4x14x512xf32, #tpu.memory_space<vmem>>, vector<16xf32>,
        %parallel_loop3A_379 = arith.constant 7 : i32
        %parallel_loop3A_380 = vector.broadcast %parallel_loop3A_379 : i32 to vector<16xi32>
        %parallel_loop3A_381 = tpu.vector_load_idx %arg12[%parallel_loop3A_294, %parallel_loop3A_380] : memref<10x14xf32, #tpu.memory_space<vmem>>[vector<16xi32>, vector<16xi32>], vector<16xf32>,
        %parallel_loop3A_382 = arith.constant 16 : i32
        %parallel_loop3A_383 = arith.muli %parallel_loop3A_286, %parallel_loop3A_382 : i32
        %parallel_loop3A_384 = arith.constant 1 : i32
        %parallel_loop3A_385 = arith.constant 7 : i32
        %parallel_loop3A_386 = arith.index_cast %parallel_loop3A_384 : i32 to index
        %parallel_loop3A_387 = arith.index_cast %parallel_loop3A_284 : i32 to index
        %parallel_loop3A_388 = arith.index_cast %parallel_loop3A_385 : i32 to index
        %parallel_loop3A_389 = arith.index_cast %parallel_loop3A_383 : i32 to index
        %parallel_loop3A_390 = tpu.vector_load %arg17[%parallel_loop3A_386, %parallel_loop3A_387, %parallel_loop3A_388, %parallel_loop3A_389] {strides = array<i32>} : memref<2x4x14x512xf32, #tpu.memory_space<vmem>>, vector<16xf32>,
        tpu.vector_store %arg17[%parallel_loop3A_386, %parallel_loop3A_387, %parallel_loop3A_388, %parallel_loop3A_389], %parallel_loop3A_381 {strides = array<i32>} : memref<2x4x14x512xf32, #tpu.memory_space<vmem>>, vector<16xf32>,
        %parallel_loop3A_391 = arith.constant 8 : i32
        %parallel_loop3A_392 = vector.broadcast %parallel_loop3A_391 : i32 to vector<16xi32>
        %parallel_loop3A_393 = tpu.vector_load_idx %arg12[%parallel_loop3A_294, %parallel_loop3A_392] : memref<10x14xf32, #tpu.memory_space<vmem>>[vector<16xi32>, vector<16xi32>], vector<16xf32>,
        %parallel_loop3A_394 = arith.constant 16 : i32
        %parallel_loop3A_395 = arith.muli %parallel_loop3A_286, %parallel_loop3A_394 : i32
        %parallel_loop3A_396 = arith.constant 1 : i32
        %parallel_loop3A_397 = arith.constant 8 : i32
        %parallel_loop3A_398 = arith.index_cast %parallel_loop3A_396 : i32 to index
        %parallel_loop3A_399 = arith.index_cast %parallel_loop3A_284 : i32 to index
        %parallel_loop3A_400 = arith.index_cast %parallel_loop3A_397 : i32 to index
        %parallel_loop3A_401 = arith.index_cast %parallel_loop3A_395 : i32 to index
        %parallel_loop3A_402 = tpu.vector_load %arg17[%parallel_loop3A_398, %parallel_loop3A_399, %parallel_loop3A_400, %parallel_loop3A_401] {strides = array<i32>} : memref<2x4x14x512xf32, #tpu.memory_space<vmem>>, vector<16xf32>,
        tpu.vector_store %arg17[%parallel_loop3A_398, %parallel_loop3A_399, %parallel_loop3A_400, %parallel_loop3A_401], %parallel_loop3A_393 {strides = array<i32>} : memref<2x4x14x512xf32, #tpu.memory_space<vmem>>, vector<16xf32>,
        %parallel_loop3A_403 = arith.constant 9 : i32
        %parallel_loop3A_404 = vector.broadcast %parallel_loop3A_403 : i32 to vector<16xi32>
        %parallel_loop3A_405 = tpu.vector_load_idx %arg12[%parallel_loop3A_294, %parallel_loop3A_404] : memref<10x14xf32, #tpu.memory_space<vmem>>[vector<16xi32>, vector<16xi32>], vector<16xf32>,
        %parallel_loop3A_406 = arith.constant 16 : i32
        %parallel_loop3A_407 = arith.muli %parallel_loop3A_286, %parallel_loop3A_406 : i32
        %parallel_loop3A_408 = arith.constant 1 : i32
        %parallel_loop3A_409 = arith.constant 9 : i32
        %parallel_loop3A_410 = arith.index_cast %parallel_loop3A_408 : i32 to index
        %parallel_loop3A_411 = arith.index_cast %parallel_loop3A_284 : i32 to index
        %parallel_loop3A_412 = arith.index_cast %parallel_loop3A_409 : i32 to index
        %parallel_loop3A_413 = arith.index_cast %parallel_loop3A_407 : i32 to index
        %parallel_loop3A_414 = tpu.vector_load %arg17[%parallel_loop3A_410, %parallel_loop3A_411, %parallel_loop3A_412, %parallel_loop3A_413] {strides = array<i32>} : memref<2x4x14x512xf32, #tpu.memory_space<vmem>>, vector<16xf32>,
        tpu.vector_store %arg17[%parallel_loop3A_410, %parallel_loop3A_411, %parallel_loop3A_412, %parallel_loop3A_413], %parallel_loop3A_405 {strides = array<i32>} : memref<2x4x14x512xf32, #tpu.memory_space<vmem>>, vector<16xf32>,
        %parallel_loop3A_415 = arith.constant 10 : i32
        %parallel_loop3A_416 = vector.broadcast %parallel_loop3A_415 : i32 to vector<16xi32>
        %parallel_loop3A_417 = tpu.vector_load_idx %arg12[%parallel_loop3A_294, %parallel_loop3A_416] : memref<10x14xf32, #tpu.memory_space<vmem>>[vector<16xi32>, vector<16xi32>], vector<16xf32>,
        %parallel_loop3A_418 = arith.constant 16 : i32
        %parallel_loop3A_419 = arith.muli %parallel_loop3A_286, %parallel_loop3A_418 : i32
        %parallel_loop3A_420 = arith.constant 1 : i32
        %parallel_loop3A_421 = arith.constant 10 : i32
        %parallel_loop3A_422 = arith.index_cast %parallel_loop3A_420 : i32 to index
        %parallel_loop3A_423 = arith.index_cast %parallel_loop3A_284 : i32 to index
        %parallel_loop3A_424 = arith.index_cast %parallel_loop3A_421 : i32 to index
        %parallel_loop3A_425 = arith.index_cast %parallel_loop3A_419 : i32 to index
        %parallel_loop3A_426 = tpu.vector_load %arg17[%parallel_loop3A_422, %parallel_loop3A_423, %parallel_loop3A_424, %parallel_loop3A_425] {strides = array<i32>} : memref<2x4x14x512xf32, #tpu.memory_space<vmem>>, vector<16xf32>,
        tpu.vector_store %arg17[%parallel_loop3A_422, %parallel_loop3A_423, %parallel_loop3A_424, %parallel_loop3A_425], %parallel_loop3A_417 {strides = array<i32>} : memref<2x4x14x512xf32, #tpu.memory_space<vmem>>, vector<16xf32>,
        %parallel_loop3A_427 = arith.constant 11 : i32
        %parallel_loop3A_428 = vector.broadcast %parallel_loop3A_427 : i32 to vector<16xi32>
        %parallel_loop3A_429 = tpu.vector_load_idx %arg12[%parallel_loop3A_294, %parallel_loop3A_428] : memref<10x14xf32, #tpu.memory_space<vmem>>[vector<16xi32>, vector<16xi32>], vector<16xf32>,
        %parallel_loop3A_430 = arith.constant 16 : i32
        %parallel_loop3A_431 = arith.muli %parallel_loop3A_286, %parallel_loop3A_430 : i32
        %parallel_loop3A_432 = arith.constant 1 : i32
        %parallel_loop3A_433 = arith.constant 11 : i32
        %parallel_loop3A_434 = arith.index_cast %parallel_loop3A_432 : i32 to index
        %parallel_loop3A_435 = arith.index_cast %parallel_loop3A_284 : i32 to index
        %parallel_loop3A_436 = arith.index_cast %parallel_loop3A_433 : i32 to index
        %parallel_loop3A_437 = arith.index_cast %parallel_loop3A_431 : i32 to index
        %parallel_loop3A_438 = tpu.vector_load %arg17[%parallel_loop3A_434, %parallel_loop3A_435, %parallel_loop3A_436, %parallel_loop3A_437] {strides = array<i32>} : memref<2x4x14x512xf32, #tpu.memory_space<vmem>>, vector<16xf32>,
        tpu.vector_store %arg17[%parallel_loop3A_434, %parallel_loop3A_435, %parallel_loop3A_436, %parallel_loop3A_437], %parallel_loop3A_429 {strides = array<i32>} : memref<2x4x14x512xf32, #tpu.memory_space<vmem>>, vector<16xf32>,
        %parallel_loop3A_439 = arith.constant 12 : i32
        %parallel_loop3A_440 = vector.broadcast %parallel_loop3A_439 : i32 to vector<16xi32>
        %parallel_loop3A_441 = tpu.vector_load_idx %arg12[%parallel_loop3A_294, %parallel_loop3A_440] : memref<10x14xf32, #tpu.memory_space<vmem>>[vector<16xi32>, vector<16xi32>], vector<16xf32>,
        %parallel_loop3A_442 = arith.constant 16 : i32
        %parallel_loop3A_443 = arith.muli %parallel_loop3A_286, %parallel_loop3A_442 : i32
        %parallel_loop3A_444 = arith.constant 1 : i32
        %parallel_loop3A_445 = arith.constant 12 : i32
        %parallel_loop3A_446 = arith.index_cast %parallel_loop3A_444 : i32 to index
        %parallel_loop3A_447 = arith.index_cast %parallel_loop3A_284 : i32 to index
        %parallel_loop3A_448 = arith.index_cast %parallel_loop3A_445 : i32 to index
        %parallel_loop3A_449 = arith.index_cast %parallel_loop3A_443 : i32 to index
        %parallel_loop3A_450 = tpu.vector_load %arg17[%parallel_loop3A_446, %parallel_loop3A_447, %parallel_loop3A_448, %parallel_loop3A_449] {strides = array<i32>} : memref<2x4x14x512xf32, #tpu.memory_space<vmem>>, vector<16xf32>,
        tpu.vector_store %arg17[%parallel_loop3A_446, %parallel_loop3A_447, %parallel_loop3A_448, %parallel_loop3A_449], %parallel_loop3A_441 {strides = array<i32>} : memref<2x4x14x512xf32, #tpu.memory_space<vmem>>, vector<16xf32>,
        %parallel_loop3A_451 = arith.constant 13 : i32
        %parallel_loop3A_452 = vector.broadcast %parallel_loop3A_451 : i32 to vector<16xi32>
        %parallel_loop3A_453 = tpu.vector_load_idx %arg12[%parallel_loop3A_294, %parallel_loop3A_452] : memref<10x14xf32, #tpu.memory_space<vmem>>[vector<16xi32>, vector<16xi32>], vector<16xf32>,
        %parallel_loop3A_454 = arith.constant 16 : i32
        %parallel_loop3A_455 = arith.muli %parallel_loop3A_286, %parallel_loop3A_454 : i32
        %parallel_loop3A_456 = arith.constant 1 : i32
        %parallel_loop3A_457 = arith.constant 13 : i32
        %parallel_loop3A_458 = arith.index_cast %parallel_loop3A_456 : i32 to index
        %parallel_loop3A_459 = arith.index_cast %parallel_loop3A_284 : i32 to index
        %parallel_loop3A_460 = arith.index_cast %parallel_loop3A_457 : i32 to index
        %parallel_loop3A_461 = arith.index_cast %parallel_loop3A_455 : i32 to index
        %parallel_loop3A_462 = tpu.vector_load %arg17[%parallel_loop3A_458, %parallel_loop3A_459, %parallel_loop3A_460, %parallel_loop3A_461] {strides = array<i32>} : memref<2x4x14x512xf32, #tpu.memory_space<vmem>>, vector<16xf32>,
        tpu.vector_store %arg17[%parallel_loop3A_458, %parallel_loop3A_459, %parallel_loop3A_460, %parallel_loop3A_461], %parallel_loop3A_453 {strides = array<i32>} : memref<2x4x14x512xf32, #tpu.memory_space<vmem>>, vector<16xf32>,
      } {sc.loop_unroll_factor = 2 : i64, sc.parallel_access}
      %parallel_loop3A_229 = arith.constant 0 : i32
      %parallel_loop3A_230 = arith.constant 4 : i32
      %parallel_loop3A_231 = arith.constant 1 : i32
      scf.for %parallel_loop3A_282 = %parallel_loop3A_229 to %parallel_loop3A_230 step %parallel_loop3A_231  : i32 {
        %parallel_loop3A_283 = vector.broadcast %parallel_loop3A_282 : i32 to vector<16xi32>
        %parallel_loop3A_284 = arith.constant 0 : index
        %parallel_loop3A_285 = tpu.vector_load %arg14[%parallel_loop3A_284] {strides = array<i32>} : memref<256xi32, #tpu.memory_space<vmem>>, vector<16xi32>,
        %parallel_loop3A_286 = arith.constant 1 : i32
        %parallel_loop3A_287 = arith.constant 0 : i32
        %parallel_loop3A_288 = arith.constant 0 : i32
        %parallel_loop3A_289 = tpu.memref_slice %arg11[%parallel_loop3A_286, %parallel_loop3A_287, %parallel_loop3A_288] : memref<2x4x1008xf32, #tpu.memory_space<vmem>> -> memref<1x4x1008xf32, #tpu.memory_space<vmem>>
        %parallel_loop3A_290 = tpu.memref_squeeze %parallel_loop3A_289 : memref<1x4x1008xf32, #tpu.memory_space<vmem>> -> memref<4x1008xf32, #tpu.memory_space<vmem>>
        %parallel_loop3A_291 = tpu.vector_load_idx %parallel_loop3A_290[%parallel_loop3A_283, %parallel_loop3A_285] : memref<4x1008xf32, #tpu.memory_space<vmem>>[vector<16xi32>, vector<16xi32>], vector<16xf32>,
        %parallel_loop3A_292 = arith.constant 1 : i32
        %parallel_loop3A_293 = arith.index_cast %parallel_loop3A_292 : i32 to index
        %parallel_loop3A_294 = arith.index_cast %parallel_loop3A_282 : i32 to index
        %parallel_loop3A_295 = arith.constant 0 : index
        %parallel_loop3A_296 = tpu.vector_load %arg18[%parallel_loop3A_293, %parallel_loop3A_294, %parallel_loop3A_295] {strides = array<i32>} : memref<2x4x256xf32, #tpu.memory_space<vmem>>, vector<16xf32>,
        tpu.vector_store %arg18[%parallel_loop3A_293, %parallel_loop3A_294, %parallel_loop3A_295], %parallel_loop3A_291 {strides = array<i32>} : memref<2x4x256xf32, #tpu.memory_space<vmem>>, vector<16xf32>,
        %parallel_loop3A_297 = arith.constant 16 : index
        %parallel_loop3A_298 = tpu.vector_load %arg14[%parallel_loop3A_297] {strides = array<i32>} : memref<256xi32, #tpu.memory_space<vmem>>, vector<16xi32>,
        %parallel_loop3A_299 = arith.constant 1 : i32
        %parallel_loop3A_300 = arith.constant 0 : i32
        %parallel_loop3A_301 = arith.constant 0 : i32
        %parallel_loop3A_302 = tpu.memref_slice %arg11[%parallel_loop3A_299, %parallel_loop3A_300, %parallel_loop3A_301] : memref<2x4x1008xf32, #tpu.memory_space<vmem>> -> memref<1x4x1008xf32, #tpu.memory_space<vmem>>
        %parallel_loop3A_303 = tpu.memref_squeeze %parallel_loop3A_302 : memref<1x4x1008xf32, #tpu.memory_space<vmem>> -> memref<4x1008xf32, #tpu.memory_space<vmem>>
        %parallel_loop3A_304 = tpu.vector_load_idx %parallel_loop3A_303[%parallel_loop3A_283, %parallel_loop3A_298] : memref<4x1008xf32, #tpu.memory_space<vmem>>[vector<16xi32>, vector<16xi32>], vector<16xf32>,
        %parallel_loop3A_305 = arith.constant 1 : i32
        %parallel_loop3A_306 = arith.index_cast %parallel_loop3A_305 : i32 to index
        %parallel_loop3A_307 = arith.index_cast %parallel_loop3A_282 : i32 to index
        %parallel_loop3A_308 = arith.constant 16 : index
        %parallel_loop3A_309 = tpu.vector_load %arg18[%parallel_loop3A_306, %parallel_loop3A_307, %parallel_loop3A_308] {strides = array<i32>} : memref<2x4x256xf32, #tpu.memory_space<vmem>>, vector<16xf32>,
        tpu.vector_store %arg18[%parallel_loop3A_306, %parallel_loop3A_307, %parallel_loop3A_308], %parallel_loop3A_304 {strides = array<i32>} : memref<2x4x256xf32, #tpu.memory_space<vmem>>, vector<16xf32>,
        %parallel_loop3A_310 = arith.constant 32 : index
        %parallel_loop3A_311 = tpu.vector_load %arg14[%parallel_loop3A_310] {strides = array<i32>} : memref<256xi32, #tpu.memory_space<vmem>>, vector<16xi32>,
        %parallel_loop3A_312 = arith.constant 1 : i32
        %parallel_loop3A_313 = arith.constant 0 : i32
        %parallel_loop3A_314 = arith.constant 0 : i32
        %parallel_loop3A_315 = tpu.memref_slice %arg11[%parallel_loop3A_312, %parallel_loop3A_313, %parallel_loop3A_314] : memref<2x4x1008xf32, #tpu.memory_space<vmem>> -> memref<1x4x1008xf32, #tpu.memory_space<vmem>>
        %parallel_loop3A_316 = tpu.memref_squeeze %parallel_loop3A_315 : memref<1x4x1008xf32, #tpu.memory_space<vmem>> -> memref<4x1008xf32, #tpu.memory_space<vmem>>
        %parallel_loop3A_317 = tpu.vector_load_idx %parallel_loop3A_316[%parallel_loop3A_283, %parallel_loop3A_311] : memref<4x1008xf32, #tpu.memory_space<vmem>>[vector<16xi32>, vector<16xi32>], vector<16xf32>,
        %parallel_loop3A_318 = arith.constant 1 : i32
        %parallel_loop3A_319 = arith.index_cast %parallel_loop3A_318 : i32 to index
        %parallel_loop3A_320 = arith.index_cast %parallel_loop3A_282 : i32 to index
        %parallel_loop3A_321 = arith.constant 32 : index
        %parallel_loop3A_322 = tpu.vector_load %arg18[%parallel_loop3A_319, %parallel_loop3A_320, %parallel_loop3A_321] {strides = array<i32>} : memref<2x4x256xf32, #tpu.memory_space<vmem>>, vector<16xf32>,
        tpu.vector_store %arg18[%parallel_loop3A_319, %parallel_loop3A_320, %parallel_loop3A_321], %parallel_loop3A_317 {strides = array<i32>} : memref<2x4x256xf32, #tpu.memory_space<vmem>>, vector<16xf32>,
        %parallel_loop3A_323 = arith.constant 48 : index
        %parallel_loop3A_324 = tpu.vector_load %arg14[%parallel_loop3A_323] {strides = array<i32>} : memref<256xi32, #tpu.memory_space<vmem>>, vector<16xi32>,
        %parallel_loop3A_325 = arith.constant 1 : i32
        %parallel_loop3A_326 = arith.constant 0 : i32
        %parallel_loop3A_327 = arith.constant 0 : i32
        %parallel_loop3A_328 = tpu.memref_slice %arg11[%parallel_loop3A_325, %parallel_loop3A_326, %parallel_loop3A_327] : memref<2x4x1008xf32, #tpu.memory_space<vmem>> -> memref<1x4x1008xf32, #tpu.memory_space<vmem>>
        %parallel_loop3A_329 = tpu.memref_squeeze %parallel_loop3A_328 : memref<1x4x1008xf32, #tpu.memory_space<vmem>> -> memref<4x1008xf32, #tpu.memory_space<vmem>>
        %parallel_loop3A_330 = tpu.vector_load_idx %parallel_loop3A_329[%parallel_loop3A_283, %parallel_loop3A_324] : memref<4x1008xf32, #tpu.memory_space<vmem>>[vector<16xi32>, vector<16xi32>], vector<16xf32>,
        %parallel_loop3A_331 = arith.constant 1 : i32
        %parallel_loop3A_332 = arith.index_cast %parallel_loop3A_331 : i32 to index
        %parallel_loop3A_333 = arith.index_cast %parallel_loop3A_282 : i32 to index
        %parallel_loop3A_334 = arith.constant 48 : index
        %parallel_loop3A_335 = tpu.vector_load %arg18[%parallel_loop3A_332, %parallel_loop3A_333, %parallel_loop3A_334] {strides = array<i32>} : memref<2x4x256xf32, #tpu.memory_space<vmem>>, vector<16xf32>,
        tpu.vector_store %arg18[%parallel_loop3A_332, %parallel_loop3A_333, %parallel_loop3A_334], %parallel_loop3A_330 {strides = array<i32>} : memref<2x4x256xf32, #tpu.memory_space<vmem>>, vector<16xf32>,
        %parallel_loop3A_336 = arith.constant 64 : index
        %parallel_loop3A_337 = tpu.vector_load %arg14[%parallel_loop3A_336] {strides = array<i32>} : memref<256xi32, #tpu.memory_space<vmem>>, vector<16xi32>,
        %parallel_loop3A_338 = arith.constant 1 : i32
        %parallel_loop3A_339 = arith.constant 0 : i32
        %parallel_loop3A_340 = arith.constant 0 : i32
        %parallel_loop3A_341 = tpu.memref_slice %arg11[%parallel_loop3A_338, %parallel_loop3A_339, %parallel_loop3A_340] : memref<2x4x1008xf32, #tpu.memory_space<vmem>> -> memref<1x4x1008xf32, #tpu.memory_space<vmem>>
        %parallel_loop3A_342 = tpu.memref_squeeze %parallel_loop3A_341 : memref<1x4x1008xf32, #tpu.memory_space<vmem>> -> memref<4x1008xf32, #tpu.memory_space<vmem>>
        %parallel_loop3A_343 = tpu.vector_load_idx %parallel_loop3A_342[%parallel_loop3A_283, %parallel_loop3A_337] : memref<4x1008xf32, #tpu.memory_space<vmem>>[vector<16xi32>, vector<16xi32>], vector<16xf32>,
        %parallel_loop3A_344 = arith.constant 1 : i32
        %parallel_loop3A_345 = arith.index_cast %parallel_loop3A_344 : i32 to index
        %parallel_loop3A_346 = arith.index_cast %parallel_loop3A_282 : i32 to index
        %parallel_loop3A_347 = arith.constant 64 : index
        %parallel_loop3A_348 = tpu.vector_load %arg18[%parallel_loop3A_345, %parallel_loop3A_346, %parallel_loop3A_347] {strides = array<i32>} : memref<2x4x256xf32, #tpu.memory_space<vmem>>, vector<16xf32>,
        tpu.vector_store %arg18[%parallel_loop3A_345, %parallel_loop3A_346, %parallel_loop3A_347], %parallel_loop3A_343 {strides = array<i32>} : memref<2x4x256xf32, #tpu.memory_space<vmem>>, vector<16xf32>,
        %parallel_loop3A_349 = arith.constant 80 : index
        %parallel_loop3A_350 = tpu.vector_load %arg14[%parallel_loop3A_349] {strides = array<i32>} : memref<256xi32, #tpu.memory_space<vmem>>, vector<16xi32>,
        %parallel_loop3A_351 = arith.constant 1 : i32
        %parallel_loop3A_352 = arith.constant 0 : i32
        %parallel_loop3A_353 = arith.constant 0 : i32
        %parallel_loop3A_354 = tpu.memref_slice %arg11[%parallel_loop3A_351, %parallel_loop3A_352, %parallel_loop3A_353] : memref<2x4x1008xf32, #tpu.memory_space<vmem>> -> memref<1x4x1008xf32, #tpu.memory_space<vmem>>
        %parallel_loop3A_355 = tpu.memref_squeeze %parallel_loop3A_354 : memref<1x4x1008xf32, #tpu.memory_space<vmem>> -> memref<4x1008xf32, #tpu.memory_space<vmem>>
        %parallel_loop3A_356 = tpu.vector_load_idx %parallel_loop3A_355[%parallel_loop3A_283, %parallel_loop3A_350] : memref<4x1008xf32, #tpu.memory_space<vmem>>[vector<16xi32>, vector<16xi32>], vector<16xf32>,
        %parallel_loop3A_357 = arith.constant 1 : i32
        %parallel_loop3A_358 = arith.index_cast %parallel_loop3A_357 : i32 to index
        %parallel_loop3A_359 = arith.index_cast %parallel_loop3A_282 : i32 to index
        %parallel_loop3A_360 = arith.constant 80 : index
        %parallel_loop3A_361 = tpu.vector_load %arg18[%parallel_loop3A_358, %parallel_loop3A_359, %parallel_loop3A_360] {strides = array<i32>} : memref<2x4x256xf32, #tpu.memory_space<vmem>>, vector<16xf32>,
        tpu.vector_store %arg18[%parallel_loop3A_358, %parallel_loop3A_359, %parallel_loop3A_360], %parallel_loop3A_356 {strides = array<i32>} : memref<2x4x256xf32, #tpu.memory_space<vmem>>, vector<16xf32>,
        %parallel_loop3A_362 = arith.constant 96 : index
        %parallel_loop3A_363 = tpu.vector_load %arg14[%parallel_loop3A_362] {strides = array<i32>} : memref<256xi32, #tpu.memory_space<vmem>>, vector<16xi32>,
        %parallel_loop3A_364 = arith.constant 1 : i32
        %parallel_loop3A_365 = arith.constant 0 : i32
        %parallel_loop3A_366 = arith.constant 0 : i32
        %parallel_loop3A_367 = tpu.memref_slice %arg11[%parallel_loop3A_364, %parallel_loop3A_365, %parallel_loop3A_366] : memref<2x4x1008xf32, #tpu.memory_space<vmem>> -> memref<1x4x1008xf32, #tpu.memory_space<vmem>>
        %parallel_loop3A_368 = tpu.memref_squeeze %parallel_loop3A_367 : memref<1x4x1008xf32, #tpu.memory_space<vmem>> -> memref<4x1008xf32, #tpu.memory_space<vmem>>
        %parallel_loop3A_369 = tpu.vector_load_idx %parallel_loop3A_368[%parallel_loop3A_283, %parallel_loop3A_363] : memref<4x1008xf32, #tpu.memory_space<vmem>>[vector<16xi32>, vector<16xi32>], vector<16xf32>,
        %parallel_loop3A_370 = arith.constant 1 : i32
        %parallel_loop3A_371 = arith.index_cast %parallel_loop3A_370 : i32 to index
        %parallel_loop3A_372 = arith.index_cast %parallel_loop3A_282 : i32 to index
        %parallel_loop3A_373 = arith.constant 96 : index
        %parallel_loop3A_374 = tpu.vector_load %arg18[%parallel_loop3A_371, %parallel_loop3A_372, %parallel_loop3A_373] {strides = array<i32>} : memref<2x4x256xf32, #tpu.memory_space<vmem>>, vector<16xf32>,
        tpu.vector_store %arg18[%parallel_loop3A_371, %parallel_loop3A_372, %parallel_loop3A_373], %parallel_loop3A_369 {strides = array<i32>} : memref<2x4x256xf32, #tpu.memory_space<vmem>>, vector<16xf32>,
        %parallel_loop3A_375 = arith.constant 112 : index
        %parallel_loop3A_376 = tpu.vector_load %arg14[%parallel_loop3A_375] {strides = array<i32>} : memref<256xi32, #tpu.memory_space<vmem>>, vector<16xi32>,
        %parallel_loop3A_377 = arith.constant 1 : i32
        %parallel_loop3A_378 = arith.constant 0 : i32
        %parallel_loop3A_379 = arith.constant 0 : i32
        %parallel_loop3A_380 = tpu.memref_slice %arg11[%parallel_loop3A_377, %parallel_loop3A_378, %parallel_loop3A_379] : memref<2x4x1008xf32, #tpu.memory_space<vmem>> -> memref<1x4x1008xf32, #tpu.memory_space<vmem>>
        %parallel_loop3A_381 = tpu.memref_squeeze %parallel_loop3A_380 : memref<1x4x1008xf32, #tpu.memory_space<vmem>> -> memref<4x1008xf32, #tpu.memory_space<vmem>>
        %parallel_loop3A_382 = tpu.vector_load_idx %parallel_loop3A_381[%parallel_loop3A_283, %parallel_loop3A_376] : memref<4x1008xf32, #tpu.memory_space<vmem>>[vector<16xi32>, vector<16xi32>], vector<16xf32>,
        %parallel_loop3A_383 = arith.constant 1 : i32
        %parallel_loop3A_384 = arith.index_cast %parallel_loop3A_383 : i32 to index
        %parallel_loop3A_385 = arith.index_cast %parallel_loop3A_282 : i32 to index
        %parallel_loop3A_386 = arith.constant 112 : index
        %parallel_loop3A_387 = tpu.vector_load %arg18[%parallel_loop3A_384, %parallel_loop3A_385, %parallel_loop3A_386] {strides = array<i32>} : memref<2x4x256xf32, #tpu.memory_space<vmem>>, vector<16xf32>,
        tpu.vector_store %arg18[%parallel_loop3A_384, %parallel_loop3A_385, %parallel_loop3A_386], %parallel_loop3A_382 {strides = array<i32>} : memref<2x4x256xf32, #tpu.memory_space<vmem>>, vector<16xf32>,
        %parallel_loop3A_388 = arith.constant 128 : index
        %parallel_loop3A_389 = tpu.vector_load %arg14[%parallel_loop3A_388] {strides = array<i32>} : memref<256xi32, #tpu.memory_space<vmem>>, vector<16xi32>,
        %parallel_loop3A_390 = arith.constant 1 : i32
        %parallel_loop3A_391 = arith.constant 0 : i32
        %parallel_loop3A_392 = arith.constant 0 : i32
        %parallel_loop3A_393 = tpu.memref_slice %arg11[%parallel_loop3A_390, %parallel_loop3A_391, %parallel_loop3A_392] : memref<2x4x1008xf32, #tpu.memory_space<vmem>> -> memref<1x4x1008xf32, #tpu.memory_space<vmem>>
        %parallel_loop3A_394 = tpu.memref_squeeze %parallel_loop3A_393 : memref<1x4x1008xf32, #tpu.memory_space<vmem>> -> memref<4x1008xf32, #tpu.memory_space<vmem>>
        %parallel_loop3A_395 = tpu.vector_load_idx %parallel_loop3A_394[%parallel_loop3A_283, %parallel_loop3A_389] : memref<4x1008xf32, #tpu.memory_space<vmem>>[vector<16xi32>, vector<16xi32>], vector<16xf32>,
        %parallel_loop3A_396 = arith.constant 1 : i32
        %parallel_loop3A_397 = arith.index_cast %parallel_loop3A_396 : i32 to index
        %parallel_loop3A_398 = arith.index_cast %parallel_loop3A_282 : i32 to index
        %parallel_loop3A_399 = arith.constant 128 : index
        %parallel_loop3A_400 = tpu.vector_load %arg18[%parallel_loop3A_397, %parallel_loop3A_398, %parallel_loop3A_399] {strides = array<i32>} : memref<2x4x256xf32, #tpu.memory_space<vmem>>, vector<16xf32>,
        tpu.vector_store %arg18[%parallel_loop3A_397, %parallel_loop3A_398, %parallel_loop3A_399], %parallel_loop3A_395 {strides = array<i32>} : memref<2x4x256xf32, #tpu.memory_space<vmem>>, vector<16xf32>,
        %parallel_loop3A_401 = arith.constant 144 : index
        %parallel_loop3A_402 = tpu.vector_load %arg14[%parallel_loop3A_401] {strides = array<i32>} : memref<256xi32, #tpu.memory_space<vmem>>, vector<16xi32>,
        %parallel_loop3A_403 = arith.constant 1 : i32
        %parallel_loop3A_404 = arith.constant 0 : i32
        %parallel_loop3A_405 = arith.constant 0 : i32
        %parallel_loop3A_406 = tpu.memref_slice %arg11[%parallel_loop3A_403, %parallel_loop3A_404, %parallel_loop3A_405] : memref<2x4x1008xf32, #tpu.memory_space<vmem>> -> memref<1x4x1008xf32, #tpu.memory_space<vmem>>
        %parallel_loop3A_407 = tpu.memref_squeeze %parallel_loop3A_406 : memref<1x4x1008xf32, #tpu.memory_space<vmem>> -> memref<4x1008xf32, #tpu.memory_space<vmem>>
        %parallel_loop3A_408 = tpu.vector_load_idx %parallel_loop3A_407[%parallel_loop3A_283, %parallel_loop3A_402] : memref<4x1008xf32, #tpu.memory_space<vmem>>[vector<16xi32>, vector<16xi32>], vector<16xf32>,
        %parallel_loop3A_409 = arith.constant 1 : i32
        %parallel_loop3A_410 = arith.index_cast %parallel_loop3A_409 : i32 to index
        %parallel_loop3A_411 = arith.index_cast %parallel_loop3A_282 : i32 to index
        %parallel_loop3A_412 = arith.constant 144 : index
        %parallel_loop3A_413 = tpu.vector_load %arg18[%parallel_loop3A_410, %parallel_loop3A_411, %parallel_loop3A_412] {strides = array<i32>} : memref<2x4x256xf32, #tpu.memory_space<vmem>>, vector<16xf32>,
        tpu.vector_store %arg18[%parallel_loop3A_410, %parallel_loop3A_411, %parallel_loop3A_412], %parallel_loop3A_408 {strides = array<i32>} : memref<2x4x256xf32, #tpu.memory_space<vmem>>, vector<16xf32>,
        %parallel_loop3A_414 = arith.constant 160 : index
        %parallel_loop3A_415 = tpu.vector_load %arg14[%parallel_loop3A_414] {strides = array<i32>} : memref<256xi32, #tpu.memory_space<vmem>>, vector<16xi32>,
        %parallel_loop3A_416 = arith.constant 1 : i32
        %parallel_loop3A_417 = arith.constant 0 : i32
        %parallel_loop3A_418 = arith.constant 0 : i32
        %parallel_loop3A_419 = tpu.memref_slice %arg11[%parallel_loop3A_416, %parallel_loop3A_417, %parallel_loop3A_418] : memref<2x4x1008xf32, #tpu.memory_space<vmem>> -> memref<1x4x1008xf32, #tpu.memory_space<vmem>>
        %parallel_loop3A_420 = tpu.memref_squeeze %parallel_loop3A_419 : memref<1x4x1008xf32, #tpu.memory_space<vmem>> -> memref<4x1008xf32, #tpu.memory_space<vmem>>
        %parallel_loop3A_421 = tpu.vector_load_idx %parallel_loop3A_420[%parallel_loop3A_283, %parallel_loop3A_415] : memref<4x1008xf32, #tpu.memory_space<vmem>>[vector<16xi32>, vector<16xi32>], vector<16xf32>,
        %parallel_loop3A_422 = arith.constant 1 : i32
        %parallel_loop3A_423 = arith.index_cast %parallel_loop3A_422 : i32 to index
        %parallel_loop3A_424 = arith.index_cast %parallel_loop3A_282 : i32 to index
        %parallel_loop3A_425 = arith.constant 160 : index
        %parallel_loop3A_426 = tpu.vector_load %arg18[%parallel_loop3A_423, %parallel_loop3A_424, %parallel_loop3A_425] {strides = array<i32>} : memref<2x4x256xf32, #tpu.memory_space<vmem>>, vector<16xf32>,
        tpu.vector_store %arg18[%parallel_loop3A_423, %parallel_loop3A_424, %parallel_loop3A_425], %parallel_loop3A_421 {strides = array<i32>} : memref<2x4x256xf32, #tpu.memory_space<vmem>>, vector<16xf32>,
        %parallel_loop3A_427 = arith.constant 176 : index
        %parallel_loop3A_428 = tpu.vector_load %arg14[%parallel_loop3A_427] {strides = array<i32>} : memref<256xi32, #tpu.memory_space<vmem>>, vector<16xi32>,
        %parallel_loop3A_429 = arith.constant 1 : i32
        %parallel_loop3A_430 = arith.constant 0 : i32
        %parallel_loop3A_431 = arith.constant 0 : i32
        %parallel_loop3A_432 = tpu.memref_slice %arg11[%parallel_loop3A_429, %parallel_loop3A_430, %parallel_loop3A_431] : memref<2x4x1008xf32, #tpu.memory_space<vmem>> -> memref<1x4x1008xf32, #tpu.memory_space<vmem>>
        %parallel_loop3A_433 = tpu.memref_squeeze %parallel_loop3A_432 : memref<1x4x1008xf32, #tpu.memory_space<vmem>> -> memref<4x1008xf32, #tpu.memory_space<vmem>>
        %parallel_loop3A_434 = tpu.vector_load_idx %parallel_loop3A_433[%parallel_loop3A_283, %parallel_loop3A_428] : memref<4x1008xf32, #tpu.memory_space<vmem>>[vector<16xi32>, vector<16xi32>], vector<16xf32>,
        %parallel_loop3A_435 = arith.constant 1 : i32
        %parallel_loop3A_436 = arith.index_cast %parallel_loop3A_435 : i32 to index
        %parallel_loop3A_437 = arith.index_cast %parallel_loop3A_282 : i32 to index
        %parallel_loop3A_438 = arith.constant 176 : index
        %parallel_loop3A_439 = tpu.vector_load %arg18[%parallel_loop3A_436, %parallel_loop3A_437, %parallel_loop3A_438] {strides = array<i32>} : memref<2x4x256xf32, #tpu.memory_space<vmem>>, vector<16xf32>,
        tpu.vector_store %arg18[%parallel_loop3A_436, %parallel_loop3A_437, %parallel_loop3A_438], %parallel_loop3A_434 {strides = array<i32>} : memref<2x4x256xf32, #tpu.memory_space<vmem>>, vector<16xf32>,
        %parallel_loop3A_440 = arith.constant 192 : index
        %parallel_loop3A_441 = tpu.vector_load %arg14[%parallel_loop3A_440] {strides = array<i32>} : memref<256xi32, #tpu.memory_space<vmem>>, vector<16xi32>,
        %parallel_loop3A_442 = arith.constant 1 : i32
        %parallel_loop3A_443 = arith.constant 0 : i32
        %parallel_loop3A_444 = arith.constant 0 : i32
        %parallel_loop3A_445 = tpu.memref_slice %arg11[%parallel_loop3A_442, %parallel_loop3A_443, %parallel_loop3A_444] : memref<2x4x1008xf32, #tpu.memory_space<vmem>> -> memref<1x4x1008xf32, #tpu.memory_space<vmem>>
        %parallel_loop3A_446 = tpu.memref_squeeze %parallel_loop3A_445 : memref<1x4x1008xf32, #tpu.memory_space<vmem>> -> memref<4x1008xf32, #tpu.memory_space<vmem>>
        %parallel_loop3A_447 = tpu.vector_load_idx %parallel_loop3A_446[%parallel_loop3A_283, %parallel_loop3A_441] : memref<4x1008xf32, #tpu.memory_space<vmem>>[vector<16xi32>, vector<16xi32>], vector<16xf32>,
        %parallel_loop3A_448 = arith.constant 1 : i32
        %parallel_loop3A_449 = arith.index_cast %parallel_loop3A_448 : i32 to index
        %parallel_loop3A_450 = arith.index_cast %parallel_loop3A_282 : i32 to index
        %parallel_loop3A_451 = arith.constant 192 : index
        %parallel_loop3A_452 = tpu.vector_load %arg18[%parallel_loop3A_449, %parallel_loop3A_450, %parallel_loop3A_451] {strides = array<i32>} : memref<2x4x256xf32, #tpu.memory_space<vmem>>, vector<16xf32>,
        tpu.vector_store %arg18[%parallel_loop3A_449, %parallel_loop3A_450, %parallel_loop3A_451], %parallel_loop3A_447 {strides = array<i32>} : memref<2x4x256xf32, #tpu.memory_space<vmem>>, vector<16xf32>,
        %parallel_loop3A_453 = arith.constant 208 : index
        %parallel_loop3A_454 = tpu.vector_load %arg14[%parallel_loop3A_453] {strides = array<i32>} : memref<256xi32, #tpu.memory_space<vmem>>, vector<16xi32>,
        %parallel_loop3A_455 = arith.constant 1 : i32
        %parallel_loop3A_456 = arith.constant 0 : i32
        %parallel_loop3A_457 = arith.constant 0 : i32
        %parallel_loop3A_458 = tpu.memref_slice %arg11[%parallel_loop3A_455, %parallel_loop3A_456, %parallel_loop3A_457] : memref<2x4x1008xf32, #tpu.memory_space<vmem>> -> memref<1x4x1008xf32, #tpu.memory_space<vmem>>
        %parallel_loop3A_459 = tpu.memref_squeeze %parallel_loop3A_458 : memref<1x4x1008xf32, #tpu.memory_space<vmem>> -> memref<4x1008xf32, #tpu.memory_space<vmem>>
        %parallel_loop3A_460 = tpu.vector_load_idx %parallel_loop3A_459[%parallel_loop3A_283, %parallel_loop3A_454] : memref<4x1008xf32, #tpu.memory_space<vmem>>[vector<16xi32>, vector<16xi32>], vector<16xf32>,
        %parallel_loop3A_461 = arith.constant 1 : i32
        %parallel_loop3A_462 = arith.index_cast %parallel_loop3A_461 : i32 to index
        %parallel_loop3A_463 = arith.index_cast %parallel_loop3A_282 : i32 to index
        %parallel_loop3A_464 = arith.constant 208 : index
        %parallel_loop3A_465 = tpu.vector_load %arg18[%parallel_loop3A_462, %parallel_loop3A_463, %parallel_loop3A_464] {strides = array<i32>} : memref<2x4x256xf32, #tpu.memory_space<vmem>>, vector<16xf32>,
        tpu.vector_store %arg18[%parallel_loop3A_462, %parallel_loop3A_463, %parallel_loop3A_464], %parallel_loop3A_460 {strides = array<i32>} : memref<2x4x256xf32, #tpu.memory_space<vmem>>, vector<16xf32>,
        %parallel_loop3A_466 = arith.constant 224 : index
        %parallel_loop3A_467 = tpu.vector_load %arg14[%parallel_loop3A_466] {strides = array<i32>} : memref<256xi32, #tpu.memory_space<vmem>>, vector<16xi32>,
        %parallel_loop3A_468 = arith.constant 1 : i32
        %parallel_loop3A_469 = arith.constant 0 : i32
        %parallel_loop3A_470 = arith.constant 0 : i32
        %parallel_loop3A_471 = tpu.memref_slice %arg11[%parallel_loop3A_468, %parallel_loop3A_469, %parallel_loop3A_470] : memref<2x4x1008xf32, #tpu.memory_space<vmem>> -> memref<1x4x1008xf32, #tpu.memory_space<vmem>>
        %parallel_loop3A_472 = tpu.memref_squeeze %parallel_loop3A_471 : memref<1x4x1008xf32, #tpu.memory_space<vmem>> -> memref<4x1008xf32, #tpu.memory_space<vmem>>
        %parallel_loop3A_473 = tpu.vector_load_idx %parallel_loop3A_472[%parallel_loop3A_283, %parallel_loop3A_467] : memref<4x1008xf32, #tpu.memory_space<vmem>>[vector<16xi32>, vector<16xi32>], vector<16xf32>,
        %parallel_loop3A_474 = arith.constant 1 : i32
        %parallel_loop3A_475 = arith.index_cast %parallel_loop3A_474 : i32 to index
        %parallel_loop3A_476 = arith.index_cast %parallel_loop3A_282 : i32 to index
        %parallel_loop3A_477 = arith.constant 224 : index
        %parallel_loop3A_478 = tpu.vector_load %arg18[%parallel_loop3A_475, %parallel_loop3A_476, %parallel_loop3A_477] {strides = array<i32>} : memref<2x4x256xf32, #tpu.memory_space<vmem>>, vector<16xf32>,
        tpu.vector_store %arg18[%parallel_loop3A_475, %parallel_loop3A_476, %parallel_loop3A_477], %parallel_loop3A_473 {strides = array<i32>} : memref<2x4x256xf32, #tpu.memory_space<vmem>>, vector<16xf32>,
        %parallel_loop3A_479 = arith.constant 240 : index
        %parallel_loop3A_480 = tpu.vector_load %arg14[%parallel_loop3A_479] {strides = array<i32>} : memref<256xi32, #tpu.memory_space<vmem>>, vector<16xi32>,
        %parallel_loop3A_481 = arith.constant 1 : i32
        %parallel_loop3A_482 = arith.constant 0 : i32
        %parallel_loop3A_483 = arith.constant 0 : i32
        %parallel_loop3A_484 = tpu.memref_slice %arg11[%parallel_loop3A_481, %parallel_loop3A_482, %parallel_loop3A_483] : memref<2x4x1008xf32, #tpu.memory_space<vmem>> -> memref<1x4x1008xf32, #tpu.memory_space<vmem>>
        %parallel_loop3A_485 = tpu.memref_squeeze %parallel_loop3A_484 : memref<1x4x1008xf32, #tpu.memory_space<vmem>> -> memref<4x1008xf32, #tpu.memory_space<vmem>>
        %parallel_loop3A_486 = tpu.vector_load_idx %parallel_loop3A_485[%parallel_loop3A_283, %parallel_loop3A_480] : memref<4x1008xf32, #tpu.memory_space<vmem>>[vector<16xi32>, vector<16xi32>], vector<16xf32>,
        %parallel_loop3A_487 = arith.constant 1 : i32
        %parallel_loop3A_488 = arith.index_cast %parallel_loop3A_487 : i32 to index
        %parallel_loop3A_489 = arith.index_cast %parallel_loop3A_282 : i32 to index
        %parallel_loop3A_490 = arith.constant 240 : index
        %parallel_loop3A_491 = tpu.vector_load %arg18[%parallel_loop3A_488, %parallel_loop3A_489, %parallel_loop3A_490] {strides = array<i32>} : memref<2x4x256xf32, #tpu.memory_space<vmem>>, vector<16xf32>,
        tpu.vector_store %arg18[%parallel_loop3A_488, %parallel_loop3A_489, %parallel_loop3A_490], %parallel_loop3A_486 {strides = array<i32>} : memref<2x4x256xf32, #tpu.memory_space<vmem>>, vector<16xf32>,
        %parallel_loop3A_492 = arith.constant 0 : index
        %parallel_loop3A_493 = tpu.vector_load %arg15[%parallel_loop3A_492] {strides = array<i32>} : memref<64xi32, #tpu.memory_space<vmem>>, vector<16xi32>,
        %parallel_loop3A_494 = arith.constant 1 : i32
        %parallel_loop3A_495 = arith.constant 0 : i32
        %parallel_loop3A_496 = arith.constant 0 : i32
        %parallel_loop3A_497 = tpu.memref_slice %arg11[%parallel_loop3A_494, %parallel_loop3A_495, %parallel_loop3A_496] : memref<2x4x1008xf32, #tpu.memory_space<vmem>> -> memref<1x4x1008xf32, #tpu.memory_space<vmem>>
        %parallel_loop3A_498 = tpu.memref_squeeze %parallel_loop3A_497 : memref<1x4x1008xf32, #tpu.memory_space<vmem>> -> memref<4x1008xf32, #tpu.memory_space<vmem>>
        %parallel_loop3A_499 = tpu.vector_load_idx %parallel_loop3A_498[%parallel_loop3A_283, %parallel_loop3A_493] : memref<4x1008xf32, #tpu.memory_space<vmem>>[vector<16xi32>, vector<16xi32>], vector<16xf32>,
        %parallel_loop3A_500 = arith.fptosi %parallel_loop3A_499 : vector<16xf32> to vector<16xi32>
        %parallel_loop3A_501 = arith.constant 0 : index
        %parallel_loop3A_502 = tpu.vector_load %arg16[%parallel_loop3A_501] {strides = array<i32>} : memref<64xi32, #tpu.memory_space<vmem>>, vector<16xi32>,
        %parallel_loop3A_503 = tpu.vector_load_idx %arg13[%parallel_loop3A_500, %parallel_loop3A_502] : memref<20x7xf32, #tpu.memory_space<vmem>>[vector<16xi32>, vector<16xi32>], vector<16xf32>,
        %parallel_loop3A_504 = arith.constant 1 : i32
        %parallel_loop3A_505 = arith.index_cast %parallel_loop3A_504 : i32 to index
        %parallel_loop3A_506 = arith.index_cast %parallel_loop3A_282 : i32 to index
        %parallel_loop3A_507 = arith.constant 0 : index
        %parallel_loop3A_508 = tpu.vector_load %arg19[%parallel_loop3A_505, %parallel_loop3A_506, %parallel_loop3A_507] {strides = array<i32>} : memref<2x4x64xf32, #tpu.memory_space<vmem>>, vector<16xf32>,
        tpu.vector_store %arg19[%parallel_loop3A_505, %parallel_loop3A_506, %parallel_loop3A_507], %parallel_loop3A_503 {strides = array<i32>} : memref<2x4x64xf32, #tpu.memory_space<vmem>>, vector<16xf32>,
        %parallel_loop3A_509 = arith.constant 16 : index
        %parallel_loop3A_510 = tpu.vector_load %arg15[%parallel_loop3A_509] {strides = array<i32>} : memref<64xi32, #tpu.memory_space<vmem>>, vector<16xi32>,
        %parallel_loop3A_511 = arith.constant 1 : i32
        %parallel_loop3A_512 = arith.constant 0 : i32
        %parallel_loop3A_513 = arith.constant 0 : i32
        %parallel_loop3A_514 = tpu.memref_slice %arg11[%parallel_loop3A_511, %parallel_loop3A_512, %parallel_loop3A_513] : memref<2x4x1008xf32, #tpu.memory_space<vmem>> -> memref<1x4x1008xf32, #tpu.memory_space<vmem>>
        %parallel_loop3A_515 = tpu.memref_squeeze %parallel_loop3A_514 : memref<1x4x1008xf32, #tpu.memory_space<vmem>> -> memref<4x1008xf32, #tpu.memory_space<vmem>>
        %parallel_loop3A_516 = tpu.vector_load_idx %parallel_loop3A_515[%parallel_loop3A_283, %parallel_loop3A_510] : memref<4x1008xf32, #tpu.memory_space<vmem>>[vector<16xi32>, vector<16xi32>], vector<16xf32>,
        %parallel_loop3A_517 = arith.fptosi %parallel_loop3A_516 : vector<16xf32> to vector<16xi32>
        %parallel_loop3A_518 = arith.constant 16 : index
        %parallel_loop3A_519 = tpu.vector_load %arg16[%parallel_loop3A_518] {strides = array<i32>} : memref<64xi32, #tpu.memory_space<vmem>>, vector<16xi32>,
        %parallel_loop3A_520 = tpu.vector_load_idx %arg13[%parallel_loop3A_517, %parallel_loop3A_519] : memref<20x7xf32, #tpu.memory_space<vmem>>[vector<16xi32>, vector<16xi32>], vector<16xf32>,
        %parallel_loop3A_521 = arith.constant 1 : i32
        %parallel_loop3A_522 = arith.index_cast %parallel_loop3A_521 : i32 to index
        %parallel_loop3A_523 = arith.index_cast %parallel_loop3A_282 : i32 to index
        %parallel_loop3A_524 = arith.constant 16 : index
        %parallel_loop3A_525 = tpu.vector_load %arg19[%parallel_loop3A_522, %parallel_loop3A_523, %parallel_loop3A_524] {strides = array<i32>} : memref<2x4x64xf32, #tpu.memory_space<vmem>>, vector<16xf32>,
        tpu.vector_store %arg19[%parallel_loop3A_522, %parallel_loop3A_523, %parallel_loop3A_524], %parallel_loop3A_520 {strides = array<i32>} : memref<2x4x64xf32, #tpu.memory_space<vmem>>, vector<16xf32>,
        %parallel_loop3A_526 = arith.constant 32 : index
        %parallel_loop3A_527 = tpu.vector_load %arg15[%parallel_loop3A_526] {strides = array<i32>} : memref<64xi32, #tpu.memory_space<vmem>>, vector<16xi32>,
        %parallel_loop3A_528 = arith.constant 1 : i32
        %parallel_loop3A_529 = arith.constant 0 : i32
        %parallel_loop3A_530 = arith.constant 0 : i32
        %parallel_loop3A_531 = tpu.memref_slice %arg11[%parallel_loop3A_528, %parallel_loop3A_529, %parallel_loop3A_530] : memref<2x4x1008xf32, #tpu.memory_space<vmem>> -> memref<1x4x1008xf32, #tpu.memory_space<vmem>>
        %parallel_loop3A_532 = tpu.memref_squeeze %parallel_loop3A_531 : memref<1x4x1008xf32, #tpu.memory_space<vmem>> -> memref<4x1008xf32, #tpu.memory_space<vmem>>
        %parallel_loop3A_533 = tpu.vector_load_idx %parallel_loop3A_532[%parallel_loop3A_283, %parallel_loop3A_527] : memref<4x1008xf32, #tpu.memory_space<vmem>>[vector<16xi32>, vector<16xi32>], vector<16xf32>,
        %parallel_loop3A_534 = arith.fptosi %parallel_loop3A_533 : vector<16xf32> to vector<16xi32>
        %parallel_loop3A_535 = arith.constant 32 : index
        %parallel_loop3A_536 = tpu.vector_load %arg16[%parallel_loop3A_535] {strides = array<i32>} : memref<64xi32, #tpu.memory_space<vmem>>, vector<16xi32>,
        %parallel_loop3A_537 = tpu.vector_load_idx %arg13[%parallel_loop3A_534, %parallel_loop3A_536] : memref<20x7xf32, #tpu.memory_space<vmem>>[vector<16xi32>, vector<16xi32>], vector<16xf32>,
        %parallel_loop3A_538 = arith.constant 1 : i32
        %parallel_loop3A_539 = arith.index_cast %parallel_loop3A_538 : i32 to index
        %parallel_loop3A_540 = arith.index_cast %parallel_loop3A_282 : i32 to index
        %parallel_loop3A_541 = arith.constant 32 : index
        %parallel_loop3A_542 = tpu.vector_load %arg19[%parallel_loop3A_539, %parallel_loop3A_540, %parallel_loop3A_541] {strides = array<i32>} : memref<2x4x64xf32, #tpu.memory_space<vmem>>, vector<16xf32>,
        tpu.vector_store %arg19[%parallel_loop3A_539, %parallel_loop3A_540, %parallel_loop3A_541], %parallel_loop3A_537 {strides = array<i32>} : memref<2x4x64xf32, #tpu.memory_space<vmem>>, vector<16xf32>,
        %parallel_loop3A_543 = arith.constant 48 : index
        %parallel_loop3A_544 = tpu.vector_load %arg15[%parallel_loop3A_543] {strides = array<i32>} : memref<64xi32, #tpu.memory_space<vmem>>, vector<16xi32>,
        %parallel_loop3A_545 = arith.constant 1 : i32
        %parallel_loop3A_546 = arith.constant 0 : i32
        %parallel_loop3A_547 = arith.constant 0 : i32
        %parallel_loop3A_548 = tpu.memref_slice %arg11[%parallel_loop3A_545, %parallel_loop3A_546, %parallel_loop3A_547] : memref<2x4x1008xf32, #tpu.memory_space<vmem>> -> memref<1x4x1008xf32, #tpu.memory_space<vmem>>
        %parallel_loop3A_549 = tpu.memref_squeeze %parallel_loop3A_548 : memref<1x4x1008xf32, #tpu.memory_space<vmem>> -> memref<4x1008xf32, #tpu.memory_space<vmem>>
        %parallel_loop3A_550 = tpu.vector_load_idx %parallel_loop3A_549[%parallel_loop3A_283, %parallel_loop3A_544] : memref<4x1008xf32, #tpu.memory_space<vmem>>[vector<16xi32>, vector<16xi32>], vector<16xf32>,
        %parallel_loop3A_551 = arith.fptosi %parallel_loop3A_550 : vector<16xf32> to vector<16xi32>
        %parallel_loop3A_552 = arith.constant 48 : index
        %parallel_loop3A_553 = tpu.vector_load %arg16[%parallel_loop3A_552] {strides = array<i32>} : memref<64xi32, #tpu.memory_space<vmem>>, vector<16xi32>,
        %parallel_loop3A_554 = tpu.vector_load_idx %arg13[%parallel_loop3A_551, %parallel_loop3A_553] : memref<20x7xf32, #tpu.memory_space<vmem>>[vector<16xi32>, vector<16xi32>], vector<16xf32>,
        %parallel_loop3A_555 = arith.constant 1 : i32
        %parallel_loop3A_556 = arith.index_cast %parallel_loop3A_555 : i32 to index
        %parallel_loop3A_557 = arith.index_cast %parallel_loop3A_282 : i32 to index
        %parallel_loop3A_558 = arith.constant 48 : index
        %parallel_loop3A_559 = tpu.vector_load %arg19[%parallel_loop3A_556, %parallel_loop3A_557, %parallel_loop3A_558] {strides = array<i32>} : memref<2x4x64xf32, #tpu.memory_space<vmem>>, vector<16xf32>,
        tpu.vector_store %arg19[%parallel_loop3A_556, %parallel_loop3A_557, %parallel_loop3A_558], %parallel_loop3A_554 {strides = array<i32>} : memref<2x4x64xf32, #tpu.memory_space<vmem>>, vector<16xf32>,
      } {sc.loop_unroll_factor = 2 : i64, sc.parallel_access}
      %dma_start3A_232 = arith.constant 1 : i32
      %dma_start3A_233 = arith.constant 0 : i32
      %dma_start3A_234 = arith.constant 0 : i32
      %dma_start3A_235 = arith.constant 0 : i32
      %dma_start3A_236 = tpu.memref_slice %arg17[%dma_start3A_232, %dma_start3A_233, %dma_start3A_234, %dma_start3A_235] : memref<2x4x14x512xf32, #tpu.memory_space<vmem>> -> memref<1x4x14x504xf32, #tpu.memory_space<vmem>>
      %dma_start3A_237 = tpu.memref_squeeze %dma_start3A_236 : memref<1x4x14x504xf32, #tpu.memory_space<vmem>> -> memref<4x14x504xf32, #tpu.memory_space<vmem>>
      %dma_start3A_238 = arith.constant 0 : i32
      %dma_start3A_239 = arith.constant 0 : i32
      %dma_start3A_240 = tpu.memref_slice %arg8[%add3A_207, %dma_start3A_238, %dma_start3A_239] : memref<16384x14x504xf32, #tpu.memory_space<hbm>> -> memref<4x14x504xf32, #tpu.memory_space<hbm>>
      %dma_start3A_241 = arith.constant 0 : i32
      %dma_start3A_242 = arith.constant 0 : i32
      %dma_start3A_243 = tpu.memref_slice %arg8[%add3A_207, %dma_start3A_241, %dma_start3A_242] : memref<16384x14x504xf32, #tpu.memory_space<hbm>> -> memref<4x14x504xf32, #tpu.memory_space<hbm>>
      %dma_start3A_244 = arith.constant 0 : i32
      %dma_start3A_245 = arith.constant 0 : i32
      %dma_start3A_246 = arith.constant 0 : i32
      %dma_start3A_247 = tpu.memref_slice %arg17[%dma_start3A_232, %dma_start3A_244, %dma_start3A_245, %dma_start3A_246] : memref<2x4x14x512xf32, #tpu.memory_space<vmem>> -> memref<1x4x14x504xf32, #tpu.memory_space<vmem>>
      %dma_start3A_248 = tpu.memref_squeeze %dma_start3A_247 : memref<1x4x14x504xf32, #tpu.memory_space<vmem>> -> memref<4x14x504xf32, #tpu.memory_space<vmem>>
      tpu.enqueue_dma source(%dma_start3A_248 : memref<4x14x504xf32, #tpu.memory_space<vmem>>) target(%dma_start3A_243 : memref<4x14x504xf32, #tpu.memory_space<hbm>>) target_semaphore(%arg23 : memref<!tpu.dma_semaphore, #tpu.memory_space<semaphore_mem>>)
      %dma_start3A_249 = arith.constant 1 : i32
      %dma_start3A_250 = arith.constant 0 : i32
      %dma_start3A_251 = arith.constant 0 : i32
      %dma_start3A_252 = tpu.memref_slice %arg18[%dma_start3A_249, %dma_start3A_250, %dma_start3A_251] : memref<2x4x256xf32, #tpu.memory_space<vmem>> -> memref<1x4x248xf32, #tpu.memory_space<vmem>>
      %dma_start3A_253 = tpu.memref_squeeze %dma_start3A_252 : memref<1x4x248xf32, #tpu.memory_space<vmem>> -> memref<4x248xf32, #tpu.memory_space<vmem>>
      %dma_start3A_254 = arith.constant 0 : i32
      %dma_start3A_255 = tpu.memref_slice %arg9[%add3A_207, %dma_start3A_254] : memref<16384x248xf32, #tpu.memory_space<hbm>> -> memref<4x248xf32, #tpu.memory_space<hbm>>
      %dma_start3A_256 = arith.constant 0 : i32
      %dma_start3A_257 = tpu.memref_slice %arg9[%add3A_207, %dma_start3A_256] : memref<16384x248xf32, #tpu.memory_space<hbm>> -> memref<4x248xf32, #tpu.memory_space<hbm>>
      %dma_start3A_258 = arith.constant 0 : i32
      %dma_start3A_259 = arith.constant 0 : i32
      %dma_start3A_260 = tpu.memref_slice %arg18[%dma_start3A_249, %dma_start3A_258, %dma_start3A_259] : memref<2x4x256xf32, #tpu.memory_space<vmem>> -> memref<1x4x248xf32, #tpu.memory_space<vmem>>
      %dma_start3A_261 = tpu.memref_squeeze %dma_start3A_260 : memref<1x4x248xf32, #tpu.memory_space<vmem>> -> memref<4x248xf32, #tpu.memory_space<vmem>>
      tpu.enqueue_dma source(%dma_start3A_261 : memref<4x248xf32, #tpu.memory_space<vmem>>) target(%dma_start3A_257 : memref<4x248xf32, #tpu.memory_space<hbm>>) target_semaphore(%arg25 : memref<!tpu.dma_semaphore, #tpu.memory_space<semaphore_mem>>)
      %dma_start3A_262 = arith.constant 1 : i32
      %dma_start3A_263 = arith.constant 0 : i32
      %dma_start3A_264 = arith.constant 0 : i32
      %dma_start3A_265 = tpu.memref_slice %arg19[%dma_start3A_262, %dma_start3A_263, %dma_start3A_264] : memref<2x4x64xf32, #tpu.memory_space<vmem>> -> memref<1x4x56xf32, #tpu.memory_space<vmem>>
      %dma_start3A_266 = tpu.memref_squeeze %dma_start3A_265 : memref<1x4x56xf32, #tpu.memory_space<vmem>> -> memref<4x56xf32, #tpu.memory_space<vmem>>
      %dma_start3A_267 = arith.constant 0 : i32
      %dma_start3A_268 = tpu.memref_slice %arg10[%add3A_207, %dma_start3A_267] : memref<16384x56xf32, #tpu.memory_space<hbm>> -> memref<4x56xf32, #tpu.memory_space<hbm>>
      %dma_start3A_269 = arith.constant 0 : i32
      %dma_start3A_270 = tpu.memref_slice %arg10[%add3A_207, %dma_start3A_269] : memref<16384x56xf32, #tpu.memory_space<hbm>> -> memref<4x56xf32, #tpu.memory_space<hbm>>
      %dma_start3A_271 = arith.constant 0 : i32
      %dma_start3A_272 = arith.constant 0 : i32
      %dma_start3A_273 = tpu.memref_slice %arg19[%dma_start3A_262, %dma_start3A_271, %dma_start3A_272] : memref<2x4x64xf32, #tpu.memory_space<vmem>> -> memref<1x4x56xf32, #tpu.memory_space<vmem>>
      %dma_start3A_274 = tpu.memref_squeeze %dma_start3A_273 : memref<1x4x56xf32, #tpu.memory_space<vmem>> -> memref<4x56xf32, #tpu.memory_space<vmem>>
      tpu.enqueue_dma source(%dma_start3A_274 : memref<4x56xf32, #tpu.memory_space<vmem>>) target(%dma_start3A_270 : memref<4x56xf32, #tpu.memory_space<hbm>>) target_semaphore(%arg27 : memref<!tpu.dma_semaphore, #tpu.memory_space<semaphore_mem>>)
      %add3A_275 = arith.constant 2 : i32
      %add3A_276 = arith.addi %add3A_204, %add3A_275 : i32
      %lt3A_277 = arith.constant 128 : i32
      %lt3A_278 = arith.cmpi slt, %add3A_276, %lt3A_277 : i32
      %convert_element_type3A_279 = arith.extui %lt3A_278 : i1 to i32
      %cond3A_280 = arith.constant 0 : i32
      %cond3A_281 = arith.cmpi ne, %convert_element_type3A_279, %cond3A_280 : i32
      scf.if %cond3A_281 {
        %add3A_282 = arith.constant 8 : i32
        %add3A_283 = arith.addi %add3A_207, %add3A_282 : i32
        %dma_start3A_284 = arith.constant 1 : i32
        %dma_start3A_285 = arith.constant 0 : i32
        %dma_start3A_286 = arith.constant 0 : i32
        %dma_start3A_287 = tpu.memref_slice %arg11[%dma_start3A_284, %dma_start3A_285, %dma_start3A_286] : memref<2x4x1008xf32, #tpu.memory_space<vmem>> -> memref<1x4x1008xf32, #tpu.memory_space<vmem>>
        %dma_start3A_288 = tpu.memref_squeeze %dma_start3A_287 : memref<1x4x1008xf32, #tpu.memory_space<vmem>> -> memref<4x1008xf32, #tpu.memory_space<vmem>>
        %dma_start3A_289 = arith.constant 0 : i32
        %dma_start3A_290 = tpu.memref_slice %arg2[%add3A_283, %dma_start3A_289] : memref<16384x1008xf32, #tpu.memory_space<hbm>> -> memref<4x1008xf32, #tpu.memory_space<hbm>>
        %dma_start3A_291 = arith.constant 0 : i32
        %dma_start3A_292 = arith.constant 0 : i32
        %dma_start3A_293 = tpu.memref_slice %arg11[%dma_start3A_284, %dma_start3A_291, %dma_start3A_292] : memref<2x4x1008xf32, #tpu.memory_space<vmem>> -> memref<1x4x1008xf32, #tpu.memory_space<vmem>>
        %dma_start3A_294 = tpu.memref_squeeze %dma_start3A_293 : memref<1x4x1008xf32, #tpu.memory_space<vmem>> -> memref<4x1008xf32, #tpu.memory_space<vmem>>
        %dma_start3A_295 = arith.constant 0 : i32
        %dma_start3A_296 = tpu.memref_slice %arg2[%add3A_283, %dma_start3A_295] : memref<16384x1008xf32, #tpu.memory_space<hbm>> -> memref<4x1008xf32, #tpu.memory_space<hbm>>
        tpu.enqueue_dma source(%dma_start3A_296 : memref<4x1008xf32, #tpu.memory_space<hbm>>) target(%dma_start3A_294 : memref<4x1008xf32, #tpu.memory_space<vmem>>) target_semaphore(%arg21 : memref<!tpu.dma_semaphore, #tpu.memory_space<semaphore_mem>>)
      } else {
      }
    }
    %scan3A_34 = arith.constant 64 : i32
    %add3A_35 = arith.constant 504 : i32
    %add3A_36 = arith.addi %mul3A_2, %add3A_35 : i32
    %dma_wait3A = arith.constant 0 : i32
    %dma_wait3A_37 = arith.constant 0 : i32
    %dma_wait3A_38 = arith.constant 0 : i32
    %dma_wait3A_39 = arith.constant 0 : i32
    %dma_wait3A_40 = tpu.memref_slice %arg17[%dma_wait3A, %dma_wait3A_37, %dma_wait3A_38, %dma_wait3A_39] : memref<2x4x14x512xf32, #tpu.memory_space<vmem>> -> memref<1x4x14x504xf32, #tpu.memory_space<vmem>>
    %dma_wait3A_41 = tpu.memref_squeeze %dma_wait3A_40 : memref<1x4x14x504xf32, #tpu.memory_space<vmem>> -> memref<4x14x504xf32, #tpu.memory_space<vmem>>
    %dma_wait3A_42 = arith.constant 0 : i32
    %dma_wait3A_43 = arith.constant 0 : i32
    %dma_wait3A_44 = tpu.memref_slice %arg8[%add3A_36, %dma_wait3A_42, %dma_wait3A_43] : memref<16384x14x504xf32, #tpu.memory_space<hbm>> -> memref<4x14x504xf32, #tpu.memory_space<hbm>>
    %dma_wait3A_45 = arith.constant 0 : i32
    %dma_wait3A_46 = arith.constant 0 : i32
    %dma_wait3A_47 = tpu.memref_slice %arg8[%add3A_36, %dma_wait3A_45, %dma_wait3A_46] : memref<16384x14x504xf32, #tpu.memory_space<hbm>> -> memref<4x14x504xf32, #tpu.memory_space<hbm>>
    %dma_wait3A_48 = arith.constant 0 : i32
    %dma_wait3A_49 = arith.constant 0 : i32
    %dma_wait3A_50 = arith.constant 0 : i32
    %dma_wait3A_51 = tpu.memref_slice %arg17[%dma_wait3A, %dma_wait3A_48, %dma_wait3A_49, %dma_wait3A_50] : memref<2x4x14x512xf32, #tpu.memory_space<vmem>> -> memref<1x4x14x504xf32, #tpu.memory_space<vmem>>
    %dma_wait3A_52 = tpu.memref_squeeze %dma_wait3A_51 : memref<1x4x14x504xf32, #tpu.memory_space<vmem>> -> memref<4x14x504xf32, #tpu.memory_space<vmem>>
    tpu.wait_dma2 semaphore(%arg22 : memref<!tpu.dma_semaphore, #tpu.memory_space<semaphore_mem>>) src(%dma_wait3A_52 : memref<4x14x504xf32, #tpu.memory_space<vmem>>) dst(%dma_wait3A_47 : memref<4x14x504xf32, #tpu.memory_space<hbm>>)
    %dma_wait3A_53 = arith.constant 0 : i32
    %dma_wait3A_54 = arith.constant 0 : i32
    %dma_wait3A_55 = arith.constant 0 : i32
    %dma_wait3A_56 = tpu.memref_slice %arg18[%dma_wait3A_53, %dma_wait3A_54, %dma_wait3A_55] : memref<2x4x256xf32, #tpu.memory_space<vmem>> -> memref<1x4x248xf32, #tpu.memory_space<vmem>>
    %dma_wait3A_57 = tpu.memref_squeeze %dma_wait3A_56 : memref<1x4x248xf32, #tpu.memory_space<vmem>> -> memref<4x248xf32, #tpu.memory_space<vmem>>
    %dma_wait3A_58 = arith.constant 0 : i32
    %dma_wait3A_59 = tpu.memref_slice %arg9[%add3A_36, %dma_wait3A_58] : memref<16384x248xf32, #tpu.memory_space<hbm>> -> memref<4x248xf32, #tpu.memory_space<hbm>>
    %dma_wait3A_60 = arith.constant 0 : i32
    %dma_wait3A_61 = tpu.memref_slice %arg9[%add3A_36, %dma_wait3A_60] : memref<16384x248xf32, #tpu.memory_space<hbm>> -> memref<4x248xf32, #tpu.memory_space<hbm>>
    %dma_wait3A_62 = arith.constant 0 : i32
    %dma_wait3A_63 = arith.constant 0 : i32
    %dma_wait3A_64 = tpu.memref_slice %arg18[%dma_wait3A_53, %dma_wait3A_62, %dma_wait3A_63] : memref<2x4x256xf32, #tpu.memory_space<vmem>> -> memref<1x4x248xf32, #tpu.memory_space<vmem>>
    %dma_wait3A_65 = tpu.memref_squeeze %dma_wait3A_64 : memref<1x4x248xf32, #tpu.memory_space<vmem>> -> memref<4x248xf32, #tpu.memory_space<vmem>>
    tpu.wait_dma2 semaphore(%arg24 : memref<!tpu.dma_semaphore, #tpu.memory_space<semaphore_mem>>) src(%dma_wait3A_65 : memref<4x248xf32, #tpu.memory_space<vmem>>) dst(%dma_wait3A_61 : memref<4x248xf32, #tpu.memory_space<hbm>>)
    %dma_wait3A_66 = arith.constant 0 : i32
    %dma_wait3A_67 = arith.constant 0 : i32
    %dma_wait3A_68 = arith.constant 0 : i32
    %dma_wait3A_69 = tpu.memref_slice %arg19[%dma_wait3A_66, %dma_wait3A_67, %dma_wait3A_68] : memref<2x4x64xf32, #tpu.memory_space<vmem>> -> memref<1x4x56xf32, #tpu.memory_space<vmem>>
    %dma_wait3A_70 = tpu.memref_squeeze %dma_wait3A_69 : memref<1x4x56xf32, #tpu.memory_space<vmem>> -> memref<4x56xf32, #tpu.memory_space<vmem>>
    %dma_wait3A_71 = arith.constant 0 : i32
    %dma_wait3A_72 = tpu.memref_slice %arg10[%add3A_36, %dma_wait3A_71] : memref<16384x56xf32, #tpu.memory_space<hbm>> -> memref<4x56xf32, #tpu.memory_space<hbm>>
    %dma_wait3A_73 = arith.constant 0 : i32
    %dma_wait3A_74 = tpu.memref_slice %arg10[%add3A_36, %dma_wait3A_73] : memref<16384x56xf32, #tpu.memory_space<hbm>> -> memref<4x56xf32, #tpu.memory_space<hbm>>
    %dma_wait3A_75 = arith.constant 0 : i32
    %dma_wait3A_76 = arith.constant 0 : i32
    %dma_wait3A_77 = tpu.memref_slice %arg19[%dma_wait3A_66, %dma_wait3A_75, %dma_wait3A_76] : memref<2x4x64xf32, #tpu.memory_space<vmem>> -> memref<1x4x56xf32, #tpu.memory_space<vmem>>
    %dma_wait3A_78 = tpu.memref_squeeze %dma_wait3A_77 : memref<1x4x56xf32, #tpu.memory_space<vmem>> -> memref<4x56xf32, #tpu.memory_space<vmem>>
    tpu.wait_dma2 semaphore(%arg26 : memref<!tpu.dma_semaphore, #tpu.memory_space<semaphore_mem>>) src(%dma_wait3A_78 : memref<4x56xf32, #tpu.memory_space<vmem>>) dst(%dma_wait3A_74 : memref<4x56xf32, #tpu.memory_space<hbm>>)
    %add3A_79 = arith.constant 508 : i32
    %add3A_80 = arith.addi %mul3A_2, %add3A_79 : i32
    %dma_wait3A_81 = arith.constant 1 : i32
    %dma_wait3A_82 = arith.constant 0 : i32
    %dma_wait3A_83 = arith.constant 0 : i32
    %dma_wait3A_84 = arith.constant 0 : i32
    %dma_wait3A_85 = tpu.memref_slice %arg17[%dma_wait3A_81, %dma_wait3A_82, %dma_wait3A_83, %dma_wait3A_84] : memref<2x4x14x512xf32, #tpu.memory_space<vmem>> -> memref<1x4x14x504xf32, #tpu.memory_space<vmem>>
    %dma_wait3A_86 = tpu.memref_squeeze %dma_wait3A_85 : memref<1x4x14x504xf32, #tpu.memory_space<vmem>> -> memref<4x14x504xf32, #tpu.memory_space<vmem>>
    %dma_wait3A_87 = arith.constant 0 : i32
    %dma_wait3A_88 = arith.constant 0 : i32
    %dma_wait3A_89 = tpu.memref_slice %arg8[%add3A_80, %dma_wait3A_87, %dma_wait3A_88] : memref<16384x14x504xf32, #tpu.memory_space<hbm>> -> memref<4x14x504xf32, #tpu.memory_space<hbm>>
    %dma_wait3A_90 = arith.constant 0 : i32
    %dma_wait3A_91 = arith.constant 0 : i32
    %dma_wait3A_92 = tpu.memref_slice %arg8[%add3A_80, %dma_wait3A_90, %dma_wait3A_91] : memref<16384x14x504xf32, #tpu.memory_space<hbm>> -> memref<4x14x504xf32, #tpu.memory_space<hbm>>
    %dma_wait3A_93 = arith.constant 0 : i32
    %dma_wait3A_94 = arith.constant 0 : i32
    %dma_wait3A_95 = arith.constant 0 : i32
    %dma_wait3A_96 = tpu.memref_slice %arg17[%dma_wait3A_81, %dma_wait3A_93, %dma_wait3A_94, %dma_wait3A_95] : memref<2x4x14x512xf32, #tpu.memory_space<vmem>> -> memref<1x4x14x504xf32, #tpu.memory_space<vmem>>
    %dma_wait3A_97 = tpu.memref_squeeze %dma_wait3A_96 : memref<1x4x14x504xf32, #tpu.memory_space<vmem>> -> memref<4x14x504xf32, #tpu.memory_space<vmem>>
    tpu.wait_dma2 semaphore(%arg23 : memref<!tpu.dma_semaphore, #tpu.memory_space<semaphore_mem>>) src(%dma_wait3A_97 : memref<4x14x504xf32, #tpu.memory_space<vmem>>) dst(%dma_wait3A_92 : memref<4x14x504xf32, #tpu.memory_space<hbm>>)
    %dma_wait3A_98 = arith.constant 1 : i32
    %dma_wait3A_99 = arith.constant 0 : i32
    %dma_wait3A_100 = arith.constant 0 : i32
    %dma_wait3A_101 = tpu.memref_slice %arg18[%dma_wait3A_98, %dma_wait3A_99, %dma_wait3A_100] : memref<2x4x256xf32, #tpu.memory_space<vmem>> -> memref<1x4x248xf32, #tpu.memory_space<vmem>>
    %dma_wait3A_102 = tpu.memref_squeeze %dma_wait3A_101 : memref<1x4x248xf32, #tpu.memory_space<vmem>> -> memref<4x248xf32, #tpu.memory_space<vmem>>
    %dma_wait3A_103 = arith.constant 0 : i32
    %dma_wait3A_104 = tpu.memref_slice %arg9[%add3A_80, %dma_wait3A_103] : memref<16384x248xf32, #tpu.memory_space<hbm>> -> memref<4x248xf32, #tpu.memory_space<hbm>>
    %dma_wait3A_105 = arith.constant 0 : i32
    %dma_wait3A_106 = tpu.memref_slice %arg9[%add3A_80, %dma_wait3A_105] : memref<16384x248xf32, #tpu.memory_space<hbm>> -> memref<4x248xf32, #tpu.memory_space<hbm>>
    %dma_wait3A_107 = arith.constant 0 : i32
    %dma_wait3A_108 = arith.constant 0 : i32
    %dma_wait3A_109 = tpu.memref_slice %arg18[%dma_wait3A_98, %dma_wait3A_107, %dma_wait3A_108] : memref<2x4x256xf32, #tpu.memory_space<vmem>> -> memref<1x4x248xf32, #tpu.memory_space<vmem>>
    %dma_wait3A_110 = tpu.memref_squeeze %dma_wait3A_109 : memref<1x4x248xf32, #tpu.memory_space<vmem>> -> memref<4x248xf32, #tpu.memory_space<vmem>>
    tpu.wait_dma2 semaphore(%arg25 : memref<!tpu.dma_semaphore, #tpu.memory_space<semaphore_mem>>) src(%dma_wait3A_110 : memref<4x248xf32, #tpu.memory_space<vmem>>) dst(%dma_wait3A_106 : memref<4x248xf32, #tpu.memory_space<hbm>>)
    %dma_wait3A_111 = arith.constant 1 : i32
    %dma_wait3A_112 = arith.constant 0 : i32
    %dma_wait3A_113 = arith.constant 0 : i32
    %dma_wait3A_114 = tpu.memref_slice %arg19[%dma_wait3A_111, %dma_wait3A_112, %dma_wait3A_113] : memref<2x4x64xf32, #tpu.memory_space<vmem>> -> memref<1x4x56xf32, #tpu.memory_space<vmem>>
    %dma_wait3A_115 = tpu.memref_squeeze %dma_wait3A_114 : memref<1x4x56xf32, #tpu.memory_space<vmem>> -> memref<4x56xf32, #tpu.memory_space<vmem>>
    %dma_wait3A_116 = arith.constant 0 : i32
    %dma_wait3A_117 = tpu.memref_slice %arg10[%add3A_80, %dma_wait3A_116] : memref<16384x56xf32, #tpu.memory_space<hbm>> -> memref<4x56xf32, #tpu.memory_space<hbm>>
    %dma_wait3A_118 = arith.constant 0 : i32
    %dma_wait3A_119 = tpu.memref_slice %arg10[%add3A_80, %dma_wait3A_118] : memref<16384x56xf32, #tpu.memory_space<hbm>> -> memref<4x56xf32, #tpu.memory_space<hbm>>
    %dma_wait3A_120 = arith.constant 0 : i32
    %dma_wait3A_121 = arith.constant 0 : i32
    %dma_wait3A_122 = tpu.memref_slice %arg19[%dma_wait3A_111, %dma_wait3A_120, %dma_wait3A_121] : memref<2x4x64xf32, #tpu.memory_space<vmem>> -> memref<1x4x56xf32, #tpu.memory_space<vmem>>
    %dma_wait3A_123 = tpu.memref_squeeze %dma_wait3A_122 : memref<1x4x56xf32, #tpu.memory_space<vmem>> -> memref<4x56xf32, #tpu.memory_space<vmem>>
    tpu.wait_dma2 semaphore(%arg27 : memref<!tpu.dma_semaphore, #tpu.memory_space<semaphore_mem>>) src(%dma_wait3A_123 : memref<4x56xf32, #tpu.memory_space<vmem>>) dst(%dma_wait3A_119 : memref<4x56xf32, #tpu.memory_space<hbm>>)
    return
  }
}

</mosaic_0001>

<sc_bundles>
// kernel: kernel.3.cloned.1.call-start
scs
__scs_entry_jumppad:
0x0: {  	(pc) =	sbr.rel $0x88, $3  }
0x1: {  	(tag) =	ssettag $0x0;
	lr =	simm.s32 $0x1  }
0x2: {  	[smem:$0x3F9E] =	sst lr;
	_ =	strace $0xD0000000  }
0x3: {  	_ = 	snop  }
0x4: {  	_ = 	snop  }
0x5: {  	_ = 	snop  }
0x6: {  	_ = 	snop  }
0x7: {  	_ = 	snop  }
__scs_overlays_trampoline_lowered:
0x8: {  	[smem:$0x3FAD] =	sst s0  }
0x9: {  	[smem:$0x3FAE] =	sst s1  }
0xa: {  	[smem:$0x3FAF] =	sst s2  }
0xb: {  	[smem:$0x3FB0] =	sst s3  }
0xc: {  	[smem:$0x3FB1] =	sst s4  }
0xd: {  	[smem:$0x3FB2] =	sst s5  }
0xe: {  	[smem:$0x3FB3] =	sst s6  }
0xf: {  	[smem:$0x3FB4] =	sst s7  }
0x10: {  	[smem:$0x3FB5] =	sst s8  }
0x11: {  	[smem:$0x3FB6] =	sst s9;
	s0 =	simm.s32 @!p0 $0x0  }
0x12: {  	s1 =	sld [smem:$0x3F9C];
	s0 =	simm.s32 @p0 $0x1  }
0x13: {  	[smem:$0x3FB7] =	sst s0;
	s0 =	simm.s32 @!p1 $0x0  }
0x14: {  	s2 =	sld [smem:$0x3F9B];
	s0 =	simm.s32 @p1 $0x1  }
0x15: {  	[smem:$0x3FB8] =	sst s0;
	s0 =	simm.s32 @!p2 $0x0  }
0x16: {  	s3 =	sld [smem:$0x3FDB];
	s0 =	simm.s32 @p2 $0x1  }
0x17: {  	s4 =	simm.s32 $0x1BF5;
	[smem:$0x3FBA] =	sst s0  }
0x18: {  	s0 =	sld [smem:$0x3F9D];
	_ =	swait.ge [sflag:s4], $0x0  }
0x19: {  	s7 =	sld [smem:$0x3F9E]  }
0x1a: {  	s8 =	sadd.s32 $0xFFFFE003, lr  }
0x1b: {  	s9 =	sadd.s32 $0xFFFFFEF7, lr;
	s5 =	simm.s32 $0xFFFFFFFF;
	p2 =	slt.u32 s8, $0xFFFFF086  }
0x1c: {  	p1 =	slt.u32 s9, $0xF7A;
	s5 =	simm.s32 @!p2 $0x0  }
0x1d: {  	s5 =	simm.s32 @p1 $0x1;
	p0 =	seq.s32 s7, s2  }
0x1e: {  	s7 =	smul.u32 @!p0 $0xF7A, s2;
	p2 =	seq.s32 @!p0 s5, $0x0  }
0x1f: {  	s9 =	smul.u32 $0xF7A, s1;
	s8 =	simm.s32 @!p0 $0x1BF5;
	p2 =	por !p2, p0  }
0x20: {  	[sflag:s8] =	ssyncset.s32 @!p0 $0xFFFFF086;
	s6 =	sadd.s32 @!p0 s3, s7;
	s7 =	simm.s32 @!p0 $0x108  }
0x21: {  	s3 =	sadd.s32 s3, s9;
	s6 =	sadd.s32 @!p0 $0x88, s6;
	s7 =	simm.s32 @p2 $0x1082  }
0x22: {  	[simem:s7], [sflag:s8] =	dma.local @!p0 [hbm:s6], $0xF7A  }
0x23: {  	s9 =	sor.u32 $0xD0000000, s2;
	s6 =	simm.s32 $0x108;
	_ =	swait.ge @!p0 [sflag:s8], $0x0  }
0x24: {  	s3 =	sadd.s32 $0x88, s3;
	s6 =	simm.s32 @!p1 $0x1082;
	[sflag:s4] =	ssyncset.s32 $0xFFFFF086  }
0x25: {  	[simem:s6], [sflag:s4] =	dma.local [hbm:s3], $0xF7A  }
0x26: {  	[smem:$0x3F9E] =	sst s1;
	(tag) =	ssettag s2;
	_ =	strace s9  }
0x27: {  	s1 =	sld [smem:$0x3FAE]  }
0x28: {  	s2 =	sld [smem:$0x3FAF]  }
0x29: {  	s4 =	sld [smem:$0x3FB1]  }
0x2a: {  	p0 =	seq.s32 s5, $0x0;
	s5 =	sld [smem:$0x3FB2]  }
0x2b: {  	s6 =	sld [smem:$0x3FB3]  }
0x2c: {  	s7 =	sld [smem:$0x3FB4]  }
0x2d: {  	s3 =	simm.s32 $0x108;
	s8 =	sld [smem:$0x3FB5]  }
0x2e: {  	s3 =	simm.s32 @!p0 $0x1082;
	s9 =	sld [smem:$0x3FB6]  }
0x2f: {  	lr =	sadd.s32 s0, s3;
	s0 =	sld [smem:$0x3FAD]  }
0x30: {  	s3 =	sld [smem:$0x3FB0]  }
0x31: {  	[smem:$0x3FB9] =	sst s10  }
0x32: {  	s10 =	sld [smem:$0x3FB7];
	_ =	sdelay $0x3  }
0x33: {  	p0 =	seq.s32 s10, $0x1;
	s10 =	sld [smem:$0x3FB9];
	_ =	sdelay $0x3  }
0x34: {  	[smem:$0x3FB9] =	sst s10  }
0x35: {  	s10 =	sld [smem:$0x3FB8];
	_ =	sdelay $0x3  }
0x36: {  	p1 =	seq.s32 s10, $0x1;
	s10 =	sld [smem:$0x3FB9];
	_ =	sdelay $0x3  }
0x37: {  	[smem:$0x3FB9] =	sst s10  }
0x38: {  	s10 =	sld [smem:$0x3FBA]  }
0x39: {  	_ = 	snop;
	(pc) =	sbr.ind lr, $3  }
0x3a: {  	_ = 	snop  }
0x3b: {  	_ = 	snop  }
0x3c: {  	p2 =	seq.s32 s10, $0x1;
	s10 =	sld [smem:$0x3FB9]  }
0x3d: {  	_ =	shalt  }
0x3e: {  	_ =	shalt  }
0x3f: {  	_ =	shalt  }
0x40: {  	_ =	shalt  }
0x41: {  	_ =	shalt  }
0x42: {  	_ =	shalt  }
0x43: {  	_ =	shalt  }
0x44: {  	_ =	shalt  }
0x45: {  	_ =	shalt  }
0x46: {  	_ =	shalt  }
0x47: {  	_ =	shalt  }
0x48: {  	_ =	shalt  }
0x49: {  	_ =	shalt  }
0x4a: {  	_ =	shalt  }
0x4b: {  	_ =	shalt  }
0x4c: {  	_ =	shalt  }
0x4d: {  	_ =	shalt  }
0x4e: {  	_ =	shalt  }
0x4f: {  	_ =	shalt  }
0x50: {  	_ =	shalt  }
0x51: {  	_ =	shalt  }
0x52: {  	_ =	shalt  }
0x53: {  	_ =	shalt  }
0x54: {  	_ =	shalt  }
0x55: {  	_ =	shalt  }
0x56: {  	_ =	shalt  }
0x57: {  	_ =	shalt  }
0x58: {  	_ =	shalt  }
0x59: {  	_ =	shalt  }
0x5a: {  	_ =	shalt  }
0x5b: {  	_ =	shalt  }
0x5c: {  	_ =	shalt  }
0x5d: {  	_ =	shalt  }
0x5e: {  	_ =	shalt  }
0x5f: {  	_ =	shalt  }
0x60: {  	_ =	shalt  }
0x61: {  	_ =	shalt  }
0x62: {  	_ =	shalt  }
0x63: {  	_ =	shalt  }
0x64: {  	_ =	shalt  }
0x65: {  	_ =	shalt  }
0x66: {  	_ =	shalt  }
0x67: {  	_ =	shalt  }
0x68: {  	_ =	shalt  }
0x69: {  	_ =	shalt  }
0x6a: {  	_ =	shalt  }
0x6b: {  	_ =	shalt  }
0x6c: {  	_ =	shalt  }
0x6d: {  	_ =	shalt  }
0x6e: {  	_ =	shalt  }
0x6f: {  	_ =	shalt  }
0x70: {  	_ =	shalt  }
0x71: {  	_ =	shalt  }
0x72: {  	_ =	shalt  }
0x73: {  	_ =	shalt  }
0x74: {  	_ =	shalt  }
0x75: {  	_ =	shalt  }
0x76: {  	_ =	shalt  }
0x77: {  	_ =	shalt  }
0x78: {  	_ =	shalt  }
0x79: {  	_ =	shalt  }
0x7a: {  	_ =	shalt  }
0x7b: {  	_ =	shalt  }
0x7c: {  	_ =	shalt  }
0x7d: {  	_ =	shalt  }
0x7e: {  	_ =	shalt  }
0x7f: {  	_ =	shalt  }
0x80: {  	_ =	shalt  }
0x81: {  	_ =	shalt  }
0x82: {  	_ =	shalt  }
0x83: {  	_ =	shalt  }
0x84: {  	_ =	shalt  }
0x85: {  	_ =	shalt  }
0x86: {  	_ =	shalt  }
0x87: {  	_ =	shalt  }
.Lfunc_end0:
.L_simem_size_0:
called_computation.2_lowered:
.L_overlay_start_0:
0x88: {  	s2 =	sld [smem:$0x3FD9]  }
0x89: {  	s3 =	sld [smem:$0x3FFE];
	_ =	sdelay $0x1  }
0x8a: {  	s1 =	srdreg.scid  }
0x8b: {  	s0 =	sand.u32 $0x1, s1  }
0x8c: {  	s14 =	sshll.u32 s0, $0xA;
	s2 =	sadd.s32 s3, s2  }
0x8d: {  	s2 =	sadd.s32 s2, s14  }
0x8e: {  	[smem:$0x3FC5] =	sst s2  }
0x8f: {  	_ = 	snop  }
0x90: {  	s2 =	sld [smem:$0x3FD0];
	_ =	sdelay $0x2  }
0x91: {  	s15 =	simm.s32 $0xA;
	s4 =	simm.s32 $0x10  }
0x92: {  	[smem:s4], [sflag:s15] =	dma.local [hbm:s2], $0x1  }
0x93: {  	_ =	swait.eq [sflag:s15], $0x1  }
0x94: {  	s16 =	sld [smem:$0x10];
	[sflag:s15] =	ssyncset.done $0x0  }
0x95: {  	s17 =	sld [smem:$0x11];
	[sflag:s15] =	ssyncadd.s32 $0xFFFFFFFF  }
0x96: {  	s18 =	sld [smem:$0x12];
	(tm) =	ssettm $0x1  }
0x97: {  	s5 =	sld [smem:$0x3FFB];
	_ =	sdelay $0x3  }
0x98: {  	_ =	strace s5  }
0x99: {  	s5 =	sld [smem:$0x3FFC];
	_ =	sdelay $0x3  }
0x9a: {  	_ =	strace s5  }
0x9b: {  	s5 =	sld [smem:$0x3FFD];
	_ =	sdelay $0x3  }
0x9c: {  	_ =	strace s5  }
0x9d: {  	_ =	strace $0x8FFFFFFF  }
0x9e: {  	s19 =	sld [smem:$0x3FDB];
	_ =	sdelay $0x1  }
0x9f: {  	s6 =	simm.s32 $_scs_section_size  }
0xa0: {  	s7 =	simm.s32 $_size__tile_overlayer_lowered;
	s8 =	simm.s32 $_tile_overlayer_lowered  }
0xa1: {  	s22 =	simm.s32 $0x1BFF;
	s21 =	sshll.u32 s8, $0x1;
	s5 =	sadd.s32 s6, s19  }
0xa2: {  	s9 =	simm.s32 $0x0;
	s20 =	sshll.u32 s7, $0x1;
	s7 =	sadd.s32 s21, s5  }
0xa3: {  	[timem:s9], [sflag:s22] =	dma.local [hbm:s7], s20  }
0xa4: {  	_ =	swait.ge [sflag:s22], s20  }
0xa5: {  	s6 =	ssub.s32 $0x0, s20;
	[sflag:s22] =	ssyncset.done $0x0  }
0xa6: {  	[sflag:s22] =	ssyncadd.s32 s6;
	_ =	sdelay $0x1  }
0xa7: {  	s23 =	simm.s32 $0x1B8B  }
0xa8: {  	_ =	swait.ge [sflag:s23], $0x1  }
0xa9: {  	[sflag:s23] =	ssyncset.done $0x0  }
0xaa: {  	s25 =	simm.s32 $0x1B8E;
	s24 =	sld [smem:$0x3FFE];
	[sflag:s23] =	ssyncadd.s32 $0xFFFFFFFF  }
0xab: {  	s26 =	simm.s32 $execute0_lowered;
	[smem:$0x3FD2] =	sst s25  }
0xac: {  	s7 =	sshll.u32 s26, $0x1;
	_ =	strace $0x80000049;
	[dreg:$0x1] =	wrdreg $0xFFFFFFFF  }
0xad: {  	s28 =	simm.s32 $_size_execute0_lowered;
	s5 =	sadd.s32 s5, s7;
	[dreg:$0x0] =	wrdreg $0x0  }
0xae: {  	s7 =	sshll.u32 s28, $0x1;
	[dreg:$0x2] =	wrdreg s5  }
0xaf: {  	[dreg:$0x3] =	wrdreg s7  }
0xb0: {  	[dreg:$0x4] =	wrdreg $0xC0  }
0xb1: {  	_ =	task [dreg:s9], $0x5FFFF  }
0xb2: {  	[dreg:$0x1] =	wrdreg $0xFFFFFFFF  }
0xb3: {  	[dreg:$0x0] =	wrdreg $0x60  }
0xb4: {  	[dreg:$0x2] =	wrdreg s24  }
0xb5: {  	[dreg:$0x3] =	wrdreg s16  }
0xb6: {  	[dreg:$0x4] =	wrdreg s17  }
0xb7: {  	[dreg:$0x5] =	wrdreg s18  }
0xb8: {  	[dreg:$0x6] =	wrdreg $0x9  }
0xb9: {  	_ =	task.clear_ibuf [dreg:s9], $0x7FFFF;
	_ =	strace $0x90000049  }
0xba: {  	s29 =	simm.s32 $0x9;
	_ =	strace $0x8000004B  }
0xbb: {  	_ =	swait.ge [sflag:s29], $0x1  }
0xbc: {  	[sflag:s29] =	ssyncadd.s32 $0xFFFFFFFF  }
0xbd: {  	_ =	strace $0x9000004B  }
0xbe: {  	_ =	sfence  }
0xbf: {  	s30 =	sld [smem:$0x0];
	_ =	sdelay $0x2  }
0xc0: {  	s31 =	sshll.u32 s1, $0xD;
	s1 =	sshrl.u32 s1, $0x2  }
0xc1: {  	s3 =	sand.u32 $0x4000, s31;
	s1 =	sadd.s32 s1, s30  }
0xc2: {  	s0 =	sor.u32 s3, s0;
	s1 =	sshll.u32 s1, $0x11  }
0xc3: {  	s0 =	sor.u32 s1, s0  }
0xc4: {  	s0 =	sadd.s32 $0x8F2B, s0  }
0xc5: {  	[sflag:s0] =	ssyncadd.remote.s32 $0x1  }
0xc6: {  	_ =	sfence.sel $0xFFFF  }
0xc7: {  	[dreg:$0x0] =	wrdreg $0xFFFFFFFF;
	(pc) =	sbr.abs _section_cstart, $3  }
0xc8: {  	[dreg:$0x1] =	wrdreg $0xFFFFFFFF  }
0xc9: {  	_ =	task.clear_ibuf [dreg:s9], $0x2FFFF;
	_ =	strace $0x9FFFFFFF  }
0xca: {  	(tm) =	ssettm $0x7FFFFFFF  }
0xcb: {  	_ =	shalt  }
tec
execute0_lowered:
.L_overlay_start_1:
0x0: {  	(tag) =	ssettag $0x1  }
0x1: {  	s0 =	rddreg [dreg:$0x0];
	s1 =	srdreg.scid;
	s5 =	simm.s32 $0x0  }
0x2: {  	s2 =	stileid.u32;
	s1 =	sand.u32 $0x1, s1;
	[smem:$0x7FF] =	sst s5  }
0x3: {  	s2 =	sshll.u32 s2, $0xA;
	s4 =	sadd.s32 $0x1C00, s0;
	s24 =	sadd.s32 $0x1F9E00, s0  }
0x4: {  	s25 =	sadd.s32 $0x1F9C00, s0;
	_ =	strace $0x8000004A;
	[dreg:$0x7] =	wrdreg s24  }
0x5: {  	s26 =	sadd.s32 $0x1FA400, s0;
	s28 =	sadd.s32 $0x1FA200, s0;
	[dreg:$0x8] =	wrdreg s25  }
0x6: {  	s0 =	sadd.s32 $0x1FA000, s0;
	s3 =	sshll.u32 s1, $0x9;
	[dreg:$0x9] =	wrdreg s26  }
0x7: {  	s1 =	ssub.s32 $0x2, s1;
	[dreg:$0xa] =	wrdreg s28;
	s2 =	sor.u32 s3, s2  }
0x8: {  	s29 =	sshrl.u32 s1, $0x1;
	[dreg:$0x5] =	wrdreg s2;
	s2 =	smul.u32 $0x7E, s2  }
.Ltmp0:
0x9: {  	[dreg:$0x6] =	wrdreg s4;
	s30 =	ssub.s32 s1, s29;
	(pc) =	sbr.rel .LBB2_1-.Ltmp0, $4  }
0xa: {  	[dreg:$0xc] =	wrdreg s0;
	s0 =	smax.u32 s30, $0x1  }
0xb: {  	s16 =	simm.s32 $0x1F80;
	s2 =	sadd.s32 s4, s2;
	[dreg:$0xe] =	wrdreg s0  }
0xc: {  	s18 =	simm.s32 $0x2020;
	[dreg:$0xb] =	wrdreg s2;
	s31 =	sadd.s32 $0x1F8, s2  }
0xd: {  	s22 =	simm.s32 $0xFC0;
	s2 =	simm.s32 $0x0;
	[dreg:$0xd] =	wrdreg s31  }
.LBB2_16:
0xe: {  	s0 =	simm.s32 $0x3  }
0xf: {  	_ =	swait.ge [sflag:s0], $0x6E40  }
0x10: {  	[sflag:s0] =	ssyncset.done $0x0  }
0x11: {  	s26 =	simm.s32 $0x5;
	[sflag:s0] =	ssyncadd.s32 $0xFFFF91C0  }
0x12: {  	_ =	swait.ge [sflag:s26], $0x3E0  }
0x13: {  	[sflag:s26] =	ssyncset.done $0x0  }
0x14: {  	s28 =	simm.s32 $0x7;
	[sflag:s26] =	ssyncadd.s32 $0xFFFFFC20  }
0x15: {  	_ =	swait.ge [sflag:s28], $0xE0  }
0x16: {  	[sflag:s28] =	ssyncset.done $0x0  }
0x17: {  	s29 =	simm.s32 $0x4;
	[sflag:s28] =	ssyncadd.s32 $0xFFFFFF20  }
0x18: {  	_ =	swait.ge [sflag:s29], $0x6E40  }
0x19: {  	[sflag:s29] =	ssyncset.done $0x0  }
0x1a: {  	s30 =	simm.s32 $0x6;
	[sflag:s29] =	ssyncadd.s32 $0xFFFF91C0  }
0x1b: {  	_ =	swait.ge [sflag:s30], $0x3E0  }
0x1c: {  	[sflag:s30] =	ssyncset.done $0x0  }
0x1d: {  	s1 =	simm.s32 $0x8;
	[sflag:s30] =	ssyncadd.s32 $0xFFFFFC20  }
0x1e: {  	_ =	swait.ge [sflag:s1], $0xE0  }
0x1f: {  	s2 =	rddreg [dreg:$0xf]  }
0x20: {  	s31 =	rddreg [dreg:$0xe];
	s2 =	sadd.s32 $0x1, s2  }
0x21: {  	p0 =	sne.s32 s2, s31  }
.Ltmp1:
0x22: {  	_ = 	snop;
	(pc) =	sbr.rel @!p0 .LBB2_17-.Ltmp1, $3  }
0x23: {  	_ =	sdelay $0x1  }
0x24: {  	[sflag:s1] =	ssyncset.done $0x0  }
0x25: {  	[sflag:s1] =	ssyncadd.s32 $0xFFFFFF20  }
.LBB2_1:
0x26: {  	[dreg:$0xf] =	wrdreg s2  }
0x27: {  	s0 =	rddreg [dreg:$0x7];
	s1 =	simm.s32 $0x9  }
0x28: {  	[tilespmem:s16], [sflag:$0x9] =	stream.linear.gather [hbm4b:s0+s5], $0xA0, $0x38;
	[tilespmem:$0x10C40] =	vst v63  }
0x29: {  	_ =	swait.ge [sflag:s1], $0xA0  }
0x2a: {  	[sflag:s1] =	ssyncset.done $0x0  }
0x2b: {  	s21 =	rddreg [dreg:$0x8];
	[sflag:s1] =	ssyncadd.s32 $0xFFFFFF60  }
0x2c: {  	[tilespmem:s18], [sflag:$0x9] =	stream.linear.gather [hbm4b:s21+s5], $0xA0, $0x38;
	[tilespmem:$0x10C40] =	vst v63  }
0x2d: {  	_ =	swait.ge [sflag:s1], $0xA0  }
0x2e: {  	[sflag:s1] =	ssyncset.done $0x0  }
0x2f: {  	s24 =	simm.s32 $0x20C0;
	s23 =	rddreg [dreg:$0x9];
	[sflag:s1] =	ssyncadd.s32 $0xFFFFFF60  }
0x30: {  	[tilespmem:s24], [sflag:$0x9] =	stream.linear.gather [hbm4b:s23+s5], $0x100, $0x38;
	[tilespmem:$0x10C40] =	vst v63  }
0x31: {  	_ =	swait.ge [sflag:s1], $0x100  }
0x32: {  	[sflag:s1] =	ssyncset.done $0x0  }
0x33: {  	s26 =	simm.s32 $0x21C0;
	s25 =	rddreg [dreg:$0xa];
	[sflag:s1] =	ssyncadd.s32 $0xFFFFFF00  }
0x34: {  	[tilespmem:s26], [sflag:$0x9] =	stream.linear.gather [hbm4b:s25+s5], $0x40, $0x38;
	[tilespmem:$0x10C40] =	vst v63  }
0x35: {  	_ =	swait.ge [sflag:s1], $0x40  }
0x36: {  	[sflag:s1] =	ssyncset.done $0x0  }
0x37: {  	s29 =	simm.s32 $0x2200;
	s28 =	rddreg [dreg:$0xc];
	[sflag:s1] =	ssyncadd.s32 $0xFFFFFFC0  }
0x38: {  	[tilespmem:s29], [sflag:$0x9] =	stream.linear.gather [hbm4b:s28+s5], $0x40, $0x38;
	[tilespmem:$0x10C40] =	vst v63  }
0x39: {  	_ =	swait.ge [sflag:s1], $0x40  }
0x3a: {  	[sflag:s1] =	ssyncset.done $0x0  }
0x3b: {  	s30 =	rddreg [dreg:$0xb];
	[sflag:s1] =	ssyncadd.s32 $0xFFFFFFC0  }
0x3c: {  	[tilespmem:s5], [sflag:$0x1] =	stream.linear.gather [hbm4b:s30+s5], $0xFC0, $0x38;
	[tilespmem:$0x10C40] =	vst v63  }
0x3d: {  	s15 =	simm.s32 $0x0;
	s31 =	rddreg [dreg:$0xd]  }
0x3e: {  	[tilespmem:s22], [sflag:$0x2] =	stream.linear.gather [hbm4b:s31+s5], $0xFC0, $0x38;
	[tilespmem:$0x10C40] =	vst v63  }
.LBB2_2:
0x3f: {  	s0 =	simm.s32 $0x1  }
0x40: {  	_ =	swait.ge [sflag:s0], $0xFC0  }
0x41: {  	p1 =	seq.s32 s15, $0x0;
	[sflag:s0] =	ssyncset.done $0x0  }
0x42: {  	[sflag:s0] =	ssyncadd.s32 $0xFFFFF040;
	s0 =	simm.s32 @!p1 $0x3  }
0x43: {  	_ =	swait.ge @!p1 [sflag:s0], $0x6E40  }
0x44: {  	[sflag:s0] =	ssyncset.done @!p1 $0x0  }
0x45: {  	[sflag:s0] =	ssyncadd.s32 @!p1 $0xFFFF91C0;
	s0 =	simm.s32 @!p1 $0x5  }
0x46: {  	_ =	swait.ge @!p1 [sflag:s0], $0x3E0  }
0x47: {  	s1 =	simm.s32 $0x0;
	s14 =	simm.s32 $0x0;
	[sflag:s0] =	ssyncset.done @!p1 $0x0  }
0x48: {  	s2 =	simm.s32 @!p1 $0x7;
	s4 =	smul.u32 $0xFC0, s1;
	[sflag:s0] =	ssyncadd.s32 @!p1 $0xFFFFFC20  }
0x49: {  	s0 =	sand.u32 $0x1E0, s14;
	_ =	swait.ge @!p1 [sflag:s2], $0xE0  }
0x4a: {  	s4 =	sshra.s32 s4, $0x2;
	s21 =	sor.u32 $0x10, s0;
	[sflag:s2] =	ssyncset.done @!p1 $0x0  }
0x4b: {  	s9 =	sadd.s32 s21, s4;
	[sflag:s2] =	ssyncadd.s32 @!p1 $0xFFFFFF20  }
0x4c: {  	v0 =	vld [tilespmem:s9+$0x0];
	_ =	sdelay $0x2  }
0x4d: {  	s10 =	sadd.s32 s0, s4  }
0x4e: {  	v1 =	vld [tilespmem:s10+$0x0]  }
0x4f: {  	v0 =	vtrunc.f32 v0  }
0x50: {  	v0 =	vcvt.f32.s32 v0;
	_ =	sdelay $0x1  }
0x51: {  	v4 =	vshll.u32 v0, $0x4  }
0x52: {  	v0 =	vtrunc.f32 v1  }
0x53: {  	v0 =	vcvt.f32.s32 v0;
	_ =	sdelay $0x1  }
0x54: {  	v3 =	vshll.u32 v0, $0x4  }
0x55: {  	s1 =	smul.u32 $0x7000, s1;
	v0 =	vld.idx.msk [tilespmem:v4+s16+$0x0], $0xffff  }
0x56: {  	v1 =	vor.u32 $0x1, v4  }
0x57: {  	s8 =	sshra.s32 s1, $0x2  }
0x58: {  	s1 =	sadd.s32 $0x2240, s8  }
0x59: {  	s12 =	simm.s32 $0x0;
	s11 =	sadd.s32 s21, s1;
	v2 =	vld.idx.msk [tilespmem:v3+s16+$0x0], $0xffff  }
0x5a: {  	s6 =	smul.u32 $0xFC0, s12;
	s9 =	simm.s32 $0x20;
	[tilespmem:s11+$0x0] =	vst v0;
	v0 =	vor.u32 $0x1, v3  }
0x5b: {  	s17 =	sand.u32 $0x1E0, s9;
	v1 =	vld.idx.msk [tilespmem:v1+s16+$0x0], $0xffff  }
0x5c: {  	s13 =	sshra.s32 s6, $0x2;
	s24 =	sor.u32 $0x10, s17;
	v5 =	vor.u32 $0x2, v4  }
0x5d: {  	s1 =	sadd.s32 s0, s1;
	s6 =	sadd.s32 s24, s13  }
0x5e: {  	[tilespmem:s1+$0x0] =	vst v2;
	v2 =	vld [tilespmem:s6+$0x0]  }
0x5f: {  	v0 =	vld.idx.msk [tilespmem:v0+s16+$0x0], $0xffff  }
0x60: {  	v6 =	vor.u32 $0x2, v3;
	[tilespmem:s11+$0x200] =	vst v1  }
0x61: {  	v1 =	vld.idx.msk [tilespmem:v5+s16+$0x0], $0xffff  }
0x62: {  	v5 =	vor.u32 $0x3, v4  }
0x63: {  	s2 =	sadd.s32 s17, s13  }
0x64: {  	s19 =	sadd.s32 $0x2640, s8;
	v7 =	vld [tilespmem:s2+$0x0];
	[tilespmem:s1+$0x200] =	vst v0;
	v0 =	vtrunc.f32 v2  }
0x65: {  	s20 =	sadd.s32 s21, s19;
	v2 =	vld.idx.msk [tilespmem:v6+s16+$0x0], $0xffff;
	v0 =	vcvt.f32.s32 v0  }
0x66: {  	v8 =	vor.u32 $0x3, v3;
	[tilespmem:s20+$0x0] =	vst v1  }
0x67: {  	v1 =	vld.idx.msk [tilespmem:v5+s16+$0x0], $0xffff;
	v0 =	vshll.u32 v0, $0x4  }
0x68: {  	v5 =	vor.u32 $0x4, v4  }
0x69: {  	s6 =	sadd.s32 s0, s19;
	v6 =	vtrunc.f32 v7  }
0x6a: {  	s23 =	sadd.s32 $0x2840, s8;
	v6 =	vcvt.f32.s32 v6;
	[tilespmem:s6+$0x0] =	vst v2  }
0x6b: {  	s25 =	sadd.s32 s21, s23;
	v2 =	vld.idx.msk [tilespmem:v8+s16+$0x0], $0xffff  }
0x6c: {  	s26 =	smul.u32 $0x7000, s12;
	v6 =	vshll.u32 v6, $0x4;
	[tilespmem:s25+$0x0] =	vst v1;
	v8 =	vld.idx.msk [tilespmem:v0+s16+$0x0], $0xffff  }
0x6d: {  	v9 =	vor.u32 $0x1, v0;
	v1 =	vld.idx.msk [tilespmem:v5+s16+$0x0], $0xffff  }
0x6e: {  	s25 =	sshra.s32 s26, $0x2;
	v5 =	vor.u32 $0x5, v4  }
0x6f: {  	v7 =	vor.u32 $0x4, v3;
	s7 =	sadd.s32 $0x2240, s25  }
0x70: {  	s3 =	sadd.s32 $0x2A40, s8;
	s9 =	sadd.s32 s24, s7  }
0x71: {  	s6 =	sadd.s32 s21, s3;
	v10 =	vld.idx.msk [tilespmem:v6+s16+$0x0], $0xffff;
	[tilespmem:s9+$0x0] =	vst v8  }
0x72: {  	s1 =	sadd.s32 s0, s23;
	[tilespmem:s6+$0x0] =	vst v1;
	v9 =	vld.idx.msk [tilespmem:v9+s16+$0x0], $0xffff  }
0x73: {  	[tilespmem:s1+$0x0] =	vst v2;
	v1 =	vor.u32 $0x1, v6;
	v2 =	vld.idx.msk [tilespmem:v5+s16+$0x0], $0xffff  }
0x74: {  	v5 =	vld.idx.msk [tilespmem:v7+s16+$0x0], $0xffff;
	v7 =	vor.u32 $0x6, v4  }
0x75: {  	v11 =	vor.u32 $0x2, v0  }
0x76: {  	s12 =	sadd.s32 $0x2C40, s8;
	v8 =	vor.u32 $0x5, v3;
	s6 =	sadd.s32 s17, s7  }
0x77: {  	s10 =	sadd.s32 s21, s12;
	s1 =	simm.s32 $0x0;
	[tilespmem:s6+$0x0] =	vst v10  }
0x78: {  	s11 =	simm.s32 $0x40;
	s13 =	smul.u32 $0xFC0, s1;
	v1 =	vld.idx.msk [tilespmem:v1+s16+$0x0], $0xffff;
	[tilespmem:s10+$0x0] =	vst v2  }
0x79: {  	s4 =	sadd.s32 s0, s3;
	s26 =	sand.u32 $0x1E0, s11;
	[tilespmem:s9+$0x200] =	vst v9;
	v2 =	vld.idx.msk [tilespmem:v7+s16+$0x0], $0xffff  }
0x7a: {  	s28 =	sor.u32 $0x10, s26;
	s19 =	sshra.s32 s13, $0x2;
	[tilespmem:s4+$0x0] =	vst v5;
	v9 =	vld.idx.msk [tilespmem:v11+s16+$0x0], $0xffff;
	v7 =	vor.u32 $0x7, v4  }
0x7b: {  	s20 =	sadd.s32 s28, s19;
	v5 =	vld.idx.msk [tilespmem:v8+s16+$0x0], $0xffff;
	v8 =	vor.u32 $0x2, v6  }
0x7c: {  	s23 =	sadd.s32 $0x2E40, s8;
	s2 =	sadd.s32 s26, s19;
	v10 =	vld [tilespmem:s20+$0x0];
	v11 =	vor.u32 $0x3, v0  }
0x7d: {  	v12 =	vor.u32 $0x6, v3;
	s3 =	sadd.s32 s21, s23;
	v13 =	vld [tilespmem:s2+$0x0]  }
0x7e: {  	s7 =	sadd.s32 $0x2640, s25;
	[tilespmem:s3+$0x0] =	vst v2  }
0x7f: {  	s11 =	sadd.s32 s24, s7;
	[tilespmem:s6+$0x200] =	vst v1;
	v2 =	vld.idx.msk [tilespmem:v7+s16+$0x0], $0xffff  }
0x80: {  	s9 =	sadd.s32 s0, s12;
	[tilespmem:s11+$0x0] =	vst v9;
	v7 =	vld.idx.msk [tilespmem:v8+s16+$0x0], $0xffff;
	v8 =	vor.u32 $0x8, v4  }
0x81: {  	v1 =	vtrunc.f32 v10;
	v9 =	vor.u32 $0x3, v6;
	[tilespmem:s9+$0x0] =	vst v5;
	v5 =	vld.idx.msk [tilespmem:v11+s16+$0x0], $0xffff  }
0x82: {  	s12 =	sadd.s32 $0x3040, s8;
	v1 =	vcvt.f32.s32 v1;
	v11 =	vtrunc.f32 v13;
	v10 =	vld.idx.msk [tilespmem:v12+s16+$0x0], $0xffff;
	v12 =	vor.u32 $0x4, v0  }
0x83: {  	v14 =	vor.u32 $0x7, v3;
	s13 =	sadd.s32 s21, s12;
	v11 =	vcvt.f32.s32 v11  }
0x84: {  	s19 =	sadd.s32 $0x2840, s25;
	s2 =	sadd.s32 s17, s7;
	v1 =	vshll.u32 v1, $0x4;
	[tilespmem:s13+$0x0] =	vst v2  }
0x85: {  	s20 =	sadd.s32 s24, s19;
	v13 =	vshll.u32 v11, $0x4;
	[tilespmem:s2+$0x0] =	vst v7;
	v2 =	vld.idx.msk [tilespmem:v8+s16+$0x0], $0xffff  }
0x86: {  	s4 =	sadd.s32 s0, s23;
	[tilespmem:s20+$0x0] =	vst v5;
	v5 =	vor.u32 $0x9, v4;
	v7 =	vld.idx.msk [tilespmem:v9+s16+$0x0], $0xffff  }
0x87: {  	[tilespmem:s4+$0x0] =	vst v10;
	v8 =	vor.u32 $0x4, v6;
	v9 =	vld.idx.msk [tilespmem:v12+s16+$0x0], $0xffff  }
0x88: {  	v11 =	vor.u32 $0x5, v0;
	s2 =	sadd.s32 $0x3240, s8;
	v10 =	vld.idx.msk [tilespmem:v14+s16+$0x0], $0xffff  }
0x89: {  	s1 =	smul.u32 $0x7000, s1;
	v12 =	vor.u32 $0x8, v3;
	v14 =	vld.idx.msk [tilespmem:v1+s16+$0x0], $0xffff;
	s23 =	sadd.s32 s21, s2  }
0x8a: {  	s7 =	sadd.s32 $0x2A40, s25;
	s3 =	sadd.s32 s17, s19;
	v16 =	vor.u32 $0x1, v1;
	v15 =	vld.idx.msk [tilespmem:v13+s16+$0x0], $0xffff;
	[tilespmem:s23+$0x0] =	vst v2  }
0x8b: {  	s29 =	sshra.s32 s1, $0x2;
	s9 =	sadd.s32 s24, s7;
	v2 =	vor.u32 $0x1, v13;
	[tilespmem:s3+$0x0] =	vst v7;
	v5 =	vld.idx.msk [tilespmem:v5+s16+$0x0], $0xffff  }
0x8c: {  	s11 =	sadd.s32 s0, s12;
	s12 =	sadd.s32 $0x2240, s29;
	[tilespmem:s9+$0x0] =	vst v9;
	v7 =	vld.idx.msk [tilespmem:v8+s16+$0x0], $0xffff;
	v8 =	vor.u32 $0xA, v4  }
0x8d: {  	s13 =	sadd.s32 s28, s12;
	v9 =	vor.u32 $0x5, v6;
	[tilespmem:s11+$0x0] =	vst v10;
	v11 =	vld.idx.msk [tilespmem:v11+s16+$0x0], $0xffff  }
0x8e: {  	s6 =	sadd.s32 s26, s12;
	[tilespmem:s13+$0x0] =	vst v14;
	s11 =	sadd.s32 $0x3440, s8;
	v10 =	vld.idx.msk [tilespmem:v12+s16+$0x0], $0xffff;
	v12 =	vor.u32 $0x6, v0  }
0x8f: {  	v14 =	vor.u32 $0x9, v3;
	v16 =	vld.idx.msk [tilespmem:v16+s16+$0x0], $0xffff;
	[tilespmem:s6+$0x0] =	vst v15;
	s19 =	sadd.s32 s21, s11  }
0x90: {  	s10 =	sadd.s32 $0x2C40, s25;
	s20 =	sadd.s32 s17, s7;
	v15 =	vor.u32 $0x2, v1;
	v2 =	vld.idx.msk [tilespmem:v2+s16+$0x0], $0xffff;
	[tilespmem:s19+$0x0] =	vst v5  }
0x91: {  	s23 =	sadd.s32 s24, s10;
	[tilespmem:s20+$0x0] =	vst v7;
	v5 =	vld.idx.msk [tilespmem:v8+s16+$0x0], $0xffff  }
0x92: {  	s1 =	simm.s32 $0x0;
	s2 =	sadd.s32 s0, s2;
	[tilespmem:s23+$0x0] =	vst v11;
	v7 =	vld.idx.msk [tilespmem:v9+s16+$0x0], $0xffff  }
0x93: {  	s3 =	smul.u32 $0xFC0, s1;
	[tilespmem:s2+$0x0] =	vst v10;
	v9 =	vld.idx.msk [tilespmem:v12+s16+$0x0], $0xffff  }
0x94: {  	s19 =	simm.s32 $0x60;
	[tilespmem:s13+$0x200] =	vst v16;
	v8 =	vor.u32 $0xB, v4;
	v10 =	vld.idx.msk [tilespmem:v14+s16+$0x0], $0xffff  }
0x95: {  	s7 =	sshra.s32 s3, $0x2;
	v11 =	vor.u32 $0x7, v0;
	s30 =	sand.u32 $0x1E0, s19;
	v14 =	vld.idx.msk [tilespmem:v15+s16+$0x0], $0xffff  }
0x96: {  	s4 =	sadd.s32 $0x3640, s8;
	v12 =	vor.u32 $0x2, v13;
	s31 =	sor.u32 $0x10, s30;
	s2 =	sadd.s32 s30, s7  }
0x97: {  	s12 =	sadd.s32 s21, s4;
	s9 =	sadd.s32 $0x2E40, s25;
	v16 =	vor.u32 $0x3, v1;
	s13 =	sadd.s32 s31, s7;
	v18 =	vld [tilespmem:s2+$0x0];
	[tilespmem:s6+$0x200] =	vst v2  }
0x98: {  	v17 =	vor.u32 $0xA, v3;
	s20 =	sadd.s32 s24, s9;
	v15 =	vld [tilespmem:s13+$0x0];
	s13 =	sadd.s32 $0x2640, s29;
	[tilespmem:s12+$0x0] =	vst v5  }
0x99: {  	s23 =	sadd.s32 s28, s13;
	v5 =	vor.u32 $0x6, v6;
	[tilespmem:s20+$0x0] =	vst v9;
	v8 =	vld.idx.msk [tilespmem:v8+s16+$0x0], $0xffff  }
0x9a: {  	s3 =	sadd.s32 s17, s10;
	[tilespmem:s23+$0x0] =	vst v14;
	v9 =	vld.idx.msk [tilespmem:v11+s16+$0x0], $0xffff  }
0x9b: {  	s7 =	sadd.s32 s0, s11;
	v2 =	vor.u32 $0xC, v4;
	[tilespmem:s3+$0x0] =	vst v7;
	v11 =	vld.idx.msk [tilespmem:v12+s16+$0x0], $0xffff  }
0x9c: {  	v32 =	vor.u32 $0xB, v3;
	s2 =	sadd.s32 $0x3840, s8;
	[tilespmem:s7+$0x0] =	vst v10;
	v12 =	vor.u32 $0x8, v0;
	v7 =	vld.idx.msk [tilespmem:v16+s16+$0x0], $0xffff  }
0x9d: {  	v21 =	vor.u32 $0x8, v6;
	s11 =	sadd.s32 s21, s2;
	s6 =	sadd.s32 $0x3040, s25;
	v14 =	vor.u32 $0x3, v13;
	v17 =	vld.idx.msk [tilespmem:v17+s16+$0x0], $0xffff;
	v15 =	vtrunc.f32 v15  }
0x9e: {  	v27 =	vor.u32 $0x5, v1;
	s12 =	sadd.s32 s24, s6;
	v10 =	vcvt.f32.s32 v15;
	v15 =	vor.u32 $0x4, v1;
	v5 =	vld.idx.msk [tilespmem:v5+s16+$0x0], $0xffff;
	[tilespmem:s11+$0x0] =	vst v8  }
0x9f: {  	v23 =	vor.u32 $0x4, v13;
	s20 =	sadd.s32 s26, s13;
	s23 =	sadd.s32 $0x2840, s29;
	v16 =	vor.u32 $0x7, v6;
	v18 =	vtrunc.f32 v18;
	[tilespmem:s12+$0x0] =	vst v9  }
0xa0: {  	v22 =	vor.u32 $0x5, v13;
	s3 =	sadd.s32 s28, s23;
	v8 =	vcvt.f32.s32 v18;
	[tilespmem:s20+$0x0] =	vst v11;
	v18 =	vld.idx.msk [tilespmem:v2+s16+$0x0], $0xffff;
	v2 =	vshll.u32 v10, $0x4  }
0xa1: {  	v20 =	vor.u32 $0x6, v13;
	s4 =	sadd.s32 s0, s4;
	v11 =	vor.u32 $0xC, v3;
	[tilespmem:s3+$0x0] =	vst v7;
	v9 =	vld.idx.msk [tilespmem:v12+s16+$0x0], $0xffff;
	v12 =	vor.u32 $0xD, v4  }
0xa2: {  	s9 =	sadd.s32 s17, s9;
	v7 =	vor.u32 $0x9, v0;
	[tilespmem:s4+$0x0] =	vst v17;
	v17 =	vor.u32 $0x8, v13;
	v19 =	vld.idx.msk [tilespmem:v14+s16+$0x0], $0xffff;
	v34 =	vshll.u32 v8, $0x4  }
0xa3: {  	s11 =	sadd.s32 $0x3A40, s8;
	v4 =	vor.u32 $0xD, v3;
	v14 =	vor.u32 $0x9, v6;
	v10 =	vor.u32 $0xA, v6;
	v15 =	vld.idx.msk [tilespmem:v15+s16+$0x0], $0xffff;
	[tilespmem:s9+$0x0] =	vst v5  }
0xa4: {  	s13 =	sadd.s32 $0x3240, s25;
	s7 =	sadd.s32 s21, s11;
	v3 =	vor.u32 $0xD, v6;
	v8 =	vor.u32 $0xB, v6;
	v37 =	vor.u32 $0x1, v2;
	v24 =	vld.idx.msk [tilespmem:v16+s16+$0x0], $0xffff  }
0xa5: {  	v39 =	vor.u32 $0x1, v34;
	v29 =	vor.u32 $0x2, v34;
	v26 =	vor.u32 $0x3, v34;
	s9 =	sadd.s32 s24, s13;
	v28 =	vld.idx.msk [tilespmem:v2+s16+$0x0], $0xffff;
	[tilespmem:s7+$0x0] =	vst v18  }
0xa6: {  	s1 =	smul.u32 $0x7000, s1;
	s10 =	sadd.s32 s26, s23;
	s3 =	sadd.s32 $0x2A40, s29;
	v25 =	vor.u32 $0x4, v34;
	v30 =	vor.u32 $0x5, v34;
	v5 =	vor.u32 $0xC, v6;
	[tilespmem:s9+$0x0] =	vst v9;
	v36 =	vld.idx.msk [tilespmem:v12+s16+$0x0], $0xffff  }
0xa7: {  	s12 =	sadd.s32 s28, s3;
	v6 =	vor.u32 $0xD, v13;
	v16 =	vor.u32 $0x9, v13;
	v18 =	vor.u32 $0x7, v13;
	[tilespmem:s10+$0x0] =	vst v19;
	v38 =	vld.idx.msk [tilespmem:v34+s16+$0x0], $0xffff  }
0xa8: {  	s6 =	sadd.s32 s17, s6;
	s20 =	sshra.s32 s1, $0x2;
	v9 =	vor.u32 $0xB, v13;
	v19 =	vor.u32 $0x8, v34;
	v12 =	vor.u32 $0xA, v13;
	v40 =	vld.idx.msk [tilespmem:v7+s16+$0x0], $0xffff;
	[tilespmem:s12+$0x0] =	vst v15  }
0xa9: {  	s23 =	sshll.u32 s15, $0x3;
	s7 =	sadd.s32 $0x2240, s20;
	v7 =	vor.u32 $0xC, v13;
	v35 =	vld.idx.msk [tilespmem:v23+s16+$0x0], $0xffff;
	v23 =	vor.u32 $0x7, v34;
	v13 =	vor.u32 $0xB, v34;
	s1 =	rddreg [dreg:$0x5]  }
0xaa: {  	v15 =	vor.u32 $0xD, v34;
	v33 =	vld.idx.msk [tilespmem:v27+s16+$0x0], $0xffff;
	v27 =	vor.u32 $0x6, v34;
	s12 =	sor.u32 s1, s23;
	s23 =	sadd.s32 s31, s7;
	[tilespmem:s6+$0x0] =	vst v24;
	v24 =	vor.u32 $0xC, v34  }
0xab: {  	s4 =	sadd.s32 $0x3C40, s8;
	[tilespmem:s23+$0x0] =	vst v28;
	v31 =	vld.idx.msk [tilespmem:v21+s16+$0x0], $0xffff;
	v28 =	vor.u32 $0x9, v34;
	v21 =	vor.u32 $0xA, v34;
	v34 =	vor.u32 $0xA, v0  }
0xac: {  	s8 =	sadd.s32 s0, s11;
	s9 =	sadd.s32 s0, s2;
	s2 =	sadd.s32 s21, s4  }
0xad: {  	s11 =	sadd.s32 $0x3440, s25;
	v32 =	vld.idx.msk [tilespmem:v32+s16+$0x0], $0xffff;
	s10 =	simm.s32 $0x6;
	s6 =	sadd.s32 s30, s7;
	[tilespmem:s2+$0x0] =	vst v36;
	v36 =	vor.u32 $0x6, v1  }
0xae: {  	s0 =	sadd.s32 s0, s4;
	s21 =	sadd.s32 s24, s11;
	s4 =	sadd.s32 s26, s3;
	v37 =	vld.idx.msk [tilespmem:v37+s16+$0x0], $0xffff;
	[tilespmem:s6+$0x0] =	vst v38  }
0xaf: {  	s11 =	sadd.s32 s17, s11;
	s1 =	sadd.s32 s17, s13;
	[tilespmem:s21+$0x0] =	vst v40;
	s2 =	sadd.s32 $0x2C40, s29;
	v38 =	vld.idx.msk [tilespmem:v39+s16+$0x0], $0xffff;
	v39 =	vor.u32 $0x2, v2  }
.LBB2_3:
0xb0: {  	s10 =	sadd.s32 $0x2, s10;
	[tilespmem:s4+$0x0] =	vst v35;
	s3 =	sadd.s32 s26, s2;
	s2 =	sadd.s32 s28, s2;
	v34 =	vld.idx.msk [tilespmem:v34+s16+$0x0], $0xffff  }
0xb1: {  	s21 =	smov.u32 s31;
	s4 =	sshrl.u32 s10, $0x5;
	p0 =	slt.u32 s10, $0x7E;
	v35 =	vld.idx.msk [tilespmem:v22+s16+$0x0], $0xffff;
	[tilespmem:s2+$0x0] =	vst v33;
	v22 =	vmov v30  }
0xb2: {  	s19 =	sadd.s32 $0x20, s19;
	s2 =	smov.u32 s25;
	s7 =	smul.u32 $0xFC0, s4;
	v30 =	vld.idx.msk [tilespmem:v36+s16+$0x0], $0xffff;
	[tilespmem:s1+$0x0] =	vst v31;
	v31 =	vor.u32 $0xB, v0  }
0xb3: {  	s13 =	sand.u32 $0x1E0, s19;
	s25 =	smov.u32 s29;
	s29 =	smov.u32 s20;
	[tilespmem:s23+$0x200] =	vst v37;
	v33 =	vld.idx.msk [tilespmem:v14+s16+$0x0], $0xffff;
	v14 =	vmov v16;
	v16 =	vmov v28  }
0xb4: {  	s31 =	sor.u32 $0x10, s13;
	v36 =	vor.u32 $0x7, v1;
	s1 =	sshra.s32 s7, $0x2;
	v28 =	vld.idx.msk [tilespmem:v39+s16+$0x0], $0xffff;
	s7 =	sadd.s32 $0x3640, s2;
	[tilespmem:s9+$0x0] =	vst v32  }
0xb5: {  	s9 =	sadd.s32 s13, s1;
	s1 =	sadd.s32 s31, s1;
	[tilespmem:s6+$0x200] =	vst v38;
	s6 =	sadd.s32 s24, s7;
	v32 =	vld.idx.msk [tilespmem:v11+s16+$0x0], $0xffff;
	v11 =	vmov v5;
	v5 =	vmov v7;
	v7 =	vmov v24  }
0xb6: {  	s20 =	sadd.s32 $0x2E40, s25;
	v37 =	vor.u32 $0x3, v2;
	v24 =	vld [tilespmem:s1+$0x0];
	s1 =	sadd.s32 s17, s7;
	[tilespmem:s6+$0x0] =	vst v34  }
0xb7: {  	s6 =	sadd.s32 s26, s20;
	[tilespmem:s3+$0x0] =	vst v35;
	s3 =	sadd.s32 s28, s20;
	v31 =	vld.idx.msk [tilespmem:v31+s16+$0x0], $0xffff  }
0xb8: {  	s7 =	sadd.s32 $0x2640, s29;
	v34 =	vld [tilespmem:s9+$0x0];
	[tilespmem:s3+$0x0] =	vst v30  }
0xb9: {  	s3 =	sadd.s32 s30, s7;
	s7 =	sadd.s32 s21, s7;
	v30 =	vld.idx.msk [tilespmem:v36+s16+$0x0], $0xffff;
	[tilespmem:s11+$0x0] =	vst v33;
	v33 =	vor.u32 $0xC, v0  }
0xba: {  	v29 =	vld.idx.msk [tilespmem:v29+s16+$0x0], $0xffff;
	[tilespmem:s7+$0x0] =	vst v28  }
0xbb: {  	v35 =	vor.u32 $0x8, v1;
	s7 =	sadd.s32 $0x3840, s2;
	v28 =	vld.idx.msk [tilespmem:v37+s16+$0x0], $0xffff;
	[tilespmem:s8+$0x0] =	vst v32  }
0xbc: {  	v24 =	vtrunc.f32 v24;
	s9 =	sadd.s32 s17, s7;
	s7 =	sadd.s32 s24, s7;
	v32 =	vld.idx.msk [tilespmem:v20+s16+$0x0], $0xffff;
	v20 =	vmov v27  }
0xbd: {  	s8 =	sadd.s32 $0x3040, s25;
	v24 =	vcvt.f32.s32 v24;
	v27 =	vtrunc.f32 v34;
	v34 =	vor.u32 $0x4, v2;
	v36 =	vld.idx.msk [tilespmem:v10+s16+$0x0], $0xffff;
	[tilespmem:s7+$0x0] =	vst v31;
	v10 =	vmovc v12;
	v12 =	vmovc v21  }
0xbe: {  	s11 =	sadd.s32 s26, s8;
	s7 =	sadd.s32 s28, s8;
	v21 =	vcvt.f32.s32 v27;
	v31 =	vld.idx.msk [tilespmem:v33+s16+$0x0], $0xffff  }
0xbf: {  	s8 =	sadd.s32 $0x2840, s29;
	v24 =	vshll.u32 v24, $0x4;
	[tilespmem:s7+$0x0] =	vst v30;
	v33 =	vld.idx.msk [tilespmem:v4+s16+$0x0], $0xffff;
	v4 =	vmovc v3;
	v3 =	vmov v6;
	v6 =	vmov v15  }
0xc0: {  	v38 =	vor.u32 $0xD, v0;
	v0 =	vmovc v1;
	v1 =	vmovc v2;
	s7 =	sadd.s32 s21, s8;
	v2 =	vmov v24;
	v37 =	vshll.u32 v21, $0x4;
	[tilespmem:s3+$0x0] =	vst v29;
	s3 =	sadd.s32 s30, s8;
	v35 =	vld.idx.msk [tilespmem:v35+s16+$0x0], $0xffff  }
0xc1: {  	v39 =	vor.u32 $0x1, v37;
	v29 =	vor.u32 $0x2, v37;
	v40 =	vld.idx.msk [tilespmem:v26+s16+$0x0], $0xffff;
	v26 =	vor.u32 $0x3, v37;
	[tilespmem:s7+$0x0] =	vst v28  }
0xc2: {  	v41 =	vor.u32 $0x4, v37;
	v30 =	vor.u32 $0x5, v37;
	v34 =	vld.idx.msk [tilespmem:v34+s16+$0x0], $0xffff;
	[tilespmem:s6+$0x0] =	vst v32;
	v32 =	vor.u32 $0x9, v0;
	s6 =	sadd.s32 $0x3A40, s2  }
0xc3: {  	v27 =	vor.u32 $0x6, v37;
	v42 =	vor.u32 $0x8, v37;
	v43 =	vld.idx.msk [tilespmem:v18+s16+$0x0], $0xffff;
	[tilespmem:s1+$0x0] =	vst v36;
	s8 =	sadd.s32 s17, s6;
	s1 =	sadd.s32 s24, s6;
	v18 =	vmovc v23;
	v23 =	vor.u32 $0x7, v37  }
0xc4: {  	v44 =	vor.u32 $0x5, v1;
	v28 =	vor.u32 $0x9, v37;
	v21 =	vor.u32 $0xA, v37;
	s6 =	sadd.s32 $0x3240, s25;
	v36 =	vld.idx.msk [tilespmem:v24+s16+$0x0], $0xffff;
	[tilespmem:s1+$0x0] =	vst v31  }
0xc5: {  	s4 =	smul.u32 $0x7000, s4;
	v45 =	vor.u32 $0xB, v37;
	v15 =	vor.u32 $0xD, v37;
	v24 =	vor.u32 $0xC, v37;
	s1 =	sadd.s32 s26, s6;
	s6 =	sadd.s32 s28, s6;
	v38 =	vld.idx.msk [tilespmem:v38+s16+$0x0], $0xffff;
	[tilespmem:s0+$0x0] =	vst v33  }
0xc6: {  	s0 =	sadd.s32 $0x2A40, s29;
	v46 =	vld.idx.msk [tilespmem:v37+s16+$0x0], $0xffff;
	v37 =	vor.u32 $0x1, v2;
	[tilespmem:s6+$0x0] =	vst v35  }
0xc7: {  	s20 =	sshra.s32 s4, $0x2;
	s4 =	sadd.s32 s30, s0;
	s0 =	sadd.s32 s21, s0;
	[tilespmem:s3+$0x0] =	vst v40;
	v40 =	vld.idx.msk [tilespmem:v32+s16+$0x0], $0xffff  }
0xc8: {  	s2 =	sadd.s32 $0x3C40, s2;
	s3 =	sadd.s32 $0x2240, s20;
	v35 =	vld.idx.msk [tilespmem:v25+s16+$0x0], $0xffff;
	[tilespmem:s0+$0x0] =	vst v34;
	v25 =	vmov v41  }
.Ltmp2:
0xc9: {  	s6 =	sadd.s32 s13, s3;
	s23 =	sadd.s32 s31, s3;
	v34 =	vor.u32 $0xA, v0;
	v33 =	vld.idx.msk [tilespmem:v44+s16+$0x0], $0xffff;
	[tilespmem:s11+$0x0] =	vst v43;
	(pc) =	sbr.rel @p0 .LBB2_3-.Ltmp2, $4  }
0xca: {  	s0 =	sadd.s32 s17, s2;
	s2 =	sadd.s32 s24, s2;
	s17 =	smov.u32 s26;
	[tilespmem:s23+$0x0] =	vst v36;
	v31 =	vld.idx.msk [tilespmem:v17+s16+$0x0], $0xffff;
	v17 =	vmov v19;
	v19 =	vmov v42  }
0xcb: {  	s3 =	sadd.s32 $0x3440, s25;
	s26 =	smov.u32 s30;
	v36 =	vor.u32 $0x6, v1;
	v37 =	vld.idx.msk [tilespmem:v37+s16+$0x0], $0xffff;
	[tilespmem:s2+$0x0] =	vst v38  }
0xcc: {  	s30 =	smov.u32 s13;
	s11 =	sadd.s32 s17, s3;
	s3 =	sadd.s32 s28, s3;
	[tilespmem:s6+$0x0] =	vst v46;
	v32 =	vld.idx.msk [tilespmem:v8+s16+$0x0], $0xffff;
	v8 =	vmov v9;
	v9 =	vmov v13;
	v13 =	vmov v45  }
0xcd: {  	s24 =	smov.u32 s28;
	s28 =	smov.u32 s21;
	s2 =	sadd.s32 $0x2C40, s29;
	v38 =	vld.idx.msk [tilespmem:v39+s16+$0x0], $0xffff;
	v39 =	vor.u32 $0x2, v2;
	[tilespmem:s3+$0x0] =	vst v40  }
0xce: {  	_ =	sdelay $0x2  }
0xcf: {  	[tilespmem:s23+$0x200] =	vst v37  }
0xd0: {  	v37 =	vld.idx.msk [tilespmem:v39+s16+$0x0], $0xffff;
	[tilespmem:s6+$0x200] =	vst v38  }
0xd1: {  	v60 =	vor.u32 $0x3, v2;
	v29 =	vld.idx.msk [tilespmem:v29+s16+$0x0], $0xffff;
	_ =	sdelay $0x1  }
0xd2: {  	s3 =	sadd.s32 $0x2640, s20  }
0xd3: {  	s7 =	sadd.s32 s31, s3  }
0xd4: {  	s3 =	sadd.s32 s30, s3;
	[tilespmem:s7+$0x0] =	vst v37  }
0xd5: {  	v37 =	vld.idx.msk [tilespmem:v60+s16+$0x0], $0xffff;
	[tilespmem:s3+$0x0] =	vst v29  }
0xd6: {  	v61 =	vor.u32 $0x4, v2;
	v26 =	vld.idx.msk [tilespmem:v26+s16+$0x0], $0xffff;
	_ =	sdelay $0x1  }
0xd7: {  	s10 =	sadd.s32 $0x2840, s20  }
0xd8: {  	s13 =	sadd.s32 s31, s10  }
0xd9: {  	s3 =	sadd.s32 s30, s10;
	[tilespmem:s13+$0x0] =	vst v37  }
0xda: {  	v29 =	vld.idx.msk [tilespmem:v61+s16+$0x0], $0xffff;
	[tilespmem:s3+$0x0] =	vst v26  }
0xdb: {  	v62 =	vor.u32 $0x5, v2;
	v25 =	vld.idx.msk [tilespmem:v25+s16+$0x0], $0xffff;
	_ =	sdelay $0x1  }
0xdc: {  	s19 =	sadd.s32 $0x2A40, s20  }
0xdd: {  	[tilespmem:s4+$0x0] =	vst v35;
	s21 =	sadd.s32 s31, s19  }
0xde: {  	v22 =	vld.idx.msk [tilespmem:v22+s16+$0x0], $0xffff;
	s3 =	sadd.s32 s30, s19;
	[tilespmem:s21+$0x0] =	vst v29  }
0xdf: {  	v26 =	vld.idx.msk [tilespmem:v62+s16+$0x0], $0xffff;
	[tilespmem:s3+$0x0] =	vst v25  }
0xe0: {  	v63 =	vor.u32 $0x6, v2;
	v35 =	vld.idx.msk [tilespmem:v30+s16+$0x0], $0xffff  }
0xe1: {  	s23 =	sadd.s32 s28, s2  }
0xe2: {  	s4 =	sadd.s32 s26, s2;
	[tilespmem:s23+$0x0] =	vst v33;
	s6 =	sadd.s32 $0x2C40, s20  }
0xe3: {  	v36 =	vld.idx.msk [tilespmem:v36+s16+$0x0], $0xffff;
	[tilespmem:s4+$0x0] =	vst v22;
	s7 =	sadd.s32 s31, s6  }
0xe4: {  	v20 =	vld.idx.msk [tilespmem:v20+s16+$0x0], $0xffff;
	v37 =	vor.u32 $0x7, v1;
	s3 =	sadd.s32 s30, s6;
	[tilespmem:s7+$0x0] =	vst v26  }
0xe5: {  	v25 =	vld.idx.msk [tilespmem:v63+s16+$0x0], $0xffff;
	[tilespmem:s3+$0x0] =	vst v35  }
0xe6: {  	v38 =	vor.u32 $0x7, v2;
	s10 =	sadd.s32 $0x2E40, s29;
	v27 =	vld.idx.msk [tilespmem:v27+s16+$0x0], $0xffff  }
0xe7: {  	s13 =	sadd.s32 s28, s10  }
0xe8: {  	s2 =	sadd.s32 s26, s10;
	[tilespmem:s13+$0x0] =	vst v36;
	s19 =	sadd.s32 $0x2E40, s20  }
0xe9: {  	[tilespmem:s2+$0x0] =	vst v20;
	v22 =	vld.idx.msk [tilespmem:v37+s16+$0x0], $0xffff;
	s21 =	sadd.s32 s31, s19  }
0xea: {  	v39 =	vor.u32 $0x8, v1;
	v18 =	vld.idx.msk [tilespmem:v18+s16+$0x0], $0xffff;
	s3 =	sadd.s32 s30, s19;
	[tilespmem:s21+$0x0] =	vst v25  }
0xeb: {  	v25 =	vld.idx.msk [tilespmem:v38+s16+$0x0], $0xffff;
	[tilespmem:s3+$0x0] =	vst v27  }
0xec: {  	v40 =	vor.u32 $0x8, v2;
	[tilespmem:s1+$0x0] =	vst v31;
	s23 =	sadd.s32 $0x3040, s29;
	v23 =	vld.idx.msk [tilespmem:v23+s16+$0x0], $0xffff  }
0xed: {  	[tilespmem:s9+$0x0] =	vst v32;
	s3 =	sadd.s32 s28, s23  }
0xee: {  	v11 =	vld.idx.msk [tilespmem:v11+s16+$0x0], $0xffff;
	s4 =	sadd.s32 $0x3040, s20;
	s2 =	sadd.s32 s26, s23;
	[tilespmem:s3+$0x0] =	vst v22  }
0xef: {  	[tilespmem:s2+$0x0] =	vst v18;
	s6 =	sadd.s32 s31, s4;
	v20 =	vld.idx.msk [tilespmem:v39+s16+$0x0], $0xffff  }
0xf0: {  	v42 =	vor.u32 $0x9, v1;
	s1 =	sadd.s32 s30, s4;
	v17 =	vld.idx.msk [tilespmem:v17+s16+$0x0], $0xffff;
	[tilespmem:s6+$0x0] =	vst v25  }
0xf1: {  	v43 =	vld.idx.msk [tilespmem:v40+s16+$0x0], $0xffff;
	[tilespmem:s1+$0x0] =	vst v23  }
0xf2: {  	v44 =	vor.u32 $0x9, v2;
	s9 =	sadd.s32 $0x3240, s29;
	v19 =	vld.idx.msk [tilespmem:v19+s16+$0x0], $0xffff  }
0xf3: {  	v14 =	vld.idx.msk [tilespmem:v14+s16+$0x0], $0xffff;
	[tilespmem:s8+$0x0] =	vst v11;
	s10 =	sadd.s32 s28, s9  }
0xf4: {  	v4 =	vld.idx.msk [tilespmem:v4+s16+$0x0], $0xffff;
	s13 =	sadd.s32 $0x3240, s20;
	s3 =	sadd.s32 s26, s9;
	[tilespmem:s10+$0x0] =	vst v20  }
0xf5: {  	s19 =	sadd.s32 s31, s13;
	[tilespmem:s3+$0x0] =	vst v17;
	v18 =	vld.idx.msk [tilespmem:v42+s16+$0x0], $0xffff  }
0xf6: {  	v46 =	vor.u32 $0xA, v1;
	v16 =	vld.idx.msk [tilespmem:v16+s16+$0x0], $0xffff;
	s1 =	sadd.s32 s30, s13;
	[tilespmem:s19+$0x0] =	vst v43  }
0xf7: {  	v47 =	vld.idx.msk [tilespmem:v44+s16+$0x0], $0xffff;
	[tilespmem:s1+$0x0] =	vst v19  }
0xf8: {  	v48 =	vor.u32 $0xA, v2;
	[tilespmem:s11+$0x0] =	vst v14;
	s21 =	sadd.s32 $0x3440, s29;
	v19 =	vld.idx.msk [tilespmem:v28+s16+$0x0], $0xffff  }
0xf9: {  	v41 =	vld.idx.msk [tilespmem:v34+s16+$0x0], $0xffff;
	[tilespmem:s0+$0x0] =	vst v4;
	s23 =	sadd.s32 s28, s21  }
0xfa: {  	v45 =	vor.u32 $0xB, v0;
	v10 =	vld.idx.msk [tilespmem:v10+s16+$0x0], $0xffff;
	s4 =	sadd.s32 $0x3440, s20;
	s1 =	sadd.s32 s26, s21;
	[tilespmem:s23+$0x0] =	vst v18  }
0xfb: {  	s6 =	sadd.s32 s31, s4;
	[tilespmem:s1+$0x0] =	vst v16;
	v17 =	vld.idx.msk [tilespmem:v46+s16+$0x0], $0xffff  }
0xfc: {  	v51 =	vor.u32 $0xB, v1;
	s2 =	sadd.s32 $0x3640, s25;
	s3 =	sadd.s32 s30, s4;
	v12 =	vld.idx.msk [tilespmem:v12+s16+$0x0], $0xffff;
	[tilespmem:s6+$0x0] =	vst v47  }
0xfd: {  	s7 =	sadd.s32 s24, s2;
	v14 =	vld.idx.msk [tilespmem:v48+s16+$0x0], $0xffff;
	[tilespmem:s3+$0x0] =	vst v19  }
0xfe: {  	v52 =	vor.u32 $0xB, v2;
	s2 =	sadd.s32 s17, s2;
	[tilespmem:s7+$0x0] =	vst v41;
	s9 =	sadd.s32 $0x3640, s29;
	v19 =	vld.idx.msk [tilespmem:v21+s16+$0x0], $0xffff  }
0xff: {  	[tilespmem:s2+$0x0] =	vst v10;
	v49 =	vld.idx.msk [tilespmem:v45+s16+$0x0], $0xffff;
	s10 =	sadd.s32 s28, s9  }
0x100: {  	v50 =	vor.u32 $0xC, v0;
	s11 =	sadd.s32 $0x3640, s20;
	v8 =	vld.idx.msk [tilespmem:v8+s16+$0x0], $0xffff;
	s1 =	sadd.s32 s26, s9;
	[tilespmem:s10+$0x0] =	vst v17  }
0x101: {  	s13 =	sadd.s32 s31, s11;
	[tilespmem:s1+$0x0] =	vst v12;
	v53 =	vld.idx.msk [tilespmem:v51+s16+$0x0], $0xffff  }
0x102: {  	v54 =	vor.u32 $0xC, v1;
	s7 =	sadd.s32 $0x3840, s25;
	s2 =	sadd.s32 s30, s11;
	v9 =	vld.idx.msk [tilespmem:v9+s16+$0x0], $0xffff;
	[tilespmem:s13+$0x0] =	vst v14  }
0x103: {  	s8 =	sadd.s32 s24, s7;
	v14 =	vld.idx.msk [tilespmem:v52+s16+$0x0], $0xffff;
	[tilespmem:s2+$0x0] =	vst v19  }
0x104: {  	v55 =	vor.u32 $0xC, v2;
	[tilespmem:s8+$0x0] =	vst v49;
	s4 =	sadd.s32 $0x3840, s29;
	s23 =	sadd.s32 s17, s7;
	v13 =	vld.idx.msk [tilespmem:v13+s16+$0x0], $0xffff  }
0x105: {  	v11 =	vld.idx.msk [tilespmem:v50+s16+$0x0], $0xffff;
	[tilespmem:s23+$0x0] =	vst v8;
	s6 =	sadd.s32 s28, s4  }
0x106: {  	v56 =	vor.u32 $0xD, v0;
	s7 =	sadd.s32 $0x3840, s20;
	v5 =	vld.idx.msk [tilespmem:v5+s16+$0x0], $0xffff;
	s1 =	sadd.s32 s26, s4;
	[tilespmem:s6+$0x0] =	vst v53  }
0x107: {  	s8 =	sadd.s32 s31, s7;
	[tilespmem:s1+$0x0] =	vst v9;
	v57 =	vld.idx.msk [tilespmem:v54+s16+$0x0], $0xffff  }
0x108: {  	v58 =	vor.u32 $0xD, v1;
	s19 =	sadd.s32 $0x3A40, s25;
	s2 =	sadd.s32 s30, s7;
	v7 =	vld.idx.msk [tilespmem:v7+s16+$0x0], $0xffff;
	[tilespmem:s8+$0x0] =	vst v14  }
0x109: {  	s21 =	sadd.s32 s24, s19;
	v59 =	vld.idx.msk [tilespmem:v55+s16+$0x0], $0xffff;
	[tilespmem:s2+$0x0] =	vst v13  }
0x10a: {  	v60 =	vor.u32 $0xD, v2;
	[tilespmem:s21+$0x0] =	vst v11;
	s9 =	sadd.s32 s17, s19;
	s10 =	sadd.s32 $0x3A40, s29;
	v61 =	vld.idx.msk [tilespmem:v24+s16+$0x0], $0xffff  }
0x10b: {  	v0 =	vld.idx.msk [tilespmem:v56+s16+$0x0], $0xffff;
	[tilespmem:s9+$0x0] =	vst v5;
	s11 =	sadd.s32 s28, s10  }
0x10c: {  	s0 =	sadd.s32 s26, s10;
	v3 =	vld.idx.msk [tilespmem:v3+s16+$0x0], $0xffff;
	s13 =	sadd.s32 $0x3A40, s20;
	[tilespmem:s11+$0x0] =	vst v57  }
0x10d: {  	s19 =	sadd.s32 s31, s13;
	[tilespmem:s0+$0x0] =	vst v7;
	v1 =	vld.idx.msk [tilespmem:v58+s16+$0x0], $0xffff  }
0x10e: {  	s21 =	sadd.s32 $0x3C40, s25;
	s1 =	sadd.s32 s30, s13;
	v62 =	vld.idx.msk [tilespmem:v6+s16+$0x0], $0xffff;
	[tilespmem:s19+$0x0] =	vst v59  }
0x10f: {  	s23 =	sadd.s32 s24, s21;
	v2 =	vld.idx.msk [tilespmem:v60+s16+$0x0], $0xffff;
	[tilespmem:s1+$0x0] =	vst v61  }
0x110: {  	s25 =	sadd.s32 $0x3C40, s29;
	s24 =	sadd.s32 s17, s21;
	[tilespmem:s23+$0x0] =	vst v0;
	v63 =	vld.idx.msk [tilespmem:v15+s16+$0x0], $0xffff  }
0x111: {  	s28 =	sadd.s32 s28, s25;
	[tilespmem:s24+$0x0] =	vst v3  }
0x112: {  	s29 =	sadd.s32 $0x3C40, s20;
	s0 =	sadd.s32 s26, s25;
	[tilespmem:s28+$0x0] =	vst v1  }
0x113: {  	s31 =	sadd.s32 s31, s29;
	[tilespmem:s0+$0x0] =	vst v62  }
0x114: {  	s1 =	sadd.s32 s30, s29;
	[tilespmem:s31+$0x0] =	vst v2  }
0x115: {  	p0 =	por $0x1, $0x1;
	[tilespmem:s1+$0x0] =	vst v63  }
.LBB2_5:
0x116: {  	v2 =	vld [tilespmem:$0x20C0]  }
0x117: {  	v0 =	vmov s14;
	s0 =	sor.u32 $0x1, s14  }
0x118: {  	v0 =	vmul.u32 $0x3F0, v0;
	v1 =	vmov s0  }
0x119: {  	v3 =	vmul.u32 $0x3F0, v1  }
0x11a: {  	v1 =	vbroadcast v0, $0x0  }
0x11b: {  	v0 =	vbroadcast v3, $0x0;
	v4 =	vand.u32 $0xFFFFFFF8, v2  }
0x11c: {  	v2 =	vand.u32 $0x7, v2;
	v42 =	vadd.s32 v1, v4  }
0x11d: {  	v4 =	vadd.s32 v0, v4;
	v3 =	vor.u32 v2, v42  }
0x11e: {  	v2 =	vor.u32 v2, v4;
	_ =	sdelay $0x3  }
0x11f: {  	v3 =	vld.idx.msk [tilespmem:v3+s5+$0x0], $0xffff  }
0x120: {  	v2 =	vld.idx.msk [tilespmem:v2+s5+$0x0], $0xffff;
	_ =	sdelay $0x1  }
0x121: {  	s1 =	sshll.u32 s14, $0x8  }
0x122: {  	s8 =	sand.u32 $0x3FFFFF00, s1;
	s30 =	sshll.u32 s0, $0x8  }
0x123: {  	s9 =	sand.u32 $0x3FFFFF00, s30;
	[tilespmem:s8+$0x10240] =	vst v3  }
0x124: {  	[tilespmem:s9+$0x10240] =	vst v2;
	v3 =	vld [tilespmem:$0x20D0]  }
0x125: {  	v2 =	vld [tilespmem:$0x20D0];
	_ =	sdelay $0x3  }
0x126: {  	v43 =	vand.u32 $0xFFFFFFF8, v3  }
0x127: {  	v3 =	vand.u32 $0x7, v3;
	v5 =	vand.u32 $0xFFFFFFF8, v2;
	v4 =	vadd.s32 v1, v43  }
0x128: {  	v2 =	vand.u32 $0x7, v2;
	v44 =	vadd.s32 v0, v5;
	v3 =	vor.u32 v3, v4  }
0x129: {  	v2 =	vor.u32 v2, v44;
	_ =	sdelay $0x3  }
0x12a: {  	v3 =	vld.idx.msk [tilespmem:v3+s5+$0x0], $0xffff  }
0x12b: {  	v2 =	vld.idx.msk [tilespmem:v2+s5+$0x0], $0xffff;
	_ =	sdelay $0x3  }
0x12c: {  	[tilespmem:s8+$0x10250] =	vst v3  }
0x12d: {  	[tilespmem:s9+$0x10250] =	vst v2;
	v3 =	vld [tilespmem:$0x20E0]  }
0x12e: {  	v2 =	vld [tilespmem:$0x20E0];
	_ =	sdelay $0x3  }
0x12f: {  	v45 =	vand.u32 $0xFFFFFFF8, v3  }
0x130: {  	v3 =	vand.u32 $0x7, v3;
	v46 =	vand.u32 $0xFFFFFFF8, v2;
	v4 =	vadd.s32 v1, v45  }
0x131: {  	v2 =	vand.u32 $0x7, v2;
	v47 =	vadd.s32 v0, v46;
	v3 =	vor.u32 v3, v4  }
0x132: {  	v2 =	vor.u32 v2, v47;
	_ =	sdelay $0x3  }
0x133: {  	v3 =	vld.idx.msk [tilespmem:v3+s5+$0x0], $0xffff  }
0x134: {  	v2 =	vld.idx.msk [tilespmem:v2+s5+$0x0], $0xffff;
	_ =	sdelay $0x3  }
0x135: {  	[tilespmem:s8+$0x10260] =	vst v3  }
0x136: {  	[tilespmem:s9+$0x10260] =	vst v2;
	v3 =	vld [tilespmem:$0x20F0]  }
0x137: {  	v2 =	vld [tilespmem:$0x20F0];
	_ =	sdelay $0x3  }
0x138: {  	v48 =	vand.u32 $0xFFFFFFF8, v3  }
0x139: {  	v3 =	vand.u32 $0x7, v3;
	v49 =	vand.u32 $0xFFFFFFF8, v2;
	v4 =	vadd.s32 v1, v48  }
0x13a: {  	v2 =	vand.u32 $0x7, v2;
	v50 =	vadd.s32 v0, v49;
	v3 =	vor.u32 v3, v4  }
0x13b: {  	v2 =	vor.u32 v2, v50;
	_ =	sdelay $0x3  }
0x13c: {  	v3 =	vld.idx.msk [tilespmem:v3+s5+$0x0], $0xffff  }
0x13d: {  	v2 =	vld.idx.msk [tilespmem:v2+s5+$0x0], $0xffff;
	_ =	sdelay $0x3  }
0x13e: {  	[tilespmem:s8+$0x10270] =	vst v3  }
0x13f: {  	[tilespmem:s9+$0x10270] =	vst v2;
	v3 =	vld [tilespmem:$0x2100]  }
0x140: {  	v2 =	vld [tilespmem:$0x2100];
	_ =	sdelay $0x3  }
0x141: {  	v51 =	vand.u32 $0xFFFFFFF8, v3  }
0x142: {  	v3 =	vand.u32 $0x7, v3;
	v52 =	vand.u32 $0xFFFFFFF8, v2;
	v4 =	vadd.s32 v1, v51  }
0x143: {  	v2 =	vand.u32 $0x7, v2;
	v53 =	vadd.s32 v0, v52;
	v3 =	vor.u32 v3, v4  }
0x144: {  	v2 =	vor.u32 v2, v53;
	_ =	sdelay $0x3  }
0x145: {  	v3 =	vld.idx.msk [tilespmem:v3+s5+$0x0], $0xffff  }
0x146: {  	v2 =	vld.idx.msk [tilespmem:v2+s5+$0x0], $0xffff;
	_ =	sdelay $0x3  }
0x147: {  	[tilespmem:s8+$0x10280] =	vst v3  }
0x148: {  	[tilespmem:s9+$0x10280] =	vst v2;
	v3 =	vld [tilespmem:$0x2110]  }
0x149: {  	v2 =	vld [tilespmem:$0x2110];
	_ =	sdelay $0x3  }
0x14a: {  	v54 =	vand.u32 $0xFFFFFFF8, v3  }
0x14b: {  	v3 =	vand.u32 $0x7, v3;
	v55 =	vand.u32 $0xFFFFFFF8, v2;
	v4 =	vadd.s32 v1, v54  }
0x14c: {  	v2 =	vand.u32 $0x7, v2;
	v56 =	vadd.s32 v0, v55;
	v3 =	vor.u32 v3, v4  }
0x14d: {  	v2 =	vor.u32 v2, v56;
	_ =	sdelay $0x3  }
0x14e: {  	v3 =	vld.idx.msk [tilespmem:v3+s5+$0x0], $0xffff  }
0x14f: {  	v2 =	vld.idx.msk [tilespmem:v2+s5+$0x0], $0xffff;
	_ =	sdelay $0x3  }
0x150: {  	[tilespmem:s8+$0x10290] =	vst v3  }
0x151: {  	[tilespmem:s9+$0x10290] =	vst v2;
	v3 =	vld [tilespmem:$0x2120]  }
0x152: {  	v2 =	vld [tilespmem:$0x2120];
	_ =	sdelay $0x3  }
0x153: {  	v57 =	vand.u32 $0xFFFFFFF8, v3  }
0x154: {  	v3 =	vand.u32 $0x7, v3;
	v58 =	vand.u32 $0xFFFFFFF8, v2;
	v4 =	vadd.s32 v1, v57  }
0x155: {  	v2 =	vand.u32 $0x7, v2;
	v59 =	vadd.s32 v0, v58;
	v3 =	vor.u32 v3, v4  }
0x156: {  	v2 =	vor.u32 v2, v59;
	_ =	sdelay $0x3  }
0x157: {  	v3 =	vld.idx.msk [tilespmem:v3+s5+$0x0], $0xffff  }
0x158: {  	v2 =	vld.idx.msk [tilespmem:v2+s5+$0x0], $0xffff;
	_ =	sdelay $0x3  }
0x159: {  	[tilespmem:s8+$0x102A0] =	vst v3  }
0x15a: {  	[tilespmem:s9+$0x102A0] =	vst v2;
	v3 =	vld [tilespmem:$0x2130]  }
0x15b: {  	v2 =	vld [tilespmem:$0x2130];
	_ =	sdelay $0x3  }
0x15c: {  	v60 =	vand.u32 $0xFFFFFFF8, v3  }
0x15d: {  	v3 =	vand.u32 $0x7, v3;
	v61 =	vand.u32 $0xFFFFFFF8, v2;
	v4 =	vadd.s32 v1, v60  }
0x15e: {  	v2 =	vand.u32 $0x7, v2;
	v62 =	vadd.s32 v0, v61;
	v3 =	vor.u32 v3, v4  }
0x15f: {  	v2 =	vor.u32 v2, v62;
	_ =	sdelay $0x3  }
0x160: {  	v3 =	vld.idx.msk [tilespmem:v3+s5+$0x0], $0xffff  }
0x161: {  	v2 =	vld.idx.msk [tilespmem:v2+s5+$0x0], $0xffff;
	_ =	sdelay $0x3  }
0x162: {  	[tilespmem:s8+$0x102B0] =	vst v3  }
0x163: {  	[tilespmem:s9+$0x102B0] =	vst v2;
	v3 =	vld [tilespmem:$0x2140]  }
0x164: {  	v2 =	vld [tilespmem:$0x2140];
	_ =	sdelay $0x3  }
0x165: {  	v63 =	vand.u32 $0xFFFFFFF8, v3  }
0x166: {  	v3 =	vand.u32 $0x7, v3;
	v8 =	vand.u32 $0xFFFFFFF8, v2;
	v4 =	vadd.s32 v1, v63  }
0x167: {  	v2 =	vand.u32 $0x7, v2;
	v9 =	vadd.s32 v0, v8;
	v3 =	vor.u32 v3, v4  }
0x168: {  	v2 =	vor.u32 v2, v9;
	_ =	sdelay $0x3  }
0x169: {  	v3 =	vld.idx.msk [tilespmem:v3+s5+$0x0], $0xffff  }
0x16a: {  	v2 =	vld.idx.msk [tilespmem:v2+s5+$0x0], $0xffff;
	_ =	sdelay $0x3  }
0x16b: {  	[tilespmem:s8+$0x102C0] =	vst v3  }
0x16c: {  	[tilespmem:s9+$0x102C0] =	vst v2;
	v3 =	vld [tilespmem:$0x2150]  }
0x16d: {  	v2 =	vld [tilespmem:$0x2150];
	_ =	sdelay $0x3  }
0x16e: {  	v10 =	vand.u32 $0xFFFFFFF8, v3  }
0x16f: {  	v3 =	vand.u32 $0x7, v3;
	v11 =	vand.u32 $0xFFFFFFF8, v2;
	v4 =	vadd.s32 v1, v10  }
0x170: {  	v2 =	vand.u32 $0x7, v2;
	v12 =	vadd.s32 v0, v11;
	v3 =	vor.u32 v3, v4  }
0x171: {  	v2 =	vor.u32 v2, v12;
	_ =	sdelay $0x3  }
0x172: {  	v3 =	vld.idx.msk [tilespmem:v3+s5+$0x0], $0xffff  }
0x173: {  	v2 =	vld.idx.msk [tilespmem:v2+s5+$0x0], $0xffff;
	_ =	sdelay $0x3  }
0x174: {  	[tilespmem:s8+$0x102D0] =	vst v3  }
0x175: {  	[tilespmem:s9+$0x102D0] =	vst v2;
	v3 =	vld [tilespmem:$0x2160]  }
0x176: {  	v2 =	vld [tilespmem:$0x2160];
	_ =	sdelay $0x3  }
0x177: {  	v13 =	vand.u32 $0xFFFFFFF8, v3  }
0x178: {  	v3 =	vand.u32 $0x7, v3;
	v14 =	vand.u32 $0xFFFFFFF8, v2;
	v4 =	vadd.s32 v1, v13  }
0x179: {  	v2 =	vand.u32 $0x7, v2;
	v15 =	vadd.s32 v0, v14;
	v3 =	vor.u32 v3, v4  }
0x17a: {  	v2 =	vor.u32 v2, v15;
	_ =	sdelay $0x3  }
0x17b: {  	v3 =	vld.idx.msk [tilespmem:v3+s5+$0x0], $0xffff  }
0x17c: {  	v2 =	vld.idx.msk [tilespmem:v2+s5+$0x0], $0xffff;
	_ =	sdelay $0x3  }
0x17d: {  	[tilespmem:s8+$0x102E0] =	vst v3  }
0x17e: {  	[tilespmem:s9+$0x102E0] =	vst v2;
	v3 =	vld [tilespmem:$0x2170]  }
0x17f: {  	v2 =	vld [tilespmem:$0x2170];
	_ =	sdelay $0x3  }
0x180: {  	v16 =	vand.u32 $0xFFFFFFF8, v3  }
0x181: {  	v3 =	vand.u32 $0x7, v3;
	v17 =	vand.u32 $0xFFFFFFF8, v2;
	v4 =	vadd.s32 v1, v16  }
0x182: {  	v2 =	vand.u32 $0x7, v2;
	v18 =	vadd.s32 v0, v17;
	v3 =	vor.u32 v3, v4  }
0x183: {  	v2 =	vor.u32 v2, v18;
	_ =	sdelay $0x3  }
0x184: {  	v3 =	vld.idx.msk [tilespmem:v3+s5+$0x0], $0xffff  }
0x185: {  	v2 =	vld.idx.msk [tilespmem:v2+s5+$0x0], $0xffff;
	_ =	sdelay $0x3  }
0x186: {  	[tilespmem:s8+$0x102F0] =	vst v3  }
0x187: {  	[tilespmem:s9+$0x102F0] =	vst v2;
	v3 =	vld [tilespmem:$0x2180]  }
0x188: {  	v2 =	vld [tilespmem:$0x2180];
	_ =	sdelay $0x3  }
0x189: {  	v19 =	vand.u32 $0xFFFFFFF8, v3  }
0x18a: {  	v3 =	vand.u32 $0x7, v3;
	v20 =	vand.u32 $0xFFFFFFF8, v2;
	v4 =	vadd.s32 v1, v19  }
0x18b: {  	v2 =	vand.u32 $0x7, v2;
	v21 =	vadd.s32 v0, v20;
	v3 =	vor.u32 v3, v4  }
0x18c: {  	v2 =	vor.u32 v2, v21;
	_ =	sdelay $0x3  }
0x18d: {  	v3 =	vld.idx.msk [tilespmem:v3+s5+$0x0], $0xffff  }
0x18e: {  	v2 =	vld.idx.msk [tilespmem:v2+s5+$0x0], $0xffff;
	_ =	sdelay $0x3  }
0x18f: {  	[tilespmem:s8+$0x10300] =	vst v3  }
0x190: {  	[tilespmem:s9+$0x10300] =	vst v2;
	v3 =	vld [tilespmem:$0x2190]  }
0x191: {  	v2 =	vld [tilespmem:$0x2190];
	_ =	sdelay $0x3  }
0x192: {  	v22 =	vand.u32 $0xFFFFFFF8, v3  }
0x193: {  	v3 =	vand.u32 $0x7, v3;
	v23 =	vand.u32 $0xFFFFFFF8, v2;
	v4 =	vadd.s32 v1, v22  }
0x194: {  	v2 =	vand.u32 $0x7, v2;
	v24 =	vadd.s32 v0, v23;
	v3 =	vor.u32 v3, v4  }
0x195: {  	v2 =	vor.u32 v2, v24;
	_ =	sdelay $0x3  }
0x196: {  	v3 =	vld.idx.msk [tilespmem:v3+s5+$0x0], $0xffff  }
0x197: {  	v2 =	vld.idx.msk [tilespmem:v2+s5+$0x0], $0xffff;
	_ =	sdelay $0x3  }
0x198: {  	[tilespmem:s8+$0x10310] =	vst v3  }
0x199: {  	[tilespmem:s9+$0x10310] =	vst v2;
	v3 =	vld [tilespmem:$0x21A0]  }
0x19a: {  	v2 =	vld [tilespmem:$0x21A0];
	_ =	sdelay $0x3  }
0x19b: {  	v25 =	vand.u32 $0xFFFFFFF8, v3  }
0x19c: {  	v3 =	vand.u32 $0x7, v3;
	v26 =	vand.u32 $0xFFFFFFF8, v2;
	v4 =	vadd.s32 v1, v25  }
0x19d: {  	v2 =	vand.u32 $0x7, v2;
	v27 =	vadd.s32 v0, v26;
	v3 =	vor.u32 v3, v4  }
0x19e: {  	v2 =	vor.u32 v2, v27;
	_ =	sdelay $0x3  }
0x19f: {  	v3 =	vld.idx.msk [tilespmem:v3+s5+$0x0], $0xffff  }
0x1a0: {  	v2 =	vld.idx.msk [tilespmem:v2+s5+$0x0], $0xffff;
	_ =	sdelay $0x3  }
0x1a1: {  	[tilespmem:s8+$0x10320] =	vst v3  }
0x1a2: {  	[tilespmem:s9+$0x10320] =	vst v2;
	v3 =	vld [tilespmem:$0x21B0]  }
0x1a3: {  	v2 =	vld [tilespmem:$0x21B0];
	_ =	sdelay $0x3  }
0x1a4: {  	v28 =	vand.u32 $0xFFFFFFF8, v3  }
0x1a5: {  	v3 =	vand.u32 $0x7, v3;
	v29 =	vand.u32 $0xFFFFFFF8, v2;
	v4 =	vadd.s32 v1, v28  }
0x1a6: {  	v2 =	vand.u32 $0x7, v2;
	v30 =	vadd.s32 v0, v29;
	v3 =	vor.u32 v3, v4  }
0x1a7: {  	v2 =	vor.u32 v2, v30;
	_ =	sdelay $0x3  }
0x1a8: {  	v3 =	vld.idx.msk [tilespmem:v3+s5+$0x0], $0xffff  }
0x1a9: {  	v2 =	vld.idx.msk [tilespmem:v2+s5+$0x0], $0xffff;
	_ =	sdelay $0x3  }
0x1aa: {  	[tilespmem:s8+$0x10330] =	vst v3  }
0x1ab: {  	[tilespmem:s9+$0x10330] =	vst v2;
	v31 =	vld [tilespmem:$0x21C0]  }
0x1ac: {  	v32 =	vld [tilespmem:$0x21C0];
	_ =	sdelay $0x3  }
0x1ad: {  	v33 =	vand.u32 $0xFFFFFFF8, v31  }
0x1ae: {  	v2 =	vand.u32 $0x7, v31;
	v34 =	vand.u32 $0xFFFFFFF8, v32;
	v4 =	vadd.s32 v1, v33  }
0x1af: {  	v3 =	vand.u32 $0x7, v32;
	v35 =	vadd.s32 v0, v34;
	v2 =	vor.u32 v2, v4  }
0x1b0: {  	v3 =	vor.u32 v3, v35;
	_ =	sdelay $0x3  }
0x1b1: {  	v2 =	vld.idx.msk [tilespmem:v2+s5+$0x0], $0xffff  }
0x1b2: {  	v3 =	vld.idx.msk [tilespmem:v3+s5+$0x0], $0xffff  }
0x1b3: {  	v36 =	vld [tilespmem:$0x2200]  }
0x1b4: {  	v37 =	vld [tilespmem:$0x2200];
	_ =	sdelay $0x1  }
0x1b5: {  	v2 =	vtrunc.f32 v2  }
0x1b6: {  	v3 =	vtrunc.f32 v3;
	v2 =	vcvt.f32.s32 v2  }
0x1b7: {  	v3 =	vcvt.f32.s32 v3  }
0x1b8: {  	v6 =	vand.u32 $0xFFFFFFF8, v36;
	v38 =	vand.u32 $0xFFFFFFF8, v37;
	v2 =	vshll.u32 v2, $0x3  }
0x1b9: {  	v4 =	vand.u32 $0x7, v36;
	v3 =	vshll.u32 v3, $0x3;
	v2 =	vadd.s32 v6, v2  }
0x1ba: {  	v39 =	vand.u32 $0x7, v37;
	v3 =	vadd.s32 v38, v3;
	v2 =	vor.u32 v4, v2  }
0x1bb: {  	v3 =	vor.u32 v39, v3;
	_ =	sdelay $0x3  }
0x1bc: {  	v2 =	vld.idx.msk [tilespmem:v2+s18+$0x0], $0xffff  }
0x1bd: {  	v3 =	vld.idx.msk [tilespmem:v3+s18+$0x0], $0xffff;
	_ =	sdelay $0x1  }
0x1be: {  	s31 =	sshll.u32 s14, $0x6  }
0x1bf: {  	s1 =	sand.u32 $0x3FFFFFC0, s31;
	s0 =	sshll.u32 s0, $0x6  }
0x1c0: {  	s0 =	sand.u32 $0x3FFFFFC0, s0;
	[tilespmem:s1+$0x10A40] =	vst v2  }
0x1c1: {  	[tilespmem:s0+$0x10A40] =	vst v3;
	v2 =	vld [tilespmem:$0x21D0]  }
0x1c2: {  	v3 =	vld [tilespmem:$0x21D0];
	_ =	sdelay $0x3  }
0x1c3: {  	v40 =	vand.u32 $0xFFFFFFF8, v2  }
0x1c4: {  	v2 =	vand.u32 $0x7, v2;
	v41 =	vand.u32 $0xFFFFFFF8, v3;
	v4 =	vadd.s32 v1, v40  }
0x1c5: {  	v3 =	vand.u32 $0x7, v3;
	v42 =	vadd.s32 v0, v41;
	v2 =	vor.u32 v2, v4  }
0x1c6: {  	v3 =	vor.u32 v3, v42;
	_ =	sdelay $0x3  }
0x1c7: {  	v2 =	vld.idx.msk [tilespmem:v2+s5+$0x0], $0xffff  }
0x1c8: {  	v3 =	vld.idx.msk [tilespmem:v3+s5+$0x0], $0xffff  }
0x1c9: {  	v43 =	vld [tilespmem:$0x2210]  }
0x1ca: {  	v44 =	vld [tilespmem:$0x2210];
	_ =	sdelay $0x1  }
0x1cb: {  	v2 =	vtrunc.f32 v2  }
0x1cc: {  	v3 =	vtrunc.f32 v3;
	v2 =	vcvt.f32.s32 v2  }
0x1cd: {  	v3 =	vcvt.f32.s32 v3  }
0x1ce: {  	v45 =	vand.u32 $0xFFFFFFF8, v43;
	v46 =	vand.u32 $0xFFFFFFF8, v44;
	v2 =	vshll.u32 v2, $0x3  }
0x1cf: {  	v4 =	vand.u32 $0x7, v43;
	v3 =	vshll.u32 v3, $0x3;
	v2 =	vadd.s32 v45, v2  }
0x1d0: {  	v47 =	vand.u32 $0x7, v44;
	v3 =	vadd.s32 v46, v3;
	v2 =	vor.u32 v4, v2  }
0x1d1: {  	v3 =	vor.u32 v47, v3;
	_ =	sdelay $0x3  }
0x1d2: {  	v2 =	vld.idx.msk [tilespmem:v2+s18+$0x0], $0xffff  }
0x1d3: {  	v3 =	vld.idx.msk [tilespmem:v3+s18+$0x0], $0xffff;
	_ =	sdelay $0x3  }
0x1d4: {  	[tilespmem:s1+$0x10A50] =	vst v2  }
0x1d5: {  	[tilespmem:s0+$0x10A50] =	vst v3;
	v2 =	vld [tilespmem:$0x21E0]  }
0x1d6: {  	v3 =	vld [tilespmem:$0x21E0];
	_ =	sdelay $0x3  }
0x1d7: {  	v48 =	vand.u32 $0xFFFFFFF8, v2  }
0x1d8: {  	v2 =	vand.u32 $0x7, v2;
	v49 =	vand.u32 $0xFFFFFFF8, v3;
	v4 =	vadd.s32 v1, v48  }
0x1d9: {  	v3 =	vand.u32 $0x7, v3;
	v50 =	vadd.s32 v0, v49;
	v2 =	vor.u32 v2, v4  }
0x1da: {  	v3 =	vor.u32 v3, v50;
	_ =	sdelay $0x3  }
0x1db: {  	v2 =	vld.idx.msk [tilespmem:v2+s5+$0x0], $0xffff  }
0x1dc: {  	v3 =	vld.idx.msk [tilespmem:v3+s5+$0x0], $0xffff  }
0x1dd: {  	v51 =	vld [tilespmem:$0x2220]  }
0x1de: {  	v52 =	vld [tilespmem:$0x2220];
	_ =	sdelay $0x1  }
0x1df: {  	v2 =	vtrunc.f32 v2  }
0x1e0: {  	v3 =	vtrunc.f32 v3;
	v2 =	vcvt.f32.s32 v2  }
0x1e1: {  	v3 =	vcvt.f32.s32 v3  }
0x1e2: {  	v53 =	vand.u32 $0xFFFFFFF8, v51;
	v54 =	vand.u32 $0xFFFFFFF8, v52;
	v2 =	vshll.u32 v2, $0x3  }
0x1e3: {  	v4 =	vand.u32 $0x7, v51;
	v3 =	vshll.u32 v3, $0x3;
	v2 =	vadd.s32 v53, v2  }
0x1e4: {  	v55 =	vand.u32 $0x7, v52;
	v3 =	vadd.s32 v54, v3;
	v2 =	vor.u32 v4, v2  }
0x1e5: {  	v3 =	vor.u32 v55, v3;
	_ =	sdelay $0x3  }
0x1e6: {  	v2 =	vld.idx.msk [tilespmem:v2+s18+$0x0], $0xffff  }
0x1e7: {  	v3 =	vld.idx.msk [tilespmem:v3+s18+$0x0], $0xffff;
	_ =	sdelay $0x3  }
0x1e8: {  	[tilespmem:s1+$0x10A60] =	vst v2  }
0x1e9: {  	[tilespmem:s0+$0x10A60] =	vst v3;
	v2 =	vld [tilespmem:$0x21F0]  }
0x1ea: {  	v3 =	vld [tilespmem:$0x21F0];
	_ =	sdelay $0x3  }
0x1eb: {  	v56 =	vand.u32 $0xFFFFFFF8, v2  }
0x1ec: {  	v2 =	vand.u32 $0x7, v2;
	v57 =	vand.u32 $0xFFFFFFF8, v3;
	v1 =	vadd.s32 v1, v56  }
0x1ed: {  	v58 =	vand.u32 $0x7, v3;
	v0 =	vadd.s32 v0, v57;
	v1 =	vor.u32 v2, v1  }
0x1ee: {  	v0 =	vor.u32 v58, v0;
	_ =	sdelay $0x3  }
0x1ef: {  	v1 =	vld.idx.msk [tilespmem:v1+s5+$0x0], $0xffff  }
0x1f0: {  	v0 =	vld.idx.msk [tilespmem:v0+s5+$0x0], $0xffff  }
0x1f1: {  	v59 =	vld [tilespmem:$0x2230]  }
0x1f2: {  	v60 =	vld [tilespmem:$0x2230];
	_ =	sdelay $0x1  }
0x1f3: {  	v1 =	vtrunc.f32 v1  }
0x1f4: {  	v0 =	vtrunc.f32 v0;
	v1 =	vcvt.f32.s32 v1  }
0x1f5: {  	v0 =	vcvt.f32.s32 v0  }
0x1f6: {  	v61 =	vand.u32 $0xFFFFFFF8, v59;
	v62 =	vand.u32 $0xFFFFFFF8, v60;
	v1 =	vshll.u32 v1, $0x3  }
0x1f7: {  	v2 =	vand.u32 $0x7, v59;
	v0 =	vshll.u32 v0, $0x3;
	v1 =	vadd.s32 v61, v1  }
0x1f8: {  	v63 =	vand.u32 $0x7, v60;
	v0 =	vadd.s32 v62, v0;
	v1 =	vor.u32 v2, v1  }
0x1f9: {  	v0 =	vor.u32 v63, v0;
	_ =	sdelay $0x3  }
0x1fa: {  	v1 =	vld.idx.msk [tilespmem:v1+s18+$0x0], $0xffff  }
0x1fb: {  	p2 =	por p0, p0;
	v0 =	vld.idx.msk [tilespmem:v0+s18+$0x0], $0xffff  }
.Ltmp3:
0x1fc: {  	_ = 	snop;
	(pc) =	sbr.rel @p2 .LBB2_5-.Ltmp3, $3  }
0x1fd: {  	_ =	sdelay $0x1  }
0x1fe: {  	[tilespmem:s1+$0x10A70] =	vst v1  }
0x1ff: {  	s14 =	simm.s32 $0x2;
	p0 =	por $0x0, $0x0;
	[tilespmem:s0+$0x10A70] =	vst v0  }
0x200: {  	s0 =	smul.u32 $0x372, s12  }
0x201: {  	s1 =	rddreg [dreg:$0x1]  }
0x202: {  	s2 =	simm.s32 $0x3F;
	s0 =	sadd.s32 s1, s0  }
0x203: {  	s4 =	simm.s32 $0x2440;
	s1 =	simm.s32 $0x2240;
	s6 =	sadd.s32 $0x0, s0  }
.LBB2_7:
0x204: {  	[hbm4b:s6+s5] =	stream.linear.scatter [tilespmem:s1], [sflag:$0x3], $0x1F8, $0x38;
	[tilespmem:$0x10C40] =	vst v63  }
0x205: {  	s3 =	smov.u32 s2;
	s1 =	smov.u32 s4;
	p0 =	sne.s32 s2, $0xD89  }
.Ltmp4:
0x206: {  	s2 =	sadd.s32 $0x3F, s2;
	(pc) =	sbr.rel @p0 .LBB2_7-.Ltmp4, $2  }
0x207: {  	_ =	sdelay $0x2  }
0x208: {  	s4 =	sadd.s32 $0x200, s4;
	s6 =	sadd.s32 s3, s0  }
0x209: {  	s0 =	smul.u32 $0x1F, s12  }
0x20a: {  	[hbm4b:s6+s5] =	stream.linear.scatter [tilespmem:s1], [sflag:$0x3], $0x1F8, $0x38;
	[tilespmem:$0x10C40] =	vst v63  }
0x20b: {  	s4 =	rddreg [dreg:$0x2]  }
0x20c: {  	s6 =	simm.s32 $0x10240;
	s0 =	sadd.s32 s4, s0  }
0x20d: {  	[hbm4b:s0+s5] =	stream.linear.scatter [tilespmem:s6], [sflag:$0x5], $0xF8, $0x38;
	[tilespmem:$0x10C40] =	vst v63  }
0x20e: {  	s2 =	simm.s32 $0x10340;
	s7 =	sadd.s32 $0x1F, s0  }
0x20f: {  	[hbm4b:s7+s5] =	stream.linear.scatter [tilespmem:s2], [sflag:$0x5], $0xF8, $0x38;
	[tilespmem:$0x10C40] =	vst v63  }
0x210: {  	s9 =	simm.s32 $0x10440;
	s10 =	smul.u32 $0x7, s12;
	s8 =	sadd.s32 $0x3E, s0  }
0x211: {  	[hbm4b:s8+s5] =	stream.linear.scatter [tilespmem:s9], [sflag:$0x5], $0xF8, $0x38;
	[tilespmem:$0x10C40] =	vst v63  }
0x212: {  	s11 =	simm.s32 $0x10540;
	s13 =	rddreg [dreg:$0x3];
	s0 =	sadd.s32 $0x5D, s0  }
0x213: {  	[hbm4b:s0+s5] =	stream.linear.scatter [tilespmem:s11], [sflag:$0x5], $0xF8, $0x38;
	[tilespmem:$0x10C40] =	vst v63  }
0x214: {  	s14 =	simm.s32 $0x10A40;
	s0 =	sadd.s32 s13, s10  }
0x215: {  	[hbm4b:s0+s5] =	stream.linear.scatter [tilespmem:s14], [sflag:$0x7], $0x38, $0x38;
	[tilespmem:$0x10C40] =	vst v63  }
0x216: {  	s19 =	simm.s32 $0x10A80;
	s17 =	sadd.s32 $0x7, s0  }
0x217: {  	[hbm4b:s17+s5] =	stream.linear.scatter [tilespmem:s19], [sflag:$0x7], $0x38, $0x38;
	[tilespmem:$0x10C40] =	vst v63  }
0x218: {  	s21 =	simm.s32 $0x10AC0;
	p0 =	seq.s32 s15, $0x3F;
	s20 =	sadd.s32 $0xE, s0  }
0x219: {  	[hbm4b:s20+s5] =	stream.linear.scatter [tilespmem:s21], [sflag:$0x7], $0x38, $0x38;
	[tilespmem:$0x10C40] =	vst v63  }
0x21a: {  	s23 =	simm.s32 $0x10B00;
	s1 =	smul.u32 @!p0 $0x3F0, s12;
	s0 =	sadd.s32 $0x15, s0  }
0x21b: {  	[hbm4b:s0+s5] =	stream.linear.scatter [tilespmem:s23], [sflag:$0x7], $0x38, $0x38;
	[tilespmem:$0x10C40] =	vst v63  }
0x21c: {  	s0 =	sshrl.u32 @!p0 s1, $0x3;
	s1 =	rddreg [dreg:$0x6]  }
0x21d: {  	s0 =	sadd.s32 @!p0 s1, s0  }
0x21e: {  	s24 =	simm.s32 $0x2;
	s1 =	simm.s32 @!p0 $0x0;
	s0 =	sadd.s32 @!p0 $0x3F0, s0  }
0x21f: {  	[tilespmem:s1], [sflag:$0x1] =	stream.linear.gather @!p0 [hbm4b:s0+s1], $0xFC0, $0x38;
	[tilespmem:$0x10C40] =	vst v63  }
0x220: {  	_ =	swait.ge [sflag:s24], $0xFC0  }
0x221: {  	[sflag:s24] =	ssyncset.done $0x0  }
0x222: {  	s0 =	simm.s32 @!p1 $0x4;
	[sflag:s24] =	ssyncadd.s32 $0xFFFFF040  }
0x223: {  	_ =	swait.ge @!p1 [sflag:s0], $0x6E40  }
0x224: {  	[sflag:s0] =	ssyncset.done @!p1 $0x0  }
0x225: {  	[sflag:s0] =	ssyncadd.s32 @!p1 $0xFFFF91C0;
	s0 =	simm.s32 @!p1 $0x6  }
0x226: {  	s25 =	simm.s32 $0x0;
	_ =	swait.ge @!p1 [sflag:s0], $0x3E0  }
0x227: {  	s26 =	smul.u32 $0xFC0, s25;
	[sflag:s0] =	ssyncset.done @!p1 $0x0  }
0x228: {  	s3 =	simm.s32 @!p1 $0x8;
	s14 =	simm.s32 $0x0;
	[sflag:s0] =	ssyncadd.s32 @!p1 $0xFFFFFC20  }
0x229: {  	s2 =	sshra.s32 s26, $0x2;
	s0 =	sand.u32 $0x1E0, s14;
	_ =	swait.ge @!p1 [sflag:s3], $0xE0  }
0x22a: {  	s2 =	sadd.s32 $0xFC0, s2;
	s21 =	sor.u32 $0x10, s0;
	[sflag:s3] =	ssyncset.done @!p1 $0x0  }
0x22b: {  	s4 =	sadd.s32 s21, s2;
	[sflag:s3] =	ssyncadd.s32 @!p1 $0xFFFFFF20  }
0x22c: {  	v0 =	vld [tilespmem:s4+$0x0];
	_ =	sdelay $0x2  }
0x22d: {  	s2 =	sadd.s32 s0, s2  }
0x22e: {  	v1 =	vld [tilespmem:s2+$0x0]  }
0x22f: {  	v0 =	vtrunc.f32 v0  }
0x230: {  	v0 =	vcvt.f32.s32 v0;
	_ =	sdelay $0x1  }
0x231: {  	v3 =	vshll.u32 v0, $0x4  }
0x232: {  	v0 =	vtrunc.f32 v1  }
0x233: {  	v0 =	vcvt.f32.s32 v0;
	_ =	sdelay $0x1  }
0x234: {  	v4 =	vshll.u32 v0, $0x4  }
0x235: {  	s1 =	smul.u32 $0x7000, s25;
	v0 =	vld.idx.msk [tilespmem:v3+s16+$0x0], $0xffff  }
0x236: {  	v1 =	vor.u32 $0x1, v3  }
0x237: {  	s8 =	sshra.s32 s1, $0x2  }
0x238: {  	s7 =	simm.s32 $0x0;
	s1 =	sadd.s32 $0x9240, s8  }
0x239: {  	s9 =	smul.u32 $0xFC0, s7;
	s6 =	sadd.s32 s21, s1;
	v2 =	vld.idx.msk [tilespmem:v4+s16+$0x0], $0xffff  }
0x23a: {  	s10 =	simm.s32 $0x20;
	[tilespmem:s6+$0x0] =	vst v0;
	v0 =	vor.u32 $0x1, v4  }
0x23b: {  	s17 =	sand.u32 $0x1E0, s10;
	s3 =	sshra.s32 s9, $0x2;
	v1 =	vld.idx.msk [tilespmem:v1+s16+$0x0], $0xffff  }
0x23c: {  	s24 =	sor.u32 $0x10, s17;
	s13 =	sadd.s32 $0xFC0, s3;
	v5 =	vor.u32 $0x2, v3  }
0x23d: {  	s1 =	sadd.s32 s0, s1;
	s3 =	sadd.s32 s24, s13  }
0x23e: {  	s4 =	sadd.s32 $0x9440, s8;
	[tilespmem:s1+$0x0] =	vst v2;
	v2 =	vld [tilespmem:s3+$0x0]  }
0x23f: {  	s11 =	sadd.s32 s21, s4;
	v0 =	vld.idx.msk [tilespmem:v0+s16+$0x0], $0xffff  }
0x240: {  	v6 =	vor.u32 $0x2, v4;
	[tilespmem:s11+$0x0] =	vst v1  }
0x241: {  	v1 =	vld.idx.msk [tilespmem:v5+s16+$0x0], $0xffff  }
0x242: {  	v5 =	vor.u32 $0x3, v3  }
0x243: {  	s4 =	sadd.s32 s0, s4;
	s1 =	sadd.s32 s17, s13  }
0x244: {  	s19 =	sadd.s32 $0x9640, s8;
	v7 =	vld [tilespmem:s1+$0x0];
	[tilespmem:s4+$0x0] =	vst v0;
	v0 =	vtrunc.f32 v2  }
0x245: {  	s20 =	sadd.s32 s21, s19;
	v2 =	vld.idx.msk [tilespmem:v6+s16+$0x0], $0xffff;
	v0 =	vcvt.f32.s32 v0  }
0x246: {  	v8 =	vor.u32 $0x3, v4;
	[tilespmem:s20+$0x0] =	vst v1  }
0x247: {  	v1 =	vld.idx.msk [tilespmem:v5+s16+$0x0], $0xffff;
	v0 =	vshll.u32 v0, $0x4  }
0x248: {  	v6 =	vor.u32 $0x4, v3  }
0x249: {  	s3 =	sadd.s32 s0, s19;
	v5 =	vtrunc.f32 v7  }
0x24a: {  	s23 =	sadd.s32 $0x9840, s8;
	v5 =	vcvt.f32.s32 v5;
	[tilespmem:s3+$0x0] =	vst v2  }
0x24b: {  	s25 =	sadd.s32 s21, s23;
	v2 =	vld.idx.msk [tilespmem:v8+s16+$0x0], $0xffff  }
0x24c: {  	s2 =	smul.u32 $0x7000, s7;
	v5 =	vshll.u32 v5, $0x4;
	[tilespmem:s25+$0x0] =	vst v1;
	v8 =	vld.idx.msk [tilespmem:v0+s16+$0x0], $0xffff  }
0x24d: {  	v9 =	vor.u32 $0x1, v0;
	v1 =	vld.idx.msk [tilespmem:v6+s16+$0x0], $0xffff  }
0x24e: {  	s25 =	sshra.s32 s2, $0x2;
	v6 =	vor.u32 $0x5, v3  }
0x24f: {  	v7 =	vor.u32 $0x4, v4;
	s7 =	sadd.s32 $0x9240, s25  }
0x250: {  	s26 =	sadd.s32 $0x9A40, s8;
	s9 =	sadd.s32 s24, s7  }
0x251: {  	s6 =	sadd.s32 s21, s26;
	v10 =	vld.idx.msk [tilespmem:v5+s16+$0x0], $0xffff;
	[tilespmem:s9+$0x0] =	vst v8  }
0x252: {  	s1 =	sadd.s32 s0, s23;
	[tilespmem:s6+$0x0] =	vst v1;
	v9 =	vld.idx.msk [tilespmem:v9+s16+$0x0], $0xffff  }
0x253: {  	[tilespmem:s1+$0x0] =	vst v2;
	v1 =	vor.u32 $0x1, v5;
	v2 =	vld.idx.msk [tilespmem:v6+s16+$0x0], $0xffff  }
0x254: {  	v6 =	vld.idx.msk [tilespmem:v7+s16+$0x0], $0xffff;
	v7 =	vor.u32 $0x6, v3  }
0x255: {  	v11 =	vor.u32 $0x2, v0  }
0x256: {  	s4 =	sadd.s32 $0x9C40, s8;
	s10 =	sadd.s32 s17, s7;
	s1 =	simm.s32 $0x0;
	v8 =	vor.u32 $0x5, v4  }
0x257: {  	s11 =	sadd.s32 s21, s4;
	s7 =	sadd.s32 $0x9440, s25;
	s13 =	smul.u32 $0xFC0, s1;
	[tilespmem:s10+$0x0] =	vst v10  }
0x258: {  	s19 =	simm.s32 $0x40;
	s20 =	sadd.s32 s24, s7;
	v1 =	vld.idx.msk [tilespmem:v1+s16+$0x0], $0xffff;
	[tilespmem:s11+$0x0] =	vst v2  }
0x259: {  	s3 =	sadd.s32 s0, s26;
	s26 =	sand.u32 $0x1E0, s19;
	s23 =	sshra.s32 s13, $0x2;
	[tilespmem:s20+$0x0] =	vst v9;
	v2 =	vld.idx.msk [tilespmem:v7+s16+$0x0], $0xffff  }
0x25a: {  	s28 =	sor.u32 $0x10, s26;
	s2 =	sadd.s32 $0xFC0, s23;
	[tilespmem:s3+$0x0] =	vst v6;
	v9 =	vld.idx.msk [tilespmem:v11+s16+$0x0], $0xffff;
	v7 =	vor.u32 $0x7, v3  }
0x25b: {  	s6 =	sadd.s32 s28, s2;
	v6 =	vld.idx.msk [tilespmem:v8+s16+$0x0], $0xffff;
	v8 =	vor.u32 $0x2, v5  }
0x25c: {  	s2 =	sadd.s32 s26, s2;
	v10 =	vld [tilespmem:s6+$0x0];
	v11 =	vor.u32 $0x3, v0;
	s3 =	sadd.s32 $0x9E40, s8  }
0x25d: {  	v12 =	vor.u32 $0x6, v4;
	v13 =	vld [tilespmem:s2+$0x0];
	s9 =	sadd.s32 s21, s3  }
0x25e: {  	s10 =	sadd.s32 s17, s7;
	s11 =	sadd.s32 $0x9640, s25;
	[tilespmem:s9+$0x0] =	vst v2  }
0x25f: {  	s13 =	sadd.s32 s24, s11;
	[tilespmem:s10+$0x0] =	vst v1;
	v2 =	vld.idx.msk [tilespmem:v7+s16+$0x0], $0xffff  }
0x260: {  	s4 =	sadd.s32 s0, s4;
	[tilespmem:s13+$0x0] =	vst v9;
	v7 =	vld.idx.msk [tilespmem:v8+s16+$0x0], $0xffff;
	v8 =	vor.u32 $0x8, v3  }
0x261: {  	v1 =	vtrunc.f32 v10;
	v9 =	vor.u32 $0x3, v5;
	[tilespmem:s4+$0x0] =	vst v6;
	v6 =	vld.idx.msk [tilespmem:v11+s16+$0x0], $0xffff  }
0x262: {  	s2 =	sadd.s32 $0xA040, s8;
	v1 =	vcvt.f32.s32 v1;
	v11 =	vtrunc.f32 v13;
	v10 =	vld.idx.msk [tilespmem:v12+s16+$0x0], $0xffff;
	v12 =	vor.u32 $0x4, v0  }
0x263: {  	v14 =	vor.u32 $0x7, v4;
	s19 =	sadd.s32 s21, s2;
	v11 =	vcvt.f32.s32 v11  }
0x264: {  	s23 =	sadd.s32 $0x9840, s25;
	s20 =	sadd.s32 s17, s11;
	v1 =	vshll.u32 v1, $0x4;
	[tilespmem:s19+$0x0] =	vst v2  }
0x265: {  	s6 =	sadd.s32 s24, s23;
	v13 =	vshll.u32 v11, $0x4;
	[tilespmem:s20+$0x0] =	vst v7;
	v2 =	vld.idx.msk [tilespmem:v8+s16+$0x0], $0xffff  }
0x266: {  	s3 =	sadd.s32 s0, s3;
	[tilespmem:s6+$0x0] =	vst v6;
	v6 =	vor.u32 $0x9, v3;
	v7 =	vld.idx.msk [tilespmem:v9+s16+$0x0], $0xffff  }
0x267: {  	[tilespmem:s3+$0x0] =	vst v10;
	v8 =	vor.u32 $0x4, v5;
	v9 =	vld.idx.msk [tilespmem:v12+s16+$0x0], $0xffff  }
0x268: {  	v11 =	vor.u32 $0x5, v0;
	s3 =	sadd.s32 $0xA240, s8;
	v10 =	vld.idx.msk [tilespmem:v14+s16+$0x0], $0xffff  }
0x269: {  	s1 =	smul.u32 $0x7000, s1;
	v12 =	vor.u32 $0x8, v4;
	v14 =	vld.idx.msk [tilespmem:v1+s16+$0x0], $0xffff;
	s9 =	sadd.s32 s21, s3  }
0x26a: {  	s11 =	sadd.s32 $0x9A40, s25;
	s10 =	sadd.s32 s17, s23;
	v16 =	vor.u32 $0x1, v1;
	v15 =	vld.idx.msk [tilespmem:v13+s16+$0x0], $0xffff;
	[tilespmem:s9+$0x0] =	vst v2  }
0x26b: {  	s29 =	sshra.s32 s1, $0x2;
	s13 =	sadd.s32 s24, s11;
	v2 =	vor.u32 $0x1, v13;
	[tilespmem:s10+$0x0] =	vst v7;
	v6 =	vld.idx.msk [tilespmem:v6+s16+$0x0], $0xffff  }
0x26c: {  	s2 =	sadd.s32 s0, s2;
	s19 =	sadd.s32 $0x9240, s29;
	[tilespmem:s13+$0x0] =	vst v9;
	v7 =	vld.idx.msk [tilespmem:v8+s16+$0x0], $0xffff;
	v8 =	vor.u32 $0xA, v3  }
0x26d: {  	s20 =	sadd.s32 s28, s19;
	v9 =	vor.u32 $0x5, v5;
	[tilespmem:s2+$0x0] =	vst v10;
	v11 =	vld.idx.msk [tilespmem:v11+s16+$0x0], $0xffff  }
0x26e: {  	s4 =	sadd.s32 $0xA440, s8;
	s23 =	sadd.s32 s26, s19;
	[tilespmem:s20+$0x0] =	vst v14;
	v10 =	vld.idx.msk [tilespmem:v12+s16+$0x0], $0xffff;
	v12 =	vor.u32 $0x6, v0  }
0x26f: {  	s1 =	simm.s32 $0x0;
	v14 =	vor.u32 $0x9, v4;
	s2 =	sadd.s32 s21, s4;
	v16 =	vld.idx.msk [tilespmem:v16+s16+$0x0], $0xffff;
	[tilespmem:s23+$0x0] =	vst v15  }
0x270: {  	s6 =	sadd.s32 $0x9C40, s25;
	s9 =	sadd.s32 s17, s11;
	s11 =	smul.u32 $0xFC0, s1;
	v2 =	vld.idx.msk [tilespmem:v2+s16+$0x0], $0xffff;
	[tilespmem:s2+$0x0] =	vst v6  }
0x271: {  	s10 =	sadd.s32 s24, s6;
	s20 =	simm.s32 $0x60;
	v15 =	vor.u32 $0x2, v1;
	[tilespmem:s9+$0x0] =	vst v7;
	v6 =	vld.idx.msk [tilespmem:v8+s16+$0x0], $0xffff  }
0x272: {  	s3 =	sadd.s32 s0, s3;
	s30 =	sand.u32 $0x1E0, s20;
	s19 =	sshra.s32 s11, $0x2;
	[tilespmem:s10+$0x0] =	vst v11;
	v7 =	vld.idx.msk [tilespmem:v9+s16+$0x0], $0xffff  }
0x273: {  	s31 =	sor.u32 $0x10, s30;
	s9 =	sadd.s32 $0x9440, s29;
	[tilespmem:s3+$0x0] =	vst v10;
	s3 =	sadd.s32 $0xFC0, s19;
	v8 =	vld.idx.msk [tilespmem:v12+s16+$0x0], $0xffff;
	v12 =	vor.u32 $0x2, v13  }
0x274: {  	s13 =	sadd.s32 s28, s9;
	v9 =	vor.u32 $0xB, v3;
	v10 =	vld.idx.msk [tilespmem:v14+s16+$0x0], $0xffff;
	s23 =	sadd.s32 s31, s3;
	s3 =	sadd.s32 s30, s3  }
0x275: {  	v11 =	vor.u32 $0x7, v0;
	[tilespmem:s13+$0x0] =	vst v16;
	v17 =	vld [tilespmem:s3+$0x0]  }
0x276: {  	v18 =	vor.u32 $0xA, v4;
	s2 =	sadd.s32 $0xA640, s8;
	s9 =	sadd.s32 s26, s9;
	v14 =	vld.idx.msk [tilespmem:v15+s16+$0x0], $0xffff  }
0x277: {  	s7 =	sadd.s32 $0x9E40, s25;
	s10 =	sadd.s32 s21, s2;
	v16 =	vor.u32 $0x3, v1;
	v15 =	vld [tilespmem:s23+$0x0];
	[tilespmem:s9+$0x0] =	vst v2  }
0x278: {  	s11 =	sadd.s32 s24, s7;
	[tilespmem:s10+$0x0] =	vst v6;
	v6 =	vor.u32 $0x6, v5;
	v12 =	vld.idx.msk [tilespmem:v12+s16+$0x0], $0xffff  }
0x279: {  	v19 =	vor.u32 $0x3, v13;
	s13 =	sadd.s32 $0x9640, s29;
	s23 =	sadd.s32 s0, s4;
	[tilespmem:s11+$0x0] =	vst v8;
	v9 =	vld.idx.msk [tilespmem:v9+s16+$0x0], $0xffff  }
0x27a: {  	s19 =	sadd.s32 s28, s13;
	v2 =	vor.u32 $0xC, v3;
	[tilespmem:s23+$0x0] =	vst v10;
	v8 =	vld.idx.msk [tilespmem:v11+s16+$0x0], $0xffff  }
0x27b: {  	v33 =	vor.u32 $0xB, v4;
	v24 =	vor.u32 $0x9, v0;
	s6 =	sadd.s32 s17, s6;
	v21 =	vld.idx.msk [tilespmem:v18+s16+$0x0], $0xffff;
	[tilespmem:s19+$0x0] =	vst v14  }
0x27c: {  	v32 =	vor.u32 $0x8, v5;
	s4 =	sadd.s32 $0xA840, s8;
	s3 =	sadd.s32 s26, s13;
	[tilespmem:s6+$0x0] =	vst v7;
	v14 =	vor.u32 $0x8, v0;
	v11 =	vtrunc.f32 v15;
	v7 =	vld.idx.msk [tilespmem:v16+s16+$0x0], $0xffff  }
0x27d: {  	v36 =	vor.u32 $0x5, v1;
	s10 =	sadd.s32 s21, s4;
	v15 =	vor.u32 $0x4, v1;
	v10 =	vcvt.f32.s32 v11;
	v6 =	vld.idx.msk [tilespmem:v6+s16+$0x0], $0xffff;
	[tilespmem:s3+$0x0] =	vst v12  }
0x27e: {  	v25 =	vor.u32 $0x4, v13;
	v22 =	vor.u32 $0x5, v13;
	s6 =	sadd.s32 $0xA040, s25;
	v16 =	vor.u32 $0x7, v5;
	[tilespmem:s10+$0x0] =	vst v9;
	v19 =	vld.idx.msk [tilespmem:v19+s16+$0x0], $0xffff  }
0x27f: {  	v20 =	vor.u32 $0x6, v13;
	s13 =	sadd.s32 $0x9840, s29;
	s11 =	sadd.s32 s24, s6;
	v11 =	vtrunc.f32 v17;
	v17 =	vld.idx.msk [tilespmem:v2+s16+$0x0], $0xffff;
	v2 =	vshll.u32 v10, $0x4  }
0x280: {  	v18 =	vor.u32 $0x7, v13;
	s19 =	sadd.s32 s28, s13;
	v12 =	vor.u32 $0xD, v3;
	v9 =	vcvt.f32.s32 v11;
	[tilespmem:s11+$0x0] =	vst v8  }
0x281: {  	s7 =	sadd.s32 s17, s7;
	v3 =	vor.u32 $0xD, v5;
	v8 =	vor.u32 $0xB, v5;
	v23 =	vld.idx.msk [tilespmem:v14+s16+$0x0], $0xffff;
	v14 =	vor.u32 $0x9, v5;
	[tilespmem:s19+$0x0] =	vst v7  }
0x282: {  	s2 =	sadd.s32 s0, s2;
	v10 =	vor.u32 $0xA, v5;
	v35 =	vshll.u32 v9, $0x4;
	v39 =	vor.u32 $0x1, v2;
	v15 =	vld.idx.msk [tilespmem:v15+s16+$0x0], $0xffff;
	[tilespmem:s7+$0x0] =	vst v6  }
0x283: {  	s9 =	sadd.s32 s26, s13;
	s3 =	sadd.s32 $0xAA40, s8;
	[tilespmem:s2+$0x0] =	vst v21;
	v9 =	vor.u32 $0xB, v13;
	v7 =	vor.u32 $0xC, v13;
	v34 =	vor.u32 $0x1, v35;
	v28 =	vld.idx.msk [tilespmem:v16+s16+$0x0], $0xffff  }
0x284: {  	s23 =	sadd.s32 s21, s3;
	v29 =	vor.u32 $0x2, v35;
	v26 =	vor.u32 $0x3, v35;
	v30 =	vor.u32 $0x5, v35;
	[tilespmem:s9+$0x0] =	vst v19;
	v38 =	vld.idx.msk [tilespmem:v2+s16+$0x0], $0xffff  }
0x285: {  	s1 =	smul.u32 $0x7000, s1;
	v27 =	vor.u32 $0x6, v35;
	v21 =	vor.u32 $0xA, v35;
	v6 =	vor.u32 $0xC, v5;
	s7 =	sadd.s32 $0xA240, s25;
	[tilespmem:s23+$0x0] =	vst v17;
	v37 =	vld.idx.msk [tilespmem:v25+s16+$0x0], $0xffff  }
0x286: {  	s2 =	sadd.s32 $0x9A40, s29;
	v5 =	vor.u32 $0xD, v13;
	s10 =	sadd.s32 s24, s7;
	v16 =	vor.u32 $0x9, v13;
	v19 =	vor.u32 $0x8, v35;
	v40 =	vld.idx.msk [tilespmem:v12+s16+$0x0], $0xffff  }
0x287: {  	s12 =	sor.u32 $0x4, s12;
	s11 =	sadd.s32 s28, s2;
	s19 =	sshra.s32 s1, $0x2;
	v17 =	vor.u32 $0x8, v13;
	[tilespmem:s10+$0x0] =	vst v23;
	v25 =	vor.u32 $0x4, v35;
	v23 =	vor.u32 $0xC, v35;
	v41 =	vld.idx.msk [tilespmem:v35+s16+$0x0], $0xffff  }
0x288: {  	s13 =	sadd.s32 s17, s6;
	s6 =	sadd.s32 s26, s2;
	s23 =	sadd.s32 $0x9240, s19;
	v12 =	vor.u32 $0xA, v13;
	v31 =	vld.idx.msk [tilespmem:v24+s16+$0x0], $0xffff;
	v24 =	vor.u32 $0x7, v35;
	v13 =	vor.u32 $0xB, v35;
	[tilespmem:s11+$0x0] =	vst v15  }
0x289: {  	v33 =	vld.idx.msk [tilespmem:v33+s16+$0x0], $0xffff;
	s9 =	sadd.s32 s0, s3;
	s11 =	sadd.s32 s31, s23;
	v15 =	vor.u32 $0xD, v35;
	[tilespmem:s13+$0x0] =	vst v28;
	s13 =	sadd.s32 $0xAC40, s8;
	v28 =	vor.u32 $0x9, v35;
	v35 =	vor.u32 $0xA, v0  }
0x28a: {  	s1 =	sadd.s32 s17, s7;
	s10 =	sadd.s32 s0, s4;
	v36 =	vld.idx.msk [tilespmem:v36+s16+$0x0], $0xffff;
	[tilespmem:s11+$0x0] =	vst v38;
	s3 =	sadd.s32 s21, s13  }
0x28b: {  	s8 =	simm.s32 $0x6;
	v32 =	vld.idx.msk [tilespmem:v32+s16+$0x0], $0xffff;
	s21 =	sadd.s32 s30, s23;
	s23 =	sadd.s32 $0xA440, s25;
	v38 =	vor.u32 $0x6, v1;
	[tilespmem:s3+$0x0] =	vst v40  }
0x28c: {  	v11 =	vor.u32 $0xC, v4;
	v4 =	vor.u32 $0xD, v4;
	s0 =	sadd.s32 s0, s13;
	v39 =	vld.idx.msk [tilespmem:v39+s16+$0x0], $0xffff;
	[tilespmem:s21+$0x0] =	vst v41;
	s21 =	sadd.s32 s17, s23;
	s2 =	sadd.s32 s24, s23  }
.LBB2_9:
0x28d: {  	s8 =	sadd.s32 $0x2, s8;
	v34 =	vld.idx.msk [tilespmem:v34+s16+$0x0], $0xffff;
	v40 =	vor.u32 $0x2, v2;
	s3 =	sadd.s32 $0x9C40, s29;
	[tilespmem:s2+$0x0] =	vst v31;
	s11 =	smov.u32 s24  }
0x28e: {  	s2 =	sshrl.u32 s8, $0x5;
	[tilespmem:s6+$0x0] =	vst v37;
	s4 =	sadd.s32 s26, s3;
	s3 =	sadd.s32 s28, s3;
	v31 =	vld.idx.msk [tilespmem:v35+s16+$0x0], $0xffff  }
0x28f: {  	s7 =	sadd.s32 $0x9440, s19;
	p1 =	slt.u32 s8, $0x7E;
	s6 =	smul.u32 $0xFC0, s2;
	v35 =	vld.idx.msk [tilespmem:v22+s16+$0x0], $0xffff;
	[tilespmem:s3+$0x0] =	vst v36;
	v22 =	vmov v30  }
0x290: {  	s20 =	sadd.s32 $0x20, s20;
	s3 =	sadd.s32 s30, s7;
	s7 =	sadd.s32 s31, s7;
	v30 =	vld.idx.msk [tilespmem:v38+s16+$0x0], $0xffff;
	[tilespmem:s1+$0x0] =	vst v32;
	v32 =	vor.u32 $0xB, v0  }
0x291: {  	s24 =	smov.u32 s28;
	s13 =	sand.u32 $0x1E0, s20;
	s1 =	sshra.s32 s6, $0x2;
	[tilespmem:s7+$0x0] =	vst v39;
	v36 =	vld.idx.msk [tilespmem:v14+s16+$0x0], $0xffff;
	v14 =	vmov v16;
	v16 =	vmov v28  }
0x292: {  	v37 =	vor.u32 $0x7, v1;
	s7 =	sor.u32 $0x10, s13;
	s6 =	sadd.s32 $0xA640, s25;
	s1 =	sadd.s32 $0xFC0, s1;
	v28 =	vld.idx.msk [tilespmem:v40+s16+$0x0], $0xffff;
	[tilespmem:s10+$0x0] =	vst v33  }
0x293: {  	s10 =	sadd.s32 s13, s1;
	s1 =	sadd.s32 s7, s1;
	[tilespmem:s3+$0x0] =	vst v34;
	s3 =	sadd.s32 s11, s6;
	v33 =	vld.idx.msk [tilespmem:v11+s16+$0x0], $0xffff;
	v11 =	vmov v6;
	v6 =	vmov v7;
	v7 =	vmov v23  }
0x294: {  	s23 =	sadd.s32 $0x9E40, s29;
	s28 =	smov.u32 s31;
	v34 =	vor.u32 $0x3, v2;
	v23 =	vld [tilespmem:s1+$0x0];
	s1 =	sadd.s32 s17, s6;
	[tilespmem:s3+$0x0] =	vst v31  }
0x295: {  	s31 =	smov.u32 s7;
	s6 =	sadd.s32 s26, s23;
	s3 =	sadd.s32 s24, s23;
	[tilespmem:s4+$0x0] =	vst v35;
	v31 =	vld.idx.msk [tilespmem:v32+s16+$0x0], $0xffff  }
0x296: {  	s7 =	sadd.s32 $0x9640, s19;
	s4 =	smov.u32 s25;
	s25 =	smov.u32 s29;
	v32 =	vld [tilespmem:s10+$0x0];
	[tilespmem:s3+$0x0] =	vst v30  }
0x297: {  	v35 =	vor.u32 $0xC, v0;
	s29 =	smov.u32 s19;
	s3 =	sadd.s32 s30, s7;
	s7 =	sadd.s32 s28, s7;
	v30 =	vld.idx.msk [tilespmem:v37+s16+$0x0], $0xffff;
	[tilespmem:s21+$0x0] =	vst v36  }
0x298: {  	v29 =	vld.idx.msk [tilespmem:v29+s16+$0x0], $0xffff;
	[tilespmem:s7+$0x0] =	vst v28  }
0x299: {  	s7 =	sadd.s32 $0xA840, s4;
	v28 =	vld.idx.msk [tilespmem:v34+s16+$0x0], $0xffff;
	v34 =	vor.u32 $0x8, v1;
	[tilespmem:s9+$0x0] =	vst v33  }
0x29a: {  	v23 =	vtrunc.f32 v23;
	s10 =	sadd.s32 s17, s7;
	s7 =	sadd.s32 s11, s7;
	v33 =	vld.idx.msk [tilespmem:v20+s16+$0x0], $0xffff;
	v20 =	vmov v27  }
0x29b: {  	s9 =	sadd.s32 $0xA040, s25;
	v23 =	vcvt.f32.s32 v23;
	v27 =	vtrunc.f32 v32;
	v32 =	vor.u32 $0x4, v2;
	v36 =	vld.idx.msk [tilespmem:v10+s16+$0x0], $0xffff;
	[tilespmem:s7+$0x0] =	vst v31;
	v10 =	vmovc v12;
	v12 =	vmovc v21  }
0x29c: {  	s21 =	sadd.s32 s26, s9;
	s7 =	sadd.s32 s24, s9;
	v21 =	vcvt.f32.s32 v27;
	v31 =	vld.idx.msk [tilespmem:v35+s16+$0x0], $0xffff  }
0x29d: {  	s9 =	sadd.s32 $0x9840, s29;
	v23 =	vshll.u32 v23, $0x4;
	[tilespmem:s7+$0x0] =	vst v30;
	v35 =	vld.idx.msk [tilespmem:v4+s16+$0x0], $0xffff;
	v4 =	vmovc v3;
	v3 =	vmov v5;
	v5 =	vmov v15  }
0x29e: {  	v39 =	vor.u32 $0xD, v0;
	v0 =	vmovc v1;
	v1 =	vmovc v2;
	s7 =	sadd.s32 s28, s9;
	v2 =	vmov v23;
	v37 =	vshll.u32 v21, $0x4;
	[tilespmem:s3+$0x0] =	vst v29;
	s3 =	sadd.s32 s30, s9;
	v38 =	vld.idx.msk [tilespmem:v34+s16+$0x0], $0xffff  }
0x29f: {  	v34 =	vor.u32 $0x1, v37;
	v29 =	vor.u32 $0x2, v37;
	v40 =	vld.idx.msk [tilespmem:v26+s16+$0x0], $0xffff;
	v26 =	vor.u32 $0x3, v37;
	[tilespmem:s7+$0x0] =	vst v28  }
0x2a0: {  	v41 =	vor.u32 $0x4, v37;
	v30 =	vor.u32 $0x5, v37;
	v32 =	vld.idx.msk [tilespmem:v32+s16+$0x0], $0xffff;
	[tilespmem:s6+$0x0] =	vst v33;
	v33 =	vor.u32 $0x9, v0;
	s6 =	sadd.s32 $0xAA40, s4  }
0x2a1: {  	v27 =	vor.u32 $0x6, v37;
	v42 =	vor.u32 $0x8, v37;
	v43 =	vld.idx.msk [tilespmem:v18+s16+$0x0], $0xffff;
	[tilespmem:s1+$0x0] =	vst v36;
	s9 =	sadd.s32 s17, s6;
	s1 =	sadd.s32 s11, s6;
	v18 =	vmovc v24;
	v24 =	vor.u32 $0x7, v37  }
0x2a2: {  	v28 =	vor.u32 $0x9, v37;
	v21 =	vor.u32 $0xA, v37;
	v36 =	vor.u32 $0x5, v1;
	s6 =	sadd.s32 $0xA240, s25;
	v44 =	vld.idx.msk [tilespmem:v23+s16+$0x0], $0xffff;
	[tilespmem:s1+$0x0] =	vst v31  }
0x2a3: {  	s2 =	smul.u32 $0x7000, s2;
	v45 =	vor.u32 $0xB, v37;
	v15 =	vor.u32 $0xD, v37;
	v23 =	vor.u32 $0xC, v37;
	s1 =	sadd.s32 s26, s6;
	s6 =	sadd.s32 s24, s6;
	v46 =	vld.idx.msk [tilespmem:v39+s16+$0x0], $0xffff;
	[tilespmem:s0+$0x0] =	vst v35  }
0x2a4: {  	v39 =	vor.u32 $0x1, v2;
	s0 =	sadd.s32 $0x9A40, s29;
	v47 =	vld.idx.msk [tilespmem:v37+s16+$0x0], $0xffff;
	[tilespmem:s6+$0x0] =	vst v38  }
0x2a5: {  	s19 =	sshra.s32 s2, $0x2;
	s6 =	sadd.s32 s30, s0;
	s0 =	sadd.s32 s28, s0;
	[tilespmem:s3+$0x0] =	vst v40;
	v31 =	vld.idx.msk [tilespmem:v33+s16+$0x0], $0xffff  }
.Ltmp5:
0x2a6: {  	s2 =	sadd.s32 $0x9240, s19;
	v37 =	vld.idx.msk [tilespmem:v25+s16+$0x0], $0xffff;
	[tilespmem:s0+$0x0] =	vst v32;
	v25 =	vmov v41;
	(pc) =	sbr.rel @p1 .LBB2_9-.Ltmp5, $4  }
0x2a7: {  	v35 =	vor.u32 $0xA, v0;
	s3 =	sadd.s32 s13, s2;
	s0 =	sadd.s32 s31, s2;
	s2 =	sadd.s32 $0xAC40, s4;
	v36 =	vld.idx.msk [tilespmem:v36+s16+$0x0], $0xffff;
	[tilespmem:s21+$0x0] =	vst v43  }
0x2a8: {  	[tilespmem:s0+$0x0] =	vst v44;
	v32 =	vld.idx.msk [tilespmem:v17+s16+$0x0], $0xffff;
	s0 =	sadd.s32 s17, s2;
	s2 =	sadd.s32 s11, s2;
	v17 =	vmov v19;
	v19 =	vmov v42;
	s17 =	smov.u32 s26  }
0x2a9: {  	v38 =	vor.u32 $0x6, v1;
	s4 =	sadd.s32 $0xA440, s25;
	s26 =	smov.u32 s30;
	v39 =	vld.idx.msk [tilespmem:v39+s16+$0x0], $0xffff;
	[tilespmem:s2+$0x0] =	vst v46  }
0x2aa: {  	s30 =	smov.u32 s13;
	s21 =	sadd.s32 s17, s4;
	s2 =	sadd.s32 s24, s4;
	[tilespmem:s3+$0x0] =	vst v47;
	v33 =	vld.idx.msk [tilespmem:v8+s16+$0x0], $0xffff;
	v8 =	vmov v9;
	v9 =	vmov v13;
	v13 =	vmov v45  }
0x2ab: {  	_ =	sdelay $0x3  }
0x2ac: {  	v34 =	vld.idx.msk [tilespmem:v34+s16+$0x0], $0xffff;
	v40 =	vor.u32 $0x2, v2;
	_ =	sdelay $0x1  }
0x2ad: {  	s3 =	sadd.s32 $0x9440, s19  }
0x2ae: {  	s4 =	sadd.s32 s31, s3  }
0x2af: {  	s3 =	sadd.s32 s30, s3;
	[tilespmem:s4+$0x0] =	vst v39  }
0x2b0: {  	v39 =	vld.idx.msk [tilespmem:v40+s16+$0x0], $0xffff;
	[tilespmem:s3+$0x0] =	vst v34  }
0x2b1: {  	v60 =	vor.u32 $0x3, v2;
	v29 =	vld.idx.msk [tilespmem:v29+s16+$0x0], $0xffff;
	_ =	sdelay $0x1  }
0x2b2: {  	s7 =	sadd.s32 $0x9640, s19  }
0x2b3: {  	s8 =	sadd.s32 s31, s7  }
0x2b4: {  	s3 =	sadd.s32 s30, s7;
	[tilespmem:s8+$0x0] =	vst v39  }
0x2b5: {  	v34 =	vld.idx.msk [tilespmem:v60+s16+$0x0], $0xffff;
	[tilespmem:s3+$0x0] =	vst v29  }
0x2b6: {  	v61 =	vor.u32 $0x4, v2;
	v26 =	vld.idx.msk [tilespmem:v26+s16+$0x0], $0xffff;
	_ =	sdelay $0x1  }
0x2b7: {  	s11 =	sadd.s32 $0x9840, s19  }
0x2b8: {  	s13 =	sadd.s32 s31, s11  }
0x2b9: {  	s3 =	sadd.s32 s30, s11;
	[tilespmem:s13+$0x0] =	vst v34  }
0x2ba: {  	v29 =	vld.idx.msk [tilespmem:v61+s16+$0x0], $0xffff;
	[tilespmem:s3+$0x0] =	vst v26  }
0x2bb: {  	v62 =	vor.u32 $0x5, v2;
	v25 =	vld.idx.msk [tilespmem:v25+s16+$0x0], $0xffff;
	_ =	sdelay $0x1  }
0x2bc: {  	s20 =	sadd.s32 $0x9A40, s19  }
0x2bd: {  	[tilespmem:s6+$0x0] =	vst v37;
	s23 =	sadd.s32 s31, s20  }
0x2be: {  	v22 =	vld.idx.msk [tilespmem:v22+s16+$0x0], $0xffff;
	s3 =	sadd.s32 s30, s20;
	[tilespmem:s23+$0x0] =	vst v29  }
0x2bf: {  	v26 =	vld.idx.msk [tilespmem:v62+s16+$0x0], $0xffff;
	[tilespmem:s3+$0x0] =	vst v25  }
0x2c0: {  	v63 =	vor.u32 $0x6, v2;
	s4 =	sadd.s32 $0x9C40, s29;
	v34 =	vld.idx.msk [tilespmem:v30+s16+$0x0], $0xffff  }
0x2c1: {  	s6 =	sadd.s32 s28, s4  }
0x2c2: {  	[tilespmem:s6+$0x0] =	vst v36;
	s7 =	sadd.s32 $0x9C40, s19;
	s3 =	sadd.s32 s26, s4  }
0x2c3: {  	v37 =	vld.idx.msk [tilespmem:v38+s16+$0x0], $0xffff;
	s8 =	sadd.s32 s31, s7;
	[tilespmem:s3+$0x0] =	vst v22  }
0x2c4: {  	v38 =	vor.u32 $0x7, v1;
	s4 =	sadd.s32 s30, s7;
	v20 =	vld.idx.msk [tilespmem:v20+s16+$0x0], $0xffff;
	[tilespmem:s8+$0x0] =	vst v26  }
0x2c5: {  	v25 =	vld.idx.msk [tilespmem:v63+s16+$0x0], $0xffff;
	[tilespmem:s4+$0x0] =	vst v34  }
0x2c6: {  	v39 =	vor.u32 $0x7, v2;
	s11 =	sadd.s32 $0x9E40, s29;
	v27 =	vld.idx.msk [tilespmem:v27+s16+$0x0], $0xffff  }
0x2c7: {  	[tilespmem:s2+$0x0] =	vst v31;
	s13 =	sadd.s32 s28, s11  }
0x2c8: {  	[tilespmem:s13+$0x0] =	vst v37;
	s20 =	sadd.s32 $0x9E40, s19;
	s3 =	sadd.s32 s26, s11  }
0x2c9: {  	s23 =	sadd.s32 s31, s20;
	v22 =	vld.idx.msk [tilespmem:v38+s16+$0x0], $0xffff;
	[tilespmem:s3+$0x0] =	vst v20  }
0x2ca: {  	v40 =	vor.u32 $0x8, v1;
	s4 =	sadd.s32 s30, s20;
	v18 =	vld.idx.msk [tilespmem:v18+s16+$0x0], $0xffff;
	[tilespmem:s23+$0x0] =	vst v25  }
0x2cb: {  	v25 =	vld.idx.msk [tilespmem:v39+s16+$0x0], $0xffff;
	[tilespmem:s4+$0x0] =	vst v27  }
0x2cc: {  	v41 =	vor.u32 $0x8, v2;
	[tilespmem:s1+$0x0] =	vst v32;
	s3 =	sadd.s32 $0xA040, s29;
	v24 =	vld.idx.msk [tilespmem:v24+s16+$0x0], $0xffff  }
0x2cd: {  	[tilespmem:s10+$0x0] =	vst v33;
	s4 =	sadd.s32 s28, s3  }
0x2ce: {  	s6 =	sadd.s32 $0xA040, s19;
	v11 =	vld.idx.msk [tilespmem:v11+s16+$0x0], $0xffff;
	s2 =	sadd.s32 s26, s3;
	[tilespmem:s4+$0x0] =	vst v22  }
0x2cf: {  	s7 =	sadd.s32 s31, s6;
	[tilespmem:s2+$0x0] =	vst v18;
	v20 =	vld.idx.msk [tilespmem:v40+s16+$0x0], $0xffff  }
0x2d0: {  	v43 =	vor.u32 $0x9, v1;
	s1 =	sadd.s32 s30, s6;
	v17 =	vld.idx.msk [tilespmem:v17+s16+$0x0], $0xffff;
	[tilespmem:s7+$0x0] =	vst v25  }
0x2d1: {  	v44 =	vld.idx.msk [tilespmem:v41+s16+$0x0], $0xffff;
	[tilespmem:s1+$0x0] =	vst v24  }
0x2d2: {  	v45 =	vor.u32 $0x9, v2;
	s10 =	sadd.s32 $0xA240, s29;
	v19 =	vld.idx.msk [tilespmem:v19+s16+$0x0], $0xffff  }
0x2d3: {  	v14 =	vld.idx.msk [tilespmem:v14+s16+$0x0], $0xffff;
	[tilespmem:s9+$0x0] =	vst v11;
	s11 =	sadd.s32 s28, s10  }
0x2d4: {  	v4 =	vld.idx.msk [tilespmem:v4+s16+$0x0], $0xffff;
	s13 =	sadd.s32 $0xA240, s19;
	s3 =	sadd.s32 s26, s10;
	[tilespmem:s11+$0x0] =	vst v20  }
0x2d5: {  	s20 =	sadd.s32 s31, s13;
	[tilespmem:s3+$0x0] =	vst v17;
	v18 =	vld.idx.msk [tilespmem:v43+s16+$0x0], $0xffff  }
0x2d6: {  	v47 =	vor.u32 $0xA, v1;
	s1 =	sadd.s32 s30, s13;
	v16 =	vld.idx.msk [tilespmem:v16+s16+$0x0], $0xffff;
	[tilespmem:s20+$0x0] =	vst v44  }
0x2d7: {  	v48 =	vld.idx.msk [tilespmem:v45+s16+$0x0], $0xffff;
	[tilespmem:s1+$0x0] =	vst v19  }
0x2d8: {  	v49 =	vor.u32 $0xA, v2;
	[tilespmem:s21+$0x0] =	vst v14;
	s21 =	sadd.s32 $0xA440, s29;
	v19 =	vld.idx.msk [tilespmem:v28+s16+$0x0], $0xffff  }
0x2d9: {  	v42 =	vld.idx.msk [tilespmem:v35+s16+$0x0], $0xffff;
	[tilespmem:s0+$0x0] =	vst v4;
	s23 =	sadd.s32 s28, s21  }
0x2da: {  	v46 =	vor.u32 $0xB, v0;
	v10 =	vld.idx.msk [tilespmem:v10+s16+$0x0], $0xffff;
	s4 =	sadd.s32 $0xA440, s19;
	s1 =	sadd.s32 s26, s21;
	[tilespmem:s23+$0x0] =	vst v18  }
0x2db: {  	s6 =	sadd.s32 s31, s4;
	[tilespmem:s1+$0x0] =	vst v16;
	v17 =	vld.idx.msk [tilespmem:v47+s16+$0x0], $0xffff  }
0x2dc: {  	v52 =	vor.u32 $0xB, v1;
	s2 =	sadd.s32 $0xA640, s25;
	s3 =	sadd.s32 s30, s4;
	v12 =	vld.idx.msk [tilespmem:v12+s16+$0x0], $0xffff;
	[tilespmem:s6+$0x0] =	vst v48  }
0x2dd: {  	s8 =	sadd.s32 s24, s2;
	v14 =	vld.idx.msk [tilespmem:v49+s16+$0x0], $0xffff;
	[tilespmem:s3+$0x0] =	vst v19  }
0x2de: {  	v53 =	vor.u32 $0xB, v2;
	s9 =	sadd.s32 $0xA640, s29;
	s2 =	sadd.s32 s17, s2;
	[tilespmem:s8+$0x0] =	vst v42;
	v19 =	vld.idx.msk [tilespmem:v21+s16+$0x0], $0xffff  }
0x2df: {  	s10 =	sadd.s32 s28, s9;
	[tilespmem:s2+$0x0] =	vst v10;
	v50 =	vld.idx.msk [tilespmem:v46+s16+$0x0], $0xffff  }
0x2e0: {  	v51 =	vor.u32 $0xC, v0;
	v8 =	vld.idx.msk [tilespmem:v8+s16+$0x0], $0xffff;
	s11 =	sadd.s32 $0xA640, s19;
	s1 =	sadd.s32 s26, s9;
	[tilespmem:s10+$0x0] =	vst v17  }
0x2e1: {  	s13 =	sadd.s32 s31, s11;
	[tilespmem:s1+$0x0] =	vst v12;
	v54 =	vld.idx.msk [tilespmem:v52+s16+$0x0], $0xffff  }
0x2e2: {  	v55 =	vor.u32 $0xC, v1;
	s7 =	sadd.s32 $0xA840, s25;
	s2 =	sadd.s32 s30, s11;
	v9 =	vld.idx.msk [tilespmem:v9+s16+$0x0], $0xffff;
	[tilespmem:s13+$0x0] =	vst v14  }
0x2e3: {  	s8 =	sadd.s32 s24, s7;
	v14 =	vld.idx.msk [tilespmem:v53+s16+$0x0], $0xffff;
	[tilespmem:s2+$0x0] =	vst v19  }
0x2e4: {  	v56 =	vor.u32 $0xC, v2;
	s4 =	sadd.s32 $0xA840, s29;
	[tilespmem:s8+$0x0] =	vst v50;
	s23 =	sadd.s32 s17, s7;
	v13 =	vld.idx.msk [tilespmem:v13+s16+$0x0], $0xffff  }
0x2e5: {  	v11 =	vld.idx.msk [tilespmem:v51+s16+$0x0], $0xffff;
	[tilespmem:s23+$0x0] =	vst v8;
	s6 =	sadd.s32 s28, s4  }
0x2e6: {  	v57 =	vor.u32 $0xD, v0;
	s7 =	sadd.s32 $0xA840, s19;
	v6 =	vld.idx.msk [tilespmem:v6+s16+$0x0], $0xffff;
	s1 =	sadd.s32 s26, s4;
	[tilespmem:s6+$0x0] =	vst v54  }
0x2e7: {  	s8 =	sadd.s32 s31, s7;
	[tilespmem:s1+$0x0] =	vst v9;
	v58 =	vld.idx.msk [tilespmem:v55+s16+$0x0], $0xffff  }
0x2e8: {  	v59 =	vor.u32 $0xD, v1;
	s20 =	sadd.s32 $0xAA40, s25;
	s2 =	sadd.s32 s30, s7;
	v7 =	vld.idx.msk [tilespmem:v7+s16+$0x0], $0xffff;
	[tilespmem:s8+$0x0] =	vst v14  }
0x2e9: {  	s21 =	sadd.s32 s24, s20;
	v60 =	vld.idx.msk [tilespmem:v56+s16+$0x0], $0xffff;
	[tilespmem:s2+$0x0] =	vst v13  }
0x2ea: {  	v61 =	vor.u32 $0xD, v2;
	s9 =	sadd.s32 s17, s20;
	[tilespmem:s21+$0x0] =	vst v11;
	s10 =	sadd.s32 $0xAA40, s29;
	v62 =	vld.idx.msk [tilespmem:v23+s16+$0x0], $0xffff  }
0x2eb: {  	v0 =	vld.idx.msk [tilespmem:v57+s16+$0x0], $0xffff;
	[tilespmem:s9+$0x0] =	vst v6;
	s11 =	sadd.s32 s28, s10  }
0x2ec: {  	s0 =	sadd.s32 s26, s10;
	v3 =	vld.idx.msk [tilespmem:v3+s16+$0x0], $0xffff;
	s13 =	sadd.s32 $0xAA40, s19;
	[tilespmem:s11+$0x0] =	vst v58  }
0x2ed: {  	s20 =	sadd.s32 s31, s13;
	[tilespmem:s0+$0x0] =	vst v7;
	v1 =	vld.idx.msk [tilespmem:v59+s16+$0x0], $0xffff  }
0x2ee: {  	s21 =	sadd.s32 $0xAC40, s25;
	s1 =	sadd.s32 s30, s13;
	v5 =	vld.idx.msk [tilespmem:v5+s16+$0x0], $0xffff;
	[tilespmem:s20+$0x0] =	vst v60  }
0x2ef: {  	s23 =	sadd.s32 s24, s21;
	v2 =	vld.idx.msk [tilespmem:v61+s16+$0x0], $0xffff;
	[tilespmem:s1+$0x0] =	vst v62  }
0x2f0: {  	s25 =	sadd.s32 $0xAC40, s29;
	s24 =	sadd.s32 s17, s21;
	[tilespmem:s23+$0x0] =	vst v0;
	v63 =	vld.idx.msk [tilespmem:v15+s16+$0x0], $0xffff  }
0x2f1: {  	s28 =	sadd.s32 s28, s25;
	[tilespmem:s24+$0x0] =	vst v3  }
0x2f2: {  	s29 =	sadd.s32 $0xAC40, s19;
	s0 =	sadd.s32 s26, s25;
	[tilespmem:s28+$0x0] =	vst v1  }
0x2f3: {  	s31 =	sadd.s32 s31, s29;
	[tilespmem:s0+$0x0] =	vst v5  }
0x2f4: {  	s1 =	sadd.s32 s30, s29;
	[tilespmem:s31+$0x0] =	vst v2  }
0x2f5: {  	p1 =	por $0x1, $0x1;
	[tilespmem:s1+$0x0] =	vst v63  }
.LBB2_11:
0x2f6: {  	v2 =	vld [tilespmem:$0x20C0]  }
0x2f7: {  	v0 =	vmov s14;
	s0 =	sor.u32 $0x1, s14  }
0x2f8: {  	v0 =	vmul.u32 $0x3F0, v0;
	v1 =	vmov s0  }
0x2f9: {  	v3 =	vmul.u32 $0x3F0, v1  }
0x2fa: {  	v1 =	vbroadcast v0, $0x0  }
0x2fb: {  	v0 =	vbroadcast v3, $0x0;
	v4 =	vand.u32 $0xFFFFFFF8, v2  }
0x2fc: {  	v2 =	vand.u32 $0x7, v2;
	v42 =	vadd.s32 v1, v4  }
0x2fd: {  	v4 =	vadd.s32 v0, v4;
	v3 =	vor.u32 v2, v42  }
0x2fe: {  	v2 =	vor.u32 v2, v4;
	_ =	sdelay $0x3  }
0x2ff: {  	v3 =	vld.idx.msk [tilespmem:v3+s22+$0x0], $0xffff  }
0x300: {  	v2 =	vld.idx.msk [tilespmem:v2+s22+$0x0], $0xffff;
	_ =	sdelay $0x1  }
0x301: {  	s1 =	sshll.u32 s14, $0x8  }
0x302: {  	s8 =	sand.u32 $0x3FFFFF00, s1;
	s30 =	sshll.u32 s0, $0x8  }
0x303: {  	s9 =	sand.u32 $0x3FFFFF00, s30;
	[tilespmem:s8+$0x10640] =	vst v3  }
0x304: {  	[tilespmem:s9+$0x10640] =	vst v2;
	v3 =	vld [tilespmem:$0x20D0]  }
0x305: {  	v2 =	vld [tilespmem:$0x20D0];
	_ =	sdelay $0x3  }
0x306: {  	v43 =	vand.u32 $0xFFFFFFF8, v3  }
0x307: {  	v3 =	vand.u32 $0x7, v3;
	v5 =	vand.u32 $0xFFFFFFF8, v2;
	v4 =	vadd.s32 v1, v43  }
0x308: {  	v2 =	vand.u32 $0x7, v2;
	v44 =	vadd.s32 v0, v5;
	v3 =	vor.u32 v3, v4  }
0x309: {  	v2 =	vor.u32 v2, v44;
	_ =	sdelay $0x3  }
0x30a: {  	v3 =	vld.idx.msk [tilespmem:v3+s22+$0x0], $0xffff  }
0x30b: {  	v2 =	vld.idx.msk [tilespmem:v2+s22+$0x0], $0xffff;
	_ =	sdelay $0x3  }
0x30c: {  	[tilespmem:s8+$0x10650] =	vst v3  }
0x30d: {  	[tilespmem:s9+$0x10650] =	vst v2;
	v3 =	vld [tilespmem:$0x20E0]  }
0x30e: {  	v2 =	vld [tilespmem:$0x20E0];
	_ =	sdelay $0x3  }
0x30f: {  	v45 =	vand.u32 $0xFFFFFFF8, v3  }
0x310: {  	v3 =	vand.u32 $0x7, v3;
	v46 =	vand.u32 $0xFFFFFFF8, v2;
	v4 =	vadd.s32 v1, v45  }
0x311: {  	v2 =	vand.u32 $0x7, v2;
	v47 =	vadd.s32 v0, v46;
	v3 =	vor.u32 v3, v4  }
0x312: {  	v2 =	vor.u32 v2, v47;
	_ =	sdelay $0x3  }
0x313: {  	v3 =	vld.idx.msk [tilespmem:v3+s22+$0x0], $0xffff  }
0x314: {  	v2 =	vld.idx.msk [tilespmem:v2+s22+$0x0], $0xffff;
	_ =	sdelay $0x3  }
0x315: {  	[tilespmem:s8+$0x10660] =	vst v3  }
0x316: {  	[tilespmem:s9+$0x10660] =	vst v2;
	v3 =	vld [tilespmem:$0x20F0]  }
0x317: {  	v2 =	vld [tilespmem:$0x20F0];
	_ =	sdelay $0x3  }
0x318: {  	v48 =	vand.u32 $0xFFFFFFF8, v3  }
0x319: {  	v3 =	vand.u32 $0x7, v3;
	v49 =	vand.u32 $0xFFFFFFF8, v2;
	v4 =	vadd.s32 v1, v48  }
0x31a: {  	v2 =	vand.u32 $0x7, v2;
	v50 =	vadd.s32 v0, v49;
	v3 =	vor.u32 v3, v4  }
0x31b: {  	v2 =	vor.u32 v2, v50;
	_ =	sdelay $0x3  }
0x31c: {  	v3 =	vld.idx.msk [tilespmem:v3+s22+$0x0], $0xffff  }
0x31d: {  	v2 =	vld.idx.msk [tilespmem:v2+s22+$0x0], $0xffff;
	_ =	sdelay $0x3  }
0x31e: {  	[tilespmem:s8+$0x10670] =	vst v3  }
0x31f: {  	[tilespmem:s9+$0x10670] =	vst v2;
	v3 =	vld [tilespmem:$0x2100]  }
0x320: {  	v2 =	vld [tilespmem:$0x2100];
	_ =	sdelay $0x3  }
0x321: {  	v51 =	vand.u32 $0xFFFFFFF8, v3  }
0x322: {  	v3 =	vand.u32 $0x7, v3;
	v52 =	vand.u32 $0xFFFFFFF8, v2;
	v4 =	vadd.s32 v1, v51  }
0x323: {  	v2 =	vand.u32 $0x7, v2;
	v53 =	vadd.s32 v0, v52;
	v3 =	vor.u32 v3, v4  }
0x324: {  	v2 =	vor.u32 v2, v53;
	_ =	sdelay $0x3  }
0x325: {  	v3 =	vld.idx.msk [tilespmem:v3+s22+$0x0], $0xffff  }
0x326: {  	v2 =	vld.idx.msk [tilespmem:v2+s22+$0x0], $0xffff;
	_ =	sdelay $0x3  }
0x327: {  	[tilespmem:s8+$0x10680] =	vst v3  }
0x328: {  	[tilespmem:s9+$0x10680] =	vst v2;
	v3 =	vld [tilespmem:$0x2110]  }
0x329: {  	v2 =	vld [tilespmem:$0x2110];
	_ =	sdelay $0x3  }
0x32a: {  	v54 =	vand.u32 $0xFFFFFFF8, v3  }
0x32b: {  	v3 =	vand.u32 $0x7, v3;
	v55 =	vand.u32 $0xFFFFFFF8, v2;
	v4 =	vadd.s32 v1, v54  }
0x32c: {  	v2 =	vand.u32 $0x7, v2;
	v56 =	vadd.s32 v0, v55;
	v3 =	vor.u32 v3, v4  }
0x32d: {  	v2 =	vor.u32 v2, v56;
	_ =	sdelay $0x3  }
0x32e: {  	v3 =	vld.idx.msk [tilespmem:v3+s22+$0x0], $0xffff  }
0x32f: {  	v2 =	vld.idx.msk [tilespmem:v2+s22+$0x0], $0xffff;
	_ =	sdelay $0x3  }
0x330: {  	[tilespmem:s8+$0x10690] =	vst v3  }
0x331: {  	[tilespmem:s9+$0x10690] =	vst v2;
	v3 =	vld [tilespmem:$0x2120]  }
0x332: {  	v2 =	vld [tilespmem:$0x2120];
	_ =	sdelay $0x3  }
0x333: {  	v57 =	vand.u32 $0xFFFFFFF8, v3  }
0x334: {  	v3 =	vand.u32 $0x7, v3;
	v58 =	vand.u32 $0xFFFFFFF8, v2;
	v4 =	vadd.s32 v1, v57  }
0x335: {  	v2 =	vand.u32 $0x7, v2;
	v59 =	vadd.s32 v0, v58;
	v3 =	vor.u32 v3, v4  }
0x336: {  	v2 =	vor.u32 v2, v59;
	_ =	sdelay $0x3  }
0x337: {  	v3 =	vld.idx.msk [tilespmem:v3+s22+$0x0], $0xffff  }
0x338: {  	v2 =	vld.idx.msk [tilespmem:v2+s22+$0x0], $0xffff;
	_ =	sdelay $0x3  }
0x339: {  	[tilespmem:s8+$0x106A0] =	vst v3  }
0x33a: {  	[tilespmem:s9+$0x106A0] =	vst v2;
	v3 =	vld [tilespmem:$0x2130]  }
0x33b: {  	v2 =	vld [tilespmem:$0x2130];
	_ =	sdelay $0x3  }
0x33c: {  	v60 =	vand.u32 $0xFFFFFFF8, v3  }
0x33d: {  	v3 =	vand.u32 $0x7, v3;
	v61 =	vand.u32 $0xFFFFFFF8, v2;
	v4 =	vadd.s32 v1, v60  }
0x33e: {  	v2 =	vand.u32 $0x7, v2;
	v62 =	vadd.s32 v0, v61;
	v3 =	vor.u32 v3, v4  }
0x33f: {  	v2 =	vor.u32 v2, v62;
	_ =	sdelay $0x3  }
0x340: {  	v3 =	vld.idx.msk [tilespmem:v3+s22+$0x0], $0xffff  }
0x341: {  	v2 =	vld.idx.msk [tilespmem:v2+s22+$0x0], $0xffff;
	_ =	sdelay $0x3  }
0x342: {  	[tilespmem:s8+$0x106B0] =	vst v3  }
0x343: {  	[tilespmem:s9+$0x106B0] =	vst v2;
	v3 =	vld [tilespmem:$0x2140]  }
0x344: {  	v2 =	vld [tilespmem:$0x2140];
	_ =	sdelay $0x3  }
0x345: {  	v63 =	vand.u32 $0xFFFFFFF8, v3  }
0x346: {  	v3 =	vand.u32 $0x7, v3;
	v8 =	vand.u32 $0xFFFFFFF8, v2;
	v4 =	vadd.s32 v1, v63  }
0x347: {  	v2 =	vand.u32 $0x7, v2;
	v9 =	vadd.s32 v0, v8;
	v3 =	vor.u32 v3, v4  }
0x348: {  	v2 =	vor.u32 v2, v9;
	_ =	sdelay $0x3  }
0x349: {  	v3 =	vld.idx.msk [tilespmem:v3+s22+$0x0], $0xffff  }
0x34a: {  	v2 =	vld.idx.msk [tilespmem:v2+s22+$0x0], $0xffff;
	_ =	sdelay $0x3  }
0x34b: {  	[tilespmem:s8+$0x106C0] =	vst v3  }
0x34c: {  	[tilespmem:s9+$0x106C0] =	vst v2;
	v3 =	vld [tilespmem:$0x2150]  }
0x34d: {  	v2 =	vld [tilespmem:$0x2150];
	_ =	sdelay $0x3  }
0x34e: {  	v10 =	vand.u32 $0xFFFFFFF8, v3  }
0x34f: {  	v3 =	vand.u32 $0x7, v3;
	v11 =	vand.u32 $0xFFFFFFF8, v2;
	v4 =	vadd.s32 v1, v10  }
0x350: {  	v2 =	vand.u32 $0x7, v2;
	v12 =	vadd.s32 v0, v11;
	v3 =	vor.u32 v3, v4  }
0x351: {  	v2 =	vor.u32 v2, v12;
	_ =	sdelay $0x3  }
0x352: {  	v3 =	vld.idx.msk [tilespmem:v3+s22+$0x0], $0xffff  }
0x353: {  	v2 =	vld.idx.msk [tilespmem:v2+s22+$0x0], $0xffff;
	_ =	sdelay $0x3  }
0x354: {  	[tilespmem:s8+$0x106D0] =	vst v3  }
0x355: {  	[tilespmem:s9+$0x106D0] =	vst v2;
	v3 =	vld [tilespmem:$0x2160]  }
0x356: {  	v2 =	vld [tilespmem:$0x2160];
	_ =	sdelay $0x3  }
0x357: {  	v13 =	vand.u32 $0xFFFFFFF8, v3  }
0x358: {  	v3 =	vand.u32 $0x7, v3;
	v14 =	vand.u32 $0xFFFFFFF8, v2;
	v4 =	vadd.s32 v1, v13  }
0x359: {  	v2 =	vand.u32 $0x7, v2;
	v15 =	vadd.s32 v0, v14;
	v3 =	vor.u32 v3, v4  }
0x35a: {  	v2 =	vor.u32 v2, v15;
	_ =	sdelay $0x3  }
0x35b: {  	v3 =	vld.idx.msk [tilespmem:v3+s22+$0x0], $0xffff  }
0x35c: {  	v2 =	vld.idx.msk [tilespmem:v2+s22+$0x0], $0xffff;
	_ =	sdelay $0x3  }
0x35d: {  	[tilespmem:s8+$0x106E0] =	vst v3  }
0x35e: {  	[tilespmem:s9+$0x106E0] =	vst v2;
	v3 =	vld [tilespmem:$0x2170]  }
0x35f: {  	v2 =	vld [tilespmem:$0x2170];
	_ =	sdelay $0x3  }
0x360: {  	v16 =	vand.u32 $0xFFFFFFF8, v3  }
0x361: {  	v3 =	vand.u32 $0x7, v3;
	v17 =	vand.u32 $0xFFFFFFF8, v2;
	v4 =	vadd.s32 v1, v16  }
0x362: {  	v2 =	vand.u32 $0x7, v2;
	v18 =	vadd.s32 v0, v17;
	v3 =	vor.u32 v3, v4  }
0x363: {  	v2 =	vor.u32 v2, v18;
	_ =	sdelay $0x3  }
0x364: {  	v3 =	vld.idx.msk [tilespmem:v3+s22+$0x0], $0xffff  }
0x365: {  	v2 =	vld.idx.msk [tilespmem:v2+s22+$0x0], $0xffff;
	_ =	sdelay $0x3  }
0x366: {  	[tilespmem:s8+$0x106F0] =	vst v3  }
0x367: {  	[tilespmem:s9+$0x106F0] =	vst v2;
	v3 =	vld [tilespmem:$0x2180]  }
0x368: {  	v2 =	vld [tilespmem:$0x2180];
	_ =	sdelay $0x3  }
0x369: {  	v19 =	vand.u32 $0xFFFFFFF8, v3  }
0x36a: {  	v3 =	vand.u32 $0x7, v3;
	v20 =	vand.u32 $0xFFFFFFF8, v2;
	v4 =	vadd.s32 v1, v19  }
0x36b: {  	v2 =	vand.u32 $0x7, v2;
	v21 =	vadd.s32 v0, v20;
	v3 =	vor.u32 v3, v4  }
0x36c: {  	v2 =	vor.u32 v2, v21;
	_ =	sdelay $0x3  }
0x36d: {  	v3 =	vld.idx.msk [tilespmem:v3+s22+$0x0], $0xffff  }
0x36e: {  	v2 =	vld.idx.msk [tilespmem:v2+s22+$0x0], $0xffff;
	_ =	sdelay $0x3  }
0x36f: {  	[tilespmem:s8+$0x10700] =	vst v3  }
0x370: {  	[tilespmem:s9+$0x10700] =	vst v2;
	v3 =	vld [tilespmem:$0x2190]  }
0x371: {  	v2 =	vld [tilespmem:$0x2190];
	_ =	sdelay $0x3  }
0x372: {  	v22 =	vand.u32 $0xFFFFFFF8, v3  }
0x373: {  	v3 =	vand.u32 $0x7, v3;
	v23 =	vand.u32 $0xFFFFFFF8, v2;
	v4 =	vadd.s32 v1, v22  }
0x374: {  	v2 =	vand.u32 $0x7, v2;
	v24 =	vadd.s32 v0, v23;
	v3 =	vor.u32 v3, v4  }
0x375: {  	v2 =	vor.u32 v2, v24;
	_ =	sdelay $0x3  }
0x376: {  	v3 =	vld.idx.msk [tilespmem:v3+s22+$0x0], $0xffff  }
0x377: {  	v2 =	vld.idx.msk [tilespmem:v2+s22+$0x0], $0xffff;
	_ =	sdelay $0x3  }
0x378: {  	[tilespmem:s8+$0x10710] =	vst v3  }
0x379: {  	[tilespmem:s9+$0x10710] =	vst v2;
	v3 =	vld [tilespmem:$0x21A0]  }
0x37a: {  	v2 =	vld [tilespmem:$0x21A0];
	_ =	sdelay $0x3  }
0x37b: {  	v25 =	vand.u32 $0xFFFFFFF8, v3  }
0x37c: {  	v3 =	vand.u32 $0x7, v3;
	v26 =	vand.u32 $0xFFFFFFF8, v2;
	v4 =	vadd.s32 v1, v25  }
0x37d: {  	v2 =	vand.u32 $0x7, v2;
	v27 =	vadd.s32 v0, v26;
	v3 =	vor.u32 v3, v4  }
0x37e: {  	v2 =	vor.u32 v2, v27;
	_ =	sdelay $0x3  }
0x37f: {  	v3 =	vld.idx.msk [tilespmem:v3+s22+$0x0], $0xffff  }
0x380: {  	v2 =	vld.idx.msk [tilespmem:v2+s22+$0x0], $0xffff;
	_ =	sdelay $0x3  }
0x381: {  	[tilespmem:s8+$0x10720] =	vst v3  }
0x382: {  	[tilespmem:s9+$0x10720] =	vst v2;
	v3 =	vld [tilespmem:$0x21B0]  }
0x383: {  	v2 =	vld [tilespmem:$0x21B0];
	_ =	sdelay $0x3  }
0x384: {  	v28 =	vand.u32 $0xFFFFFFF8, v3  }
0x385: {  	v3 =	vand.u32 $0x7, v3;
	v29 =	vand.u32 $0xFFFFFFF8, v2;
	v4 =	vadd.s32 v1, v28  }
0x386: {  	v2 =	vand.u32 $0x7, v2;
	v30 =	vadd.s32 v0, v29;
	v3 =	vor.u32 v3, v4  }
0x387: {  	v2 =	vor.u32 v2, v30;
	_ =	sdelay $0x3  }
0x388: {  	v3 =	vld.idx.msk [tilespmem:v3+s22+$0x0], $0xffff  }
0x389: {  	v2 =	vld.idx.msk [tilespmem:v2+s22+$0x0], $0xffff;
	_ =	sdelay $0x3  }
0x38a: {  	[tilespmem:s8+$0x10730] =	vst v3  }
0x38b: {  	[tilespmem:s9+$0x10730] =	vst v2;
	v31 =	vld [tilespmem:$0x21C0]  }
0x38c: {  	v32 =	vld [tilespmem:$0x21C0];
	_ =	sdelay $0x3  }
0x38d: {  	v33 =	vand.u32 $0xFFFFFFF8, v31  }
0x38e: {  	v2 =	vand.u32 $0x7, v31;
	v34 =	vand.u32 $0xFFFFFFF8, v32;
	v4 =	vadd.s32 v1, v33  }
0x38f: {  	v3 =	vand.u32 $0x7, v32;
	v35 =	vadd.s32 v0, v34;
	v2 =	vor.u32 v2, v4  }
0x390: {  	v3 =	vor.u32 v3, v35;
	_ =	sdelay $0x3  }
0x391: {  	v2 =	vld.idx.msk [tilespmem:v2+s22+$0x0], $0xffff  }
0x392: {  	v3 =	vld.idx.msk [tilespmem:v3+s22+$0x0], $0xffff  }
0x393: {  	v36 =	vld [tilespmem:$0x2200]  }
0x394: {  	v37 =	vld [tilespmem:$0x2200];
	_ =	sdelay $0x1  }
0x395: {  	v2 =	vtrunc.f32 v2  }
0x396: {  	v3 =	vtrunc.f32 v3;
	v2 =	vcvt.f32.s32 v2  }
0x397: {  	v3 =	vcvt.f32.s32 v3  }
0x398: {  	v6 =	vand.u32 $0xFFFFFFF8, v36;
	v38 =	vand.u32 $0xFFFFFFF8, v37;
	v2 =	vshll.u32 v2, $0x3  }
0x399: {  	v4 =	vand.u32 $0x7, v36;
	v3 =	vshll.u32 v3, $0x3;
	v2 =	vadd.s32 v6, v2  }
0x39a: {  	v39 =	vand.u32 $0x7, v37;
	v3 =	vadd.s32 v38, v3;
	v2 =	vor.u32 v4, v2  }
0x39b: {  	v3 =	vor.u32 v39, v3;
	_ =	sdelay $0x3  }
0x39c: {  	v2 =	vld.idx.msk [tilespmem:v2+s18+$0x0], $0xffff  }
0x39d: {  	v3 =	vld.idx.msk [tilespmem:v3+s18+$0x0], $0xffff;
	_ =	sdelay $0x1  }
0x39e: {  	s31 =	sshll.u32 s14, $0x6  }
0x39f: {  	s1 =	sand.u32 $0x3FFFFFC0, s31;
	s0 =	sshll.u32 s0, $0x6  }
0x3a0: {  	s0 =	sand.u32 $0x3FFFFFC0, s0;
	[tilespmem:s1+$0x10B40] =	vst v2  }
0x3a1: {  	[tilespmem:s0+$0x10B40] =	vst v3;
	v2 =	vld [tilespmem:$0x21D0]  }
0x3a2: {  	v3 =	vld [tilespmem:$0x21D0];
	_ =	sdelay $0x3  }
0x3a3: {  	v40 =	vand.u32 $0xFFFFFFF8, v2  }
0x3a4: {  	v2 =	vand.u32 $0x7, v2;
	v41 =	vand.u32 $0xFFFFFFF8, v3;
	v4 =	vadd.s32 v1, v40  }
0x3a5: {  	v3 =	vand.u32 $0x7, v3;
	v42 =	vadd.s32 v0, v41;
	v2 =	vor.u32 v2, v4  }
0x3a6: {  	v3 =	vor.u32 v3, v42;
	_ =	sdelay $0x3  }
0x3a7: {  	v2 =	vld.idx.msk [tilespmem:v2+s22+$0x0], $0xffff  }
0x3a8: {  	v3 =	vld.idx.msk [tilespmem:v3+s22+$0x0], $0xffff  }
0x3a9: {  	v43 =	vld [tilespmem:$0x2210]  }
0x3aa: {  	v44 =	vld [tilespmem:$0x2210];
	_ =	sdelay $0x1  }
0x3ab: {  	v2 =	vtrunc.f32 v2  }
0x3ac: {  	v3 =	vtrunc.f32 v3;
	v2 =	vcvt.f32.s32 v2  }
0x3ad: {  	v3 =	vcvt.f32.s32 v3  }
0x3ae: {  	v45 =	vand.u32 $0xFFFFFFF8, v43;
	v46 =	vand.u32 $0xFFFFFFF8, v44;
	v2 =	vshll.u32 v2, $0x3  }
0x3af: {  	v4 =	vand.u32 $0x7, v43;
	v3 =	vshll.u32 v3, $0x3;
	v2 =	vadd.s32 v45, v2  }
0x3b0: {  	v47 =	vand.u32 $0x7, v44;
	v3 =	vadd.s32 v46, v3;
	v2 =	vor.u32 v4, v2  }
0x3b1: {  	v3 =	vor.u32 v47, v3;
	_ =	sdelay $0x3  }
0x3b2: {  	v2 =	vld.idx.msk [tilespmem:v2+s18+$0x0], $0xffff  }
0x3b3: {  	v3 =	vld.idx.msk [tilespmem:v3+s18+$0x0], $0xffff;
	_ =	sdelay $0x3  }
0x3b4: {  	[tilespmem:s1+$0x10B50] =	vst v2  }
0x3b5: {  	[tilespmem:s0+$0x10B50] =	vst v3;
	v2 =	vld [tilespmem:$0x21E0]  }
0x3b6: {  	v3 =	vld [tilespmem:$0x21E0];
	_ =	sdelay $0x3  }
0x3b7: {  	v48 =	vand.u32 $0xFFFFFFF8, v2  }
0x3b8: {  	v2 =	vand.u32 $0x7, v2;
	v49 =	vand.u32 $0xFFFFFFF8, v3;
	v4 =	vadd.s32 v1, v48  }
0x3b9: {  	v3 =	vand.u32 $0x7, v3;
	v50 =	vadd.s32 v0, v49;
	v2 =	vor.u32 v2, v4  }
0x3ba: {  	v3 =	vor.u32 v3, v50;
	_ =	sdelay $0x3  }
0x3bb: {  	v2 =	vld.idx.msk [tilespmem:v2+s22+$0x0], $0xffff  }
0x3bc: {  	v3 =	vld.idx.msk [tilespmem:v3+s22+$0x0], $0xffff  }
0x3bd: {  	v51 =	vld [tilespmem:$0x2220]  }
0x3be: {  	v52 =	vld [tilespmem:$0x2220];
	_ =	sdelay $0x1  }
0x3bf: {  	v2 =	vtrunc.f32 v2  }
0x3c0: {  	v3 =	vtrunc.f32 v3;
	v2 =	vcvt.f32.s32 v2  }
0x3c1: {  	v3 =	vcvt.f32.s32 v3  }
0x3c2: {  	v53 =	vand.u32 $0xFFFFFFF8, v51;
	v54 =	vand.u32 $0xFFFFFFF8, v52;
	v2 =	vshll.u32 v2, $0x3  }
0x3c3: {  	v4 =	vand.u32 $0x7, v51;
	v3 =	vshll.u32 v3, $0x3;
	v2 =	vadd.s32 v53, v2  }
0x3c4: {  	v55 =	vand.u32 $0x7, v52;
	v3 =	vadd.s32 v54, v3;
	v2 =	vor.u32 v4, v2  }
0x3c5: {  	v3 =	vor.u32 v55, v3;
	_ =	sdelay $0x3  }
0x3c6: {  	v2 =	vld.idx.msk [tilespmem:v2+s18+$0x0], $0xffff  }
0x3c7: {  	v3 =	vld.idx.msk [tilespmem:v3+s18+$0x0], $0xffff;
	_ =	sdelay $0x3  }
0x3c8: {  	[tilespmem:s1+$0x10B60] =	vst v2  }
0x3c9: {  	[tilespmem:s0+$0x10B60] =	vst v3;
	v2 =	vld [tilespmem:$0x21F0]  }
0x3ca: {  	v3 =	vld [tilespmem:$0x21F0];
	_ =	sdelay $0x3  }
0x3cb: {  	v56 =	vand.u32 $0xFFFFFFF8, v2  }
0x3cc: {  	v2 =	vand.u32 $0x7, v2;
	v57 =	vand.u32 $0xFFFFFFF8, v3;
	v1 =	vadd.s32 v1, v56  }
0x3cd: {  	v58 =	vand.u32 $0x7, v3;
	v0 =	vadd.s32 v0, v57;
	v1 =	vor.u32 v2, v1  }
0x3ce: {  	v0 =	vor.u32 v58, v0;
	_ =	sdelay $0x3  }
0x3cf: {  	v1 =	vld.idx.msk [tilespmem:v1+s22+$0x0], $0xffff  }
0x3d0: {  	v0 =	vld.idx.msk [tilespmem:v0+s22+$0x0], $0xffff  }
0x3d1: {  	v59 =	vld [tilespmem:$0x2230]  }
0x3d2: {  	v60 =	vld [tilespmem:$0x2230];
	_ =	sdelay $0x1  }
0x3d3: {  	v1 =	vtrunc.f32 v1  }
0x3d4: {  	v0 =	vtrunc.f32 v0;
	v1 =	vcvt.f32.s32 v1  }
0x3d5: {  	v0 =	vcvt.f32.s32 v0  }
0x3d6: {  	v61 =	vand.u32 $0xFFFFFFF8, v59;
	v62 =	vand.u32 $0xFFFFFFF8, v60;
	v1 =	vshll.u32 v1, $0x3  }
0x3d7: {  	v2 =	vand.u32 $0x7, v59;
	v0 =	vshll.u32 v0, $0x3;
	v1 =	vadd.s32 v61, v1  }
0x3d8: {  	v63 =	vand.u32 $0x7, v60;
	v0 =	vadd.s32 v62, v0;
	v1 =	vor.u32 v2, v1  }
0x3d9: {  	v0 =	vor.u32 v63, v0;
	_ =	sdelay $0x3  }
0x3da: {  	v1 =	vld.idx.msk [tilespmem:v1+s18+$0x0], $0xffff  }
0x3db: {  	p2 =	por p1, p1;
	v0 =	vld.idx.msk [tilespmem:v0+s18+$0x0], $0xffff  }
.Ltmp6:
0x3dc: {  	_ = 	snop;
	(pc) =	sbr.rel @p2 .LBB2_11-.Ltmp6, $3  }
0x3dd: {  	_ =	sdelay $0x1  }
0x3de: {  	[tilespmem:s1+$0x10B70] =	vst v1  }
0x3df: {  	s14 =	simm.s32 $0x2;
	p1 =	por $0x0, $0x0;
	[tilespmem:s0+$0x10B70] =	vst v0  }
0x3e0: {  	s0 =	smul.u32 $0x372, s12  }
0x3e1: {  	s1 =	rddreg [dreg:$0x1]  }
0x3e2: {  	s2 =	simm.s32 $0x3F;
	s0 =	sadd.s32 s1, s0  }
0x3e3: {  	s4 =	simm.s32 $0x9440;
	s1 =	simm.s32 $0x9240;
	s6 =	sadd.s32 $0x0, s0  }
.LBB2_13:
0x3e4: {  	[hbm4b:s6+s5] =	stream.linear.scatter [tilespmem:s1], [sflag:$0x4], $0x1F8, $0x38;
	[tilespmem:$0x10C40] =	vst v63  }
0x3e5: {  	s3 =	smov.u32 s2;
	s1 =	smov.u32 s4;
	p1 =	sne.s32 s2, $0xD89  }
.Ltmp7:
0x3e6: {  	s2 =	sadd.s32 $0x3F, s2;
	(pc) =	sbr.rel @p1 .LBB2_13-.Ltmp7, $2  }
0x3e7: {  	_ =	sdelay $0x2  }
0x3e8: {  	s4 =	sadd.s32 $0x200, s4;
	s6 =	sadd.s32 s3, s0  }
0x3e9: {  	s0 =	smul.u32 $0x1F, s12  }
0x3ea: {  	[hbm4b:s6+s5] =	stream.linear.scatter [tilespmem:s1], [sflag:$0x4], $0x1F8, $0x38;
	[tilespmem:$0x10C40] =	vst v63  }
0x3eb: {  	s13 =	rddreg [dreg:$0x2]  }
0x3ec: {  	s14 =	simm.s32 $0x10640;
	s0 =	sadd.s32 s13, s0  }
0x3ed: {  	[hbm4b:s0+s5] =	stream.linear.scatter [tilespmem:s14], [sflag:$0x6], $0xF8, $0x38;
	[tilespmem:$0x10C40] =	vst v63  }
0x3ee: {  	s2 =	simm.s32 $0x10740;
	s17 =	sadd.s32 $0x1F, s0  }
0x3ef: {  	[hbm4b:s17+s5] =	stream.linear.scatter [tilespmem:s2], [sflag:$0x6], $0xF8, $0x38;
	[tilespmem:$0x10C40] =	vst v63  }
0x3f0: {  	s20 =	simm.s32 $0x10840;
	s21 =	smul.u32 $0x7, s12;
	s19 =	sadd.s32 $0x3E, s0  }
0x3f1: {  	[hbm4b:s19+s5] =	stream.linear.scatter [tilespmem:s20], [sflag:$0x6], $0xF8, $0x38;
	[tilespmem:$0x10C40] =	vst v63  }
0x3f2: {  	s23 =	simm.s32 $0x10940;
	s24 =	rddreg [dreg:$0x3];
	s0 =	sadd.s32 $0x5D, s0  }
0x3f3: {  	[hbm4b:s0+s5] =	stream.linear.scatter [tilespmem:s23], [sflag:$0x6], $0xF8, $0x38;
	[tilespmem:$0x10C40] =	vst v63  }
0x3f4: {  	s25 =	simm.s32 $0x10B40;
	s0 =	sadd.s32 s24, s21  }
0x3f5: {  	[hbm4b:s0+s5] =	stream.linear.scatter [tilespmem:s25], [sflag:$0x8], $0x38, $0x38;
	[tilespmem:$0x10C40] =	vst v63  }
0x3f6: {  	s28 =	simm.s32 $0x10B80;
	s26 =	sadd.s32 $0x7, s0  }
0x3f7: {  	[hbm4b:s26+s5] =	stream.linear.scatter [tilespmem:s28], [sflag:$0x8], $0x38, $0x38;
	[tilespmem:$0x10C40] =	vst v63  }
.Ltmp8:
0x3f8: {  	_ = 	snop;
	(pc) =	sbr.rel @p0 .LBB2_16-.Ltmp8, $4  }
0x3f9: {  	s30 =	simm.s32 $0x10BC0;
	s29 =	sadd.s32 $0xE, s0  }
0x3fa: {  	[hbm4b:s29+s5] =	stream.linear.scatter [tilespmem:s30], [sflag:$0x8], $0x38, $0x38;
	[tilespmem:$0x10C40] =	vst v63  }
0x3fb: {  	s31 =	simm.s32 $0x10C00;
	s0 =	sadd.s32 $0x15, s0  }
0x3fc: {  	[hbm4b:s0+s5] =	stream.linear.scatter [tilespmem:s31], [sflag:$0x8], $0x38, $0x38;
	[tilespmem:$0x10C40] =	vst v63  }
0x3fd: {  	s0 =	smul.u32 $0x3F0, s12  }
.Ltmp9:
0x3fe: {  	_ = 	snop;
	(pc) =	sbr.rel .LBB2_2-.Ltmp9, $4  }
0x3ff: {  	s1 =	rddreg [dreg:$0x6];
	s0 =	sshrl.u32 s0, $0x3  }
0x400: {  	s0 =	sadd.s32 s1, s0  }
0x401: {  	s15 =	sadd.s32 $0x1, s15;
	s0 =	sadd.s32 $0x3F0, s0  }
0x402: {  	[tilespmem:s22], [sflag:$0x2] =	stream.linear.gather [hbm4b:s0+s5], $0xFC0, $0x38;
	[tilespmem:$0x10C40] =	vst v63  }
.LBB2_17:
0x403: {  	_ =	sfence.sel $0x180000  }
0x404: {  	[bflag:$0x0] =	sbarrier.arrive $0xFFFF  }
0x405: {  	_ =	strace $0x9000004A  }
0x406: {  	s0 =	stileid.u32;
	[bflag:$0x2] =	sbarrier.arrive $0xFFFF  }
0x407: {  	p0 =	sne.s32 s0, $0x0;
	s0 =	rddreg [dreg:$0x4]  }
0x408: {  	s0 =	sadd.s32 @!p0 $0x100000, s0  }
0x409: {  	[sflag:s0] =	ssyncadd.tile.s32 @!p0 $0x1;
	_ =	shalt  }
.Lfunc_end2:
_tile_overlayer_lowered:
.L_overlay_start_2:
0x40a: {  	(tag) =	ssettag $0x2  }
0x40b: {  	s0 =	rddreg [dreg:$0x0];
	s2 =	stileid.u32  }
0x40c: {  	s1 =	rddreg [dreg:$0x1];
	p0 =	sne.s32 s2, $0x0  }
0x40d: {  	s3 =	rddreg [dreg:$0x2];
	[bflag:$0x3] =	sbarrier.arrive $0xFFFF;
	s2 =	simm.s32 @!p0 $0x1C09  }
0x40e: {  	[timem:s3], [sflag:s2] =	dma.local @!p0 [hbm:s0], s1  }
0x40f: {  	s0 =	simm.s32 @!p0 $0x9  }
0x410: {  	_ =	swait.ge @!p0 [sflag:s0], s1  }
0x411: {  	s1 =	ssub.s32 @!p0 $0x0, s1;
	[sflag:s0] =	ssyncset.done @!p0 $0x0  }
0x412: {  	[sflag:s0] =	ssyncadd.s32 @!p0 s1  }
0x413: {  	[bflag:$0x3] =	sbarrier.arrive $0xFFFF  }
0x414: {  	_ =	shalt  }

// kernel: sparse-core-data-format-call.1.cloned.1.call-start
scs
called_computation.1_lowered:
.L_overlay_start_0:
0x0: {  	s2 =	sld [smem:$0x3FD9]  }
0x1: {  	s3 =	sld [smem:$0x3FFE];
	_ =	sdelay $0x1  }
0x2: {  	s1 =	srdreg.scid  }
0x3: {  	s0 =	sand.u32 $0x1, s1  }
0x4: {  	s15 =	sshll.u32 s0, $0xA;
	s2 =	sadd.s32 s3, s2  }
0x5: {  	s2 =	sadd.s32 s2, s15  }
0x6: {  	[smem:$0x3FC5] =	sst s2  }
0x7: {  	_ = 	snop  }
0x8: {  	s2 =	sld [smem:$0x3FD0];
	_ =	sdelay $0x2  }
0x9: {  	s16 =	simm.s32 $0xA;
	s4 =	simm.s32 $0x10  }
0xa: {  	[smem:s4], [sflag:s16] =	dma.local [hbm:s2], $0x1  }
0xb: {  	_ =	swait.eq [sflag:s16], $0x1  }
0xc: {  	[sflag:s16] =	ssyncset.done $0x0  }
0xd: {  	[sflag:s16] =	ssyncadd.s32 $0xFFFFFFFF  }
0xe: {  	s17 =	sld [smem:$0x10];
	(tm) =	ssettm $0x1  }
0xf: {  	s18 =	sld [smem:$0x3FFB];
	_ =	sdelay $0x3  }
0x10: {  	_ =	strace s18  }
0x11: {  	s3 =	sld [smem:$0x3FFC];
	_ =	sdelay $0x3  }
0x12: {  	_ =	strace s3  }
0x13: {  	s3 =	sld [smem:$0x3FFD];
	_ =	sdelay $0x3  }
0x14: {  	_ =	strace s3  }
0x15: {  	_ =	strace $0x8FFFFFFF  }
0x16: {  	s19 =	sld [smem:$0x3FDB];
	_ =	sdelay $0x1  }
0x17: {  	s20 =	simm.s32 $_scs_section_size  }
0x18: {  	s5 =	simm.s32 $_size__tile_overlayer_lowered;
	s6 =	simm.s32 $_tile_overlayer_lowered  }
0x19: {  	s23 =	simm.s32 $0x1BFF;
	s22 =	sshll.u32 s6, $0x1;
	s3 =	sadd.s32 s20, s19  }
0x1a: {  	s7 =	simm.s32 $0x0;
	s21 =	sshll.u32 s5, $0x1;
	s5 =	sadd.s32 s22, s3  }
0x1b: {  	[timem:s7], [sflag:s23] =	dma.local [hbm:s5], s21  }
0x1c: {  	_ =	swait.ge [sflag:s23], s21  }
0x1d: {  	s4 =	ssub.s32 $0x0, s21;
	[sflag:s23] =	ssyncset.done $0x0  }
0x1e: {  	[sflag:s23] =	ssyncadd.s32 s4;
	_ =	sdelay $0x1  }
0x1f: {  	s24 =	simm.s32 $0x1B8B  }
0x20: {  	_ =	swait.ge [sflag:s24], $0x1  }
0x21: {  	[sflag:s24] =	ssyncset.done $0x0  }
0x22: {  	s26 =	simm.s32 $0x1B8E;
	s25 =	sld [smem:$0x3FFE];
	[sflag:s24] =	ssyncadd.s32 $0xFFFFFFFF  }
0x23: {  	s27 =	simm.s32 $execute0_lowered;
	[smem:$0x3FD2] =	sst s26  }
0x24: {  	s5 =	sshll.u32 s27, $0x1;
	_ =	strace $0x80000046;
	[dreg:$0x1] =	wrdreg $0xFFFFFFFF  }
0x25: {  	s28 =	simm.s32 $_size_execute0_lowered;
	s3 =	sadd.s32 s3, s5;
	[dreg:$0x0] =	wrdreg $0x0  }
0x26: {  	s5 =	sshll.u32 s28, $0x1;
	[dreg:$0x2] =	wrdreg s3  }
0x27: {  	[dreg:$0x3] =	wrdreg s5  }
0x28: {  	[dreg:$0x4] =	wrdreg $0xC0  }
0x29: {  	_ =	task [dreg:s7], $0x5FFFF  }
0x2a: {  	[dreg:$0x1] =	wrdreg $0xFFFFFFFF  }
0x2b: {  	[dreg:$0x0] =	wrdreg $0x60  }
0x2c: {  	[dreg:$0x2] =	wrdreg s25  }
0x2d: {  	[dreg:$0x3] =	wrdreg s17  }
0x2e: {  	[dreg:$0x4] =	wrdreg $0x9  }
0x2f: {  	_ =	task.clear_ibuf [dreg:s7], $0x5FFFF;
	_ =	strace $0x90000046  }
0x30: {  	s29 =	simm.s32 $0x9;
	_ =	strace $0x80000048  }
0x31: {  	_ =	swait.ge [sflag:s29], $0x1  }
0x32: {  	[sflag:s29] =	ssyncadd.s32 $0xFFFFFFFF  }
0x33: {  	_ =	strace $0x90000048  }
0x34: {  	_ =	sfence  }
0x35: {  	s30 =	sld [smem:$0x0];
	_ =	sdelay $0x2  }
0x36: {  	s31 =	sshll.u32 s1, $0xD;
	s1 =	sshrl.u32 s1, $0x2  }
0x37: {  	s3 =	sand.u32 $0x4000, s31;
	s1 =	sadd.s32 s1, s30  }
0x38: {  	s0 =	sor.u32 s3, s0;
	s1 =	sshll.u32 s1, $0x11  }
0x39: {  	s0 =	sor.u32 s1, s0  }
0x3a: {  	s0 =	sadd.s32 $0x8F2B, s0  }
0x3b: {  	[sflag:s0] =	ssyncadd.remote.s32 $0x1  }
0x3c: {  	_ =	sfence.sel $0xFFFF  }
0x3d: {  	[dreg:$0x0] =	wrdreg $0xFFFFFFFF;
	(pc) =	sbr.abs _section_cstart, $3  }
0x3e: {  	[dreg:$0x1] =	wrdreg $0xFFFFFFFF  }
0x3f: {  	_ =	task.clear_ibuf [dreg:s7], $0x2FFFF;
	_ =	strace $0x9FFFFFFF  }
0x40: {  	(tm) =	ssettm $0x7FFFFFFF  }
0x41: {  	_ =	shalt  }
tec
execute0_lowered:
.L_overlay_start_1:
0x0: {  	(tag) =	ssettag $0x1  }
0x1: {  	s0 =	stileid.u32  }
0x2: {  	s1 =	srdreg.scid;
	s4 =	rddreg [dreg:$0x0]  }
0x3: {  	s2 =	rddreg [dreg:$0x1];
	s5 =	simm.s32 $0x1;
	s9 =	simm.s32 $0x2  }
0x4: {  	s14 =	simm.s32 $0x0;
	s3 =	sshll.u32 s0, $0x4;
	s1 =	sshll.u32 s1, $0x8  }
0x5: {  	s13 =	simm.s32 $0x0;
	s12 =	simm.s32 $0x0;
	s3 =	sor.u32 s3, s1  }
0x6: {  	s4 =	sadd.s32 $0x1C00, s4;
	s7 =	sshll.u32 s0, $0x7;
	s3 =	sand.u32 $0x180, s3  }
0x7: {  	s1 =	rddreg [dreg:$0x2];
	_ =	strace $0x80000047;
	s6 =	ssub.s32 $0x4000, s3  }
.Ltmp0:
0x8: {  	[sflag:s5] =	ssyncpa.u1 $0x0;
	s8 =	sand.u32 $0x180, s6;
	(pc) =	sbr.rel .LBB1_1-.Ltmp0, $4  }
0x9: {  	[sflag:s9] =	ssyncpa.u1 $0x0;
	p0 =	sne.s32 s8, $0x0;
	s8 =	simm.s32 $0x1  }
0xa: {  	s10 =	sshrl.u32 s6, $0x9;
	s6 =	sand.u32 $0x380, s7;
	s8 =	simm.s32 @!p0 $0x0  }
0xb: {  	s9 =	simm.s32 $0x2000;
	s11 =	smov.u32 s6;
	s7 =	sadd.s32 s8, s10  }
0xc: {  	p0 =	por $0x0, $0x0;
	s10 =	smov.u32 s3;
	s8 =	sadd.s32 $0x1, s7  }
.LBB1_4:
0xd: {  	v5 =	vld [tilespmem:s18+$0xFFFFFFD0];
	[tilespmem:s17+$0x2040 ss:$0x81] =	vst.msk $0xffff, v1  }
0xe: {  	v58 =	vld [tilespmem:s18+$0xFFFFFFE0];
	[tilespmem:s17+$0x2850 ss:$0x81] =	vst.msk $0xffff, v2  }
0xf: {  	s19 =	sshra.s32 s19, $0x2;
	v59 =	vld [tilespmem:s18+$0xFFFFFFF0];
	[tilespmem:s17+$0x3060 ss:$0x81] =	vst.msk $0xffff, v3  }
0x10: {  	v60 =	vld [tilespmem:s18+$0x0];
	[tilespmem:s17+$0x0 ss:$0x81] =	vst.msk $0xffff, v0;
	s16 =	sadd.s32 s19, s16  }
0x11: {  	v61 =	vld [tilespmem:s18+$0x10];
	[tilespmem:s16+$0x3870 ss:$0x81] =	vst.msk $0xffff, v4  }
0x12: {  	v62 =	vld [tilespmem:s18+$0x20];
	s26 =	sshll.u32 s14, $0xA;
	s27 =	sshll.u32 s13, $0x3;
	[tilespmem:s16+$0x810 ss:$0x81] =	vst.msk $0xffff, v5  }
0x13: {  	v63 =	vld [tilespmem:s18+$0xFFFFFFC0];
	s29 =	sshll.u32 s14, $0x7;
	s17 =	sand.u32 $0xFFE000, s26;
	s28 =	sand.u32 $0xFFFC00, s27;
	[tilespmem:s16+$0x1020 ss:$0x81] =	vst.msk $0xffff, v58  }
0x14: {  	s30 =	sand.u32 $0x78, s13;
	s14 =	sand.u32 $0x380, s29;
	s17 =	sadd.s32 s28, s17;
	[tilespmem:s16+$0x1830 ss:$0x81] =	vst.msk $0xffff, v59  }
0x15: {  	s14 =	sor.u32 s30, s14;
	s17 =	sand.u32 $0xFFFC00, s17;
	[tilespmem:s16+$0x2040 ss:$0x81] =	vst.msk $0xffff, v60  }
0x16: {  	s31 =	sand.u32 $0x7, s13;
	s14 =	sor.u32 s17, s14;
	[tilespmem:s16+$0x2850 ss:$0x81] =	vst.msk $0xffff, v61  }
0x17: {  	s13 =	sshll.u32 s31, $0x12;
	[tilespmem:s16+$0x3060 ss:$0x81] =	vst.msk $0xffff, v62;
	s14 =	sshrl.u32 s14, $0x3  }
0x18: {  	s13 =	sor.u32 $0x400, s13;
	[tilespmem:s16+$0x0 ss:$0x81] =	vst.msk $0xffff, v63;
	s14 =	sadd.s32 s2, s14  }
0x19: {  	[hbm4b:s14+s13] =	stream.strided.scatter [tilespmem:s15], [sflag:$0x2], $0x4000, s9, s13, $0x20;
	[tilespmem:$0x10100] =	vst v63  }
.LBB1_5:
0x1a: {  	s15 =	sadd.s32 $0x200, s10  }
0x1b: {  	s13 =	sadd.s32 $0x400, s11;
	s17 =	smov.u32 s11;
	p2 =	sgt.s32 s15, $0x3FFF  }
0x1c: {  	s17 =	smov.u32 @p2 s13  }
0x1d: {  	s15 =	smov.u32 @p2 s3;
	p2 =	sgt.s32 s17, $0x3EF  }
0x1e: {  	s17 =	smov.u32 @p2 s6;
	p2 =	sne.s32 s12, s8  }
.Ltmp1:
0x1f: {  	p1 =	slt.u32 s12, $0x2;
	(pc) =	sbr.rel @!p2 .LBB1_6-.Ltmp1, $4  }
0x20: {  	s16 =	simm.s32 @!p1 $0x2  }
0x21: {  	s14 =	smov.u32 s10;
	p0 =	por !p0, !p0;
	_ =	swait.ge @!p1 [sflag:s16], $0x4000  }
0x22: {  	s13 =	smov.u32 s11;
	[sflag:s16] =	ssyncset.done @!p1 $0x0;
	s10 =	smov.u32 s15  }
0x23: {  	s12 =	sadd.s32 $0x1, s12;
	[sflag:s16] =	ssyncadd.s32 @!p1 $0xFFFFC000;
	s11 =	smov.u32 s17  }
.LBB1_1:
0x24: {  	p1 =	sge.u32 s12, s7;
	s18 =	smov.u32 s11  }
0x25: {  	s15 =	sshll.u32 @!p1 s11, $0xE;
	s16 =	sand.u32 @!p1 $0x78, s10;
	p2 =	sgt.s32 @!p1 s11, $0x370  }
0x26: {  	s17 =	sshll.u32 @!p1 s10, $0x3;
	s19 =	sshra.s32 @!p1 s11, $0x1F;
	s21 =	sshra.s32 @!p1 s10, $0x1F  }
0x27: {  	s15 =	sand.u32 @!p1 $0xFFFE0000, s15;
	p2 =	por !p2, p1;
	s19 =	sand.u32 @!p1 s19, s11  }
0x28: {  	s21 =	sand.u32 @!p1 s21, s10;
	s18 =	simm.s32 @p2 $0x370;
	p2 =	sgt.s32 @!p1 s10, $0x3F80  }
0x29: {  	s15 =	sadd.s32 @!p1 s15, s17;
	s17 =	sand.u32 @!p1 $0x3C00, s17;
	s18 =	ssub.s32 @!p1 s18, s19  }
0x2a: {  	p2 =	por !p2, p1;
	s19 =	smov.u32 s10;
	s15 =	sshrl.u32 @!p1 s15, $0xE  }
0x2b: {  	s20 =	sadd.s32 @!p1 $0xFFFFFC90, s18;
	s19 =	simm.s32 @p2 $0x3F80;
	s18 =	ssub.s32 @!p1 $0x3F0, s18  }
0x2c: {  	p2 =	sgt.s32 @!p1 s20, $0x7F;
	s20 =	sshll.u32 @!p1 s11, $0x7;
	s19 =	ssub.s32 @!p1 s19, s21  }
0x2d: {  	s20 =	sand.u32 @!p1 $0x380, s20;
	p2 =	por !p2, p1;
	s21 =	sadd.s32 @!p1 $0xFFFFC080, s19  }
0x2e: {  	s18 =	simm.s32 @!p2 $0x0;
	p2 =	sgt.s32 @!p1 s21, $0x7F;
	s21 =	smulhi.u32 @!p1 $0x410411, s15  }
0x2f: {  	s19 =	ssub.s32 @!p1 $0x4000, s19;
	s16 =	sor.u32 @!p1 s20, s16;
	p2 =	por !p2, p1  }
0x30: {  	s16 =	sor.u32 @!p1 s17, s16;
	s21 =	smul.u32 @!p1 $0x3F0, s21;
	s19 =	simm.s32 @!p2 $0x0  }
0x31: {  	s20 =	sxor.u32 @!p1 $0xFFFFFFFF, s12;
	s16 =	sshrl.u32 @!p1 s16, $0x3;
	s18 =	smul.u32 @!p1 s18, s19  }
0x32: {  	s31 =	sadd.s32 $0xFFFFFFFF, s12;
	s19 =	sshll.u32 @!p1 s20, $0xE;
	s16 =	sadd.s32 @!p1 s4, s16  }
0x33: {  	s15 =	ssub.s32 @!p1 s15, s21;
	s17 =	sand.u32 @!p1 $0x3FFFFFFF, s18;
	s18 =	sand.u32 @!p1 $0x7, s10  }
0x34: {  	s19 =	sand.u32 @!p1 $0x4000, s19;
	s15 =	sshll.u32 @!p1 s15, $0xB;
	s18 =	sshll.u32 @!p1 s18, $0x12  }
0x35: {  	s15 =	sadd.s32 @!p1 s15, s16;
	s16 =	sor.u32 @!p1 $0x400, s18;
	s18 =	simm.s32 @!p1 $0x20000  }
0x36: {  	[tilespmem:s19], [sflag:$0x1] =	stream.strided.gather @!p1 [hbm4b:s15+s16], s17, s18, s16, $0x38;
	[tilespmem:$0x10100] =	vst v63  }
0x37: {  	p1 =	sge.u32 s31, s7  }
.Ltmp2:
0x38: {  	_ = 	snop;
	(pc) =	sbr.rel @p1 .LBB1_5-.Ltmp2, $1  }
0x39: {  	_ =	sdelay $0x3  }
0x3a: {  	p1 =	sgt.s32 s13, $0x370  }
0x3b: {  	s15 =	smov.u32 s13;
	s16 =	sshra.s32 s13, $0x1F;
	s17 =	smov.u32 s14  }
0x3c: {  	s18 =	sshra.s32 s14, $0x1F;
	s15 =	simm.s32 @!p1 $0x370;
	p1 =	sgt.s32 s14, $0x3F80  }
0x3d: {  	s16 =	sand.u32 s16, s13;
	s26 =	sand.u32 s18, s14;
	s17 =	simm.s32 @!p1 $0x3F80  }
0x3e: {  	s15 =	ssub.s32 s15, s16;
	s16 =	ssub.s32 s17, s26  }
0x3f: {  	s27 =	sadd.s32 $0xFFFFFC90, s15;
	s15 =	ssub.s32 $0x3F0, s15;
	s17 =	sadd.s32 $0xFFFFC080, s16  }
0x40: {  	p1 =	sgt.s32 s27, $0x7F;
	s16 =	ssub.s32 $0x4000, s16;
	p2 =	sgt.s32 s17, $0x7F  }
0x41: {  	s15 =	simm.s32 @p1 $0x0;
	s16 =	simm.s32 @p2 $0x0  }
0x42: {  	s15 =	smul.u32 s15, s16;
	_ =	sdelay $0x1  }
0x43: {  	s16 =	simm.s32 $0x1;
	s15 =	sand.u32 $0x3FFFFFFF, s15  }
0x44: {  	s16 =	simm.s32 @!p0 $0x0;
	_ =	swait.ge [sflag:s5], s15  }
0x45: {  	s28 =	sshll.u32 s16, $0xE;
	s15 =	ssub.s32 $0x0, s15;
	[sflag:s5] =	ssyncset.done $0x0  }
0x46: {  	s29 =	sor.u32 $0x40, s28;
	[sflag:s5] =	ssyncadd.s32 s15  }
0x47: {  	s30 =	smul.u32 $0x10200, s16;
	v0 =	vld [tilespmem:s29+$0x30]  }
0x48: {  	v3 =	vld [tilespmem:s29+$0xFFFFFFD0]  }
0x49: {  	s15 =	sshrl.u32 s30, $0x2;
	v4 =	vld [tilespmem:s29+$0xFFFFFFE0]  }
0x4a: {  	s16 =	sor.u32 $0x8000, s15;
	v5 =	vld [tilespmem:s29+$0xFFFFFFF0]  }
0x4b: {  	s31 =	sand.u32 $0x1, s12;
	v1 =	vld [tilespmem:s29+$0x0];
	s17 =	sadd.s32 $0x0, s16  }
0x4c: {  	s15 =	smul.u32 $0x10200, s31;
	v2 =	vld [tilespmem:s29+$0x10];
	[tilespmem:s17+$0x3870 ss:$0x81] =	vst.msk $0xffff, v0  }
0x4d: {  	[tilespmem:s17+$0x810 ss:$0x81] =	vst.msk $0xffff, v3;
	v3 =	vld [tilespmem:s29+$0x20]  }
0x4e: {  	s18 =	sadd.s32 $0x80, s29;
	s15 =	sshrl.u32 s15, $0x2;
	v0 =	vld [tilespmem:s29+$0xFFFFFFC0];
	[tilespmem:s17+$0x1020 ss:$0x81] =	vst.msk $0xffff, v4  }
0x4f: {  	s19 =	simm.s32 $0x4;
	s20 =	simm.s32 $0x8;
	s15 =	sor.u32 $0x8000, s15;
	v4 =	vld [tilespmem:s18+$0x30];
	[tilespmem:s17+$0x1830 ss:$0x81] =	vst.msk $0xffff, v5  }
.LBB1_3:
0x50: {  	p1 =	sne.s32 s20, $0x1FC;
	v5 =	vld [tilespmem:s18+$0xFFFFFFD0];
	[tilespmem:s17+$0x2040 ss:$0x81] =	vst.msk $0xffff, v1  }
0x51: {  	v6 =	vld [tilespmem:s18+$0xFFFFFFE0];
	[tilespmem:s17+$0x2850 ss:$0x81] =	vst.msk $0xffff, v2  }
0x52: {  	s21 =	sshra.s32 s19, $0x2;
	s19 =	smov.u32 s20;
	v7 =	vld [tilespmem:s18+$0xFFFFFFF0];
	[tilespmem:s17+$0x3060 ss:$0x81] =	vst.msk $0xffff, v3  }
.Ltmp3:
0x53: {  	v1 =	vld [tilespmem:s18+$0x0];
	[tilespmem:s17+$0x0 ss:$0x81] =	vst.msk $0xffff, v0;
	s17 =	sadd.s32 s21, s16;
	(pc) =	sbr.rel @p1 .LBB1_3-.Ltmp3, $4  }
0x54: {  	v2 =	vld [tilespmem:s18+$0x10];
	[tilespmem:s17+$0x3870 ss:$0x81] =	vst.msk $0xffff, v4  }
0x55: {  	[tilespmem:s17+$0x810 ss:$0x81] =	vst.msk $0xffff, v5;
	v3 =	vld [tilespmem:s18+$0x20]  }
0x56: {  	v0 =	vld [tilespmem:s18+$0xFFFFFFC0];
	[tilespmem:s17+$0x1020 ss:$0x81] =	vst.msk $0xffff, v6;
	s18 =	sadd.s32 $0x80, s18  }
0x57: {  	s20 =	sadd.s32 $0x4, s20;
	v4 =	vld [tilespmem:s18+$0x30];
	[tilespmem:s17+$0x1830 ss:$0x81] =	vst.msk $0xffff, v7  }
.Ltmp4:
0x58: {  	_ = 	snop;
	(pc) =	sbr.rel .LBB1_4-.Ltmp4, $1  }
0x59: {  	_ =	sdelay $0x3  }
.LBB1_6:
0x5a: {  	_ =	sfence.sel $0x180000  }
0x5b: {  	s2 =	simm.s32 $0x1;
	[bflag:$0x0] =	sbarrier.arrive $0xFFFF  }
0x5c: {  	s31 =	simm.s32 $0x2;
	[sflag:s2] =	ssyncpa.u1 $0x1  }
0x5d: {  	[sflag:s31] =	ssyncpa.u1 $0x1  }
0x5e: {  	p0 =	sne.s32 s0, $0x0;
	_ =	strace $0x90000047  }
0x5f: {  	s0 =	sadd.s32 @!p0 $0x100000, s1;
	[bflag:$0x2] =	sbarrier.arrive $0xFFFF  }
0x60: {  	[sflag:s0] =	ssyncadd.tile.s32 @!p0 $0x1;
	_ =	shalt  }
.Lfunc_end1:
_tile_overlayer_lowered:
.L_overlay_start_2:
0x61: {  	(tag) =	ssettag $0x2  }
0x62: {  	s0 =	rddreg [dreg:$0x0];
	s2 =	stileid.u32  }
0x63: {  	s1 =	rddreg [dreg:$0x1];
	p0 =	sne.s32 s2, $0x0  }
0x64: {  	s3 =	rddreg [dreg:$0x2];
	[bflag:$0x3] =	sbarrier.arrive $0xFFFF;
	s2 =	simm.s32 @!p0 $0x1C01  }
0x65: {  	[timem:s3], [sflag:s2] =	dma.local @!p0 [hbm:s0], s1  }
0x66: {  	s0 =	simm.s32 @!p0 $0x1  }
0x67: {  	_ =	swait.ge @!p0 [sflag:s0], s1  }
0x68: {  	s1 =	ssub.s32 @!p0 $0x0, s1;
	[sflag:s0] =	ssyncset.done @!p0 $0x0  }
0x69: {  	[sflag:s0] =	ssyncadd.s32 @!p0 s1  }
0x6a: {  	[bflag:$0x3] =	sbarrier.arrive $0xFFFF  }
0x6b: {  	_ =	shalt  }

// kernel: sparse-core-data-format-call.cloned.1.call-start
scs
called_computation_lowered:
.L_overlay_start_0:
0x0: {  	s1 =	sld [smem:$0x3FD9]  }
0x1: {  	s2 =	sld [smem:$0x3FFE];
	_ =	sdelay $0x1  }
0x2: {  	s3 =	srdreg.scid  }
0x3: {  	s0 =	sand.u32 $0x1, s3  }
0x4: {  	s17 =	sshll.u32 s0, $0xA;
	s1 =	sadd.s32 s2, s1  }
0x5: {  	s1 =	sadd.s32 s1, s17  }
0x6: {  	[smem:$0x3FC5] =	sst s1  }
0x7: {  	_ = 	snop  }
0x8: {  	(tm) =	ssettm $0x1  }
0x9: {  	s18 =	sld [smem:$0x3FFB];
	_ =	sdelay $0x3  }
0xa: {  	_ =	strace s18  }
0xb: {  	s1 =	sld [smem:$0x3FFC];
	_ =	sdelay $0x3  }
0xc: {  	_ =	strace s1  }
0xd: {  	s1 =	sld [smem:$0x3FFD];
	_ =	sdelay $0x3  }
0xe: {  	_ =	strace s1  }
0xf: {  	_ =	strace $0x8FFFFFFF  }
0x10: {  	s19 =	sld [smem:$0x3FDB];
	_ =	sdelay $0x1  }
0x11: {  	s20 =	simm.s32 $_scs_section_size  }
0x12: {  	s4 =	simm.s32 $_size__tile_overlayer_lowered;
	s5 =	simm.s32 $_tile_overlayer_lowered  }
0x13: {  	s23 =	simm.s32 $0x1BFF;
	s22 =	sshll.u32 s5, $0x1;
	s1 =	sadd.s32 s20, s19  }
0x14: {  	s6 =	simm.s32 $0x0;
	s21 =	sshll.u32 s4, $0x1;
	s4 =	sadd.s32 s22, s1  }
0x15: {  	[timem:s6], [sflag:s23] =	dma.local [hbm:s4], s21  }
0x16: {  	_ =	swait.ge [sflag:s23], s21  }
0x17: {  	s2 =	ssub.s32 $0x0, s21;
	[sflag:s23] =	ssyncset.done $0x0  }
0x18: {  	[sflag:s23] =	ssyncadd.s32 s2;
	_ =	sdelay $0x1  }
0x19: {  	s24 =	simm.s32 $0x1B8B  }
0x1a: {  	_ =	swait.ge [sflag:s24], $0x1  }
0x1b: {  	[sflag:s24] =	ssyncset.done $0x0  }
0x1c: {  	s26 =	simm.s32 $0x1B8E;
	s25 =	sld [smem:$0x3FFE];
	[sflag:s24] =	ssyncadd.s32 $0xFFFFFFFF  }
0x1d: {  	s27 =	simm.s32 $execute0_lowered;
	[smem:$0x3FD2] =	sst s26  }
0x1e: {  	s4 =	sshll.u32 s27, $0x1;
	_ =	strace $0x8000004C;
	[dreg:$0x1] =	wrdreg $0xFFFFFFFF  }
0x1f: {  	s28 =	simm.s32 $_size_execute0_lowered;
	s1 =	sadd.s32 s1, s4;
	[dreg:$0x0] =	wrdreg $0x0  }
0x20: {  	s4 =	sshll.u32 s28, $0x1;
	[dreg:$0x2] =	wrdreg s1  }
0x21: {  	[dreg:$0x3] =	wrdreg s4  }
0x22: {  	[dreg:$0x4] =	wrdreg $0xC0  }
0x23: {  	_ =	task [dreg:s6], $0x5FFFF  }
0x24: {  	[dreg:$0x1] =	wrdreg $0xFFFFFFFF  }
0x25: {  	[dreg:$0x0] =	wrdreg $0x60  }
0x26: {  	[dreg:$0x2] =	wrdreg s25  }
0x27: {  	[dreg:$0x3] =	wrdreg $0x9  }
0x28: {  	_ =	task.clear_ibuf [dreg:s6], $0x4FFFF;
	_ =	strace $0x9000004C  }
0x29: {  	s29 =	simm.s32 $0x9;
	_ =	strace $0x8000004E  }
0x2a: {  	_ =	swait.ge [sflag:s29], $0x1  }
0x2b: {  	[sflag:s29] =	ssyncadd.s32 $0xFFFFFFFF  }
0x2c: {  	_ =	strace $0x9000004E  }
0x2d: {  	_ =	sfence  }
0x2e: {  	s30 =	sld [smem:$0x0];
	_ =	sdelay $0x2  }
0x2f: {  	s31 =	sshll.u32 s3, $0xD;
	s3 =	sshrl.u32 s3, $0x2  }
0x30: {  	s2 =	sand.u32 $0x4000, s31;
	s1 =	sadd.s32 s3, s30  }
0x31: {  	s0 =	sor.u32 s2, s0;
	s1 =	sshll.u32 s1, $0x11  }
0x32: {  	s0 =	sor.u32 s1, s0  }
0x33: {  	s0 =	sadd.s32 $0x8F2B, s0  }
0x34: {  	[sflag:s0] =	ssyncadd.remote.s32 $0x1  }
0x35: {  	_ =	sfence.sel $0xFFFF  }
0x36: {  	[dreg:$0x0] =	wrdreg $0xFFFFFFFF;
	(pc) =	sbr.abs _section_cstart, $3  }
0x37: {  	[dreg:$0x1] =	wrdreg $0xFFFFFFFF  }
0x38: {  	_ =	task.clear_ibuf [dreg:s6], $0x2FFFF;
	_ =	strace $0x9FFFFFFF  }
0x39: {  	(tm) =	ssettm $0x7FFFFFFF  }
tec
execute0_lowered:
.L_overlay_start_1:
0x0: {  	(tag) =	ssettag $0x1  }
0x1: {  	s0 =	srdreg.scid  }
0x2: {  	s6 =	rddreg [dreg:$0x0];
	s4 =	simm.s32 $0x1;
	s1 =	sshll.u32 s0, $0x4  }
0x3: {  	s7 =	simm.s32 $0x2;
	s0 =	stileid.u32;
	s1 =	sand.u32 $0x10, s1  }
0x4: {  	s16 =	simm.s32 $0x0;
	s8 =	simm.s32 $0x20000;
	s1 =	sor.u32 s0, s1  }
0x5: {  	s18 =	simm.s32 $0x0;
	s17 =	simm.s32 $0x0;
	s2 =	sshll.u32 s1, $0x7  }
0x6: {  	s9 =	simm.s32 $0x0;
	s10 =	simm.s32 $0x0;
	s3 =	ssub.s32 $0x4000, s2  }
0x7: {  	s11 =	simm.s32 $0x0;
	s12 =	simm.s32 $0x0;
	s31 =	sand.u32 $0xF80, s3  }
0x8: {  	s13 =	simm.s32 $0x0;
	s1 =	rddreg [dreg:$0x1];
	p0 =	sne.s32 s31, $0x0  }
.Ltmp0:
0x9: {  	s5 =	sshrl.u32 s3, $0xC;
	s4 =	simm.s32 @!p0 $0x0;
	(pc) =	sbr.rel .LBB1_1-.Ltmp0, $4  }
0xa: {  	_ =	strace $0x8000004D;
	s3 =	simm.s32 $0x1;
	s4 =	sadd.s32 s4, s5  }
0xb: {  	s15 =	simm.s32 $0x0;
	[sflag:s3] =	ssyncpa.u1 $0x0;
	s4 =	smul.u32 $0x38, s4  }
0xc: {  	s14 =	smov.u32 s2;
	[sflag:s7] =	ssyncpa.u1 $0x0;
	p0 =	por $0x0, $0x0  }
0xd: {  	s5 =	sadd.s32 $0x1C00, s6;
	s6 =	sadd.s32 $0x1001C00, s6;
	s7 =	sor.u32 $0x1, s4  }
.LBB1_4:
0xe: {  	s23 =	sshra.s32 s23, $0x2;
	s30 =	sshll.u32 s9, $0xE  }
0xf: {  	p1 =	sgt.s32 s10, $0xD;
	s24 =	smov.u32 s10;
	s25 =	sshra.s32 s10, $0x1F  }
0x10: {  	s26 =	sshll.u32 s11, $0x3;
	s28 =	smov.u32 s11;
	s29 =	sshra.s32 s11, $0x1F  }
0x11: {  	s22 =	sadd.s32 s23, s22;
	s24 =	simm.s32 @!p1 $0xD;
	s25 =	sand.u32 s25, s10  }
0x12: {  	s23 =	sand.u32 $0xFFFE0000, s30;
	s27 =	sand.u32 $0xFFFFFC00, s26;
	p1 =	sgt.s32 s9, $0x178  }
0x13: {  	s31 =	sand.u32 s29, s11;
	s29 =	sshll.u32 s9, $0x7;
	s30 =	sshra.s32 s9, $0x1F  }
0x14: {  	[tilespmem:s21+$0x2040 ss:$0x81] =	vst.msk $0xffff, v4;
	s24 =	ssub.s32 s24, s25;
	s23 =	sadd.s32 s27, s23;
	s27 =	smov.u32 s9  }
0x15: {  	[tilespmem:s21+$0x2850 ss:$0x81] =	vst.msk $0xffff, v3;
	s29 =	sand.u32 $0x380, s29;
	s25 =	sadd.s32 $0xFFFFFFF3, s24;
	s27 =	simm.s32 @!p1 $0x178  }
0x16: {  	v5 =	vld [tilespmem:s20+$0xFFFFFFD0];
	[tilespmem:s21+$0x3060 ss:$0x81] =	vst.msk $0xffff, v2;
	p1 =	sgt.s32 s11, $0x3F80;
	s23 =	sshrl.u32 s23, $0xE;
	s24 =	ssub.s32 $0xE, s24  }
0x17: {  	v58 =	vld [tilespmem:s20+$0xFFFFFFE0];
	[tilespmem:s21+$0x0 ss:$0x81] =	vst.msk $0xffff, v1;
	s28 =	simm.s32 @!p1 $0x3F80;
	p1 =	sgt.s32 s25, $0x0;
	s21 =	smulhi.u32 $0x820821, s23  }
0x18: {  	v59 =	vld [tilespmem:s20+$0xFFFFFFF0];
	s25 =	ssub.s32 s28, s31;
	s28 =	sand.u32 s30, s9;
	s24 =	simm.s32 @p1 $0x0  }
0x19: {  	v60 =	vld [tilespmem:s20+$0x0];
	s27 =	ssub.s32 s27, s28;
	s31 =	sadd.s32 $0xFFFFC080, s25;
	s25 =	ssub.s32 $0x4000, s25  }
0x1a: {  	v61 =	vld [tilespmem:s20+$0x10];
	[tilespmem:s22+$0x3870 ss:$0x81] =	vst.msk $0xffff, v0;
	s21 =	smul.u32 $0x1F8, s21;
	s28 =	sand.u32 $0x7, s11;
	p1 =	sgt.s32 s31, $0x7F  }
0x1b: {  	v62 =	vld [tilespmem:s20+$0x20];
	[tilespmem:s22+$0x810 ss:$0x81] =	vst.msk $0xffff, v5;
	s30 =	sadd.s32 $0xFFFFFE88, s27;
	s31 =	sand.u32 $0x78, s11;
	s25 =	simm.s32 @p1 $0x0  }
0x1c: {  	v63 =	vld [tilespmem:s20+$0xFFFFFFC0];
	[tilespmem:s22+$0x1020 ss:$0x81] =	vst.msk $0xffff, v58;
	p1 =	sgt.s32 s30, $0x7F;
	s30 =	sand.u32 $0x3C00, s26;
	s24 =	smul.u32 s25, s24  }
0x1d: {  	[tilespmem:s22+$0x1830 ss:$0x81] =	vst.msk $0xffff, v59;
	s26 =	ssub.s32 $0x1F8, s27;
	s20 =	sor.u32 s31, s30;
	s31 =	smul.u32 $0xFC000, s10  }
0x1e: {  	[tilespmem:s22+$0x2040 ss:$0x81] =	vst.msk $0xffff, v60;
	s21 =	ssub.s32 s23, s21;
	s26 =	simm.s32 @p1 $0x0;
	s20 =	sor.u32 s29, s20  }
0x1f: {  	[tilespmem:s22+$0x2850 ss:$0x81] =	vst.msk $0xffff, v61;
	s26 =	smul.u32 s26, s24;
	s20 =	sshrl.u32 s20, $0x3;
	s27 =	sadd.s32 s6, s31  }
0x20: {  	[tilespmem:s22+$0x3060 ss:$0x81] =	vst.msk $0xffff, v62;
	s21 =	sshll.u32 s21, $0xB;
	s29 =	sshll.u32 s28, $0x12;
	s20 =	sadd.s32 s20, s27  }
0x21: {  	[tilespmem:s22+$0x0 ss:$0x81] =	vst.msk $0xffff, v63;
	s31 =	sor.u32 $0x400, s29;
	s30 =	sand.u32 $0x3FFFFFFF, s26;
	s20 =	sadd.s32 s21, s20  }
0x22: {  	[hbm4b:s20+s31] =	stream.strided.scatter [tilespmem:s19], [sflag:$0x2], s30, s8, s31, $0x20;
	[tilespmem:$0x10100] =	vst v63  }
.LBB1_5:
0x23: {  	p1 =	slt.u32 s15, $0x2  }
0x24: {  	p2 =	sgt.s32 @!p1 s18, $0xD  }
0x25: {  	s19 =	smov.u32 s18;
	s20 =	sshra.s32 @!p1 s18, $0x1F;
	p2 =	por !p2, p1  }
0x26: {  	s18 =	sand.u32 @!p1 s20, s18;
	s19 =	simm.s32 @p2 $0xD  }
0x27: {  	p3 =	sgt.s32 @!p1 s16, $0x178;
	s18 =	ssub.s32 @!p1 s19, s18  }
0x28: {  	p4 =	sgt.s32 @!p1 s17, $0x3F80;
	s21 =	sshra.s32 @!p1 s17, $0x1F;
	s19 =	sadd.s32 @!p1 $0xFFFFFFF3, s18  }
0x29: {  	s20 =	smov.u32 s16;
	p2 =	sgt.s32 @!p1 s19, $0x0;
	s19 =	sshra.s32 @!p1 s16, $0x1F  }
0x2a: {  	p4 =	por !p4, p1;
	s16 =	sand.u32 @!p1 s19, s16;
	s19 =	smov.u32 s17  }
0x2b: {  	p3 =	por !p3, p1;
	s17 =	sand.u32 @!p1 s21, s17;
	s19 =	simm.s32 @p4 $0x3F80  }
0x2c: {  	s20 =	simm.s32 @p3 $0x178;
	s18 =	ssub.s32 @!p1 $0xE, s18;
	s17 =	ssub.s32 @!p1 s19, s17  }
0x2d: {  	p2 =	por !p2, p1;
	s16 =	ssub.s32 @!p1 s20, s16;
	s20 =	sadd.s32 @!p1 $0xFFFFC080, s17  }
0x2e: {  	s18 =	simm.s32 @!p2 $0x0;
	p3 =	sgt.s32 @!p1 s20, $0x7F  }
0x2f: {  	s19 =	sadd.s32 @!p1 $0xFFFFFE88, s16;
	s17 =	ssub.s32 @!p1 $0x4000, s17;
	p3 =	por !p3, p1  }
0x30: {  	p2 =	sgt.s32 @!p1 s19, $0x7F;
	s19 =	sadd.s32 $0x80, s12;
	s17 =	simm.s32 @!p3 $0x0  }
0x31: {  	p3 =	sgt.s32 s19, $0x1F7;
	s17 =	smul.u32 @!p1 s17, s18;
	s18 =	simm.s32 $0x1  }
0x32: {  	s16 =	ssub.s32 @!p1 $0x1F8, s16;
	p2 =	por !p2, p1;
	s18 =	simm.s32 @!p3 $0x0  }
0x33: {  	s21 =	smov.u32 s14;
	s16 =	simm.s32 @!p2 $0x0;
	s20 =	sadd.s32 s18, s13  }
0x34: {  	s16 =	smul.u32 @!p1 s16, s17;
	s17 =	sadd.s32 $0x1000, s14;
	p2 =	sgt.s32 s20, $0xD  }
0x35: {  	p0 =	por !p0, !p0;
	s22 =	simm.s32 @!p1 $0x2;
	s21 =	smov.u32 @p2 s17  }
0x36: {  	s19 =	simm.s32 @p3 $0x0;
	s20 =	simm.s32 @p2 $0x0;
	p2 =	sgt.s32 s21, $0x3FFF  }
0x37: {  	s18 =	smov.u32 s10;
	s21 =	smov.u32 @p2 s2;
	p2 =	sne.s32 s15, s7  }
.Ltmp1:
0x38: {  	s10 =	smov.u32 s13;
	s16 =	sand.u32 @!p1 $0x3FFFFFFF, s16;
	(pc) =	sbr.rel @!p2 .LBB1_6-.Ltmp1, $4  }
0x39: {  	s17 =	smov.u32 s11;
	s11 =	smov.u32 s14;
	_ =	swait.ge @!p1 [sflag:s22], s16  }
0x3a: {  	s23 =	ssub.s32 @!p1 $0x0, s16;
	s16 =	smov.u32 s9;
	s9 =	smov.u32 s12  }
0x3b: {  	s12 =	smov.u32 s19;
	s13 =	smov.u32 s20;
	[sflag:s22] =	ssyncset.done @!p1 $0x0  }
0x3c: {  	s15 =	sadd.s32 $0x1, s15;
	[sflag:s22] =	ssyncadd.s32 @!p1 s23;
	s14 =	smov.u32 s21  }
.LBB1_1:
0x3d: {  	p1 =	sge.u32 s15, s4  }
0x3e: {  	s31 =	sadd.s32 $0xFFFFFFFF, s15;
	s19 =	sxor.u32 @!p1 $0xFFFFFFFF, s15  }
0x3f: {  	s20 =	sshll.u32 @!p1 s13, $0x9;
	s21 =	sshll.u32 @!p1 s12, $0x3;
	s22 =	sshll.u32 @!p1 s13, $0x7  }
0x40: {  	s23 =	sand.u32 @!p1 $0x78, s12;
	s20 =	sand.u32 @!p1 $0x1000, s20;
	s21 =	sand.u32 @!p1 $0x1C00, s21  }
0x41: {  	s19 =	sshll.u32 @!p1 s19, $0xE;
	s20 =	sadd.s32 @!p1 s20, s21;
	s21 =	sand.u32 @!p1 $0x200, s22  }
0x42: {  	s19 =	sand.u32 @!p1 $0x4000, s19;
	s20 =	sor.u32 @!p1 s21, s20;
	s21 =	sand.u32 @!p1 $0x180, s22  }
0x43: {  	s22 =	sshll.u32 @!p1 s14, $0xA;
	s21 =	sor.u32 @!p1 s23, s21;
	s20 =	sshrl.u32 @!p1 s20, $0x3  }
0x44: {  	s22 =	sadd.s32 @!p1 s5, s22;
	s23 =	sand.u32 @!p1 $0x7, s12;
	s21 =	sshrl.u32 @!p1 s21, $0x3  }
0x45: {  	s20 =	sand.u32 @!p1 $0x3C0, s20;
	s21 =	sadd.s32 @!p1 s21, s22;
	s22 =	sshll.u32 @!p1 s23, $0x12  }
0x46: {  	s20 =	sadd.s32 @!p1 s20, s21;
	s21 =	sor.u32 @!p1 $0x80, s22;
	s22 =	simm.s32 @!p1 $0x2000  }
0x47: {  	[tilespmem:s19], [sflag:$0x1] =	stream.strided.gather @!p1 [hbm4b:s20+s21], $0x4000, s22, s21, $0x38;
	[tilespmem:$0x10100] =	vst v63  }
0x48: {  	p1 =	sge.u32 s31, s4  }
.Ltmp2:
0x49: {  	_ = 	snop;
	(pc) =	sbr.rel @p1 .LBB1_5-.Ltmp2, $1  }
0x4a: {  	_ =	sdelay $0x3  }
0x4b: {  	s19 =	simm.s32 $0x1  }
0x4c: {  	_ =	swait.ge [sflag:s3], $0x4000;
	s19 =	simm.s32 @!p0 $0x0  }
0x4d: {  	[sflag:s3] =	ssyncset.done $0x0;
	s20 =	sshll.u32 s19, $0xE  }
0x4e: {  	[sflag:s3] =	ssyncadd.s32 $0xFFFFC000;
	s20 =	sor.u32 $0x40, s20  }
0x4f: {  	s19 =	smul.u32 $0x10200, s19;
	v0 =	vld [tilespmem:s20+$0x30]  }
0x50: {  	v1 =	vld [tilespmem:s20+$0xFFFFFFD0]  }
0x51: {  	s19 =	sshrl.u32 s19, $0x2;
	v5 =	vld [tilespmem:s20+$0xFFFFFFE0]  }
0x52: {  	v6 =	vld [tilespmem:s20+$0xFFFFFFF0];
	s22 =	sor.u32 $0x8000, s19  }
0x53: {  	s31 =	sand.u32 $0x1, s15;
	v4 =	vld [tilespmem:s20+$0x0];
	s21 =	sadd.s32 $0x0, s22  }
0x54: {  	v3 =	vld [tilespmem:s20+$0x10];
	s19 =	smul.u32 $0x10200, s31;
	[tilespmem:s21+$0x3870 ss:$0x81] =	vst.msk $0xffff, v0  }
0x55: {  	v2 =	vld [tilespmem:s20+$0x20];
	[tilespmem:s21+$0x810 ss:$0x81] =	vst.msk $0xffff, v1  }
0x56: {  	s19 =	sshrl.u32 s19, $0x2;
	v1 =	vld [tilespmem:s20+$0xFFFFFFC0];
	[tilespmem:s21+$0x1020 ss:$0x81] =	vst.msk $0xffff, v5;
	s20 =	sadd.s32 $0x80, s20  }
0x57: {  	s23 =	simm.s32 $0x4;
	s24 =	simm.s32 $0x8;
	s19 =	sor.u32 $0x8000, s19;
	[tilespmem:s21+$0x1830 ss:$0x81] =	vst.msk $0xffff, v6;
	v0 =	vld [tilespmem:s20+$0x30]  }
.LBB1_3:
0x58: {  	p1 =	sne.s32 s24, $0x1FC;
	v5 =	vld [tilespmem:s20+$0xFFFFFFD0];
	[tilespmem:s21+$0x2040 ss:$0x81] =	vst.msk $0xffff, v4  }
0x59: {  	v6 =	vld [tilespmem:s20+$0xFFFFFFE0];
	[tilespmem:s21+$0x2850 ss:$0x81] =	vst.msk $0xffff, v3  }
0x5a: {  	s25 =	sshra.s32 s23, $0x2;
	s23 =	smov.u32 s24;
	v7 =	vld [tilespmem:s20+$0xFFFFFFF0];
	[tilespmem:s21+$0x3060 ss:$0x81] =	vst.msk $0xffff, v2  }
.Ltmp3:
0x5b: {  	v4 =	vld [tilespmem:s20+$0x0];
	[tilespmem:s21+$0x0 ss:$0x81] =	vst.msk $0xffff, v1;
	s21 =	sadd.s32 s25, s22;
	(pc) =	sbr.rel @p1 .LBB1_3-.Ltmp3, $4  }
0x5c: {  	v3 =	vld [tilespmem:s20+$0x10];
	[tilespmem:s21+$0x3870 ss:$0x81] =	vst.msk $0xffff, v0  }
0x5d: {  	[tilespmem:s21+$0x810 ss:$0x81] =	vst.msk $0xffff, v5;
	v2 =	vld [tilespmem:s20+$0x20]  }
0x5e: {  	v1 =	vld [tilespmem:s20+$0xFFFFFFC0];
	[tilespmem:s21+$0x1020 ss:$0x81] =	vst.msk $0xffff, v6;
	s20 =	sadd.s32 $0x80, s20  }
0x5f: {  	s24 =	sadd.s32 $0x4, s24;
	v0 =	vld [tilespmem:s20+$0x30];
	[tilespmem:s21+$0x1830 ss:$0x81] =	vst.msk $0xffff, v7  }
.Ltmp4:
0x60: {  	_ = 	snop;
	(pc) =	sbr.rel .LBB1_4-.Ltmp4, $1  }
0x61: {  	_ =	sdelay $0x3  }
.LBB1_6:
0x62: {  	_ =	sfence.sel $0x180000  }
0x63: {  	s2 =	simm.s32 $0x1;
	[bflag:$0x0] =	sbarrier.arrive $0xFFFF  }
0x64: {  	s31 =	simm.s32 $0x2;
	[sflag:s2] =	ssyncpa.u1 $0x1  }
0x65: {  	[sflag:s31] =	ssyncpa.u1 $0x1  }
0x66: {  	p0 =	sne.s32 s0, $0x0;
	_ =	strace $0x9000004D  }
0x67: {  	s0 =	sadd.s32 @!p0 $0x100000, s1;
	[bflag:$0x2] =	sbarrier.arrive $0xFFFF  }
0x68: {  	[sflag:s0] =	ssyncadd.tile.s32 @!p0 $0x1;
	_ =	shalt  }
.Lfunc_end1:
_tile_overlayer_lowered:
.L_overlay_start_2:
0x69: {  	(tag) =	ssettag $0x2  }
0x6a: {  	s0 =	rddreg [dreg:$0x0];
	s2 =	stileid.u32  }
0x6b: {  	s1 =	rddreg [dreg:$0x1];
	p0 =	sne.s32 s2, $0x0  }
0x6c: {  	s3 =	rddreg [dreg:$0x2];
	[bflag:$0x3] =	sbarrier.arrive $0xFFFF;
	s2 =	simm.s32 @!p0 $0x1C01  }
0x6d: {  	[timem:s3], [sflag:s2] =	dma.local @!p0 [hbm:s0], s1  }
0x6e: {  	s0 =	simm.s32 @!p0 $0x1  }
0x6f: {  	_ =	swait.ge @!p0 [sflag:s0], s1  }
0x70: {  	s1 =	ssub.s32 @!p0 $0x0, s1;
	[sflag:s0] =	ssyncset.done @!p0 $0x0  }
0x71: {  	[sflag:s0] =	ssyncadd.s32 @!p0 s1  }
0x72: {  	[bflag:$0x3] =	sbarrier.arrive $0xFFFF  }
0x73: {  	_ =	shalt  }

</sc_bundles>
